<compile_context>
chip_gen: v7x
topology: tpu7x:2x2x1
jax: 0.10.2.dev20260603
libtpu: 0.0.44.dev20260713+nightly
codegen_flags: <defaults>
</compile_context>

<pallas_src>
import functools

import jax
import jax.numpy as jnp
from jax import lax
from jax.experimental import pallas as pl
from jax.experimental.pallas import tpu as pltpu
from jax.experimental.pallas import tpu_sc as plsc

N = 10000
E = 320000
D = 128
DW = D + 16
HEADS = 4
D_OUT = 32

NCORES = 2
NSUB = 16
NTILES = NCORES * NSUB
CHS = 128
NCHS = 80
NPAIR = NCHS // 2
EPAD = NTILES * NCHS * CHS
NPAD = N + 16
RPT = NPAD // NSUB

BLK = 2000
NBLK = N // BLK

CHG = 120
NCHG = 84
NPAIRG = NCHG // 2
EPADG = NTILES * NCHG * CHG

_SC_PARAMS = pltpu.CompilerParams(use_tc_tiling_on_sc=False,
                                  needs_layout_passes=False)


@functools.lru_cache(maxsize=None)
def _mesh():
    return plsc.VectorSubcoreMesh(
        core_axis_name="c", subcore_axis_name="s",
        num_cores=NCORES, num_subcores=NSUB)


def _wait(src, dst, sem):
    pltpu.make_async_copy(src, dst, sem).wait()


@functools.lru_cache(maxsize=None)
def _make_sage_sc(width):
    @functools.partial(
        pl.kernel,
        out_type=jax.ShapeDtypeStruct((NCORES, NPAD, width), jnp.float32),
        mesh=_mesh(),
        scratch_types=[
            pltpu.VMEM_SHARED((NPAD, width), jnp.float32),
            pltpu.VMEM((2, CHS), jnp.int32),
            pltpu.VMEM((2, CHS), jnp.int32),
            pltpu.VMEM((CHS, width), jnp.float32),
            pltpu.VMEM((CHS, width), jnp.float32),
            pltpu.SemaphoreType.DMA,
            pltpu.SemaphoreType.DMA,
            pltpu.SemaphoreType.DMA,
            pltpu.SemaphoreType.DMA,
        ],
        compiler_params=_SC_PARAMS,
    )
    def sage_sc(tab_hbm, idx_hbm, zero_hbm, out_hbm,
                acc, ixa, ixb, bufa, bufb, sga, sgb, ssa, ssb):
        c = lax.axis_index("c")
        s = lax.axis_index("s")
        base = (c * NSUB + s) * NCHS
        r0 = s * RPT
        pltpu.sync_copy(zero_hbm.at[pl.ds(r0, RPT)], acc.at[pl.ds(r0, RPT)])
        plsc.subcore_barrier()

        pltpu.sync_copy(idx_hbm.at[base], ixa)
        pltpu.sync_copy(idx_hbm.at[base + 1], ixb)
        pltpu.async_copy(tab_hbm.at[ixa.at[0]], bufa, sga)
        pltpu.async_copy(tab_hbm.at[ixb.at[0]], bufb, sgb)

        @pl.loop(0, NPAIR - 1)
        def _(k):
            _wait(tab_hbm.at[ixa.at[0]], bufa, sga)
            pltpu.async_copy(bufa, acc.at[ixa.at[1]], ssa, add=True)
            _wait(tab_hbm.at[ixb.at[0]], bufb, sgb)
            pltpu.async_copy(bufb, acc.at[ixb.at[1]], ssb, add=True)
            _wait(bufa, acc.at[ixa.at[1]], ssa)
            pltpu.sync_copy(idx_hbm.at[base + 2 * k + 2], ixa)
            pltpu.async_copy(tab_hbm.at[ixa.at[0]], bufa, sga)
            _wait(bufb, acc.at[ixb.at[1]], ssb)
            pltpu.sync_copy(idx_hbm.at[base + 2 * k + 3], ixb)
            pltpu.async_copy(tab_hbm.at[ixb.at[0]], bufb, sgb)

        _wait(tab_hbm.at[ixa.at[0]], bufa, sga)
        pltpu.async_copy(bufa, acc.at[ixa.at[1]], ssa, add=True)
        _wait(tab_hbm.at[ixb.at[0]], bufb, sgb)
        pltpu.async_copy(bufb, acc.at[ixb.at[1]], ssb, add=True)
        _wait(bufa, acc.at[ixa.at[1]], ssa)
        _wait(bufb, acc.at[ixb.at[1]], ssb)

        plsc.subcore_barrier()
        pltpu.sync_copy(acc.at[pl.ds(r0, RPT)], out_hbm.at[c, pl.ds(r0, RPT)])

    return sage_sc


@functools.lru_cache(maxsize=None)
def _make_gat_sc():
  @functools.partial(
    pl.kernel,
    out_type=jax.ShapeDtypeStruct((NCORES, NPAD, DW), jnp.float32),
    mesh=_mesh(),
    scratch_types=[
        pltpu.VMEM_SHARED((NPAD, DW), jnp.float32),
        pltpu.VMEM((2, CHG), jnp.int32),
        pltpu.VMEM((2, CHG), jnp.int32),
        pltpu.VMEM((CHG, DW), jnp.float32),
        pltpu.VMEM((CHG, DW), jnp.float32),
        pltpu.VMEM((CHG, 16), jnp.float32),
        pltpu.VMEM((CHG, 16), jnp.float32),
        pltpu.VMEM((1, 16), jnp.float32),
        pltpu.SemaphoreType.DMA,
        pltpu.SemaphoreType.DMA,
        pltpu.SemaphoreType.DMA,
        pltpu.SemaphoreType.DMA,
        pltpu.SemaphoreType.DMA,
        pltpu.SemaphoreType.DMA,
    ],
    compiler_params=_SC_PARAMS,
  )
  def _gat_sc(hgs_hbm, tabd_hbm, c16_hbm, idx_hbm, zero_hbm, out_hbm,
              acc, ixa, ixb, ha, hb, da, db, cscr,
              sga, sgb, sda, sdb, ssa, ssb):
    c = lax.axis_index("c")
    s = lax.axis_index("s")
    base = (c * NSUB + s) * NCHG
    r0 = s * RPT
    pltpu.sync_copy(zero_hbm.at[pl.ds(r0, RPT)], acc.at[pl.ds(r0, RPT)])
    pltpu.sync_copy(c16_hbm, cscr)
    plsc.subcore_barrier()
    cvec = cscr[0, :]

    def compute(hbuf, dbuf):
        @pl.loop(0, CHG, step=4)
        def _(e0):
            for u in range(4):
                e = e0 + u
                a = hbuf[e, pl.ds(D, 16)] + dbuf[e, :]
                hbuf[e, pl.ds(D, 16)] = jnp.exp(
                    jnp.maximum(a, 0.2 * a) - cvec)

        @pl.loop(0, CHG, step=4)
        def _(i0):
            for u in range(4):
                i = i0 + u
                w16 = hbuf[i, pl.ds(D, 16)]
                for head in range(HEADS):
                    wb = lax.gather(
                        w16, jnp.full((16, 1), head, jnp.int32),
                        lax.GatherDimensionNumbers(
                            offset_dims=(), collapsed_slice_dims=(0,),
                            start_index_map=(0,)),
                        (1,), mode=lax.GatherScatterMode.PROMISE_IN_BOUNDS)
                    for half in range(2):
                        col = (head * 2 + half) * 16
                        hbuf[i, pl.ds(col, 16)] = (
                            hbuf[i, pl.ds(col, 16)] * wb)

    pltpu.sync_copy(idx_hbm.at[base], ixa)
    pltpu.sync_copy(idx_hbm.at[base + 1], ixb)
    pltpu.async_copy(hgs_hbm.at[ixa.at[0]], ha, sga)
    pltpu.async_copy(tabd_hbm.at[ixa.at[1]], da, sda)
    pltpu.async_copy(hgs_hbm.at[ixb.at[0]], hb, sgb)
    pltpu.async_copy(tabd_hbm.at[ixb.at[1]], db, sdb)

    @pl.loop(0, NPAIRG - 1)
    def _(k):
        _wait(hgs_hbm.at[ixa.at[0]], ha, sga)
        _wait(tabd_hbm.at[ixa.at[1]], da, sda)
        compute(ha, da)
        pltpu.async_copy(ha, acc.at[ixa.at[1]], ssa, add=True)
        _wait(hgs_hbm.at[ixb.at[0]], hb, sgb)
        _wait(tabd_hbm.at[ixb.at[1]], db, sdb)
        compute(hb, db)
        pltpu.async_copy(hb, acc.at[ixb.at[1]], ssb, add=True)
        _wait(ha, acc.at[ixa.at[1]], ssa)
        pltpu.sync_copy(idx_hbm.at[base + 2 * k + 2], ixa)
        pltpu.async_copy(hgs_hbm.at[ixa.at[0]], ha, sga)
        pltpu.async_copy(tabd_hbm.at[ixa.at[1]], da, sda)
        _wait(hb, acc.at[ixb.at[1]], ssb)
        pltpu.sync_copy(idx_hbm.at[base + 2 * k + 3], ixb)
        pltpu.async_copy(hgs_hbm.at[ixb.at[0]], hb, sgb)
        pltpu.async_copy(tabd_hbm.at[ixb.at[1]], db, sdb)

    _wait(hgs_hbm.at[ixa.at[0]], ha, sga)
    _wait(tabd_hbm.at[ixa.at[1]], da, sda)
    compute(ha, da)
    pltpu.async_copy(ha, acc.at[ixa.at[1]], ssa, add=True)
    _wait(hgs_hbm.at[ixb.at[0]], hb, sgb)
    _wait(tabd_hbm.at[ixb.at[1]], db, sdb)
    compute(hb, db)
    pltpu.async_copy(hb, acc.at[ixb.at[1]], ssb, add=True)
    _wait(ha, acc.at[ixa.at[1]], ssa)
    _wait(hb, acc.at[ixb.at[1]], ssb)

    plsc.subcore_barrier()
    pltpu.sync_copy(acc.at[pl.ds(r0, RPT)], out_hbm.at[c, pl.ds(r0, RPT)])

  return _gat_sc


def _blk(shape):
    nd = len(shape)
    return pl.BlockSpec((BLK,) + shape[1:], lambda i: (i,) + (0,) * (nd - 1))


def _full(shape):
    nd = len(shape)
    return pl.BlockSpec(shape, lambda i: (0,) * nd)


def _sage_dense_body(a0, a1, xr, wl, bl, wr, hpre_out, stats_out, invc_out):
    su = a0[:, :D] + a1[:, :D]
    cnt = a0[:, D:D + 1] + a1[:, D:D + 1]
    invc = 1.0 / jnp.maximum(cnt, 1.0)
    mean = su * invc
    h = (jnp.dot(mean, wl[...], preferred_element_type=jnp.float32) + bl[...]
         + jnp.dot(xr[...], wr[...], preferred_element_type=jnp.float32))
    hpre_out[...] = h
    stats_out[0, 0, :] = jnp.sum(h, axis=0)
    stats_out[0, 1, :] = jnp.sum(h * h, axis=0)
    invc_out[...] = jnp.broadcast_to(invc, (BLK, 8))


def _sage_dense(a0, a1, xr, wl, bl, wr):
    return pl.pallas_call(
        _sage_dense_body,
        grid=(NBLK,),
        in_specs=[_blk((BLK, DW)), _blk((BLK, DW)), _blk((BLK, D)),
                  _full((D, D)), _full((1, D)), _full((D, D))],
        out_specs=(_blk((BLK, D)),
                   pl.BlockSpec((1, 2, D), lambda i: (i, 0, 0)),
                   _blk((BLK, 8))),
        out_shape=(jax.ShapeDtypeStruct((N, D), jnp.float32),
                   jax.ShapeDtypeStruct((NBLK, 2, D), jnp.float32),
                   jax.ShapeDtypeStruct((N, 8), jnp.float32)),
    )(a0, a1, xr, wl, bl, wr)


def _sage_dense2_body(a0, a1, invc, xr, wl, bl, wr, hpre_out, stats_out):
    su = a0[...] + a1[...]
    mean = su * invc[:, 0:1]
    h = (jnp.dot(mean, wl[...], preferred_element_type=jnp.float32) + bl[...]
         + jnp.dot(xr[...], wr[...], preferred_element_type=jnp.float32))
    hpre_out[...] = h
    stats_out[0, 0, :] = jnp.sum(h, axis=0)
    stats_out[0, 1, :] = jnp.sum(h * h, axis=0)


def _sage_dense2(a0, a1, invc, xr, wl, bl, wr):
    return pl.pallas_call(
        _sage_dense2_body,
        grid=(NBLK,),
        in_specs=[_blk((BLK, D)), _blk((BLK, D)), _blk((BLK, 8)),
                  _blk((BLK, D)), _full((D, D)), _full((1, D)),
                  _full((D, D))],
        out_specs=(_blk((BLK, D)),
                   pl.BlockSpec((1, 2, D), lambda i: (i, 0, 0))),
        out_shape=(jax.ShapeDtypeStruct((N, D), jnp.float32),
                   jax.ShapeDtypeStruct((NBLK, 2, D), jnp.float32)),
    )(a0, a1, invc, xr, wl, bl, wr)


def _bn_finish_body(hpre, stats, resid, g, be, h_out):
    mu = jnp.sum(stats[:, 0, :], axis=0, keepdims=True) * (1.0 / N)
    ex2 = jnp.sum(stats[:, 1, :], axis=0, keepdims=True) * (1.0 / N)
    var = ex2 - mu * mu
    h = g[...] * (hpre[...] - mu) * jax.lax.rsqrt(var + 1e-5) + be[...]
    h_out[...] = jnp.maximum(h + resid[...], 0.0)


def _bn_finish(hpre, stats, resid, g, be):
    return pl.pallas_call(
        _bn_finish_body,
        grid=(NBLK,),
        in_specs=[_blk((BLK, D)), _full((NBLK, 2, D)), _blk((BLK, D)),
                  _full((1, D)), _full((1, D))],
        out_specs=_blk((BLK, D)),
        out_shape=jax.ShapeDtypeStruct((NPAD, D), jnp.float32),
    )(hpre, stats, resid, g, be)


def _xa_body(xr, xa_out):
    xa_out[:, :D] = xr[...]
    xa_out[:, D:D + 1] = jnp.ones((BLK, 1), jnp.float32)
    xa_out[:, D + 1:] = jnp.zeros((BLK, 15), jnp.float32)


def _xa(xr):
    return pl.pallas_call(
        _xa_body,
        grid=(NBLK,),
        in_specs=[_blk((BLK, D))],
        out_specs=_blk((BLK, DW)),
        out_shape=jax.ShapeDtypeStruct((NPAD, DW), jnp.float32),
    )(xr)


def _bn_gat_body(hpre, stats, resid, g, be, wg, as16, ad16,
                 hgs_out, td_out, cs_out):
    mu = jnp.sum(stats[:, 0, :], axis=0, keepdims=True) * (1.0 / N)
    ex2 = jnp.sum(stats[:, 1, :], axis=0, keepdims=True) * (1.0 / N)
    var = ex2 - mu * mu
    h = g[...] * (hpre[...] - mu) * jax.lax.rsqrt(var + 1e-5) + be[...]
    h2 = jnp.maximum(h + resid[...], 0.0)
    hg = jnp.dot(h2, wg[...], preferred_element_type=jnp.float32)
    a_s = jnp.dot(hg, as16[...], preferred_element_type=jnp.float32)
    a_d = jnp.dot(hg, ad16[...], preferred_element_type=jnp.float32)
    hgs_out[:, :D] = hg
    hgs_out[:, D:] = a_s
    td_out[...] = a_d
    cs_out[0, 0, :] = jnp.max(a_s, axis=0)
    cs_out[0, 1, :] = jnp.max(a_d, axis=0)


def _bn_gat(hpre, stats, resid, g, be, wg, as16, ad16):
    return pl.pallas_call(
        _bn_gat_body,
        grid=(NBLK,),
        in_specs=[_blk((BLK, D)), _full((NBLK, 2, D)), _blk((BLK, D)),
                  _full((1, D)), _full((1, D)), _full((D, D)),
                  _full((D, 16)), _full((D, 16))],
        out_specs=(_blk((BLK, DW)), _blk((BLK, 16)),
                   pl.BlockSpec((1, 2, 16), lambda i: (i, 0, 0))),
        out_shape=(jax.ShapeDtypeStruct((NPAD, DW), jnp.float32),
                   jax.ShapeDtypeStruct((NPAD, 16), jnp.float32),
                   jax.ShapeDtypeStruct((NBLK, 2, 16), jnp.float32)),
    )(hpre, stats, resid, g, be, wg, as16, ad16)


def _head_body(nd0, nd1, hgs, td, c16, bg, wc1, bc1, wc2, bc2,
               emb_out, log_out):
    asum = hgs[:, D:] + td[...]
    wself = jnp.exp(jnp.maximum(asum, 0.2 * asum) - c16[...])
    rden = 1.0 / (nd0[:, D:] + nd1[:, D:] + wself + 1e-16)
    emb = jnp.zeros((BLK, D_OUT), jnp.float32)
    for head in range(HEADS):
        sl = slice(head * D_OUT, (head + 1) * D_OUT)
        blk = (nd0[:, sl] + nd1[:, sl] + hgs[:, sl] * wself[:, head:head + 1])
        emb = emb + blk * rden[:, head:head + 1]
    emb = emb * (1.0 / HEADS) + bg[...]
    z = jnp.maximum(
        jnp.dot(emb, wc1[...], preferred_element_type=jnp.float32) + bc1[...],
        0.0)
    log_out[...] = (jnp.dot(z, wc2[...], preferred_element_type=jnp.float32)
                    + bc2[...])
    emb_out[...] = emb


def _head(nd0, nd1, hgs, td, c16, bg, wc1, bc1, wc2, bc2):
    return pl.pallas_call(
        _head_body,
        grid=(NBLK,),
        in_specs=[_blk((BLK, DW)), _blk((BLK, DW)), _blk((BLK, DW)),
                  _blk((BLK, 16)), _full((1, 16)), _full((1, D_OUT)),
                  _full((D_OUT, 64)), _full((1, 64)), _full((64, 1)),
                  _full((1, 1))],
        out_specs=(_blk((BLK, D_OUT)), _blk((BLK, 1))),
        out_shape=(jax.ShapeDtypeStruct((N, D_OUT), jnp.float32),
                   jax.ShapeDtypeStruct((N, 1), jnp.float32)),
    )(nd0, nd1, hgs, td, c16, bg, wc1, bc1, wc2, bc2)


def kernel(x, edge_index, W_l1, b_l1, W_r1, g1, be1, W_l2, b_l2, W_r2, g2,
           be2, W_g, att_s, att_d, b_g, Wc1, bc1, Wc2, bc2):
    pad = N + (jnp.arange(EPAD - E, dtype=jnp.int32) % 16)
    src = jnp.concatenate([edge_index[0], pad]).reshape(NTILES * NCHS, CHS)
    dst = jnp.concatenate([edge_index[1], pad]).reshape(NTILES * NCHS, CHS)
    idx = jnp.stack([src, dst], axis=1)

    padg = N + (jnp.arange(EPADG - E, dtype=jnp.int32) % 16)
    srcg = jnp.concatenate([edge_index[0], padg]).reshape(NTILES * NCHG, CHG)
    dstg = jnp.concatenate([edge_index[1], padg]).reshape(NTILES * NCHG, CHG)
    idxg = jnp.stack([srcg, dstg], axis=1)

    mask = (jnp.arange(16)[None, :] ==
            (jnp.arange(D) // D_OUT)[:, None]).astype(jnp.float32)
    as16 = mask * att_s.reshape(D, 1)
    ad16 = mask * att_d.reshape(D, 1)

    z144 = jnp.zeros((NPAD, DW), jnp.float32)
    z128 = jnp.zeros((NPAD, D), jnp.float32)

    b_l1r = b_l1.reshape(1, D)
    g1r = g1.reshape(1, D)
    be1r = be1.reshape(1, D)
    b_l2r = b_l2.reshape(1, D)
    g2r = g2.reshape(1, D)
    be2r = be2.reshape(1, D)
    bgr = b_g.reshape(1, D_OUT)
    bc1r = bc1.reshape(1, 64)
    bc2r = bc2.reshape(1, 1)

    acc1 = _make_sage_sc(DW)(_xa(x), idx, z144)
    hpre1, st1, invc = _sage_dense(acc1[0], acc1[1], x, W_l1, b_l1r, W_r1)
    h = _bn_finish(hpre1, st1, x, g1r, be1r)

    acc2 = _make_sage_sc(D)(h, idx, z128)
    hpre2, st2 = _sage_dense2(acc2[0], acc2[1], invc, h, W_l2, b_l2r, W_r2)
    hgs, td, cs = _bn_gat(hpre2, st2, h, g2r, be2r, W_g, as16, ad16)

    c16 = jnp.maximum(jnp.max(cs[:, 0, :], axis=0, keepdims=True)
                      + jnp.max(cs[:, 1, :], axis=0, keepdims=True), 0.0)
    nd = _make_gat_sc()(hgs, td, c16, idxg, z144)
    emb, logits = _head(nd[0], nd[1], hgs, td, c16, bgr, Wc1, bc1r, Wc2,
                        bc2r)
    return (emb, logits)

# --- scband reference (transcript-rebuilt; emitter-appended) ---
"""Pipeline reference for scband-blockchain-gnn-223338299944 (READ-ONLY COPY).

The authoritative reference and input builder live on the scoring server;
editing this copy changes nothing except your own understanding.
"""

import jax, jax.numpy as jnp
import numpy as np

N = 10000
E = 320000
D_IN = 128
D_H = 128
D_OUT = 32
HEADS = 4

def _w(k, shape):
    return 0.05 * jax.random.normal(k, shape, dtype=jnp.float32)

def setup_inputs(seed: int = 0):
    key = jax.random.key(seed)
    ks = jax.random.split(key, 16)
    inp = {}
    inp['x'] = jax.random.normal(ks[0], (N, D_IN), dtype=jnp.float32)
    inp['edge_index'] = jax.random.randint(ks[1], (2, E), 0, N, dtype=jnp.int32)
    inp['W_l1'] = _w(ks[2], (D_IN, D_H)); inp['b_l1'] = jnp.zeros((D_H,), jnp.float32); inp['W_r1'] = _w(ks[3], (D_IN, D_H))
    inp['g1'] = jnp.ones((D_H,), jnp.float32); inp['be1'] = jnp.zeros((D_H,), jnp.float32)
    inp['W_l2'] = _w(ks[4], (D_H, D_H)); inp['b_l2'] = jnp.zeros((D_H,), jnp.float32); inp['W_r2'] = _w(ks[5], (D_H, D_H))
    inp['g2'] = jnp.ones((D_H,), jnp.float32); inp['be2'] = jnp.zeros((D_H,), jnp.float32)
    inp['W_g'] = _w(ks[6], (D_H, HEADS * D_OUT)); inp['att_s'] = _w(ks[7], (HEADS, D_OUT)); inp['att_d'] = _w(ks[8], (HEADS, D_OUT)); inp['b_g'] = jnp.zeros((D_OUT,), jnp.float32)
    inp['Wc1'] = _w(ks[9], (D_OUT, 64)); inp['bc1'] = jnp.zeros((64,), jnp.float32)
    inp['Wc2'] = _w(ks[10], (64, 1)); inp['bc2'] = jnp.zeros((1,), jnp.float32)
    return inp

def _sage(x, src, dst, W_l, b_l, W_r):
    n = x.shape[0]
    msg = x[src]
    s = jax.ops.segment_sum(msg, dst, num_segments=n)
    cnt = jax.ops.segment_sum(jnp.ones((src.shape[0],), jnp.float32), dst, num_segments=n)
    mean = s / jnp.clip(cnt, 1.0)[:, None]
    return mean @ W_l + b_l + x @ W_r

def _bn(x, g, b, eps=1e-5):
    mu = x.mean(0)
    var = x.var(0)
    return g * (x - mu) / jnp.sqrt(var + eps) + b

def _gat(x, src, dst, W, att_s, att_d, bias):
    n = x.shape[0]
    loop = jnp.arange(n, dtype=src.dtype)
    s = jnp.concatenate([src, loop])
    d = jnp.concatenate([dst, loop])
    h = (x @ W).reshape(n, HEADS, D_OUT)
    a_s = (h * att_s[None]).sum(-1)
    a_d = (h * att_d[None]).sum(-1)
    alpha = jax.nn.leaky_relu(a_s[s] + a_d[d], 0.2)
    amax = jax.ops.segment_max(alpha, d, num_segments=n)
    ex = jnp.exp(alpha - amax[d])
    denom = jax.ops.segment_sum(ex, d, num_segments=n)
    coef = ex / (denom[d] + 1e-16)
    out = jax.ops.segment_sum(h[s] * coef[:, :, None], d, num_segments=n)
    return out.mean(1) + bias

def reference(x, edge_index, W_l1, b_l1, W_r1, g1, be1, W_l2, b_l2, W_r2, g2, be2, W_g, att_s, att_d, b_g, Wc1, bc1, Wc2, bc2):
    src, dst = edge_index[0], edge_index[1]
    h = _sage(x, src, dst, W_l1, b_l1, W_r1)
    h = _bn(h, g1, be1)
    h = h + x
    h = jax.nn.relu(h)
    h2 = _sage(h, src, dst, W_l2, b_l2, W_r2)
    h2 = _bn(h2, g2, be2)
    h2 = h2 + h
    h2 = jax.nn.relu(h2)
    emb = _gat(h2, src, dst, W_g, att_s, att_d, b_g)
    logits = jax.nn.relu(emb @ Wc1 + bc1) @ Wc2 + bc2
    return (emb, logits)

if __name__ == "__main__":
    import jax
    _d = setup_inputs()
    print(jax.jit(kernel)(*tuple(_d.values())))

</pallas_src>

<mosaic_0001>
#map = affine_map<(d0, d1) -> (0, 0)>
#map1 = affine_map<(d0, d1) -> (0, 0, 0)>
module attributes {stable_mosaic.version = 14 : i64} {
  func.func @_gat_sc(%arg0: i32, %arg1: i32, %arg2: memref<10016x144xf32, #tpu.memory_space<hbm>>, %arg3: memref<10016x16xf32, #tpu.memory_space<hbm>>, %arg4: memref<1x16xf32, #tpu.memory_space<hbm>>, %arg5: memref<2688x2x120xi32, #tpu.memory_space<hbm>>, %arg6: memref<10016x144xf32, #tpu.memory_space<hbm>>, %arg7: memref<2x10016x144xf32, #tpu.memory_space<hbm>>, %arg8: memref<10016x144xf32, #tpu.memory_space<vmem_shared>>, %arg9: memref<2x120xi32, #tpu.memory_space<vmem>>, %arg10: memref<2x120xi32, #tpu.memory_space<vmem>>, %arg11: memref<120x144xf32, #tpu.memory_space<vmem>>, %arg12: memref<120x144xf32, #tpu.memory_space<vmem>>, %arg13: memref<120x16xf32, #tpu.memory_space<vmem>>, %arg14: memref<120x16xf32, #tpu.memory_space<vmem>>, %arg15: memref<1x16xf32, #tpu.memory_space<vmem>>, %arg16: memref<!tpu.dma_semaphore, #tpu.memory_space<semaphore_mem>>, %arg17: memref<!tpu.dma_semaphore, #tpu.memory_space<semaphore_mem>>, %arg18: memref<!tpu.dma_semaphore, #tpu.memory_space<semaphore_mem>>, %arg19: memref<!tpu.dma_semaphore, #tpu.memory_space<semaphore_mem>>, %arg20: memref<!tpu.dma_semaphore, #tpu.memory_space<semaphore_mem>>, %arg21: memref<!tpu.dma_semaphore, #tpu.memory_space<semaphore_mem>>) attributes {dimension_semantics = [#tpu.dimension_semantics<core_parallel>, #tpu.dimension_semantics<subcore_parallel>], iteration_bounds = array<i64: 2, 16>, scalar_prefetch = 0 : i64, scratch_operands = 14 : i64, tpu.core_type = #tpu.core_type<sc_vector_subcore>, window_params = [{transform_indices = #map}, {transform_indices = #map}, {transform_indices = #map}, {transform_indices = #map1}, {transform_indices = #map}, {transform_indices = #map1}]} {
    %mul3A = arith.constant 16 : i32
    %mul3A_0 = arith.muli %arg0, %mul3A : i32
    %add3A = arith.addi %mul3A_0, %arg1 : i32
    %mul3A_1 = arith.constant 84 : i32
    %mul3A_2 = arith.muli %add3A, %mul3A_1 : i32
    %mul3A_3 = arith.constant 626 : i32
    %mul3A_4 = arith.muli %arg1, %mul3A_3 : i32
    "tpu.region"() ({
      %run_scoped3A = tpu.sem_alloc : memref<!tpu.dma_semaphore, #tpu.memory_space<semaphore_mem>>
      %dma_start3A_117 = arith.constant 0 : i32
      %dma_start3A_118 = tpu.memref_slice %arg8[%mul3A_4, %dma_start3A_117] : memref<10016x144xf32, #tpu.memory_space<vmem_shared>> -> memref<626x144xf32, #tpu.memory_space<vmem_shared>>
      %dma_start3A_119 = arith.constant 0 : i32
      %dma_start3A_120 = tpu.memref_slice %arg6[%mul3A_4, %dma_start3A_119] : memref<10016x144xf32, #tpu.memory_space<hbm>> -> memref<626x144xf32, #tpu.memory_space<hbm>>
      tpu.enqueue_dma source(%dma_start3A_120 : memref<626x144xf32, #tpu.memory_space<hbm>>) target(%dma_start3A_118 : memref<626x144xf32, #tpu.memory_space<vmem_shared>>) target_semaphore(%run_scoped3A : memref<!tpu.dma_semaphore, #tpu.memory_space<semaphore_mem>>)
      %dma_wait3A_121 = arith.constant 0 : i32
      %dma_wait3A_122 = tpu.memref_slice %arg8[%mul3A_4, %dma_wait3A_121] : memref<10016x144xf32, #tpu.memory_space<vmem_shared>> -> memref<626x144xf32, #tpu.memory_space<vmem_shared>>
      %dma_wait3A_123 = arith.constant 0 : i32
      %dma_wait3A_124 = tpu.memref_slice %arg6[%mul3A_4, %dma_wait3A_123] : memref<10016x144xf32, #tpu.memory_space<hbm>> -> memref<626x144xf32, #tpu.memory_space<hbm>>
      tpu.wait_dma2 semaphore(%run_scoped3A : memref<!tpu.dma_semaphore, #tpu.memory_space<semaphore_mem>>) src(%dma_wait3A_124 : memref<626x144xf32, #tpu.memory_space<hbm>>) dst(%dma_wait3A_122 : memref<626x144xf32, #tpu.memory_space<vmem_shared>>)
      tpu.yield
    }) : () -> ()
    "tpu.region"() ({
      %run_scoped3A = tpu.sem_alloc : memref<!tpu.dma_semaphore, #tpu.memory_space<semaphore_mem>>
      tpu.enqueue_dma source(%arg4 : memref<1x16xf32, #tpu.memory_space<hbm>>) target(%arg15 : memref<1x16xf32, #tpu.memory_space<vmem>>) target_semaphore(%run_scoped3A : memref<!tpu.dma_semaphore, #tpu.memory_space<semaphore_mem>>)
      tpu.wait_dma2 semaphore(%run_scoped3A : memref<!tpu.dma_semaphore, #tpu.memory_space<semaphore_mem>>) src(%arg4 : memref<1x16xf32, #tpu.memory_space<hbm>>) dst(%arg15 : memref<1x16xf32, #tpu.memory_space<vmem>>)
      tpu.yield
    }) : () -> ()
    %barrier3A = arith.constant 0 : index
    tpu.barrier barrier_id(%barrier3A)
    %get3A = arith.constant 0 : i32
    %get3A_5 = arith.index_cast %get3A : i32 to index
    %get3A_6 = arith.constant 0 : index
    %get3A_7 = tpu.vector_load %arg15[%get3A_5, %get3A_6] {strides = array<i32>} : memref<1x16xf32, #tpu.memory_space<vmem>>, vector<16xf32>,
    "tpu.region"() ({
      %run_scoped3A = tpu.sem_alloc : memref<!tpu.dma_semaphore, #tpu.memory_space<semaphore_mem>>
      %dma_start3A_117 = arith.constant 0 : i32
      %dma_start3A_118 = arith.constant 0 : i32
      %dma_start3A_119 = tpu.memref_slice %arg5[%mul3A_2, %dma_start3A_117, %dma_start3A_118] : memref<2688x2x120xi32, #tpu.memory_space<hbm>> -> memref<1x2x120xi32, #tpu.memory_space<hbm>>
      %dma_start3A_120 = tpu.memref_squeeze %dma_start3A_119 : memref<1x2x120xi32, #tpu.memory_space<hbm>> -> memref<2x120xi32, #tpu.memory_space<hbm>>
      %dma_start3A_121 = arith.constant 0 : i32
      %dma_start3A_122 = arith.constant 0 : i32
      %dma_start3A_123 = tpu.memref_slice %arg5[%mul3A_2, %dma_start3A_121, %dma_start3A_122] : memref<2688x2x120xi32, #tpu.memory_space<hbm>> -> memref<1x2x120xi32, #tpu.memory_space<hbm>>
      %dma_start3A_124 = tpu.memref_squeeze %dma_start3A_123 : memref<1x2x120xi32, #tpu.memory_space<hbm>> -> memref<2x120xi32, #tpu.memory_space<hbm>>
      tpu.enqueue_dma source(%dma_start3A_124 : memref<2x120xi32, #tpu.memory_space<hbm>>) target(%arg9 : memref<2x120xi32, #tpu.memory_space<vmem>>) target_semaphore(%run_scoped3A : memref<!tpu.dma_semaphore, #tpu.memory_space<semaphore_mem>>)
      %dma_wait3A_125 = arith.constant 0 : i32
      %dma_wait3A_126 = arith.constant 0 : i32
      %dma_wait3A_127 = tpu.memref_slice %arg5[%mul3A_2, %dma_wait3A_125, %dma_wait3A_126] : memref<2688x2x120xi32, #tpu.memory_space<hbm>> -> memref<1x2x120xi32, #tpu.memory_space<hbm>>
      %dma_wait3A_128 = tpu.memref_squeeze %dma_wait3A_127 : memref<1x2x120xi32, #tpu.memory_space<hbm>> -> memref<2x120xi32, #tpu.memory_space<hbm>>
      %dma_wait3A_129 = arith.constant 0 : i32
      %dma_wait3A_130 = arith.constant 0 : i32
      %dma_wait3A_131 = tpu.memref_slice %arg5[%mul3A_2, %dma_wait3A_129, %dma_wait3A_130] : memref<2688x2x120xi32, #tpu.memory_space<hbm>> -> memref<1x2x120xi32, #tpu.memory_space<hbm>>
      %dma_wait3A_132 = tpu.memref_squeeze %dma_wait3A_131 : memref<1x2x120xi32, #tpu.memory_space<hbm>> -> memref<2x120xi32, #tpu.memory_space<hbm>>
      tpu.wait_dma2 semaphore(%run_scoped3A : memref<!tpu.dma_semaphore, #tpu.memory_space<semaphore_mem>>) src(%dma_wait3A_132 : memref<2x120xi32, #tpu.memory_space<hbm>>) dst(%arg9 : memref<2x120xi32, #tpu.memory_space<vmem>>)
      tpu.yield
    }) : () -> ()
    %add3A_8 = arith.constant 1 : i32
    %add3A_9 = arith.addi %mul3A_2, %add3A_8 : i32
    "tpu.region"() ({
      %run_scoped3A = tpu.sem_alloc : memref<!tpu.dma_semaphore, #tpu.memory_space<semaphore_mem>>
      %dma_start3A_117 = arith.constant 0 : i32
      %dma_start3A_118 = arith.constant 0 : i32
      %dma_start3A_119 = tpu.memref_slice %arg5[%add3A_9, %dma_start3A_117, %dma_start3A_118] : memref<2688x2x120xi32, #tpu.memory_space<hbm>> -> memref<1x2x120xi32, #tpu.memory_space<hbm>>
      %dma_start3A_120 = tpu.memref_squeeze %dma_start3A_119 : memref<1x2x120xi32, #tpu.memory_space<hbm>> -> memref<2x120xi32, #tpu.memory_space<hbm>>
      %dma_start3A_121 = arith.constant 0 : i32
      %dma_start3A_122 = arith.constant 0 : i32
      %dma_start3A_123 = tpu.memref_slice %arg5[%add3A_9, %dma_start3A_121, %dma_start3A_122] : memref<2688x2x120xi32, #tpu.memory_space<hbm>> -> memref<1x2x120xi32, #tpu.memory_space<hbm>>
      %dma_start3A_124 = tpu.memref_squeeze %dma_start3A_123 : memref<1x2x120xi32, #tpu.memory_space<hbm>> -> memref<2x120xi32, #tpu.memory_space<hbm>>
      tpu.enqueue_dma source(%dma_start3A_124 : memref<2x120xi32, #tpu.memory_space<hbm>>) target(%arg10 : memref<2x120xi32, #tpu.memory_space<vmem>>) target_semaphore(%run_scoped3A : memref<!tpu.dma_semaphore, #tpu.memory_space<semaphore_mem>>)
      %dma_wait3A_125 = arith.constant 0 : i32
      %dma_wait3A_126 = arith.constant 0 : i32
      %dma_wait3A_127 = tpu.memref_slice %arg5[%add3A_9, %dma_wait3A_125, %dma_wait3A_126] : memref<2688x2x120xi32, #tpu.memory_space<hbm>> -> memref<1x2x120xi32, #tpu.memory_space<hbm>>
      %dma_wait3A_128 = tpu.memref_squeeze %dma_wait3A_127 : memref<1x2x120xi32, #tpu.memory_space<hbm>> -> memref<2x120xi32, #tpu.memory_space<hbm>>
      %dma_wait3A_129 = arith.constant 0 : i32
      %dma_wait3A_130 = arith.constant 0 : i32
      %dma_wait3A_131 = tpu.memref_slice %arg5[%add3A_9, %dma_wait3A_129, %dma_wait3A_130] : memref<2688x2x120xi32, #tpu.memory_space<hbm>> -> memref<1x2x120xi32, #tpu.memory_space<hbm>>
      %dma_wait3A_132 = tpu.memref_squeeze %dma_wait3A_131 : memref<1x2x120xi32, #tpu.memory_space<hbm>> -> memref<2x120xi32, #tpu.memory_space<hbm>>
      tpu.wait_dma2 semaphore(%run_scoped3A : memref<!tpu.dma_semaphore, #tpu.memory_space<semaphore_mem>>) src(%dma_wait3A_132 : memref<2x120xi32, #tpu.memory_space<hbm>>) dst(%arg10 : memref<2x120xi32, #tpu.memory_space<vmem>>)
      tpu.yield
    }) : () -> ()
    %dma_start3A = arith.constant 0 : i32
    %dma_start3A_10 = arith.constant 0 : i32
    %dma_start3A_11 = tpu.memref_slice %arg9[%dma_start3A, %dma_start3A_10] : memref<2x120xi32, #tpu.memory_space<vmem>> -> memref<1x120xi32, #tpu.memory_space<vmem>>
    %dma_start3A_12 = tpu.memref_squeeze %dma_start3A_11 : memref<1x120xi32, #tpu.memory_space<vmem>> -> memref<120xi32, #tpu.memory_space<vmem>>
    %dma_start3A_13 = arith.constant 0 : i32
    %dma_start3A_14 = arith.constant 0 : i32
    %dma_start3A_15 = tpu.memref_slice %arg2[%dma_start3A_13, %dma_start3A_14] : memref<10016x144xf32, #tpu.memory_space<hbm>> -> memref<10016x144xf32, #tpu.memory_space<hbm>>
    tpu.enqueue_indirect_dma source(%dma_start3A_15 : memref<10016x144xf32, #tpu.memory_space<hbm>>) target(%arg11 : memref<120x144xf32, #tpu.memory_space<vmem>>) offsets(%dma_start3A_12 : memref<120xi32, #tpu.memory_space<vmem>>) semaphore(%arg16 : memref<!tpu.dma_semaphore, #tpu.memory_space<semaphore_mem>>)
    %dma_start3A_16 = arith.constant 1 : i32
    %dma_start3A_17 = arith.constant 0 : i32
    %dma_start3A_18 = tpu.memref_slice %arg9[%dma_start3A_16, %dma_start3A_17] : memref<2x120xi32, #tpu.memory_space<vmem>> -> memref<1x120xi32, #tpu.memory_space<vmem>>
    %dma_start3A_19 = tpu.memref_squeeze %dma_start3A_18 : memref<1x120xi32, #tpu.memory_space<vmem>> -> memref<120xi32, #tpu.memory_space<vmem>>
    %dma_start3A_20 = arith.constant 0 : i32
    %dma_start3A_21 = arith.constant 0 : i32
    %dma_start3A_22 = tpu.memref_slice %arg3[%dma_start3A_20, %dma_start3A_21] : memref<10016x16xf32, #tpu.memory_space<hbm>> -> memref<10016x16xf32, #tpu.memory_space<hbm>>
    tpu.enqueue_indirect_dma source(%dma_start3A_22 : memref<10016x16xf32, #tpu.memory_space<hbm>>) target(%arg13 : memref<120x16xf32, #tpu.memory_space<vmem>>) offsets(%dma_start3A_19 : memref<120xi32, #tpu.memory_space<vmem>>) semaphore(%arg18 : memref<!tpu.dma_semaphore, #tpu.memory_space<semaphore_mem>>)
    %dma_start3A_23 = arith.constant 0 : i32
    %dma_start3A_24 = arith.constant 0 : i32
    %dma_start3A_25 = tpu.memref_slice %arg10[%dma_start3A_23, %dma_start3A_24] : memref<2x120xi32, #tpu.memory_space<vmem>> -> memref<1x120xi32, #tpu.memory_space<vmem>>
    %dma_start3A_26 = tpu.memref_squeeze %dma_start3A_25 : memref<1x120xi32, #tpu.memory_space<vmem>> -> memref<120xi32, #tpu.memory_space<vmem>>
    %dma_start3A_27 = arith.constant 0 : i32
    %dma_start3A_28 = arith.constant 0 : i32
    %dma_start3A_29 = tpu.memref_slice %arg2[%dma_start3A_27, %dma_start3A_28] : memref<10016x144xf32, #tpu.memory_space<hbm>> -> memref<10016x144xf32, #tpu.memory_space<hbm>>
    tpu.enqueue_indirect_dma source(%dma_start3A_29 : memref<10016x144xf32, #tpu.memory_space<hbm>>) target(%arg12 : memref<120x144xf32, #tpu.memory_space<vmem>>) offsets(%dma_start3A_26 : memref<120xi32, #tpu.memory_space<vmem>>) semaphore(%arg17 : memref<!tpu.dma_semaphore, #tpu.memory_space<semaphore_mem>>)
    %dma_start3A_30 = arith.constant 1 : i32
    %dma_start3A_31 = arith.constant 0 : i32
    %dma_start3A_32 = tpu.memref_slice %arg10[%dma_start3A_30, %dma_start3A_31] : memref<2x120xi32, #tpu.memory_space<vmem>> -> memref<1x120xi32, #tpu.memory_space<vmem>>
    %dma_start3A_33 = tpu.memref_squeeze %dma_start3A_32 : memref<1x120xi32, #tpu.memory_space<vmem>> -> memref<120xi32, #tpu.memory_space<vmem>>
    %dma_start3A_34 = arith.constant 0 : i32
    %dma_start3A_35 = arith.constant 0 : i32
    %dma_start3A_36 = tpu.memref_slice %arg3[%dma_start3A_34, %dma_start3A_35] : memref<10016x16xf32, #tpu.memory_space<hbm>> -> memref<10016x16xf32, #tpu.memory_space<hbm>>
    tpu.enqueue_indirect_dma source(%dma_start3A_36 : memref<10016x16xf32, #tpu.memory_space<hbm>>) target(%arg14 : memref<120x16xf32, #tpu.memory_space<vmem>>) offsets(%dma_start3A_33 : memref<120xi32, #tpu.memory_space<vmem>>) semaphore(%arg19 : memref<!tpu.dma_semaphore, #tpu.memory_space<semaphore_mem>>)
    %scan3A = arith.constant 0 : i32
    %scan3A_37 = arith.constant 41 : i32
    %scan3A_38 = arith.addi %scan3A, %scan3A_37 : i32
    %scan3A_39 = arith.constant 1 : i32
    scf.for %scan3A_117 = %scan3A to %scan3A_38 step %scan3A_39  : i32 {
      %mul3A_118 = arith.constant 1 : i32
      %mul3A_119 = arith.muli %scan3A_117, %mul3A_118 : i32
      %add3A_120 = arith.constant 0 : i32
      %add3A_121 = arith.addi %add3A_120, %mul3A_119 : i32
      %dma_wait3A_122 = arith.constant 0 : i32
      %dma_wait3A_123 = arith.constant 0 : i32
      %dma_wait3A_124 = tpu.memref_slice %arg9[%dma_wait3A_122, %dma_wait3A_123] : memref<2x120xi32, #tpu.memory_space<vmem>> -> memref<1x120xi32, #tpu.memory_space<vmem>>
      %dma_wait3A_125 = tpu.memref_squeeze %dma_wait3A_124 : memref<1x120xi32, #tpu.memory_space<vmem>> -> memref<120xi32, #tpu.memory_space<vmem>>
      %dma_wait3A_126 = arith.constant 0 : i32
      %dma_wait3A_127 = arith.constant 0 : i32
      %dma_wait3A_128 = tpu.memref_slice %arg2[%dma_wait3A_126, %dma_wait3A_127] : memref<10016x144xf32, #tpu.memory_space<hbm>> -> memref<10016x144xf32, #tpu.memory_space<hbm>>
      tpu.wait_indirect_dma semaphore(%arg16 : memref<!tpu.dma_semaphore, #tpu.memory_space<semaphore_mem>>) src(%dma_wait3A_128 : memref<10016x144xf32, #tpu.memory_space<hbm>>) dst(%arg11 : memref<120x144xf32, #tpu.memory_space<vmem>>)
      %dma_wait3A_129 = arith.constant 1 : i32
      %dma_wait3A_130 = arith.constant 0 : i32
      %dma_wait3A_131 = tpu.memref_slice %arg9[%dma_wait3A_129, %dma_wait3A_130] : memref<2x120xi32, #tpu.memory_space<vmem>> -> memref<1x120xi32, #tpu.memory_space<vmem>>
      %dma_wait3A_132 = tpu.memref_squeeze %dma_wait3A_131 : memref<1x120xi32, #tpu.memory_space<vmem>> -> memref<120xi32, #tpu.memory_space<vmem>>
      %dma_wait3A_133 = arith.constant 0 : i32
      %dma_wait3A_134 = arith.constant 0 : i32
      %dma_wait3A_135 = tpu.memref_slice %arg3[%dma_wait3A_133, %dma_wait3A_134] : memref<10016x16xf32, #tpu.memory_space<hbm>> -> memref<10016x16xf32, #tpu.memory_space<hbm>>
      tpu.wait_indirect_dma semaphore(%arg18 : memref<!tpu.dma_semaphore, #tpu.memory_space<semaphore_mem>>) src(%dma_wait3A_135 : memref<10016x16xf32, #tpu.memory_space<hbm>>) dst(%arg13 : memref<120x16xf32, #tpu.memory_space<vmem>>)
      %scan3A_136 = arith.constant 0 : i32
      %scan3A_137 = arith.constant 30 : i32
      %scan3A_138 = arith.addi %scan3A_136, %scan3A_137 : i32
      %scan3A_139 = arith.constant 1 : i32
      scf.for %scan3A_236 = %scan3A_136 to %scan3A_138 step %scan3A_139  : i32 {
        %mul3A_237 = arith.constant 4 : i32
        %mul3A_238 = arith.muli %scan3A_236, %mul3A_237 : i32
        %add3A_239 = arith.constant 0 : i32
        %add3A_240 = arith.addi %add3A_239, %mul3A_238 : i32
        %add3A_241 = arith.constant 0 : i32
        %add3A_242 = arith.addi %add3A_240, %add3A_241 : i32
        %get3A_243 = arith.index_cast %add3A_242 : i32 to index
        %get3A_244 = arith.constant 128 : index
        %get3A_245 = tpu.vector_load %arg11[%get3A_243, %get3A_244] {strides = array<i32>} : memref<120x144xf32, #tpu.memory_space<vmem>>, vector<16xf32>,
        %get3A_246 = arith.index_cast %add3A_242 : i32 to index
        %get3A_247 = arith.constant 0 : index
        %get3A_248 = tpu.vector_load %arg13[%get3A_246, %get3A_247] {strides = array<i32>} : memref<120x16xf32, #tpu.memory_space<vmem>>, vector<16xf32>,
        %add3A_249 = arith.addf %get3A_245, %get3A_248 : vector<16xf32>
        %mul3A_250 = arith.constant 2.000000e-01 : f32
        %mul3A_251 = vector.broadcast %mul3A_250 : f32 to vector<16xf32>
        %mul3A_252 = arith.mulf %mul3A_251, %add3A_249 : vector<16xf32>
        %max3A = arith.maximumf %add3A_249, %mul3A_252 : vector<16xf32>
        %sub3A = arith.subf %max3A, %get3A_7 : vector<16xf32>
        %exp3A = math.exp %sub3A : vector<16xf32>
        %swap3A = arith.index_cast %add3A_242 : i32 to index
        %swap3A_253 = arith.constant 128 : index
        %swap3A_254 = tpu.vector_load %arg11[%swap3A, %swap3A_253] {strides = array<i32>} : memref<120x144xf32, #tpu.memory_space<vmem>>, vector<16xf32>,
        tpu.vector_store %arg11[%swap3A, %swap3A_253], %exp3A {strides = array<i32>} : memref<120x144xf32, #tpu.memory_space<vmem>>, vector<16xf32>,
        %add3A_255 = arith.constant 1 : i32
        %add3A_256 = arith.addi %add3A_240, %add3A_255 : i32
        %get3A_257 = arith.index_cast %add3A_256 : i32 to index
        %get3A_258 = arith.constant 128 : index
        %get3A_259 = tpu.vector_load %arg11[%get3A_257, %get3A_258] {strides = array<i32>} : memref<120x144xf32, #tpu.memory_space<vmem>>, vector<16xf32>,
        %get3A_260 = arith.index_cast %add3A_256 : i32 to index
        %get3A_261 = arith.constant 0 : index
        %get3A_262 = tpu.vector_load %arg13[%get3A_260, %get3A_261] {strides = array<i32>} : memref<120x16xf32, #tpu.memory_space<vmem>>, vector<16xf32>,
        %add3A_263 = arith.addf %get3A_259, %get3A_262 : vector<16xf32>
        %mul3A_264 = arith.constant 2.000000e-01 : f32
        %mul3A_265 = vector.broadcast %mul3A_264 : f32 to vector<16xf32>
        %mul3A_266 = arith.mulf %mul3A_265, %add3A_263 : vector<16xf32>
        %max3A_267 = arith.maximumf %add3A_263, %mul3A_266 : vector<16xf32>
        %sub3A_268 = arith.subf %max3A_267, %get3A_7 : vector<16xf32>
        %exp3A_269 = math.exp %sub3A_268 : vector<16xf32>
        %swap3A_270 = arith.index_cast %add3A_256 : i32 to index
        %swap3A_271 = arith.constant 128 : index
        %swap3A_272 = tpu.vector_load %arg11[%swap3A_270, %swap3A_271] {strides = array<i32>} : memref<120x144xf32, #tpu.memory_space<vmem>>, vector<16xf32>,
        tpu.vector_store %arg11[%swap3A_270, %swap3A_271], %exp3A_269 {strides = array<i32>} : memref<120x144xf32, #tpu.memory_space<vmem>>, vector<16xf32>,
        %add3A_273 = arith.constant 2 : i32
        %add3A_274 = arith.addi %add3A_240, %add3A_273 : i32
        %get3A_275 = arith.index_cast %add3A_274 : i32 to index
        %get3A_276 = arith.constant 128 : index
        %get3A_277 = tpu.vector_load %arg11[%get3A_275, %get3A_276] {strides = array<i32>} : memref<120x144xf32, #tpu.memory_space<vmem>>, vector<16xf32>,
        %get3A_278 = arith.index_cast %add3A_274 : i32 to index
        %get3A_279 = arith.constant 0 : index
        %get3A_280 = tpu.vector_load %arg13[%get3A_278, %get3A_279] {strides = array<i32>} : memref<120x16xf32, #tpu.memory_space<vmem>>, vector<16xf32>,
        %add3A_281 = arith.addf %get3A_277, %get3A_280 : vector<16xf32>
        %mul3A_282 = arith.constant 2.000000e-01 : f32
        %mul3A_283 = vector.broadcast %mul3A_282 : f32 to vector<16xf32>
        %mul3A_284 = arith.mulf %mul3A_283, %add3A_281 : vector<16xf32>
        %max3A_285 = arith.maximumf %add3A_281, %mul3A_284 : vector<16xf32>
        %sub3A_286 = arith.subf %max3A_285, %get3A_7 : vector<16xf32>
        %exp3A_287 = math.exp %sub3A_286 : vector<16xf32>
        %swap3A_288 = arith.index_cast %add3A_274 : i32 to index
        %swap3A_289 = arith.constant 128 : index
        %swap3A_290 = tpu.vector_load %arg11[%swap3A_288, %swap3A_289] {strides = array<i32>} : memref<120x144xf32, #tpu.memory_space<vmem>>, vector<16xf32>,
        tpu.vector_store %arg11[%swap3A_288, %swap3A_289], %exp3A_287 {strides = array<i32>} : memref<120x144xf32, #tpu.memory_space<vmem>>, vector<16xf32>,
        %add3A_291 = arith.constant 3 : i32
        %add3A_292 = arith.addi %add3A_240, %add3A_291 : i32
        %get3A_293 = arith.index_cast %add3A_292 : i32 to index
        %get3A_294 = arith.constant 128 : index
        %get3A_295 = tpu.vector_load %arg11[%get3A_293, %get3A_294] {strides = array<i32>} : memref<120x144xf32, #tpu.memory_space<vmem>>, vector<16xf32>,
        %get3A_296 = arith.index_cast %add3A_292 : i32 to index
        %get3A_297 = arith.constant 0 : index
        %get3A_298 = tpu.vector_load %arg13[%get3A_296, %get3A_297] {strides = array<i32>} : memref<120x16xf32, #tpu.memory_space<vmem>>, vector<16xf32>,
        %add3A_299 = arith.addf %get3A_295, %get3A_298 : vector<16xf32>
        %mul3A_300 = arith.constant 2.000000e-01 : f32
        %mul3A_301 = vector.broadcast %mul3A_300 : f32 to vector<16xf32>
        %mul3A_302 = arith.mulf %mul3A_301, %add3A_299 : vector<16xf32>
        %max3A_303 = arith.maximumf %add3A_299, %mul3A_302 : vector<16xf32>
        %sub3A_304 = arith.subf %max3A_303, %get3A_7 : vector<16xf32>
        %exp3A_305 = math.exp %sub3A_304 : vector<16xf32>
        %swap3A_306 = arith.index_cast %add3A_292 : i32 to index
        %swap3A_307 = arith.constant 128 : index
        %swap3A_308 = tpu.vector_load %arg11[%swap3A_306, %swap3A_307] {strides = array<i32>} : memref<120x144xf32, #tpu.memory_space<vmem>>, vector<16xf32>,
        tpu.vector_store %arg11[%swap3A_306, %swap3A_307], %exp3A_305 {strides = array<i32>} : memref<120x144xf32, #tpu.memory_space<vmem>>, vector<16xf32>,
      }
      %scan3A_140 = arith.constant 30 : i32
      %scan3A_141 = arith.constant 0 : i32
      %scan3A_142 = arith.constant 30 : i32
      %scan3A_143 = arith.addi %scan3A_141, %scan3A_142 : i32
      %scan3A_144 = arith.constant 1 : i32
      scf.for %scan3A_236 = %scan3A_141 to %scan3A_143 step %scan3A_144  : i32 {
        %mul3A_237 = arith.constant 4 : i32
        %mul3A_238 = arith.muli %scan3A_236, %mul3A_237 : i32
        %add3A_239 = arith.constant 0 : i32
        %add3A_240 = arith.addi %add3A_239, %mul3A_238 : i32
        %add3A_241 = arith.constant 0 : i32
        %add3A_242 = arith.addi %add3A_240, %add3A_241 : i32
        %get3A_243 = arith.index_cast %add3A_242 : i32 to index
        %get3A_244 = arith.constant 128 : index
        %get3A_245 = tpu.vector_load %arg11[%get3A_243, %get3A_244] {strides = array<i32>} : memref<120x144xf32, #tpu.memory_space<vmem>>, vector<16xf32>,
        %broadcast_in_dim3A = arith.constant 0 : i32
        %broadcast_in_dim3A_246 = vector.broadcast %broadcast_in_dim3A : i32 to vector<16x1xi32>
        %gather3A = vector.shape_cast %broadcast_in_dim3A_246 : vector<16x1xi32> to vector<16xi32>
        %gather3A_247 = tpu.dynamic_gather %get3A_245[%gather3A] in [0] : vector<16xf32>, vector<16xi32> -> vector<16xf32>
        %get3A_248 = arith.index_cast %add3A_242 : i32 to index
        %get3A_249 = arith.constant 0 : index
        %get3A_250 = tpu.vector_load %arg11[%get3A_248, %get3A_249] {strides = array<i32>} : memref<120x144xf32, #tpu.memory_space<vmem>>, vector<16xf32>,
        %mul3A_251 = arith.mulf %get3A_250, %gather3A_247 : vector<16xf32>
        %swap3A = arith.index_cast %add3A_242 : i32 to index
        %swap3A_252 = arith.constant 0 : index
        %swap3A_253 = tpu.vector_load %arg11[%swap3A, %swap3A_252] {strides = array<i32>} : memref<120x144xf32, #tpu.memory_space<vmem>>, vector<16xf32>,
        tpu.vector_store %arg11[%swap3A, %swap3A_252], %mul3A_251 {strides = array<i32>} : memref<120x144xf32, #tpu.memory_space<vmem>>, vector<16xf32>,
        %get3A_254 = arith.index_cast %add3A_242 : i32 to index
        %get3A_255 = arith.constant 16 : index
        %get3A_256 = tpu.vector_load %arg11[%get3A_254, %get3A_255] {strides = array<i32>} : memref<120x144xf32, #tpu.memory_space<vmem>>, vector<16xf32>,
        %mul3A_257 = arith.mulf %get3A_256, %gather3A_247 : vector<16xf32>
        %swap3A_258 = arith.index_cast %add3A_242 : i32 to index
        %swap3A_259 = arith.constant 16 : index
        %swap3A_260 = tpu.vector_load %arg11[%swap3A_258, %swap3A_259] {strides = array<i32>} : memref<120x144xf32, #tpu.memory_space<vmem>>, vector<16xf32>,
        tpu.vector_store %arg11[%swap3A_258, %swap3A_259], %mul3A_257 {strides = array<i32>} : memref<120x144xf32, #tpu.memory_space<vmem>>, vector<16xf32>,
        %broadcast_in_dim3A_261 = arith.constant 1 : i32
        %broadcast_in_dim3A_262 = vector.broadcast %broadcast_in_dim3A_261 : i32 to vector<16x1xi32>
        %gather3A_263 = vector.shape_cast %broadcast_in_dim3A_262 : vector<16x1xi32> to vector<16xi32>
        %gather3A_264 = tpu.dynamic_gather %get3A_245[%gather3A_263] in [0] : vector<16xf32>, vector<16xi32> -> vector<16xf32>
        %get3A_265 = arith.index_cast %add3A_242 : i32 to index
        %get3A_266 = arith.constant 32 : index
        %get3A_267 = tpu.vector_load %arg11[%get3A_265, %get3A_266] {strides = array<i32>} : memref<120x144xf32, #tpu.memory_space<vmem>>, vector<16xf32>,
        %mul3A_268 = arith.mulf %get3A_267, %gather3A_264 : vector<16xf32>
        %swap3A_269 = arith.index_cast %add3A_242 : i32 to index
        %swap3A_270 = arith.constant 32 : index
        %swap3A_271 = tpu.vector_load %arg11[%swap3A_269, %swap3A_270] {strides = array<i32>} : memref<120x144xf32, #tpu.memory_space<vmem>>, vector<16xf32>,
        tpu.vector_store %arg11[%swap3A_269, %swap3A_270], %mul3A_268 {strides = array<i32>} : memref<120x144xf32, #tpu.memory_space<vmem>>, vector<16xf32>,
        %get3A_272 = arith.index_cast %add3A_242 : i32 to index
        %get3A_273 = arith.constant 48 : index
        %get3A_274 = tpu.vector_load %arg11[%get3A_272, %get3A_273] {strides = array<i32>} : memref<120x144xf32, #tpu.memory_space<vmem>>, vector<16xf32>,
        %mul3A_275 = arith.mulf %get3A_274, %gather3A_264 : vector<16xf32>
        %swap3A_276 = arith.index_cast %add3A_242 : i32 to index
        %swap3A_277 = arith.constant 48 : index
        %swap3A_278 = tpu.vector_load %arg11[%swap3A_276, %swap3A_277] {strides = array<i32>} : memref<120x144xf32, #tpu.memory_space<vmem>>, vector<16xf32>,
        tpu.vector_store %arg11[%swap3A_276, %swap3A_277], %mul3A_275 {strides = array<i32>} : memref<120x144xf32, #tpu.memory_space<vmem>>, vector<16xf32>,
        %broadcast_in_dim3A_279 = arith.constant 2 : i32
        %broadcast_in_dim3A_280 = vector.broadcast %broadcast_in_dim3A_279 : i32 to vector<16x1xi32>
        %gather3A_281 = vector.shape_cast %broadcast_in_dim3A_280 : vector<16x1xi32> to vector<16xi32>
        %gather3A_282 = tpu.dynamic_gather %get3A_245[%gather3A_281] in [0] : vector<16xf32>, vector<16xi32> -> vector<16xf32>
        %get3A_283 = arith.index_cast %add3A_242 : i32 to index
        %get3A_284 = arith.constant 64 : index
        %get3A_285 = tpu.vector_load %arg11[%get3A_283, %get3A_284] {strides = array<i32>} : memref<120x144xf32, #tpu.memory_space<vmem>>, vector<16xf32>,
        %mul3A_286 = arith.mulf %get3A_285, %gather3A_282 : vector<16xf32>
        %swap3A_287 = arith.index_cast %add3A_242 : i32 to index
        %swap3A_288 = arith.constant 64 : index
        %swap3A_289 = tpu.vector_load %arg11[%swap3A_287, %swap3A_288] {strides = array<i32>} : memref<120x144xf32, #tpu.memory_space<vmem>>, vector<16xf32>,
        tpu.vector_store %arg11[%swap3A_287, %swap3A_288], %mul3A_286 {strides = array<i32>} : memref<120x144xf32, #tpu.memory_space<vmem>>, vector<16xf32>,
        %get3A_290 = arith.index_cast %add3A_242 : i32 to index
        %get3A_291 = arith.constant 80 : index
        %get3A_292 = tpu.vector_load %arg11[%get3A_290, %get3A_291] {strides = array<i32>} : memref<120x144xf32, #tpu.memory_space<vmem>>, vector<16xf32>,
        %mul3A_293 = arith.mulf %get3A_292, %gather3A_282 : vector<16xf32>
        %swap3A_294 = arith.index_cast %add3A_242 : i32 to index
        %swap3A_295 = arith.constant 80 : index
        %swap3A_296 = tpu.vector_load %arg11[%swap3A_294, %swap3A_295] {strides = array<i32>} : memref<120x144xf32, #tpu.memory_space<vmem>>, vector<16xf32>,
        tpu.vector_store %arg11[%swap3A_294, %swap3A_295], %mul3A_293 {strides = array<i32>} : memref<120x144xf32, #tpu.memory_space<vmem>>, vector<16xf32>,
        %broadcast_in_dim3A_297 = arith.constant 3 : i32
        %broadcast_in_dim3A_298 = vector.broadcast %broadcast_in_dim3A_297 : i32 to vector<16x1xi32>
        %gather3A_299 = vector.shape_cast %broadcast_in_dim3A_298 : vector<16x1xi32> to vector<16xi32>
        %gather3A_300 = tpu.dynamic_gather %get3A_245[%gather3A_299] in [0] : vector<16xf32>, vector<16xi32> -> vector<16xf32>
        %get3A_301 = arith.index_cast %add3A_242 : i32 to index
        %get3A_302 = arith.constant 96 : index
        %get3A_303 = tpu.vector_load %arg11[%get3A_301, %get3A_302] {strides = array<i32>} : memref<120x144xf32, #tpu.memory_space<vmem>>, vector<16xf32>,
        %mul3A_304 = arith.mulf %get3A_303, %gather3A_300 : vector<16xf32>
        %swap3A_305 = arith.index_cast %add3A_242 : i32 to index
        %swap3A_306 = arith.constant 96 : index
        %swap3A_307 = tpu.vector_load %arg11[%swap3A_305, %swap3A_306] {strides = array<i32>} : memref<120x144xf32, #tpu.memory_space<vmem>>, vector<16xf32>,
        tpu.vector_store %arg11[%swap3A_305, %swap3A_306], %mul3A_304 {strides = array<i32>} : memref<120x144xf32, #tpu.memory_space<vmem>>, vector<16xf32>,
        %get3A_308 = arith.index_cast %add3A_242 : i32 to index
        %get3A_309 = arith.constant 112 : index
        %get3A_310 = tpu.vector_load %arg11[%get3A_308, %get3A_309] {strides = array<i32>} : memref<120x144xf32, #tpu.memory_space<vmem>>, vector<16xf32>,
        %mul3A_311 = arith.mulf %get3A_310, %gather3A_300 : vector<16xf32>
        %swap3A_312 = arith.index_cast %add3A_242 : i32 to index
        %swap3A_313 = arith.constant 112 : index
        %swap3A_314 = tpu.vector_load %arg11[%swap3A_312, %swap3A_313] {strides = array<i32>} : memref<120x144xf32, #tpu.memory_space<vmem>>, vector<16xf32>,
        tpu.vector_store %arg11[%swap3A_312, %swap3A_313], %mul3A_311 {strides = array<i32>} : memref<120x144xf32, #tpu.memory_space<vmem>>, vector<16xf32>,
        %add3A_315 = arith.constant 1 : i32
        %add3A_316 = arith.addi %add3A_240, %add3A_315 : i32
        %get3A_317 = arith.index_cast %add3A_316 : i32 to index
        %get3A_318 = arith.constant 128 : index
        %get3A_319 = tpu.vector_load %arg11[%get3A_317, %get3A_318] {strides = array<i32>} : memref<120x144xf32, #tpu.memory_space<vmem>>, vector<16xf32>,
        %broadcast_in_dim3A_320 = arith.constant 0 : i32
        %broadcast_in_dim3A_321 = vector.broadcast %broadcast_in_dim3A_320 : i32 to vector<16x1xi32>
        %gather3A_322 = vector.shape_cast %broadcast_in_dim3A_321 : vector<16x1xi32> to vector<16xi32>
        %gather3A_323 = tpu.dynamic_gather %get3A_319[%gather3A_322] in [0] : vector<16xf32>, vector<16xi32> -> vector<16xf32>
        %get3A_324 = arith.index_cast %add3A_316 : i32 to index
        %get3A_325 = arith.constant 0 : index
        %get3A_326 = tpu.vector_load %arg11[%get3A_324, %get3A_325] {strides = array<i32>} : memref<120x144xf32, #tpu.memory_space<vmem>>, vector<16xf32>,
        %mul3A_327 = arith.mulf %get3A_326, %gather3A_323 : vector<16xf32>
        %swap3A_328 = arith.index_cast %add3A_316 : i32 to index
        %swap3A_329 = arith.constant 0 : index
        %swap3A_330 = tpu.vector_load %arg11[%swap3A_328, %swap3A_329] {strides = array<i32>} : memref<120x144xf32, #tpu.memory_space<vmem>>, vector<16xf32>,
        tpu.vector_store %arg11[%swap3A_328, %swap3A_329], %mul3A_327 {strides = array<i32>} : memref<120x144xf32, #tpu.memory_space<vmem>>, vector<16xf32>,
        %get3A_331 = arith.index_cast %add3A_316 : i32 to index
        %get3A_332 = arith.constant 16 : index
        %get3A_333 = tpu.vector_load %arg11[%get3A_331, %get3A_332] {strides = array<i32>} : memref<120x144xf32, #tpu.memory_space<vmem>>, vector<16xf32>,
        %mul3A_334 = arith.mulf %get3A_333, %gather3A_323 : vector<16xf32>
        %swap3A_335 = arith.index_cast %add3A_316 : i32 to index
        %swap3A_336 = arith.constant 16 : index
        %swap3A_337 = tpu.vector_load %arg11[%swap3A_335, %swap3A_336] {strides = array<i32>} : memref<120x144xf32, #tpu.memory_space<vmem>>, vector<16xf32>,
        tpu.vector_store %arg11[%swap3A_335, %swap3A_336], %mul3A_334 {strides = array<i32>} : memref<120x144xf32, #tpu.memory_space<vmem>>, vector<16xf32>,
        %broadcast_in_dim3A_338 = arith.constant 1 : i32
        %broadcast_in_dim3A_339 = vector.broadcast %broadcast_in_dim3A_338 : i32 to vector<16x1xi32>
        %gather3A_340 = vector.shape_cast %broadcast_in_dim3A_339 : vector<16x1xi32> to vector<16xi32>
        %gather3A_341 = tpu.dynamic_gather %get3A_319[%gather3A_340] in [0] : vector<16xf32>, vector<16xi32> -> vector<16xf32>
        %get3A_342 = arith.index_cast %add3A_316 : i32 to index
        %get3A_343 = arith.constant 32 : index
        %get3A_344 = tpu.vector_load %arg11[%get3A_342, %get3A_343] {strides = array<i32>} : memref<120x144xf32, #tpu.memory_space<vmem>>, vector<16xf32>,
        %mul3A_345 = arith.mulf %get3A_344, %gather3A_341 : vector<16xf32>
        %swap3A_346 = arith.index_cast %add3A_316 : i32 to index
        %swap3A_347 = arith.constant 32 : index
        %swap3A_348 = tpu.vector_load %arg11[%swap3A_346, %swap3A_347] {strides = array<i32>} : memref<120x144xf32, #tpu.memory_space<vmem>>, vector<16xf32>,
        tpu.vector_store %arg11[%swap3A_346, %swap3A_347], %mul3A_345 {strides = array<i32>} : memref<120x144xf32, #tpu.memory_space<vmem>>, vector<16xf32>,
        %get3A_349 = arith.index_cast %add3A_316 : i32 to index
        %get3A_350 = arith.constant 48 : index
        %get3A_351 = tpu.vector_load %arg11[%get3A_349, %get3A_350] {strides = array<i32>} : memref<120x144xf32, #tpu.memory_space<vmem>>, vector<16xf32>,
        %mul3A_352 = arith.mulf %get3A_351, %gather3A_341 : vector<16xf32>
        %swap3A_353 = arith.index_cast %add3A_316 : i32 to index
        %swap3A_354 = arith.constant 48 : index
        %swap3A_355 = tpu.vector_load %arg11[%swap3A_353, %swap3A_354] {strides = array<i32>} : memref<120x144xf32, #tpu.memory_space<vmem>>, vector<16xf32>,
        tpu.vector_store %arg11[%swap3A_353, %swap3A_354], %mul3A_352 {strides = array<i32>} : memref<120x144xf32, #tpu.memory_space<vmem>>, vector<16xf32>,
        %broadcast_in_dim3A_356 = arith.constant 2 : i32
        %broadcast_in_dim3A_357 = vector.broadcast %broadcast_in_dim3A_356 : i32 to vector<16x1xi32>
        %gather3A_358 = vector.shape_cast %broadcast_in_dim3A_357 : vector<16x1xi32> to vector<16xi32>
        %gather3A_359 = tpu.dynamic_gather %get3A_319[%gather3A_358] in [0] : vector<16xf32>, vector<16xi32> -> vector<16xf32>
        %get3A_360 = arith.index_cast %add3A_316 : i32 to index
        %get3A_361 = arith.constant 64 : index
        %get3A_362 = tpu.vector_load %arg11[%get3A_360, %get3A_361] {strides = array<i32>} : memref<120x144xf32, #tpu.memory_space<vmem>>, vector<16xf32>,
        %mul3A_363 = arith.mulf %get3A_362, %gather3A_359 : vector<16xf32>
        %swap3A_364 = arith.index_cast %add3A_316 : i32 to index
        %swap3A_365 = arith.constant 64 : index
        %swap3A_366 = tpu.vector_load %arg11[%swap3A_364, %swap3A_365] {strides = array<i32>} : memref<120x144xf32, #tpu.memory_space<vmem>>, vector<16xf32>,
        tpu.vector_store %arg11[%swap3A_364, %swap3A_365], %mul3A_363 {strides = array<i32>} : memref<120x144xf32, #tpu.memory_space<vmem>>, vector<16xf32>,
        %get3A_367 = arith.index_cast %add3A_316 : i32 to index
        %get3A_368 = arith.constant 80 : index
        %get3A_369 = tpu.vector_load %arg11[%get3A_367, %get3A_368] {strides = array<i32>} : memref<120x144xf32, #tpu.memory_space<vmem>>, vector<16xf32>,
        %mul3A_370 = arith.mulf %get3A_369, %gather3A_359 : vector<16xf32>
        %swap3A_371 = arith.index_cast %add3A_316 : i32 to index
        %swap3A_372 = arith.constant 80 : index
        %swap3A_373 = tpu.vector_load %arg11[%swap3A_371, %swap3A_372] {strides = array<i32>} : memref<120x144xf32, #tpu.memory_space<vmem>>, vector<16xf32>,
        tpu.vector_store %arg11[%swap3A_371, %swap3A_372], %mul3A_370 {strides = array<i32>} : memref<120x144xf32, #tpu.memory_space<vmem>>, vector<16xf32>,
        %broadcast_in_dim3A_374 = arith.constant 3 : i32
        %broadcast_in_dim3A_375 = vector.broadcast %broadcast_in_dim3A_374 : i32 to vector<16x1xi32>
        %gather3A_376 = vector.shape_cast %broadcast_in_dim3A_375 : vector<16x1xi32> to vector<16xi32>
        %gather3A_377 = tpu.dynamic_gather %get3A_319[%gather3A_376] in [0] : vector<16xf32>, vector<16xi32> -> vector<16xf32>
        %get3A_378 = arith.index_cast %add3A_316 : i32 to index
        %get3A_379 = arith.constant 96 : index
        %get3A_380 = tpu.vector_load %arg11[%get3A_378, %get3A_379] {strides = array<i32>} : memref<120x144xf32, #tpu.memory_space<vmem>>, vector<16xf32>,
        %mul3A_381 = arith.mulf %get3A_380, %gather3A_377 : vector<16xf32>
        %swap3A_382 = arith.index_cast %add3A_316 : i32 to index
        %swap3A_383 = arith.constant 96 : index
        %swap3A_384 = tpu.vector_load %arg11[%swap3A_382, %swap3A_383] {strides = array<i32>} : memref<120x144xf32, #tpu.memory_space<vmem>>, vector<16xf32>,
        tpu.vector_store %arg11[%swap3A_382, %swap3A_383], %mul3A_381 {strides = array<i32>} : memref<120x144xf32, #tpu.memory_space<vmem>>, vector<16xf32>,
        %get3A_385 = arith.index_cast %add3A_316 : i32 to index
        %get3A_386 = arith.constant 112 : index
        %get3A_387 = tpu.vector_load %arg11[%get3A_385, %get3A_386] {strides = array<i32>} : memref<120x144xf32, #tpu.memory_space<vmem>>, vector<16xf32>,
        %mul3A_388 = arith.mulf %get3A_387, %gather3A_377 : vector<16xf32>
        %swap3A_389 = arith.index_cast %add3A_316 : i32 to index
        %swap3A_390 = arith.constant 112 : index
        %swap3A_391 = tpu.vector_load %arg11[%swap3A_389, %swap3A_390] {strides = array<i32>} : memref<120x144xf32, #tpu.memory_space<vmem>>, vector<16xf32>,
        tpu.vector_store %arg11[%swap3A_389, %swap3A_390], %mul3A_388 {strides = array<i32>} : memref<120x144xf32, #tpu.memory_space<vmem>>, vector<16xf32>,
        %add3A_392 = arith.constant 2 : i32
        %add3A_393 = arith.addi %add3A_240, %add3A_392 : i32
        %get3A_394 = arith.index_cast %add3A_393 : i32 to index
        %get3A_395 = arith.constant 128 : index
        %get3A_396 = tpu.vector_load %arg11[%get3A_394, %get3A_395] {strides = array<i32>} : memref<120x144xf32, #tpu.memory_space<vmem>>, vector<16xf32>,
        %broadcast_in_dim3A_397 = arith.constant 0 : i32
        %broadcast_in_dim3A_398 = vector.broadcast %broadcast_in_dim3A_397 : i32 to vector<16x1xi32>
        %gather3A_399 = vector.shape_cast %broadcast_in_dim3A_398 : vector<16x1xi32> to vector<16xi32>
        %gather3A_400 = tpu.dynamic_gather %get3A_396[%gather3A_399] in [0] : vector<16xf32>, vector<16xi32> -> vector<16xf32>
        %get3A_401 = arith.index_cast %add3A_393 : i32 to index
        %get3A_402 = arith.constant 0 : index
        %get3A_403 = tpu.vector_load %arg11[%get3A_401, %get3A_402] {strides = array<i32>} : memref<120x144xf32, #tpu.memory_space<vmem>>, vector<16xf32>,
        %mul3A_404 = arith.mulf %get3A_403, %gather3A_400 : vector<16xf32>
        %swap3A_405 = arith.index_cast %add3A_393 : i32 to index
        %swap3A_406 = arith.constant 0 : index
        %swap3A_407 = tpu.vector_load %arg11[%swap3A_405, %swap3A_406] {strides = array<i32>} : memref<120x144xf32, #tpu.memory_space<vmem>>, vector<16xf32>,
        tpu.vector_store %arg11[%swap3A_405, %swap3A_406], %mul3A_404 {strides = array<i32>} : memref<120x144xf32, #tpu.memory_space<vmem>>, vector<16xf32>,
        %get3A_408 = arith.index_cast %add3A_393 : i32 to index
        %get3A_409 = arith.constant 16 : index
        %get3A_410 = tpu.vector_load %arg11[%get3A_408, %get3A_409] {strides = array<i32>} : memref<120x144xf32, #tpu.memory_space<vmem>>, vector<16xf32>,
        %mul3A_411 = arith.mulf %get3A_410, %gather3A_400 : vector<16xf32>
        %swap3A_412 = arith.index_cast %add3A_393 : i32 to index
        %swap3A_413 = arith.constant 16 : index
        %swap3A_414 = tpu.vector_load %arg11[%swap3A_412, %swap3A_413] {strides = array<i32>} : memref<120x144xf32, #tpu.memory_space<vmem>>, vector<16xf32>,
        tpu.vector_store %arg11[%swap3A_412, %swap3A_413], %mul3A_411 {strides = array<i32>} : memref<120x144xf32, #tpu.memory_space<vmem>>, vector<16xf32>,
        %broadcast_in_dim3A_415 = arith.constant 1 : i32
        %broadcast_in_dim3A_416 = vector.broadcast %broadcast_in_dim3A_415 : i32 to vector<16x1xi32>
        %gather3A_417 = vector.shape_cast %broadcast_in_dim3A_416 : vector<16x1xi32> to vector<16xi32>
        %gather3A_418 = tpu.dynamic_gather %get3A_396[%gather3A_417] in [0] : vector<16xf32>, vector<16xi32> -> vector<16xf32>
        %get3A_419 = arith.index_cast %add3A_393 : i32 to index
        %get3A_420 = arith.constant 32 : index
        %get3A_421 = tpu.vector_load %arg11[%get3A_419, %get3A_420] {strides = array<i32>} : memref<120x144xf32, #tpu.memory_space<vmem>>, vector<16xf32>,
        %mul3A_422 = arith.mulf %get3A_421, %gather3A_418 : vector<16xf32>
        %swap3A_423 = arith.index_cast %add3A_393 : i32 to index
        %swap3A_424 = arith.constant 32 : index
        %swap3A_425 = tpu.vector_load %arg11[%swap3A_423, %swap3A_424] {strides = array<i32>} : memref<120x144xf32, #tpu.memory_space<vmem>>, vector<16xf32>,
        tpu.vector_store %arg11[%swap3A_423, %swap3A_424], %mul3A_422 {strides = array<i32>} : memref<120x144xf32, #tpu.memory_space<vmem>>, vector<16xf32>,
        %get3A_426 = arith.index_cast %add3A_393 : i32 to index
        %get3A_427 = arith.constant 48 : index
        %get3A_428 = tpu.vector_load %arg11[%get3A_426, %get3A_427] {strides = array<i32>} : memref<120x144xf32, #tpu.memory_space<vmem>>, vector<16xf32>,
        %mul3A_429 = arith.mulf %get3A_428, %gather3A_418 : vector<16xf32>
        %swap3A_430 = arith.index_cast %add3A_393 : i32 to index
        %swap3A_431 = arith.constant 48 : index
        %swap3A_432 = tpu.vector_load %arg11[%swap3A_430, %swap3A_431] {strides = array<i32>} : memref<120x144xf32, #tpu.memory_space<vmem>>, vector<16xf32>,
        tpu.vector_store %arg11[%swap3A_430, %swap3A_431], %mul3A_429 {strides = array<i32>} : memref<120x144xf32, #tpu.memory_space<vmem>>, vector<16xf32>,
        %broadcast_in_dim3A_433 = arith.constant 2 : i32
        %broadcast_in_dim3A_434 = vector.broadcast %broadcast_in_dim3A_433 : i32 to vector<16x1xi32>
        %gather3A_435 = vector.shape_cast %broadcast_in_dim3A_434 : vector<16x1xi32> to vector<16xi32>
        %gather3A_436 = tpu.dynamic_gather %get3A_396[%gather3A_435] in [0] : vector<16xf32>, vector<16xi32> -> vector<16xf32>
        %get3A_437 = arith.index_cast %add3A_393 : i32 to index
        %get3A_438 = arith.constant 64 : index
        %get3A_439 = tpu.vector_load %arg11[%get3A_437, %get3A_438] {strides = array<i32>} : memref<120x144xf32, #tpu.memory_space<vmem>>, vector<16xf32>,
        %mul3A_440 = arith.mulf %get3A_439, %gather3A_436 : vector<16xf32>
        %swap3A_441 = arith.index_cast %add3A_393 : i32 to index
        %swap3A_442 = arith.constant 64 : index
        %swap3A_443 = tpu.vector_load %arg11[%swap3A_441, %swap3A_442] {strides = array<i32>} : memref<120x144xf32, #tpu.memory_space<vmem>>, vector<16xf32>,
        tpu.vector_store %arg11[%swap3A_441, %swap3A_442], %mul3A_440 {strides = array<i32>} : memref<120x144xf32, #tpu.memory_space<vmem>>, vector<16xf32>,
        %get3A_444 = arith.index_cast %add3A_393 : i32 to index
        %get3A_445 = arith.constant 80 : index
        %get3A_446 = tpu.vector_load %arg11[%get3A_444, %get3A_445] {strides = array<i32>} : memref<120x144xf32, #tpu.memory_space<vmem>>, vector<16xf32>,
        %mul3A_447 = arith.mulf %get3A_446, %gather3A_436 : vector<16xf32>
        %swap3A_448 = arith.index_cast %add3A_393 : i32 to index
        %swap3A_449 = arith.constant 80 : index
        %swap3A_450 = tpu.vector_load %arg11[%swap3A_448, %swap3A_449] {strides = array<i32>} : memref<120x144xf32, #tpu.memory_space<vmem>>, vector<16xf32>,
        tpu.vector_store %arg11[%swap3A_448, %swap3A_449], %mul3A_447 {strides = array<i32>} : memref<120x144xf32, #tpu.memory_space<vmem>>, vector<16xf32>,
        %broadcast_in_dim3A_451 = arith.constant 3 : i32
        %broadcast_in_dim3A_452 = vector.broadcast %broadcast_in_dim3A_451 : i32 to vector<16x1xi32>
        %gather3A_453 = vector.shape_cast %broadcast_in_dim3A_452 : vector<16x1xi32> to vector<16xi32>
        %gather3A_454 = tpu.dynamic_gather %get3A_396[%gather3A_453] in [0] : vector<16xf32>, vector<16xi32> -> vector<16xf32>
        %get3A_455 = arith.index_cast %add3A_393 : i32 to index
        %get3A_456 = arith.constant 96 : index
        %get3A_457 = tpu.vector_load %arg11[%get3A_455, %get3A_456] {strides = array<i32>} : memref<120x144xf32, #tpu.memory_space<vmem>>, vector<16xf32>,
        %mul3A_458 = arith.mulf %get3A_457, %gather3A_454 : vector<16xf32>
        %swap3A_459 = arith.index_cast %add3A_393 : i32 to index
        %swap3A_460 = arith.constant 96 : index
        %swap3A_461 = tpu.vector_load %arg11[%swap3A_459, %swap3A_460] {strides = array<i32>} : memref<120x144xf32, #tpu.memory_space<vmem>>, vector<16xf32>,
        tpu.vector_store %arg11[%swap3A_459, %swap3A_460], %mul3A_458 {strides = array<i32>} : memref<120x144xf32, #tpu.memory_space<vmem>>, vector<16xf32>,
        %get3A_462 = arith.index_cast %add3A_393 : i32 to index
        %get3A_463 = arith.constant 112 : index
        %get3A_464 = tpu.vector_load %arg11[%get3A_462, %get3A_463] {strides = array<i32>} : memref<120x144xf32, #tpu.memory_space<vmem>>, vector<16xf32>,
        %mul3A_465 = arith.mulf %get3A_464, %gather3A_454 : vector<16xf32>
        %swap3A_466 = arith.index_cast %add3A_393 : i32 to index
        %swap3A_467 = arith.constant 112 : index
        %swap3A_468 = tpu.vector_load %arg11[%swap3A_466, %swap3A_467] {strides = array<i32>} : memref<120x144xf32, #tpu.memory_space<vmem>>, vector<16xf32>,
        tpu.vector_store %arg11[%swap3A_466, %swap3A_467], %mul3A_465 {strides = array<i32>} : memref<120x144xf32, #tpu.memory_space<vmem>>, vector<16xf32>,
        %add3A_469 = arith.constant 3 : i32
        %add3A_470 = arith.addi %add3A_240, %add3A_469 : i32
        %get3A_471 = arith.index_cast %add3A_470 : i32 to index
        %get3A_472 = arith.constant 128 : index
        %get3A_473 = tpu.vector_load %arg11[%get3A_471, %get3A_472] {strides = array<i32>} : memref<120x144xf32, #tpu.memory_space<vmem>>, vector<16xf32>,
        %broadcast_in_dim3A_474 = arith.constant 0 : i32
        %broadcast_in_dim3A_475 = vector.broadcast %broadcast_in_dim3A_474 : i32 to vector<16x1xi32>
        %gather3A_476 = vector.shape_cast %broadcast_in_dim3A_475 : vector<16x1xi32> to vector<16xi32>
        %gather3A_477 = tpu.dynamic_gather %get3A_473[%gather3A_476] in [0] : vector<16xf32>, vector<16xi32> -> vector<16xf32>
        %get3A_478 = arith.index_cast %add3A_470 : i32 to index
        %get3A_479 = arith.constant 0 : index
        %get3A_480 = tpu.vector_load %arg11[%get3A_478, %get3A_479] {strides = array<i32>} : memref<120x144xf32, #tpu.memory_space<vmem>>, vector<16xf32>,
        %mul3A_481 = arith.mulf %get3A_480, %gather3A_477 : vector<16xf32>
        %swap3A_482 = arith.index_cast %add3A_470 : i32 to index
        %swap3A_483 = arith.constant 0 : index
        %swap3A_484 = tpu.vector_load %arg11[%swap3A_482, %swap3A_483] {strides = array<i32>} : memref<120x144xf32, #tpu.memory_space<vmem>>, vector<16xf32>,
        tpu.vector_store %arg11[%swap3A_482, %swap3A_483], %mul3A_481 {strides = array<i32>} : memref<120x144xf32, #tpu.memory_space<vmem>>, vector<16xf32>,
        %get3A_485 = arith.index_cast %add3A_470 : i32 to index
        %get3A_486 = arith.constant 16 : index
        %get3A_487 = tpu.vector_load %arg11[%get3A_485, %get3A_486] {strides = array<i32>} : memref<120x144xf32, #tpu.memory_space<vmem>>, vector<16xf32>,
        %mul3A_488 = arith.mulf %get3A_487, %gather3A_477 : vector<16xf32>
        %swap3A_489 = arith.index_cast %add3A_470 : i32 to index
        %swap3A_490 = arith.constant 16 : index
        %swap3A_491 = tpu.vector_load %arg11[%swap3A_489, %swap3A_490] {strides = array<i32>} : memref<120x144xf32, #tpu.memory_space<vmem>>, vector<16xf32>,
        tpu.vector_store %arg11[%swap3A_489, %swap3A_490], %mul3A_488 {strides = array<i32>} : memref<120x144xf32, #tpu.memory_space<vmem>>, vector<16xf32>,
        %broadcast_in_dim3A_492 = arith.constant 1 : i32
        %broadcast_in_dim3A_493 = vector.broadcast %broadcast_in_dim3A_492 : i32 to vector<16x1xi32>
        %gather3A_494 = vector.shape_cast %broadcast_in_dim3A_493 : vector<16x1xi32> to vector<16xi32>
        %gather3A_495 = tpu.dynamic_gather %get3A_473[%gather3A_494] in [0] : vector<16xf32>, vector<16xi32> -> vector<16xf32>
        %get3A_496 = arith.index_cast %add3A_470 : i32 to index
        %get3A_497 = arith.constant 32 : index
        %get3A_498 = tpu.vector_load %arg11[%get3A_496, %get3A_497] {strides = array<i32>} : memref<120x144xf32, #tpu.memory_space<vmem>>, vector<16xf32>,
        %mul3A_499 = arith.mulf %get3A_498, %gather3A_495 : vector<16xf32>
        %swap3A_500 = arith.index_cast %add3A_470 : i32 to index
        %swap3A_501 = arith.constant 32 : index
        %swap3A_502 = tpu.vector_load %arg11[%swap3A_500, %swap3A_501] {strides = array<i32>} : memref<120x144xf32, #tpu.memory_space<vmem>>, vector<16xf32>,
        tpu.vector_store %arg11[%swap3A_500, %swap3A_501], %mul3A_499 {strides = array<i32>} : memref<120x144xf32, #tpu.memory_space<vmem>>, vector<16xf32>,
        %get3A_503 = arith.index_cast %add3A_470 : i32 to index
        %get3A_504 = arith.constant 48 : index
        %get3A_505 = tpu.vector_load %arg11[%get3A_503, %get3A_504] {strides = array<i32>} : memref<120x144xf32, #tpu.memory_space<vmem>>, vector<16xf32>,
        %mul3A_506 = arith.mulf %get3A_505, %gather3A_495 : vector<16xf32>
        %swap3A_507 = arith.index_cast %add3A_470 : i32 to index
        %swap3A_508 = arith.constant 48 : index
        %swap3A_509 = tpu.vector_load %arg11[%swap3A_507, %swap3A_508] {strides = array<i32>} : memref<120x144xf32, #tpu.memory_space<vmem>>, vector<16xf32>,
        tpu.vector_store %arg11[%swap3A_507, %swap3A_508], %mul3A_506 {strides = array<i32>} : memref<120x144xf32, #tpu.memory_space<vmem>>, vector<16xf32>,
        %broadcast_in_dim3A_510 = arith.constant 2 : i32
        %broadcast_in_dim3A_511 = vector.broadcast %broadcast_in_dim3A_510 : i32 to vector<16x1xi32>
        %gather3A_512 = vector.shape_cast %broadcast_in_dim3A_511 : vector<16x1xi32> to vector<16xi32>
        %gather3A_513 = tpu.dynamic_gather %get3A_473[%gather3A_512] in [0] : vector<16xf32>, vector<16xi32> -> vector<16xf32>
        %get3A_514 = arith.index_cast %add3A_470 : i32 to index
        %get3A_515 = arith.constant 64 : index
        %get3A_516 = tpu.vector_load %arg11[%get3A_514, %get3A_515] {strides = array<i32>} : memref<120x144xf32, #tpu.memory_space<vmem>>, vector<16xf32>,
        %mul3A_517 = arith.mulf %get3A_516, %gather3A_513 : vector<16xf32>
        %swap3A_518 = arith.index_cast %add3A_470 : i32 to index
        %swap3A_519 = arith.constant 64 : index
        %swap3A_520 = tpu.vector_load %arg11[%swap3A_518, %swap3A_519] {strides = array<i32>} : memref<120x144xf32, #tpu.memory_space<vmem>>, vector<16xf32>,
        tpu.vector_store %arg11[%swap3A_518, %swap3A_519], %mul3A_517 {strides = array<i32>} : memref<120x144xf32, #tpu.memory_space<vmem>>, vector<16xf32>,
        %get3A_521 = arith.index_cast %add3A_470 : i32 to index
        %get3A_522 = arith.constant 80 : index
        %get3A_523 = tpu.vector_load %arg11[%get3A_521, %get3A_522] {strides = array<i32>} : memref<120x144xf32, #tpu.memory_space<vmem>>, vector<16xf32>,
        %mul3A_524 = arith.mulf %get3A_523, %gather3A_513 : vector<16xf32>
        %swap3A_525 = arith.index_cast %add3A_470 : i32 to index
        %swap3A_526 = arith.constant 80 : index
        %swap3A_527 = tpu.vector_load %arg11[%swap3A_525, %swap3A_526] {strides = array<i32>} : memref<120x144xf32, #tpu.memory_space<vmem>>, vector<16xf32>,
        tpu.vector_store %arg11[%swap3A_525, %swap3A_526], %mul3A_524 {strides = array<i32>} : memref<120x144xf32, #tpu.memory_space<vmem>>, vector<16xf32>,
        %broadcast_in_dim3A_528 = arith.constant 3 : i32
        %broadcast_in_dim3A_529 = vector.broadcast %broadcast_in_dim3A_528 : i32 to vector<16x1xi32>
        %gather3A_530 = vector.shape_cast %broadcast_in_dim3A_529 : vector<16x1xi32> to vector<16xi32>
        %gather3A_531 = tpu.dynamic_gather %get3A_473[%gather3A_530] in [0] : vector<16xf32>, vector<16xi32> -> vector<16xf32>
        %get3A_532 = arith.index_cast %add3A_470 : i32 to index
        %get3A_533 = arith.constant 96 : index
        %get3A_534 = tpu.vector_load %arg11[%get3A_532, %get3A_533] {strides = array<i32>} : memref<120x144xf32, #tpu.memory_space<vmem>>, vector<16xf32>,
        %mul3A_535 = arith.mulf %get3A_534, %gather3A_531 : vector<16xf32>
        %swap3A_536 = arith.index_cast %add3A_470 : i32 to index
        %swap3A_537 = arith.constant 96 : index
        %swap3A_538 = tpu.vector_load %arg11[%swap3A_536, %swap3A_537] {strides = array<i32>} : memref<120x144xf32, #tpu.memory_space<vmem>>, vector<16xf32>,
        tpu.vector_store %arg11[%swap3A_536, %swap3A_537], %mul3A_535 {strides = array<i32>} : memref<120x144xf32, #tpu.memory_space<vmem>>, vector<16xf32>,
        %get3A_539 = arith.index_cast %add3A_470 : i32 to index
        %get3A_540 = arith.constant 112 : index
        %get3A_541 = tpu.vector_load %arg11[%get3A_539, %get3A_540] {strides = array<i32>} : memref<120x144xf32, #tpu.memory_space<vmem>>, vector<16xf32>,
        %mul3A_542 = arith.mulf %get3A_541, %gather3A_531 : vector<16xf32>
        %swap3A_543 = arith.index_cast %add3A_470 : i32 to index
        %swap3A_544 = arith.constant 112 : index
        %swap3A_545 = tpu.vector_load %arg11[%swap3A_543, %swap3A_544] {strides = array<i32>} : memref<120x144xf32, #tpu.memory_space<vmem>>, vector<16xf32>,
        tpu.vector_store %arg11[%swap3A_543, %swap3A_544], %mul3A_542 {strides = array<i32>} : memref<120x144xf32, #tpu.memory_space<vmem>>, vector<16xf32>,
      }
      %scan3A_145 = arith.constant 30 : i32
      %dma_start3A_146 = arith.constant 1 : i32
      %dma_start3A_147 = arith.constant 0 : i32
      %dma_start3A_148 = tpu.memref_slice %arg9[%dma_start3A_146, %dma_start3A_147] : memref<2x120xi32, #tpu.memory_space<vmem>> -> memref<1x120xi32, #tpu.memory_space<vmem>>
      %dma_start3A_149 = tpu.memref_squeeze %dma_start3A_148 : memref<1x120xi32, #tpu.memory_space<vmem>> -> memref<120xi32, #tpu.memory_space<vmem>>
      %dma_start3A_150 = arith.constant 0 : i32
      %dma_start3A_151 = arith.constant 0 : i32
      %dma_start3A_152 = tpu.memref_slice %arg8[%dma_start3A_150, %dma_start3A_151] : memref<10016x144xf32, #tpu.memory_space<vmem_shared>> -> memref<10016x144xf32, #tpu.memory_space<vmem_shared>>
      tpu.enqueue_indirect_dma source(%arg11 : memref<120x144xf32, #tpu.memory_space<vmem>>) target(%dma_start3A_152 : memref<10016x144xf32, #tpu.memory_space<vmem_shared>>) offsets(%dma_start3A_149 : memref<120xi32, #tpu.memory_space<vmem>>) semaphore(%arg20 : memref<!tpu.dma_semaphore, #tpu.memory_space<semaphore_mem>>) {add = true}
      %dma_wait3A_153 = arith.constant 0 : i32
      %dma_wait3A_154 = arith.constant 0 : i32
      %dma_wait3A_155 = tpu.memref_slice %arg10[%dma_wait3A_153, %dma_wait3A_154] : memref<2x120xi32, #tpu.memory_space<vmem>> -> memref<1x120xi32, #tpu.memory_space<vmem>>
      %dma_wait3A_156 = tpu.memref_squeeze %dma_wait3A_155 : memref<1x120xi32, #tpu.memory_space<vmem>> -> memref<120xi32, #tpu.memory_space<vmem>>
      %dma_wait3A_157 = arith.constant 0 : i32
      %dma_wait3A_158 = arith.constant 0 : i32
      %dma_wait3A_159 = tpu.memref_slice %arg2[%dma_wait3A_157, %dma_wait3A_158] : memref<10016x144xf32, #tpu.memory_space<hbm>> -> memref<10016x144xf32, #tpu.memory_space<hbm>>
      tpu.wait_indirect_dma semaphore(%arg17 : memref<!tpu.dma_semaphore, #tpu.memory_space<semaphore_mem>>) src(%dma_wait3A_159 : memref<10016x144xf32, #tpu.memory_space<hbm>>) dst(%arg12 : memref<120x144xf32, #tpu.memory_space<vmem>>)
      %dma_wait3A_160 = arith.constant 1 : i32
      %dma_wait3A_161 = arith.constant 0 : i32
      %dma_wait3A_162 = tpu.memref_slice %arg10[%dma_wait3A_160, %dma_wait3A_161] : memref<2x120xi32, #tpu.memory_space<vmem>> -> memref<1x120xi32, #tpu.memory_space<vmem>>
      %dma_wait3A_163 = tpu.memref_squeeze %dma_wait3A_162 : memref<1x120xi32, #tpu.memory_space<vmem>> -> memref<120xi32, #tpu.memory_space<vmem>>
      %dma_wait3A_164 = arith.constant 0 : i32
      %dma_wait3A_165 = arith.constant 0 : i32
      %dma_wait3A_166 = tpu.memref_slice %arg3[%dma_wait3A_164, %dma_wait3A_165] : memref<10016x16xf32, #tpu.memory_space<hbm>> -> memref<10016x16xf32, #tpu.memory_space<hbm>>
      tpu.wait_indirect_dma semaphore(%arg19 : memref<!tpu.dma_semaphore, #tpu.memory_space<semaphore_mem>>) src(%dma_wait3A_166 : memref<10016x16xf32, #tpu.memory_space<hbm>>) dst(%arg14 : memref<120x16xf32, #tpu.memory_space<vmem>>)
      %scan3A_167 = arith.constant 0 : i32
      %scan3A_168 = arith.constant 30 : i32
      %scan3A_169 = arith.addi %scan3A_167, %scan3A_168 : i32
      %scan3A_170 = arith.constant 1 : i32
      scf.for %scan3A_236 = %scan3A_167 to %scan3A_169 step %scan3A_170  : i32 {
        %mul3A_237 = arith.constant 4 : i32
        %mul3A_238 = arith.muli %scan3A_236, %mul3A_237 : i32
        %add3A_239 = arith.constant 0 : i32
        %add3A_240 = arith.addi %add3A_239, %mul3A_238 : i32
        %add3A_241 = arith.constant 0 : i32
        %add3A_242 = arith.addi %add3A_240, %add3A_241 : i32
        %get3A_243 = arith.index_cast %add3A_242 : i32 to index
        %get3A_244 = arith.constant 128 : index
        %get3A_245 = tpu.vector_load %arg12[%get3A_243, %get3A_244] {strides = array<i32>} : memref<120x144xf32, #tpu.memory_space<vmem>>, vector<16xf32>,
        %get3A_246 = arith.index_cast %add3A_242 : i32 to index
        %get3A_247 = arith.constant 0 : index
        %get3A_248 = tpu.vector_load %arg14[%get3A_246, %get3A_247] {strides = array<i32>} : memref<120x16xf32, #tpu.memory_space<vmem>>, vector<16xf32>,
        %add3A_249 = arith.addf %get3A_245, %get3A_248 : vector<16xf32>
        %mul3A_250 = arith.constant 2.000000e-01 : f32
        %mul3A_251 = vector.broadcast %mul3A_250 : f32 to vector<16xf32>
        %mul3A_252 = arith.mulf %mul3A_251, %add3A_249 : vector<16xf32>
        %max3A = arith.maximumf %add3A_249, %mul3A_252 : vector<16xf32>
        %sub3A = arith.subf %max3A, %get3A_7 : vector<16xf32>
        %exp3A = math.exp %sub3A : vector<16xf32>
        %swap3A = arith.index_cast %add3A_242 : i32 to index
        %swap3A_253 = arith.constant 128 : index
        %swap3A_254 = tpu.vector_load %arg12[%swap3A, %swap3A_253] {strides = array<i32>} : memref<120x144xf32, #tpu.memory_space<vmem>>, vector<16xf32>,
        tpu.vector_store %arg12[%swap3A, %swap3A_253], %exp3A {strides = array<i32>} : memref<120x144xf32, #tpu.memory_space<vmem>>, vector<16xf32>,
        %add3A_255 = arith.constant 1 : i32
        %add3A_256 = arith.addi %add3A_240, %add3A_255 : i32
        %get3A_257 = arith.index_cast %add3A_256 : i32 to index
        %get3A_258 = arith.constant 128 : index
        %get3A_259 = tpu.vector_load %arg12[%get3A_257, %get3A_258] {strides = array<i32>} : memref<120x144xf32, #tpu.memory_space<vmem>>, vector<16xf32>,
        %get3A_260 = arith.index_cast %add3A_256 : i32 to index
        %get3A_261 = arith.constant 0 : index
        %get3A_262 = tpu.vector_load %arg14[%get3A_260, %get3A_261] {strides = array<i32>} : memref<120x16xf32, #tpu.memory_space<vmem>>, vector<16xf32>,
        %add3A_263 = arith.addf %get3A_259, %get3A_262 : vector<16xf32>
        %mul3A_264 = arith.constant 2.000000e-01 : f32
        %mul3A_265 = vector.broadcast %mul3A_264 : f32 to vector<16xf32>
        %mul3A_266 = arith.mulf %mul3A_265, %add3A_263 : vector<16xf32>
        %max3A_267 = arith.maximumf %add3A_263, %mul3A_266 : vector<16xf32>
        %sub3A_268 = arith.subf %max3A_267, %get3A_7 : vector<16xf32>
        %exp3A_269 = math.exp %sub3A_268 : vector<16xf32>
        %swap3A_270 = arith.index_cast %add3A_256 : i32 to index
        %swap3A_271 = arith.constant 128 : index
        %swap3A_272 = tpu.vector_load %arg12[%swap3A_270, %swap3A_271] {strides = array<i32>} : memref<120x144xf32, #tpu.memory_space<vmem>>, vector<16xf32>,
        tpu.vector_store %arg12[%swap3A_270, %swap3A_271], %exp3A_269 {strides = array<i32>} : memref<120x144xf32, #tpu.memory_space<vmem>>, vector<16xf32>,
        %add3A_273 = arith.constant 2 : i32
        %add3A_274 = arith.addi %add3A_240, %add3A_273 : i32
        %get3A_275 = arith.index_cast %add3A_274 : i32 to index
        %get3A_276 = arith.constant 128 : index
        %get3A_277 = tpu.vector_load %arg12[%get3A_275, %get3A_276] {strides = array<i32>} : memref<120x144xf32, #tpu.memory_space<vmem>>, vector<16xf32>,
        %get3A_278 = arith.index_cast %add3A_274 : i32 to index
        %get3A_279 = arith.constant 0 : index
        %get3A_280 = tpu.vector_load %arg14[%get3A_278, %get3A_279] {strides = array<i32>} : memref<120x16xf32, #tpu.memory_space<vmem>>, vector<16xf32>,
        %add3A_281 = arith.addf %get3A_277, %get3A_280 : vector<16xf32>
        %mul3A_282 = arith.constant 2.000000e-01 : f32
        %mul3A_283 = vector.broadcast %mul3A_282 : f32 to vector<16xf32>
        %mul3A_284 = arith.mulf %mul3A_283, %add3A_281 : vector<16xf32>
        %max3A_285 = arith.maximumf %add3A_281, %mul3A_284 : vector<16xf32>
        %sub3A_286 = arith.subf %max3A_285, %get3A_7 : vector<16xf32>
        %exp3A_287 = math.exp %sub3A_286 : vector<16xf32>
        %swap3A_288 = arith.index_cast %add3A_274 : i32 to index
        %swap3A_289 = arith.constant 128 : index
        %swap3A_290 = tpu.vector_load %arg12[%swap3A_288, %swap3A_289] {strides = array<i32>} : memref<120x144xf32, #tpu.memory_space<vmem>>, vector<16xf32>,
        tpu.vector_store %arg12[%swap3A_288, %swap3A_289], %exp3A_287 {strides = array<i32>} : memref<120x144xf32, #tpu.memory_space<vmem>>, vector<16xf32>,
        %add3A_291 = arith.constant 3 : i32
        %add3A_292 = arith.addi %add3A_240, %add3A_291 : i32
        %get3A_293 = arith.index_cast %add3A_292 : i32 to index
        %get3A_294 = arith.constant 128 : index
        %get3A_295 = tpu.vector_load %arg12[%get3A_293, %get3A_294] {strides = array<i32>} : memref<120x144xf32, #tpu.memory_space<vmem>>, vector<16xf32>,
        %get3A_296 = arith.index_cast %add3A_292 : i32 to index
        %get3A_297 = arith.constant 0 : index
        %get3A_298 = tpu.vector_load %arg14[%get3A_296, %get3A_297] {strides = array<i32>} : memref<120x16xf32, #tpu.memory_space<vmem>>, vector<16xf32>,
        %add3A_299 = arith.addf %get3A_295, %get3A_298 : vector<16xf32>
        %mul3A_300 = arith.constant 2.000000e-01 : f32
        %mul3A_301 = vector.broadcast %mul3A_300 : f32 to vector<16xf32>
        %mul3A_302 = arith.mulf %mul3A_301, %add3A_299 : vector<16xf32>
        %max3A_303 = arith.maximumf %add3A_299, %mul3A_302 : vector<16xf32>
        %sub3A_304 = arith.subf %max3A_303, %get3A_7 : vector<16xf32>
        %exp3A_305 = math.exp %sub3A_304 : vector<16xf32>
        %swap3A_306 = arith.index_cast %add3A_292 : i32 to index
        %swap3A_307 = arith.constant 128 : index
        %swap3A_308 = tpu.vector_load %arg12[%swap3A_306, %swap3A_307] {strides = array<i32>} : memref<120x144xf32, #tpu.memory_space<vmem>>, vector<16xf32>,
        tpu.vector_store %arg12[%swap3A_306, %swap3A_307], %exp3A_305 {strides = array<i32>} : memref<120x144xf32, #tpu.memory_space<vmem>>, vector<16xf32>,
      }
      %scan3A_171 = arith.constant 30 : i32
      %scan3A_172 = arith.constant 0 : i32
      %scan3A_173 = arith.constant 30 : i32
      %scan3A_174 = arith.addi %scan3A_172, %scan3A_173 : i32
      %scan3A_175 = arith.constant 1 : i32
      scf.for %scan3A_236 = %scan3A_172 to %scan3A_174 step %scan3A_175  : i32 {
        %mul3A_237 = arith.constant 4 : i32
        %mul3A_238 = arith.muli %scan3A_236, %mul3A_237 : i32
        %add3A_239 = arith.constant 0 : i32
        %add3A_240 = arith.addi %add3A_239, %mul3A_238 : i32
        %add3A_241 = arith.constant 0 : i32
        %add3A_242 = arith.addi %add3A_240, %add3A_241 : i32
        %get3A_243 = arith.index_cast %add3A_242 : i32 to index
        %get3A_244 = arith.constant 128 : index
        %get3A_245 = tpu.vector_load %arg12[%get3A_243, %get3A_244] {strides = array<i32>} : memref<120x144xf32, #tpu.memory_space<vmem>>, vector<16xf32>,
        %broadcast_in_dim3A = arith.constant 0 : i32
        %broadcast_in_dim3A_246 = vector.broadcast %broadcast_in_dim3A : i32 to vector<16x1xi32>
        %gather3A = vector.shape_cast %broadcast_in_dim3A_246 : vector<16x1xi32> to vector<16xi32>
        %gather3A_247 = tpu.dynamic_gather %get3A_245[%gather3A] in [0] : vector<16xf32>, vector<16xi32> -> vector<16xf32>
        %get3A_248 = arith.index_cast %add3A_242 : i32 to index
        %get3A_249 = arith.constant 0 : index
        %get3A_250 = tpu.vector_load %arg12[%get3A_248, %get3A_249] {strides = array<i32>} : memref<120x144xf32, #tpu.memory_space<vmem>>, vector<16xf32>,
        %mul3A_251 = arith.mulf %get3A_250, %gather3A_247 : vector<16xf32>
        %swap3A = arith.index_cast %add3A_242 : i32 to index
        %swap3A_252 = arith.constant 0 : index
        %swap3A_253 = tpu.vector_load %arg12[%swap3A, %swap3A_252] {strides = array<i32>} : memref<120x144xf32, #tpu.memory_space<vmem>>, vector<16xf32>,
        tpu.vector_store %arg12[%swap3A, %swap3A_252], %mul3A_251 {strides = array<i32>} : memref<120x144xf32, #tpu.memory_space<vmem>>, vector<16xf32>,
        %get3A_254 = arith.index_cast %add3A_242 : i32 to index
        %get3A_255 = arith.constant 16 : index
        %get3A_256 = tpu.vector_load %arg12[%get3A_254, %get3A_255] {strides = array<i32>} : memref<120x144xf32, #tpu.memory_space<vmem>>, vector<16xf32>,
        %mul3A_257 = arith.mulf %get3A_256, %gather3A_247 : vector<16xf32>
        %swap3A_258 = arith.index_cast %add3A_242 : i32 to index
        %swap3A_259 = arith.constant 16 : index
        %swap3A_260 = tpu.vector_load %arg12[%swap3A_258, %swap3A_259] {strides = array<i32>} : memref<120x144xf32, #tpu.memory_space<vmem>>, vector<16xf32>,
        tpu.vector_store %arg12[%swap3A_258, %swap3A_259], %mul3A_257 {strides = array<i32>} : memref<120x144xf32, #tpu.memory_space<vmem>>, vector<16xf32>,
        %broadcast_in_dim3A_261 = arith.constant 1 : i32
        %broadcast_in_dim3A_262 = vector.broadcast %broadcast_in_dim3A_261 : i32 to vector<16x1xi32>
        %gather3A_263 = vector.shape_cast %broadcast_in_dim3A_262 : vector<16x1xi32> to vector<16xi32>
        %gather3A_264 = tpu.dynamic_gather %get3A_245[%gather3A_263] in [0] : vector<16xf32>, vector<16xi32> -> vector<16xf32>
        %get3A_265 = arith.index_cast %add3A_242 : i32 to index
        %get3A_266 = arith.constant 32 : index
        %get3A_267 = tpu.vector_load %arg12[%get3A_265, %get3A_266] {strides = array<i32>} : memref<120x144xf32, #tpu.memory_space<vmem>>, vector<16xf32>,
        %mul3A_268 = arith.mulf %get3A_267, %gather3A_264 : vector<16xf32>
        %swap3A_269 = arith.index_cast %add3A_242 : i32 to index
        %swap3A_270 = arith.constant 32 : index
        %swap3A_271 = tpu.vector_load %arg12[%swap3A_269, %swap3A_270] {strides = array<i32>} : memref<120x144xf32, #tpu.memory_space<vmem>>, vector<16xf32>,
        tpu.vector_store %arg12[%swap3A_269, %swap3A_270], %mul3A_268 {strides = array<i32>} : memref<120x144xf32, #tpu.memory_space<vmem>>, vector<16xf32>,
        %get3A_272 = arith.index_cast %add3A_242 : i32 to index
        %get3A_273 = arith.constant 48 : index
        %get3A_274 = tpu.vector_load %arg12[%get3A_272, %get3A_273] {strides = array<i32>} : memref<120x144xf32, #tpu.memory_space<vmem>>, vector<16xf32>,
        %mul3A_275 = arith.mulf %get3A_274, %gather3A_264 : vector<16xf32>
        %swap3A_276 = arith.index_cast %add3A_242 : i32 to index
        %swap3A_277 = arith.constant 48 : index
        %swap3A_278 = tpu.vector_load %arg12[%swap3A_276, %swap3A_277] {strides = array<i32>} : memref<120x144xf32, #tpu.memory_space<vmem>>, vector<16xf32>,
        tpu.vector_store %arg12[%swap3A_276, %swap3A_277], %mul3A_275 {strides = array<i32>} : memref<120x144xf32, #tpu.memory_space<vmem>>, vector<16xf32>,
        %broadcast_in_dim3A_279 = arith.constant 2 : i32
        %broadcast_in_dim3A_280 = vector.broadcast %broadcast_in_dim3A_279 : i32 to vector<16x1xi32>
        %gather3A_281 = vector.shape_cast %broadcast_in_dim3A_280 : vector<16x1xi32> to vector<16xi32>
        %gather3A_282 = tpu.dynamic_gather %get3A_245[%gather3A_281] in [0] : vector<16xf32>, vector<16xi32> -> vector<16xf32>
        %get3A_283 = arith.index_cast %add3A_242 : i32 to index
        %get3A_284 = arith.constant 64 : index
        %get3A_285 = tpu.vector_load %arg12[%get3A_283, %get3A_284] {strides = array<i32>} : memref<120x144xf32, #tpu.memory_space<vmem>>, vector<16xf32>,
        %mul3A_286 = arith.mulf %get3A_285, %gather3A_282 : vector<16xf32>
        %swap3A_287 = arith.index_cast %add3A_242 : i32 to index
        %swap3A_288 = arith.constant 64 : index
        %swap3A_289 = tpu.vector_load %arg12[%swap3A_287, %swap3A_288] {strides = array<i32>} : memref<120x144xf32, #tpu.memory_space<vmem>>, vector<16xf32>,
        tpu.vector_store %arg12[%swap3A_287, %swap3A_288], %mul3A_286 {strides = array<i32>} : memref<120x144xf32, #tpu.memory_space<vmem>>, vector<16xf32>,
        %get3A_290 = arith.index_cast %add3A_242 : i32 to index
        %get3A_291 = arith.constant 80 : index
        %get3A_292 = tpu.vector_load %arg12[%get3A_290, %get3A_291] {strides = array<i32>} : memref<120x144xf32, #tpu.memory_space<vmem>>, vector<16xf32>,
        %mul3A_293 = arith.mulf %get3A_292, %gather3A_282 : vector<16xf32>
        %swap3A_294 = arith.index_cast %add3A_242 : i32 to index
        %swap3A_295 = arith.constant 80 : index
        %swap3A_296 = tpu.vector_load %arg12[%swap3A_294, %swap3A_295] {strides = array<i32>} : memref<120x144xf32, #tpu.memory_space<vmem>>, vector<16xf32>,
        tpu.vector_store %arg12[%swap3A_294, %swap3A_295], %mul3A_293 {strides = array<i32>} : memref<120x144xf32, #tpu.memory_space<vmem>>, vector<16xf32>,
        %broadcast_in_dim3A_297 = arith.constant 3 : i32
        %broadcast_in_dim3A_298 = vector.broadcast %broadcast_in_dim3A_297 : i32 to vector<16x1xi32>
        %gather3A_299 = vector.shape_cast %broadcast_in_dim3A_298 : vector<16x1xi32> to vector<16xi32>
        %gather3A_300 = tpu.dynamic_gather %get3A_245[%gather3A_299] in [0] : vector<16xf32>, vector<16xi32> -> vector<16xf32>
        %get3A_301 = arith.index_cast %add3A_242 : i32 to index
        %get3A_302 = arith.constant 96 : index
        %get3A_303 = tpu.vector_load %arg12[%get3A_301, %get3A_302] {strides = array<i32>} : memref<120x144xf32, #tpu.memory_space<vmem>>, vector<16xf32>,
        %mul3A_304 = arith.mulf %get3A_303, %gather3A_300 : vector<16xf32>
        %swap3A_305 = arith.index_cast %add3A_242 : i32 to index
        %swap3A_306 = arith.constant 96 : index
        %swap3A_307 = tpu.vector_load %arg12[%swap3A_305, %swap3A_306] {strides = array<i32>} : memref<120x144xf32, #tpu.memory_space<vmem>>, vector<16xf32>,
        tpu.vector_store %arg12[%swap3A_305, %swap3A_306], %mul3A_304 {strides = array<i32>} : memref<120x144xf32, #tpu.memory_space<vmem>>, vector<16xf32>,
        %get3A_308 = arith.index_cast %add3A_242 : i32 to index
        %get3A_309 = arith.constant 112 : index
        %get3A_310 = tpu.vector_load %arg12[%get3A_308, %get3A_309] {strides = array<i32>} : memref<120x144xf32, #tpu.memory_space<vmem>>, vector<16xf32>,
        %mul3A_311 = arith.mulf %get3A_310, %gather3A_300 : vector<16xf32>
        %swap3A_312 = arith.index_cast %add3A_242 : i32 to index
        %swap3A_313 = arith.constant 112 : index
        %swap3A_314 = tpu.vector_load %arg12[%swap3A_312, %swap3A_313] {strides = array<i32>} : memref<120x144xf32, #tpu.memory_space<vmem>>, vector<16xf32>,
        tpu.vector_store %arg12[%swap3A_312, %swap3A_313], %mul3A_311 {strides = array<i32>} : memref<120x144xf32, #tpu.memory_space<vmem>>, vector<16xf32>,
        %add3A_315 = arith.constant 1 : i32
        %add3A_316 = arith.addi %add3A_240, %add3A_315 : i32
        %get3A_317 = arith.index_cast %add3A_316 : i32 to index
        %get3A_318 = arith.constant 128 : index
        %get3A_319 = tpu.vector_load %arg12[%get3A_317, %get3A_318] {strides = array<i32>} : memref<120x144xf32, #tpu.memory_space<vmem>>, vector<16xf32>,
        %broadcast_in_dim3A_320 = arith.constant 0 : i32
        %broadcast_in_dim3A_321 = vector.broadcast %broadcast_in_dim3A_320 : i32 to vector<16x1xi32>
        %gather3A_322 = vector.shape_cast %broadcast_in_dim3A_321 : vector<16x1xi32> to vector<16xi32>
        %gather3A_323 = tpu.dynamic_gather %get3A_319[%gather3A_322] in [0] : vector<16xf32>, vector<16xi32> -> vector<16xf32>
        %get3A_324 = arith.index_cast %add3A_316 : i32 to index
        %get3A_325 = arith.constant 0 : index
        %get3A_326 = tpu.vector_load %arg12[%get3A_324, %get3A_325] {strides = array<i32>} : memref<120x144xf32, #tpu.memory_space<vmem>>, vector<16xf32>,
        %mul3A_327 = arith.mulf %get3A_326, %gather3A_323 : vector<16xf32>
        %swap3A_328 = arith.index_cast %add3A_316 : i32 to index
        %swap3A_329 = arith.constant 0 : index
        %swap3A_330 = tpu.vector_load %arg12[%swap3A_328, %swap3A_329] {strides = array<i32>} : memref<120x144xf32, #tpu.memory_space<vmem>>, vector<16xf32>,
        tpu.vector_store %arg12[%swap3A_328, %swap3A_329], %mul3A_327 {strides = array<i32>} : memref<120x144xf32, #tpu.memory_space<vmem>>, vector<16xf32>,
        %get3A_331 = arith.index_cast %add3A_316 : i32 to index
        %get3A_332 = arith.constant 16 : index
        %get3A_333 = tpu.vector_load %arg12[%get3A_331, %get3A_332] {strides = array<i32>} : memref<120x144xf32, #tpu.memory_space<vmem>>, vector<16xf32>,
        %mul3A_334 = arith.mulf %get3A_333, %gather3A_323 : vector<16xf32>
        %swap3A_335 = arith.index_cast %add3A_316 : i32 to index
        %swap3A_336 = arith.constant 16 : index
        %swap3A_337 = tpu.vector_load %arg12[%swap3A_335, %swap3A_336] {strides = array<i32>} : memref<120x144xf32, #tpu.memory_space<vmem>>, vector<16xf32>,
        tpu.vector_store %arg12[%swap3A_335, %swap3A_336], %mul3A_334 {strides = array<i32>} : memref<120x144xf32, #tpu.memory_space<vmem>>, vector<16xf32>,
        %broadcast_in_dim3A_338 = arith.constant 1 : i32
        %broadcast_in_dim3A_339 = vector.broadcast %broadcast_in_dim3A_338 : i32 to vector<16x1xi32>
        %gather3A_340 = vector.shape_cast %broadcast_in_dim3A_339 : vector<16x1xi32> to vector<16xi32>
        %gather3A_341 = tpu.dynamic_gather %get3A_319[%gather3A_340] in [0] : vector<16xf32>, vector<16xi32> -> vector<16xf32>
        %get3A_342 = arith.index_cast %add3A_316 : i32 to index
        %get3A_343 = arith.constant 32 : index
        %get3A_344 = tpu.vector_load %arg12[%get3A_342, %get3A_343] {strides = array<i32>} : memref<120x144xf32, #tpu.memory_space<vmem>>, vector<16xf32>,
        %mul3A_345 = arith.mulf %get3A_344, %gather3A_341 : vector<16xf32>
        %swap3A_346 = arith.index_cast %add3A_316 : i32 to index
        %swap3A_347 = arith.constant 32 : index
        %swap3A_348 = tpu.vector_load %arg12[%swap3A_346, %swap3A_347] {strides = array<i32>} : memref<120x144xf32, #tpu.memory_space<vmem>>, vector<16xf32>,
        tpu.vector_store %arg12[%swap3A_346, %swap3A_347], %mul3A_345 {strides = array<i32>} : memref<120x144xf32, #tpu.memory_space<vmem>>, vector<16xf32>,
        %get3A_349 = arith.index_cast %add3A_316 : i32 to index
        %get3A_350 = arith.constant 48 : index
        %get3A_351 = tpu.vector_load %arg12[%get3A_349, %get3A_350] {strides = array<i32>} : memref<120x144xf32, #tpu.memory_space<vmem>>, vector<16xf32>,
        %mul3A_352 = arith.mulf %get3A_351, %gather3A_341 : vector<16xf32>
        %swap3A_353 = arith.index_cast %add3A_316 : i32 to index
        %swap3A_354 = arith.constant 48 : index
        %swap3A_355 = tpu.vector_load %arg12[%swap3A_353, %swap3A_354] {strides = array<i32>} : memref<120x144xf32, #tpu.memory_space<vmem>>, vector<16xf32>,
        tpu.vector_store %arg12[%swap3A_353, %swap3A_354], %mul3A_352 {strides = array<i32>} : memref<120x144xf32, #tpu.memory_space<vmem>>, vector<16xf32>,
        %broadcast_in_dim3A_356 = arith.constant 2 : i32
        %broadcast_in_dim3A_357 = vector.broadcast %broadcast_in_dim3A_356 : i32 to vector<16x1xi32>
        %gather3A_358 = vector.shape_cast %broadcast_in_dim3A_357 : vector<16x1xi32> to vector<16xi32>
        %gather3A_359 = tpu.dynamic_gather %get3A_319[%gather3A_358] in [0] : vector<16xf32>, vector<16xi32> -> vector<16xf32>
        %get3A_360 = arith.index_cast %add3A_316 : i32 to index
        %get3A_361 = arith.constant 64 : index
        %get3A_362 = tpu.vector_load %arg12[%get3A_360, %get3A_361] {strides = array<i32>} : memref<120x144xf32, #tpu.memory_space<vmem>>, vector<16xf32>,
        %mul3A_363 = arith.mulf %get3A_362, %gather3A_359 : vector<16xf32>
        %swap3A_364 = arith.index_cast %add3A_316 : i32 to index
        %swap3A_365 = arith.constant 64 : index
        %swap3A_366 = tpu.vector_load %arg12[%swap3A_364, %swap3A_365] {strides = array<i32>} : memref<120x144xf32, #tpu.memory_space<vmem>>, vector<16xf32>,
        tpu.vector_store %arg12[%swap3A_364, %swap3A_365], %mul3A_363 {strides = array<i32>} : memref<120x144xf32, #tpu.memory_space<vmem>>, vector<16xf32>,
        %get3A_367 = arith.index_cast %add3A_316 : i32 to index
        %get3A_368 = arith.constant 80 : index
        %get3A_369 = tpu.vector_load %arg12[%get3A_367, %get3A_368] {strides = array<i32>} : memref<120x144xf32, #tpu.memory_space<vmem>>, vector<16xf32>,
        %mul3A_370 = arith.mulf %get3A_369, %gather3A_359 : vector<16xf32>
        %swap3A_371 = arith.index_cast %add3A_316 : i32 to index
        %swap3A_372 = arith.constant 80 : index
        %swap3A_373 = tpu.vector_load %arg12[%swap3A_371, %swap3A_372] {strides = array<i32>} : memref<120x144xf32, #tpu.memory_space<vmem>>, vector<16xf32>,
        tpu.vector_store %arg12[%swap3A_371, %swap3A_372], %mul3A_370 {strides = array<i32>} : memref<120x144xf32, #tpu.memory_space<vmem>>, vector<16xf32>,
        %broadcast_in_dim3A_374 = arith.constant 3 : i32
        %broadcast_in_dim3A_375 = vector.broadcast %broadcast_in_dim3A_374 : i32 to vector<16x1xi32>
        %gather3A_376 = vector.shape_cast %broadcast_in_dim3A_375 : vector<16x1xi32> to vector<16xi32>
        %gather3A_377 = tpu.dynamic_gather %get3A_319[%gather3A_376] in [0] : vector<16xf32>, vector<16xi32> -> vector<16xf32>
        %get3A_378 = arith.index_cast %add3A_316 : i32 to index
        %get3A_379 = arith.constant 96 : index
        %get3A_380 = tpu.vector_load %arg12[%get3A_378, %get3A_379] {strides = array<i32>} : memref<120x144xf32, #tpu.memory_space<vmem>>, vector<16xf32>,
        %mul3A_381 = arith.mulf %get3A_380, %gather3A_377 : vector<16xf32>
        %swap3A_382 = arith.index_cast %add3A_316 : i32 to index
        %swap3A_383 = arith.constant 96 : index
        %swap3A_384 = tpu.vector_load %arg12[%swap3A_382, %swap3A_383] {strides = array<i32>} : memref<120x144xf32, #tpu.memory_space<vmem>>, vector<16xf32>,
        tpu.vector_store %arg12[%swap3A_382, %swap3A_383], %mul3A_381 {strides = array<i32>} : memref<120x144xf32, #tpu.memory_space<vmem>>, vector<16xf32>,
        %get3A_385 = arith.index_cast %add3A_316 : i32 to index
        %get3A_386 = arith.constant 112 : index
        %get3A_387 = tpu.vector_load %arg12[%get3A_385, %get3A_386] {strides = array<i32>} : memref<120x144xf32, #tpu.memory_space<vmem>>, vector<16xf32>,
        %mul3A_388 = arith.mulf %get3A_387, %gather3A_377 : vector<16xf32>
        %swap3A_389 = arith.index_cast %add3A_316 : i32 to index
        %swap3A_390 = arith.constant 112 : index
        %swap3A_391 = tpu.vector_load %arg12[%swap3A_389, %swap3A_390] {strides = array<i32>} : memref<120x144xf32, #tpu.memory_space<vmem>>, vector<16xf32>,
        tpu.vector_store %arg12[%swap3A_389, %swap3A_390], %mul3A_388 {strides = array<i32>} : memref<120x144xf32, #tpu.memory_space<vmem>>, vector<16xf32>,
        %add3A_392 = arith.constant 2 : i32
        %add3A_393 = arith.addi %add3A_240, %add3A_392 : i32
        %get3A_394 = arith.index_cast %add3A_393 : i32 to index
        %get3A_395 = arith.constant 128 : index
        %get3A_396 = tpu.vector_load %arg12[%get3A_394, %get3A_395] {strides = array<i32>} : memref<120x144xf32, #tpu.memory_space<vmem>>, vector<16xf32>,
        %broadcast_in_dim3A_397 = arith.constant 0 : i32
        %broadcast_in_dim3A_398 = vector.broadcast %broadcast_in_dim3A_397 : i32 to vector<16x1xi32>
        %gather3A_399 = vector.shape_cast %broadcast_in_dim3A_398 : vector<16x1xi32> to vector<16xi32>
        %gather3A_400 = tpu.dynamic_gather %get3A_396[%gather3A_399] in [0] : vector<16xf32>, vector<16xi32> -> vector<16xf32>
        %get3A_401 = arith.index_cast %add3A_393 : i32 to index
        %get3A_402 = arith.constant 0 : index
        %get3A_403 = tpu.vector_load %arg12[%get3A_401, %get3A_402] {strides = array<i32>} : memref<120x144xf32, #tpu.memory_space<vmem>>, vector<16xf32>,
        %mul3A_404 = arith.mulf %get3A_403, %gather3A_400 : vector<16xf32>
        %swap3A_405 = arith.index_cast %add3A_393 : i32 to index
        %swap3A_406 = arith.constant 0 : index
        %swap3A_407 = tpu.vector_load %arg12[%swap3A_405, %swap3A_406] {strides = array<i32>} : memref<120x144xf32, #tpu.memory_space<vmem>>, vector<16xf32>,
        tpu.vector_store %arg12[%swap3A_405, %swap3A_406], %mul3A_404 {strides = array<i32>} : memref<120x144xf32, #tpu.memory_space<vmem>>, vector<16xf32>,
        %get3A_408 = arith.index_cast %add3A_393 : i32 to index
        %get3A_409 = arith.constant 16 : index
        %get3A_410 = tpu.vector_load %arg12[%get3A_408, %get3A_409] {strides = array<i32>} : memref<120x144xf32, #tpu.memory_space<vmem>>, vector<16xf32>,
        %mul3A_411 = arith.mulf %get3A_410, %gather3A_400 : vector<16xf32>
        %swap3A_412 = arith.index_cast %add3A_393 : i32 to index
        %swap3A_413 = arith.constant 16 : index
        %swap3A_414 = tpu.vector_load %arg12[%swap3A_412, %swap3A_413] {strides = array<i32>} : memref<120x144xf32, #tpu.memory_space<vmem>>, vector<16xf32>,
        tpu.vector_store %arg12[%swap3A_412, %swap3A_413], %mul3A_411 {strides = array<i32>} : memref<120x144xf32, #tpu.memory_space<vmem>>, vector<16xf32>,
        %broadcast_in_dim3A_415 = arith.constant 1 : i32
        %broadcast_in_dim3A_416 = vector.broadcast %broadcast_in_dim3A_415 : i32 to vector<16x1xi32>
        %gather3A_417 = vector.shape_cast %broadcast_in_dim3A_416 : vector<16x1xi32> to vector<16xi32>
        %gather3A_418 = tpu.dynamic_gather %get3A_396[%gather3A_417] in [0] : vector<16xf32>, vector<16xi32> -> vector<16xf32>
        %get3A_419 = arith.index_cast %add3A_393 : i32 to index
        %get3A_420 = arith.constant 32 : index
        %get3A_421 = tpu.vector_load %arg12[%get3A_419, %get3A_420] {strides = array<i32>} : memref<120x144xf32, #tpu.memory_space<vmem>>, vector<16xf32>,
        %mul3A_422 = arith.mulf %get3A_421, %gather3A_418 : vector<16xf32>
        %swap3A_423 = arith.index_cast %add3A_393 : i32 to index
        %swap3A_424 = arith.constant 32 : index
        %swap3A_425 = tpu.vector_load %arg12[%swap3A_423, %swap3A_424] {strides = array<i32>} : memref<120x144xf32, #tpu.memory_space<vmem>>, vector<16xf32>,
        tpu.vector_store %arg12[%swap3A_423, %swap3A_424], %mul3A_422 {strides = array<i32>} : memref<120x144xf32, #tpu.memory_space<vmem>>, vector<16xf32>,
        %get3A_426 = arith.index_cast %add3A_393 : i32 to index
        %get3A_427 = arith.constant 48 : index
        %get3A_428 = tpu.vector_load %arg12[%get3A_426, %get3A_427] {strides = array<i32>} : memref<120x144xf32, #tpu.memory_space<vmem>>, vector<16xf32>,
        %mul3A_429 = arith.mulf %get3A_428, %gather3A_418 : vector<16xf32>
        %swap3A_430 = arith.index_cast %add3A_393 : i32 to index
        %swap3A_431 = arith.constant 48 : index
        %swap3A_432 = tpu.vector_load %arg12[%swap3A_430, %swap3A_431] {strides = array<i32>} : memref<120x144xf32, #tpu.memory_space<vmem>>, vector<16xf32>,
        tpu.vector_store %arg12[%swap3A_430, %swap3A_431], %mul3A_429 {strides = array<i32>} : memref<120x144xf32, #tpu.memory_space<vmem>>, vector<16xf32>,
        %broadcast_in_dim3A_433 = arith.constant 2 : i32
        %broadcast_in_dim3A_434 = vector.broadcast %broadcast_in_dim3A_433 : i32 to vector<16x1xi32>
        %gather3A_435 = vector.shape_cast %broadcast_in_dim3A_434 : vector<16x1xi32> to vector<16xi32>
        %gather3A_436 = tpu.dynamic_gather %get3A_396[%gather3A_435] in [0] : vector<16xf32>, vector<16xi32> -> vector<16xf32>
        %get3A_437 = arith.index_cast %add3A_393 : i32 to index
        %get3A_438 = arith.constant 64 : index
        %get3A_439 = tpu.vector_load %arg12[%get3A_437, %get3A_438] {strides = array<i32>} : memref<120x144xf32, #tpu.memory_space<vmem>>, vector<16xf32>,
        %mul3A_440 = arith.mulf %get3A_439, %gather3A_436 : vector<16xf32>
        %swap3A_441 = arith.index_cast %add3A_393 : i32 to index
        %swap3A_442 = arith.constant 64 : index
        %swap3A_443 = tpu.vector_load %arg12[%swap3A_441, %swap3A_442] {strides = array<i32>} : memref<120x144xf32, #tpu.memory_space<vmem>>, vector<16xf32>,
        tpu.vector_store %arg12[%swap3A_441, %swap3A_442], %mul3A_440 {strides = array<i32>} : memref<120x144xf32, #tpu.memory_space<vmem>>, vector<16xf32>,
        %get3A_444 = arith.index_cast %add3A_393 : i32 to index
        %get3A_445 = arith.constant 80 : index
        %get3A_446 = tpu.vector_load %arg12[%get3A_444, %get3A_445] {strides = array<i32>} : memref<120x144xf32, #tpu.memory_space<vmem>>, vector<16xf32>,
        %mul3A_447 = arith.mulf %get3A_446, %gather3A_436 : vector<16xf32>
        %swap3A_448 = arith.index_cast %add3A_393 : i32 to index
        %swap3A_449 = arith.constant 80 : index
        %swap3A_450 = tpu.vector_load %arg12[%swap3A_448, %swap3A_449] {strides = array<i32>} : memref<120x144xf32, #tpu.memory_space<vmem>>, vector<16xf32>,
        tpu.vector_store %arg12[%swap3A_448, %swap3A_449], %mul3A_447 {strides = array<i32>} : memref<120x144xf32, #tpu.memory_space<vmem>>, vector<16xf32>,
        %broadcast_in_dim3A_451 = arith.constant 3 : i32
        %broadcast_in_dim3A_452 = vector.broadcast %broadcast_in_dim3A_451 : i32 to vector<16x1xi32>
        %gather3A_453 = vector.shape_cast %broadcast_in_dim3A_452 : vector<16x1xi32> to vector<16xi32>
        %gather3A_454 = tpu.dynamic_gather %get3A_396[%gather3A_453] in [0] : vector<16xf32>, vector<16xi32> -> vector<16xf32>
        %get3A_455 = arith.index_cast %add3A_393 : i32 to index
        %get3A_456 = arith.constant 96 : index
        %get3A_457 = tpu.vector_load %arg12[%get3A_455, %get3A_456] {strides = array<i32>} : memref<120x144xf32, #tpu.memory_space<vmem>>, vector<16xf32>,
        %mul3A_458 = arith.mulf %get3A_457, %gather3A_454 : vector<16xf32>
        %swap3A_459 = arith.index_cast %add3A_393 : i32 to index
        %swap3A_460 = arith.constant 96 : index
        %swap3A_461 = tpu.vector_load %arg12[%swap3A_459, %swap3A_460] {strides = array<i32>} : memref<120x144xf32, #tpu.memory_space<vmem>>, vector<16xf32>,
        tpu.vector_store %arg12[%swap3A_459, %swap3A_460], %mul3A_458 {strides = array<i32>} : memref<120x144xf32, #tpu.memory_space<vmem>>, vector<16xf32>,
        %get3A_462 = arith.index_cast %add3A_393 : i32 to index
        %get3A_463 = arith.constant 112 : index
        %get3A_464 = tpu.vector_load %arg12[%get3A_462, %get3A_463] {strides = array<i32>} : memref<120x144xf32, #tpu.memory_space<vmem>>, vector<16xf32>,
        %mul3A_465 = arith.mulf %get3A_464, %gather3A_454 : vector<16xf32>
        %swap3A_466 = arith.index_cast %add3A_393 : i32 to index
        %swap3A_467 = arith.constant 112 : index
        %swap3A_468 = tpu.vector_load %arg12[%swap3A_466, %swap3A_467] {strides = array<i32>} : memref<120x144xf32, #tpu.memory_space<vmem>>, vector<16xf32>,
        tpu.vector_store %arg12[%swap3A_466, %swap3A_467], %mul3A_465 {strides = array<i32>} : memref<120x144xf32, #tpu.memory_space<vmem>>, vector<16xf32>,
        %add3A_469 = arith.constant 3 : i32
        %add3A_470 = arith.addi %add3A_240, %add3A_469 : i32
        %get3A_471 = arith.index_cast %add3A_470 : i32 to index
        %get3A_472 = arith.constant 128 : index
        %get3A_473 = tpu.vector_load %arg12[%get3A_471, %get3A_472] {strides = array<i32>} : memref<120x144xf32, #tpu.memory_space<vmem>>, vector<16xf32>,
        %broadcast_in_dim3A_474 = arith.constant 0 : i32
        %broadcast_in_dim3A_475 = vector.broadcast %broadcast_in_dim3A_474 : i32 to vector<16x1xi32>
        %gather3A_476 = vector.shape_cast %broadcast_in_dim3A_475 : vector<16x1xi32> to vector<16xi32>
        %gather3A_477 = tpu.dynamic_gather %get3A_473[%gather3A_476] in [0] : vector<16xf32>, vector<16xi32> -> vector<16xf32>
        %get3A_478 = arith.index_cast %add3A_470 : i32 to index
        %get3A_479 = arith.constant 0 : index
        %get3A_480 = tpu.vector_load %arg12[%get3A_478, %get3A_479] {strides = array<i32>} : memref<120x144xf32, #tpu.memory_space<vmem>>, vector<16xf32>,
        %mul3A_481 = arith.mulf %get3A_480, %gather3A_477 : vector<16xf32>
        %swap3A_482 = arith.index_cast %add3A_470 : i32 to index
        %swap3A_483 = arith.constant 0 : index
        %swap3A_484 = tpu.vector_load %arg12[%swap3A_482, %swap3A_483] {strides = array<i32>} : memref<120x144xf32, #tpu.memory_space<vmem>>, vector<16xf32>,
        tpu.vector_store %arg12[%swap3A_482, %swap3A_483], %mul3A_481 {strides = array<i32>} : memref<120x144xf32, #tpu.memory_space<vmem>>, vector<16xf32>,
        %get3A_485 = arith.index_cast %add3A_470 : i32 to index
        %get3A_486 = arith.constant 16 : index
        %get3A_487 = tpu.vector_load %arg12[%get3A_485, %get3A_486] {strides = array<i32>} : memref<120x144xf32, #tpu.memory_space<vmem>>, vector<16xf32>,
        %mul3A_488 = arith.mulf %get3A_487, %gather3A_477 : vector<16xf32>
        %swap3A_489 = arith.index_cast %add3A_470 : i32 to index
        %swap3A_490 = arith.constant 16 : index
        %swap3A_491 = tpu.vector_load %arg12[%swap3A_489, %swap3A_490] {strides = array<i32>} : memref<120x144xf32, #tpu.memory_space<vmem>>, vector<16xf32>,
        tpu.vector_store %arg12[%swap3A_489, %swap3A_490], %mul3A_488 {strides = array<i32>} : memref<120x144xf32, #tpu.memory_space<vmem>>, vector<16xf32>,
        %broadcast_in_dim3A_492 = arith.constant 1 : i32
        %broadcast_in_dim3A_493 = vector.broadcast %broadcast_in_dim3A_492 : i32 to vector<16x1xi32>
        %gather3A_494 = vector.shape_cast %broadcast_in_dim3A_493 : vector<16x1xi32> to vector<16xi32>
        %gather3A_495 = tpu.dynamic_gather %get3A_473[%gather3A_494] in [0] : vector<16xf32>, vector<16xi32> -> vector<16xf32>
        %get3A_496 = arith.index_cast %add3A_470 : i32 to index
        %get3A_497 = arith.constant 32 : index
        %get3A_498 = tpu.vector_load %arg12[%get3A_496, %get3A_497] {strides = array<i32>} : memref<120x144xf32, #tpu.memory_space<vmem>>, vector<16xf32>,
        %mul3A_499 = arith.mulf %get3A_498, %gather3A_495 : vector<16xf32>
        %swap3A_500 = arith.index_cast %add3A_470 : i32 to index
        %swap3A_501 = arith.constant 32 : index
        %swap3A_502 = tpu.vector_load %arg12[%swap3A_500, %swap3A_501] {strides = array<i32>} : memref<120x144xf32, #tpu.memory_space<vmem>>, vector<16xf32>,
        tpu.vector_store %arg12[%swap3A_500, %swap3A_501], %mul3A_499 {strides = array<i32>} : memref<120x144xf32, #tpu.memory_space<vmem>>, vector<16xf32>,
        %get3A_503 = arith.index_cast %add3A_470 : i32 to index
        %get3A_504 = arith.constant 48 : index
        %get3A_505 = tpu.vector_load %arg12[%get3A_503, %get3A_504] {strides = array<i32>} : memref<120x144xf32, #tpu.memory_space<vmem>>, vector<16xf32>,
        %mul3A_506 = arith.mulf %get3A_505, %gather3A_495 : vector<16xf32>
        %swap3A_507 = arith.index_cast %add3A_470 : i32 to index
        %swap3A_508 = arith.constant 48 : index
        %swap3A_509 = tpu.vector_load %arg12[%swap3A_507, %swap3A_508] {strides = array<i32>} : memref<120x144xf32, #tpu.memory_space<vmem>>, vector<16xf32>,
        tpu.vector_store %arg12[%swap3A_507, %swap3A_508], %mul3A_506 {strides = array<i32>} : memref<120x144xf32, #tpu.memory_space<vmem>>, vector<16xf32>,
        %broadcast_in_dim3A_510 = arith.constant 2 : i32
        %broadcast_in_dim3A_511 = vector.broadcast %broadcast_in_dim3A_510 : i32 to vector<16x1xi32>
        %gather3A_512 = vector.shape_cast %broadcast_in_dim3A_511 : vector<16x1xi32> to vector<16xi32>
        %gather3A_513 = tpu.dynamic_gather %get3A_473[%gather3A_512] in [0] : vector<16xf32>, vector<16xi32> -> vector<16xf32>
        %get3A_514 = arith.index_cast %add3A_470 : i32 to index
        %get3A_515 = arith.constant 64 : index
        %get3A_516 = tpu.vector_load %arg12[%get3A_514, %get3A_515] {strides = array<i32>} : memref<120x144xf32, #tpu.memory_space<vmem>>, vector<16xf32>,
        %mul3A_517 = arith.mulf %get3A_516, %gather3A_513 : vector<16xf32>
        %swap3A_518 = arith.index_cast %add3A_470 : i32 to index
        %swap3A_519 = arith.constant 64 : index
        %swap3A_520 = tpu.vector_load %arg12[%swap3A_518, %swap3A_519] {strides = array<i32>} : memref<120x144xf32, #tpu.memory_space<vmem>>, vector<16xf32>,
        tpu.vector_store %arg12[%swap3A_518, %swap3A_519], %mul3A_517 {strides = array<i32>} : memref<120x144xf32, #tpu.memory_space<vmem>>, vector<16xf32>,
        %get3A_521 = arith.index_cast %add3A_470 : i32 to index
        %get3A_522 = arith.constant 80 : index
        %get3A_523 = tpu.vector_load %arg12[%get3A_521, %get3A_522] {strides = array<i32>} : memref<120x144xf32, #tpu.memory_space<vmem>>, vector<16xf32>,
        %mul3A_524 = arith.mulf %get3A_523, %gather3A_513 : vector<16xf32>
        %swap3A_525 = arith.index_cast %add3A_470 : i32 to index
        %swap3A_526 = arith.constant 80 : index
        %swap3A_527 = tpu.vector_load %arg12[%swap3A_525, %swap3A_526] {strides = array<i32>} : memref<120x144xf32, #tpu.memory_space<vmem>>, vector<16xf32>,
        tpu.vector_store %arg12[%swap3A_525, %swap3A_526], %mul3A_524 {strides = array<i32>} : memref<120x144xf32, #tpu.memory_space<vmem>>, vector<16xf32>,
        %broadcast_in_dim3A_528 = arith.constant 3 : i32
        %broadcast_in_dim3A_529 = vector.broadcast %broadcast_in_dim3A_528 : i32 to vector<16x1xi32>
        %gather3A_530 = vector.shape_cast %broadcast_in_dim3A_529 : vector<16x1xi32> to vector<16xi32>
        %gather3A_531 = tpu.dynamic_gather %get3A_473[%gather3A_530] in [0] : vector<16xf32>, vector<16xi32> -> vector<16xf32>
        %get3A_532 = arith.index_cast %add3A_470 : i32 to index
        %get3A_533 = arith.constant 96 : index
        %get3A_534 = tpu.vector_load %arg12[%get3A_532, %get3A_533] {strides = array<i32>} : memref<120x144xf32, #tpu.memory_space<vmem>>, vector<16xf32>,
        %mul3A_535 = arith.mulf %get3A_534, %gather3A_531 : vector<16xf32>
        %swap3A_536 = arith.index_cast %add3A_470 : i32 to index
        %swap3A_537 = arith.constant 96 : index
        %swap3A_538 = tpu.vector_load %arg12[%swap3A_536, %swap3A_537] {strides = array<i32>} : memref<120x144xf32, #tpu.memory_space<vmem>>, vector<16xf32>,
        tpu.vector_store %arg12[%swap3A_536, %swap3A_537], %mul3A_535 {strides = array<i32>} : memref<120x144xf32, #tpu.memory_space<vmem>>, vector<16xf32>,
        %get3A_539 = arith.index_cast %add3A_470 : i32 to index
        %get3A_540 = arith.constant 112 : index
        %get3A_541 = tpu.vector_load %arg12[%get3A_539, %get3A_540] {strides = array<i32>} : memref<120x144xf32, #tpu.memory_space<vmem>>, vector<16xf32>,
        %mul3A_542 = arith.mulf %get3A_541, %gather3A_531 : vector<16xf32>
        %swap3A_543 = arith.index_cast %add3A_470 : i32 to index
        %swap3A_544 = arith.constant 112 : index
        %swap3A_545 = tpu.vector_load %arg12[%swap3A_543, %swap3A_544] {strides = array<i32>} : memref<120x144xf32, #tpu.memory_space<vmem>>, vector<16xf32>,
        tpu.vector_store %arg12[%swap3A_543, %swap3A_544], %mul3A_542 {strides = array<i32>} : memref<120x144xf32, #tpu.memory_space<vmem>>, vector<16xf32>,
      }
      %scan3A_176 = arith.constant 30 : i32
      %dma_start3A_177 = arith.constant 1 : i32
      %dma_start3A_178 = arith.constant 0 : i32
      %dma_start3A_179 = tpu.memref_slice %arg10[%dma_start3A_177, %dma_start3A_178] : memref<2x120xi32, #tpu.memory_space<vmem>> -> memref<1x120xi32, #tpu.memory_space<vmem>>
      %dma_start3A_180 = tpu.memref_squeeze %dma_start3A_179 : memref<1x120xi32, #tpu.memory_space<vmem>> -> memref<120xi32, #tpu.memory_space<vmem>>
      %dma_start3A_181 = arith.constant 0 : i32
      %dma_start3A_182 = arith.constant 0 : i32
      %dma_start3A_183 = tpu.memref_slice %arg8[%dma_start3A_181, %dma_start3A_182] : memref<10016x144xf32, #tpu.memory_space<vmem_shared>> -> memref<10016x144xf32, #tpu.memory_space<vmem_shared>>
      tpu.enqueue_indirect_dma source(%arg12 : memref<120x144xf32, #tpu.memory_space<vmem>>) target(%dma_start3A_183 : memref<10016x144xf32, #tpu.memory_space<vmem_shared>>) offsets(%dma_start3A_180 : memref<120xi32, #tpu.memory_space<vmem>>) semaphore(%arg21 : memref<!tpu.dma_semaphore, #tpu.memory_space<semaphore_mem>>) {add = true}
      %dma_wait3A_184 = arith.constant 1 : i32
      %dma_wait3A_185 = arith.constant 0 : i32
      %dma_wait3A_186 = tpu.memref_slice %arg9[%dma_wait3A_184, %dma_wait3A_185] : memref<2x120xi32, #tpu.memory_space<vmem>> -> memref<1x120xi32, #tpu.memory_space<vmem>>
      %dma_wait3A_187 = tpu.memref_squeeze %dma_wait3A_186 : memref<1x120xi32, #tpu.memory_space<vmem>> -> memref<120xi32, #tpu.memory_space<vmem>>
      %dma_wait3A_188 = arith.constant 0 : i32
      %dma_wait3A_189 = arith.constant 0 : i32
      %dma_wait3A_190 = tpu.memref_slice %arg8[%dma_wait3A_188, %dma_wait3A_189] : memref<10016x144xf32, #tpu.memory_space<vmem_shared>> -> memref<10016x144xf32, #tpu.memory_space<vmem_shared>>
      tpu.wait_indirect_dma semaphore(%arg20 : memref<!tpu.dma_semaphore, #tpu.memory_space<semaphore_mem>>) src(%arg11 : memref<120x144xf32, #tpu.memory_space<vmem>>) dst(%dma_wait3A_190 : memref<10016x144xf32, #tpu.memory_space<vmem_shared>>)
      %mul3A_191 = arith.constant 2 : i32
      %mul3A_192 = arith.muli %mul3A_191, %add3A_121 : i32
      %add3A_193 = arith.addi %mul3A_2, %mul3A_192 : i32
      %add3A_194 = arith.constant 2 : i32
      %add3A_195 = arith.addi %add3A_193, %add3A_194 : i32
      "tpu.region"() ({
        %run_scoped3A = tpu.sem_alloc : memref<!tpu.dma_semaphore, #tpu.memory_space<semaphore_mem>>
        %dma_start3A_236 = arith.constant 0 : i32
        %dma_start3A_237 = arith.constant 0 : i32
        %dma_start3A_238 = tpu.memref_slice %arg5[%add3A_195, %dma_start3A_236, %dma_start3A_237] : memref<2688x2x120xi32, #tpu.memory_space<hbm>> -> memref<1x2x120xi32, #tpu.memory_space<hbm>>
        %dma_start3A_239 = tpu.memref_squeeze %dma_start3A_238 : memref<1x2x120xi32, #tpu.memory_space<hbm>> -> memref<2x120xi32, #tpu.memory_space<hbm>>
        %dma_start3A_240 = arith.constant 0 : i32
        %dma_start3A_241 = arith.constant 0 : i32
        %dma_start3A_242 = tpu.memref_slice %arg5[%add3A_195, %dma_start3A_240, %dma_start3A_241] : memref<2688x2x120xi32, #tpu.memory_space<hbm>> -> memref<1x2x120xi32, #tpu.memory_space<hbm>>
        %dma_start3A_243 = tpu.memref_squeeze %dma_start3A_242 : memref<1x2x120xi32, #tpu.memory_space<hbm>> -> memref<2x120xi32, #tpu.memory_space<hbm>>
        tpu.enqueue_dma source(%dma_start3A_243 : memref<2x120xi32, #tpu.memory_space<hbm>>) target(%arg9 : memref<2x120xi32, #tpu.memory_space<vmem>>) target_semaphore(%run_scoped3A : memref<!tpu.dma_semaphore, #tpu.memory_space<semaphore_mem>>)
        %dma_wait3A_244 = arith.constant 0 : i32
        %dma_wait3A_245 = arith.constant 0 : i32
        %dma_wait3A_246 = tpu.memref_slice %arg5[%add3A_195, %dma_wait3A_244, %dma_wait3A_245] : memref<2688x2x120xi32, #tpu.memory_space<hbm>> -> memref<1x2x120xi32, #tpu.memory_space<hbm>>
        %dma_wait3A_247 = tpu.memref_squeeze %dma_wait3A_246 : memref<1x2x120xi32, #tpu.memory_space<hbm>> -> memref<2x120xi32, #tpu.memory_space<hbm>>
        %dma_wait3A_248 = arith.constant 0 : i32
        %dma_wait3A_249 = arith.constant 0 : i32
        %dma_wait3A_250 = tpu.memref_slice %arg5[%add3A_195, %dma_wait3A_248, %dma_wait3A_249] : memref<2688x2x120xi32, #tpu.memory_space<hbm>> -> memref<1x2x120xi32, #tpu.memory_space<hbm>>
        %dma_wait3A_251 = tpu.memref_squeeze %dma_wait3A_250 : memref<1x2x120xi32, #tpu.memory_space<hbm>> -> memref<2x120xi32, #tpu.memory_space<hbm>>
        tpu.wait_dma2 semaphore(%run_scoped3A : memref<!tpu.dma_semaphore, #tpu.memory_space<semaphore_mem>>) src(%dma_wait3A_251 : memref<2x120xi32, #tpu.memory_space<hbm>>) dst(%arg9 : memref<2x120xi32, #tpu.memory_space<vmem>>)
        tpu.yield
      }) : () -> ()
      %dma_start3A_196 = arith.constant 0 : i32
      %dma_start3A_197 = arith.constant 0 : i32
      %dma_start3A_198 = tpu.memref_slice %arg9[%dma_start3A_196, %dma_start3A_197] : memref<2x120xi32, #tpu.memory_space<vmem>> -> memref<1x120xi32, #tpu.memory_space<vmem>>
      %dma_start3A_199 = tpu.memref_squeeze %dma_start3A_198 : memref<1x120xi32, #tpu.memory_space<vmem>> -> memref<120xi32, #tpu.memory_space<vmem>>
      %dma_start3A_200 = arith.constant 0 : i32
      %dma_start3A_201 = arith.constant 0 : i32
      %dma_start3A_202 = tpu.memref_slice %arg2[%dma_start3A_200, %dma_start3A_201] : memref<10016x144xf32, #tpu.memory_space<hbm>> -> memref<10016x144xf32, #tpu.memory_space<hbm>>
      tpu.enqueue_indirect_dma source(%dma_start3A_202 : memref<10016x144xf32, #tpu.memory_space<hbm>>) target(%arg11 : memref<120x144xf32, #tpu.memory_space<vmem>>) offsets(%dma_start3A_199 : memref<120xi32, #tpu.memory_space<vmem>>) semaphore(%arg16 : memref<!tpu.dma_semaphore, #tpu.memory_space<semaphore_mem>>)
      %dma_start3A_203 = arith.constant 1 : i32
      %dma_start3A_204 = arith.constant 0 : i32
      %dma_start3A_205 = tpu.memref_slice %arg9[%dma_start3A_203, %dma_start3A_204] : memref<2x120xi32, #tpu.memory_space<vmem>> -> memref<1x120xi32, #tpu.memory_space<vmem>>
      %dma_start3A_206 = tpu.memref_squeeze %dma_start3A_205 : memref<1x120xi32, #tpu.memory_space<vmem>> -> memref<120xi32, #tpu.memory_space<vmem>>
      %dma_start3A_207 = arith.constant 0 : i32
      %dma_start3A_208 = arith.constant 0 : i32
      %dma_start3A_209 = tpu.memref_slice %arg3[%dma_start3A_207, %dma_start3A_208] : memref<10016x16xf32, #tpu.memory_space<hbm>> -> memref<10016x16xf32, #tpu.memory_space<hbm>>
      tpu.enqueue_indirect_dma source(%dma_start3A_209 : memref<10016x16xf32, #tpu.memory_space<hbm>>) target(%arg13 : memref<120x16xf32, #tpu.memory_space<vmem>>) offsets(%dma_start3A_206 : memref<120xi32, #tpu.memory_space<vmem>>) semaphore(%arg18 : memref<!tpu.dma_semaphore, #tpu.memory_space<semaphore_mem>>)
      %dma_wait3A_210 = arith.constant 1 : i32
      %dma_wait3A_211 = arith.constant 0 : i32
      %dma_wait3A_212 = tpu.memref_slice %arg10[%dma_wait3A_210, %dma_wait3A_211] : memref<2x120xi32, #tpu.memory_space<vmem>> -> memref<1x120xi32, #tpu.memory_space<vmem>>
      %dma_wait3A_213 = tpu.memref_squeeze %dma_wait3A_212 : memref<1x120xi32, #tpu.memory_space<vmem>> -> memref<120xi32, #tpu.memory_space<vmem>>
      %dma_wait3A_214 = arith.constant 0 : i32
      %dma_wait3A_215 = arith.constant 0 : i32
      %dma_wait3A_216 = tpu.memref_slice %arg8[%dma_wait3A_214, %dma_wait3A_215] : memref<10016x144xf32, #tpu.memory_space<vmem_shared>> -> memref<10016x144xf32, #tpu.memory_space<vmem_shared>>
      tpu.wait_indirect_dma semaphore(%arg21 : memref<!tpu.dma_semaphore, #tpu.memory_space<semaphore_mem>>) src(%arg12 : memref<120x144xf32, #tpu.memory_space<vmem>>) dst(%dma_wait3A_216 : memref<10016x144xf32, #tpu.memory_space<vmem_shared>>)
      %mul3A_217 = arith.constant 2 : i32
      %mul3A_218 = arith.muli %mul3A_217, %add3A_121 : i32
      %add3A_219 = arith.addi %mul3A_2, %mul3A_218 : i32
      %add3A_220 = arith.constant 3 : i32
      %add3A_221 = arith.addi %add3A_219, %add3A_220 : i32
      "tpu.region"() ({
        %run_scoped3A = tpu.sem_alloc : memref<!tpu.dma_semaphore, #tpu.memory_space<semaphore_mem>>
        %dma_start3A_236 = arith.constant 0 : i32
        %dma_start3A_237 = arith.constant 0 : i32
        %dma_start3A_238 = tpu.memref_slice %arg5[%add3A_221, %dma_start3A_236, %dma_start3A_237] : memref<2688x2x120xi32, #tpu.memory_space<hbm>> -> memref<1x2x120xi32, #tpu.memory_space<hbm>>
        %dma_start3A_239 = tpu.memref_squeeze %dma_start3A_238 : memref<1x2x120xi32, #tpu.memory_space<hbm>> -> memref<2x120xi32, #tpu.memory_space<hbm>>
        %dma_start3A_240 = arith.constant 0 : i32
        %dma_start3A_241 = arith.constant 0 : i32
        %dma_start3A_242 = tpu.memref_slice %arg5[%add3A_221, %dma_start3A_240, %dma_start3A_241] : memref<2688x2x120xi32, #tpu.memory_space<hbm>> -> memref<1x2x120xi32, #tpu.memory_space<hbm>>
        %dma_start3A_243 = tpu.memref_squeeze %dma_start3A_242 : memref<1x2x120xi32, #tpu.memory_space<hbm>> -> memref<2x120xi32, #tpu.memory_space<hbm>>
        tpu.enqueue_dma source(%dma_start3A_243 : memref<2x120xi32, #tpu.memory_space<hbm>>) target(%arg10 : memref<2x120xi32, #tpu.memory_space<vmem>>) target_semaphore(%run_scoped3A : memref<!tpu.dma_semaphore, #tpu.memory_space<semaphore_mem>>)
        %dma_wait3A_244 = arith.constant 0 : i32
        %dma_wait3A_245 = arith.constant 0 : i32
        %dma_wait3A_246 = tpu.memref_slice %arg5[%add3A_221, %dma_wait3A_244, %dma_wait3A_245] : memref<2688x2x120xi32, #tpu.memory_space<hbm>> -> memref<1x2x120xi32, #tpu.memory_space<hbm>>
        %dma_wait3A_247 = tpu.memref_squeeze %dma_wait3A_246 : memref<1x2x120xi32, #tpu.memory_space<hbm>> -> memref<2x120xi32, #tpu.memory_space<hbm>>
        %dma_wait3A_248 = arith.constant 0 : i32
        %dma_wait3A_249 = arith.constant 0 : i32
        %dma_wait3A_250 = tpu.memref_slice %arg5[%add3A_221, %dma_wait3A_248, %dma_wait3A_249] : memref<2688x2x120xi32, #tpu.memory_space<hbm>> -> memref<1x2x120xi32, #tpu.memory_space<hbm>>
        %dma_wait3A_251 = tpu.memref_squeeze %dma_wait3A_250 : memref<1x2x120xi32, #tpu.memory_space<hbm>> -> memref<2x120xi32, #tpu.memory_space<hbm>>
        tpu.wait_dma2 semaphore(%run_scoped3A : memref<!tpu.dma_semaphore, #tpu.memory_space<semaphore_mem>>) src(%dma_wait3A_251 : memref<2x120xi32, #tpu.memory_space<hbm>>) dst(%arg10 : memref<2x120xi32, #tpu.memory_space<vmem>>)
        tpu.yield
      }) : () -> ()
      %dma_start3A_222 = arith.constant 0 : i32
      %dma_start3A_223 = arith.constant 0 : i32
      %dma_start3A_224 = tpu.memref_slice %arg10[%dma_start3A_222, %dma_start3A_223] : memref<2x120xi32, #tpu.memory_space<vmem>> -> memref<1x120xi32, #tpu.memory_space<vmem>>
      %dma_start3A_225 = tpu.memref_squeeze %dma_start3A_224 : memref<1x120xi32, #tpu.memory_space<vmem>> -> memref<120xi32, #tpu.memory_space<vmem>>
      %dma_start3A_226 = arith.constant 0 : i32
      %dma_start3A_227 = arith.constant 0 : i32
      %dma_start3A_228 = tpu.memref_slice %arg2[%dma_start3A_226, %dma_start3A_227] : memref<10016x144xf32, #tpu.memory_space<hbm>> -> memref<10016x144xf32, #tpu.memory_space<hbm>>
      tpu.enqueue_indirect_dma source(%dma_start3A_228 : memref<10016x144xf32, #tpu.memory_space<hbm>>) target(%arg12 : memref<120x144xf32, #tpu.memory_space<vmem>>) offsets(%dma_start3A_225 : memref<120xi32, #tpu.memory_space<vmem>>) semaphore(%arg17 : memref<!tpu.dma_semaphore, #tpu.memory_space<semaphore_mem>>)
      %dma_start3A_229 = arith.constant 1 : i32
      %dma_start3A_230 = arith.constant 0 : i32
      %dma_start3A_231 = tpu.memref_slice %arg10[%dma_start3A_229, %dma_start3A_230] : memref<2x120xi32, #tpu.memory_space<vmem>> -> memref<1x120xi32, #tpu.memory_space<vmem>>
      %dma_start3A_232 = tpu.memref_squeeze %dma_start3A_231 : memref<1x120xi32, #tpu.memory_space<vmem>> -> memref<120xi32, #tpu.memory_space<vmem>>
      %dma_start3A_233 = arith.constant 0 : i32
      %dma_start3A_234 = arith.constant 0 : i32
      %dma_start3A_235 = tpu.memref_slice %arg3[%dma_start3A_233, %dma_start3A_234] : memref<10016x16xf32, #tpu.memory_space<hbm>> -> memref<10016x16xf32, #tpu.memory_space<hbm>>
      tpu.enqueue_indirect_dma source(%dma_start3A_235 : memref<10016x16xf32, #tpu.memory_space<hbm>>) target(%arg14 : memref<120x16xf32, #tpu.memory_space<vmem>>) offsets(%dma_start3A_232 : memref<120xi32, #tpu.memory_space<vmem>>) semaphore(%arg19 : memref<!tpu.dma_semaphore, #tpu.memory_space<semaphore_mem>>)
    }
    %scan3A_40 = arith.constant 41 : i32
    %dma_wait3A = arith.constant 0 : i32
    %dma_wait3A_41 = arith.constant 0 : i32
    %dma_wait3A_42 = tpu.memref_slice %arg9[%dma_wait3A, %dma_wait3A_41] : memref<2x120xi32, #tpu.memory_space<vmem>> -> memref<1x120xi32, #tpu.memory_space<vmem>>
    %dma_wait3A_43 = tpu.memref_squeeze %dma_wait3A_42 : memref<1x120xi32, #tpu.memory_space<vmem>> -> memref<120xi32, #tpu.memory_space<vmem>>
    %dma_wait3A_44 = arith.constant 0 : i32
    %dma_wait3A_45 = arith.constant 0 : i32
    %dma_wait3A_46 = tpu.memref_slice %arg2[%dma_wait3A_44, %dma_wait3A_45] : memref<10016x144xf32, #tpu.memory_space<hbm>> -> memref<10016x144xf32, #tpu.memory_space<hbm>>
    tpu.wait_indirect_dma semaphore(%arg16 : memref<!tpu.dma_semaphore, #tpu.memory_space<semaphore_mem>>) src(%dma_wait3A_46 : memref<10016x144xf32, #tpu.memory_space<hbm>>) dst(%arg11 : memref<120x144xf32, #tpu.memory_space<vmem>>)
    %dma_wait3A_47 = arith.constant 1 : i32
    %dma_wait3A_48 = arith.constant 0 : i32
    %dma_wait3A_49 = tpu.memref_slice %arg9[%dma_wait3A_47, %dma_wait3A_48] : memref<2x120xi32, #tpu.memory_space<vmem>> -> memref<1x120xi32, #tpu.memory_space<vmem>>
    %dma_wait3A_50 = tpu.memref_squeeze %dma_wait3A_49 : memref<1x120xi32, #tpu.memory_space<vmem>> -> memref<120xi32, #tpu.memory_space<vmem>>
    %dma_wait3A_51 = arith.constant 0 : i32
    %dma_wait3A_52 = arith.constant 0 : i32
    %dma_wait3A_53 = tpu.memref_slice %arg3[%dma_wait3A_51, %dma_wait3A_52] : memref<10016x16xf32, #tpu.memory_space<hbm>> -> memref<10016x16xf32, #tpu.memory_space<hbm>>
    tpu.wait_indirect_dma semaphore(%arg18 : memref<!tpu.dma_semaphore, #tpu.memory_space<semaphore_mem>>) src(%dma_wait3A_53 : memref<10016x16xf32, #tpu.memory_space<hbm>>) dst(%arg13 : memref<120x16xf32, #tpu.memory_space<vmem>>)
    %scan3A_54 = arith.constant 0 : i32
    %scan3A_55 = arith.constant 30 : i32
    %scan3A_56 = arith.addi %scan3A_54, %scan3A_55 : i32
    %scan3A_57 = arith.constant 1 : i32
    scf.for %scan3A_117 = %scan3A_54 to %scan3A_56 step %scan3A_57  : i32 {
      %mul3A_118 = arith.constant 4 : i32
      %mul3A_119 = arith.muli %scan3A_117, %mul3A_118 : i32
      %add3A_120 = arith.constant 0 : i32
      %add3A_121 = arith.addi %add3A_120, %mul3A_119 : i32
      %add3A_122 = arith.constant 0 : i32
      %add3A_123 = arith.addi %add3A_121, %add3A_122 : i32
      %get3A_124 = arith.index_cast %add3A_123 : i32 to index
      %get3A_125 = arith.constant 128 : index
      %get3A_126 = tpu.vector_load %arg11[%get3A_124, %get3A_125] {strides = array<i32>} : memref<120x144xf32, #tpu.memory_space<vmem>>, vector<16xf32>,
      %get3A_127 = arith.index_cast %add3A_123 : i32 to index
      %get3A_128 = arith.constant 0 : index
      %get3A_129 = tpu.vector_load %arg13[%get3A_127, %get3A_128] {strides = array<i32>} : memref<120x16xf32, #tpu.memory_space<vmem>>, vector<16xf32>,
      %add3A_130 = arith.addf %get3A_126, %get3A_129 : vector<16xf32>
      %mul3A_131 = arith.constant 2.000000e-01 : f32
      %mul3A_132 = vector.broadcast %mul3A_131 : f32 to vector<16xf32>
      %mul3A_133 = arith.mulf %mul3A_132, %add3A_130 : vector<16xf32>
      %max3A = arith.maximumf %add3A_130, %mul3A_133 : vector<16xf32>
      %sub3A = arith.subf %max3A, %get3A_7 : vector<16xf32>
      %exp3A = math.exp %sub3A : vector<16xf32>
      %swap3A = arith.index_cast %add3A_123 : i32 to index
      %swap3A_134 = arith.constant 128 : index
      %swap3A_135 = tpu.vector_load %arg11[%swap3A, %swap3A_134] {strides = array<i32>} : memref<120x144xf32, #tpu.memory_space<vmem>>, vector<16xf32>,
      tpu.vector_store %arg11[%swap3A, %swap3A_134], %exp3A {strides = array<i32>} : memref<120x144xf32, #tpu.memory_space<vmem>>, vector<16xf32>,
      %add3A_136 = arith.constant 1 : i32
      %add3A_137 = arith.addi %add3A_121, %add3A_136 : i32
      %get3A_138 = arith.index_cast %add3A_137 : i32 to index
      %get3A_139 = arith.constant 128 : index
      %get3A_140 = tpu.vector_load %arg11[%get3A_138, %get3A_139] {strides = array<i32>} : memref<120x144xf32, #tpu.memory_space<vmem>>, vector<16xf32>,
      %get3A_141 = arith.index_cast %add3A_137 : i32 to index
      %get3A_142 = arith.constant 0 : index
      %get3A_143 = tpu.vector_load %arg13[%get3A_141, %get3A_142] {strides = array<i32>} : memref<120x16xf32, #tpu.memory_space<vmem>>, vector<16xf32>,
      %add3A_144 = arith.addf %get3A_140, %get3A_143 : vector<16xf32>
      %mul3A_145 = arith.constant 2.000000e-01 : f32
      %mul3A_146 = vector.broadcast %mul3A_145 : f32 to vector<16xf32>
      %mul3A_147 = arith.mulf %mul3A_146, %add3A_144 : vector<16xf32>
      %max3A_148 = arith.maximumf %add3A_144, %mul3A_147 : vector<16xf32>
      %sub3A_149 = arith.subf %max3A_148, %get3A_7 : vector<16xf32>
      %exp3A_150 = math.exp %sub3A_149 : vector<16xf32>
      %swap3A_151 = arith.index_cast %add3A_137 : i32 to index
      %swap3A_152 = arith.constant 128 : index
      %swap3A_153 = tpu.vector_load %arg11[%swap3A_151, %swap3A_152] {strides = array<i32>} : memref<120x144xf32, #tpu.memory_space<vmem>>, vector<16xf32>,
      tpu.vector_store %arg11[%swap3A_151, %swap3A_152], %exp3A_150 {strides = array<i32>} : memref<120x144xf32, #tpu.memory_space<vmem>>, vector<16xf32>,
      %add3A_154 = arith.constant 2 : i32
      %add3A_155 = arith.addi %add3A_121, %add3A_154 : i32
      %get3A_156 = arith.index_cast %add3A_155 : i32 to index
      %get3A_157 = arith.constant 128 : index
      %get3A_158 = tpu.vector_load %arg11[%get3A_156, %get3A_157] {strides = array<i32>} : memref<120x144xf32, #tpu.memory_space<vmem>>, vector<16xf32>,
      %get3A_159 = arith.index_cast %add3A_155 : i32 to index
      %get3A_160 = arith.constant 0 : index
      %get3A_161 = tpu.vector_load %arg13[%get3A_159, %get3A_160] {strides = array<i32>} : memref<120x16xf32, #tpu.memory_space<vmem>>, vector<16xf32>,
      %add3A_162 = arith.addf %get3A_158, %get3A_161 : vector<16xf32>
      %mul3A_163 = arith.constant 2.000000e-01 : f32
      %mul3A_164 = vector.broadcast %mul3A_163 : f32 to vector<16xf32>
      %mul3A_165 = arith.mulf %mul3A_164, %add3A_162 : vector<16xf32>
      %max3A_166 = arith.maximumf %add3A_162, %mul3A_165 : vector<16xf32>
      %sub3A_167 = arith.subf %max3A_166, %get3A_7 : vector<16xf32>
      %exp3A_168 = math.exp %sub3A_167 : vector<16xf32>
      %swap3A_169 = arith.index_cast %add3A_155 : i32 to index
      %swap3A_170 = arith.constant 128 : index
      %swap3A_171 = tpu.vector_load %arg11[%swap3A_169, %swap3A_170] {strides = array<i32>} : memref<120x144xf32, #tpu.memory_space<vmem>>, vector<16xf32>,
      tpu.vector_store %arg11[%swap3A_169, %swap3A_170], %exp3A_168 {strides = array<i32>} : memref<120x144xf32, #tpu.memory_space<vmem>>, vector<16xf32>,
      %add3A_172 = arith.constant 3 : i32
      %add3A_173 = arith.addi %add3A_121, %add3A_172 : i32
      %get3A_174 = arith.index_cast %add3A_173 : i32 to index
      %get3A_175 = arith.constant 128 : index
      %get3A_176 = tpu.vector_load %arg11[%get3A_174, %get3A_175] {strides = array<i32>} : memref<120x144xf32, #tpu.memory_space<vmem>>, vector<16xf32>,
      %get3A_177 = arith.index_cast %add3A_173 : i32 to index
      %get3A_178 = arith.constant 0 : index
      %get3A_179 = tpu.vector_load %arg13[%get3A_177, %get3A_178] {strides = array<i32>} : memref<120x16xf32, #tpu.memory_space<vmem>>, vector<16xf32>,
      %add3A_180 = arith.addf %get3A_176, %get3A_179 : vector<16xf32>
      %mul3A_181 = arith.constant 2.000000e-01 : f32
      %mul3A_182 = vector.broadcast %mul3A_181 : f32 to vector<16xf32>
      %mul3A_183 = arith.mulf %mul3A_182, %add3A_180 : vector<16xf32>
      %max3A_184 = arith.maximumf %add3A_180, %mul3A_183 : vector<16xf32>
      %sub3A_185 = arith.subf %max3A_184, %get3A_7 : vector<16xf32>
      %exp3A_186 = math.exp %sub3A_185 : vector<16xf32>
      %swap3A_187 = arith.index_cast %add3A_173 : i32 to index
      %swap3A_188 = arith.constant 128 : index
      %swap3A_189 = tpu.vector_load %arg11[%swap3A_187, %swap3A_188] {strides = array<i32>} : memref<120x144xf32, #tpu.memory_space<vmem>>, vector<16xf32>,
      tpu.vector_store %arg11[%swap3A_187, %swap3A_188], %exp3A_186 {strides = array<i32>} : memref<120x144xf32, #tpu.memory_space<vmem>>, vector<16xf32>,
    }
    %scan3A_58 = arith.constant 30 : i32
    %scan3A_59 = arith.constant 0 : i32
    %scan3A_60 = arith.constant 30 : i32
    %scan3A_61 = arith.addi %scan3A_59, %scan3A_60 : i32
    %scan3A_62 = arith.constant 1 : i32
    scf.for %scan3A_117 = %scan3A_59 to %scan3A_61 step %scan3A_62  : i32 {
      %mul3A_118 = arith.constant 4 : i32
      %mul3A_119 = arith.muli %scan3A_117, %mul3A_118 : i32
      %add3A_120 = arith.constant 0 : i32
      %add3A_121 = arith.addi %add3A_120, %mul3A_119 : i32
      %add3A_122 = arith.constant 0 : i32
      %add3A_123 = arith.addi %add3A_121, %add3A_122 : i32
      %get3A_124 = arith.index_cast %add3A_123 : i32 to index
      %get3A_125 = arith.constant 128 : index
      %get3A_126 = tpu.vector_load %arg11[%get3A_124, %get3A_125] {strides = array<i32>} : memref<120x144xf32, #tpu.memory_space<vmem>>, vector<16xf32>,
      %broadcast_in_dim3A = arith.constant 0 : i32
      %broadcast_in_dim3A_127 = vector.broadcast %broadcast_in_dim3A : i32 to vector<16x1xi32>
      %gather3A = vector.shape_cast %broadcast_in_dim3A_127 : vector<16x1xi32> to vector<16xi32>
      %gather3A_128 = tpu.dynamic_gather %get3A_126[%gather3A] in [0] : vector<16xf32>, vector<16xi32> -> vector<16xf32>
      %get3A_129 = arith.index_cast %add3A_123 : i32 to index
      %get3A_130 = arith.constant 0 : index
      %get3A_131 = tpu.vector_load %arg11[%get3A_129, %get3A_130] {strides = array<i32>} : memref<120x144xf32, #tpu.memory_space<vmem>>, vector<16xf32>,
      %mul3A_132 = arith.mulf %get3A_131, %gather3A_128 : vector<16xf32>
      %swap3A = arith.index_cast %add3A_123 : i32 to index
      %swap3A_133 = arith.constant 0 : index
      %swap3A_134 = tpu.vector_load %arg11[%swap3A, %swap3A_133] {strides = array<i32>} : memref<120x144xf32, #tpu.memory_space<vmem>>, vector<16xf32>,
      tpu.vector_store %arg11[%swap3A, %swap3A_133], %mul3A_132 {strides = array<i32>} : memref<120x144xf32, #tpu.memory_space<vmem>>, vector<16xf32>,
      %get3A_135 = arith.index_cast %add3A_123 : i32 to index
      %get3A_136 = arith.constant 16 : index
      %get3A_137 = tpu.vector_load %arg11[%get3A_135, %get3A_136] {strides = array<i32>} : memref<120x144xf32, #tpu.memory_space<vmem>>, vector<16xf32>,
      %mul3A_138 = arith.mulf %get3A_137, %gather3A_128 : vector<16xf32>
      %swap3A_139 = arith.index_cast %add3A_123 : i32 to index
      %swap3A_140 = arith.constant 16 : index
      %swap3A_141 = tpu.vector_load %arg11[%swap3A_139, %swap3A_140] {strides = array<i32>} : memref<120x144xf32, #tpu.memory_space<vmem>>, vector<16xf32>,
      tpu.vector_store %arg11[%swap3A_139, %swap3A_140], %mul3A_138 {strides = array<i32>} : memref<120x144xf32, #tpu.memory_space<vmem>>, vector<16xf32>,
      %broadcast_in_dim3A_142 = arith.constant 1 : i32
      %broadcast_in_dim3A_143 = vector.broadcast %broadcast_in_dim3A_142 : i32 to vector<16x1xi32>
      %gather3A_144 = vector.shape_cast %broadcast_in_dim3A_143 : vector<16x1xi32> to vector<16xi32>
      %gather3A_145 = tpu.dynamic_gather %get3A_126[%gather3A_144] in [0] : vector<16xf32>, vector<16xi32> -> vector<16xf32>
      %get3A_146 = arith.index_cast %add3A_123 : i32 to index
      %get3A_147 = arith.constant 32 : index
      %get3A_148 = tpu.vector_load %arg11[%get3A_146, %get3A_147] {strides = array<i32>} : memref<120x144xf32, #tpu.memory_space<vmem>>, vector<16xf32>,
      %mul3A_149 = arith.mulf %get3A_148, %gather3A_145 : vector<16xf32>
      %swap3A_150 = arith.index_cast %add3A_123 : i32 to index
      %swap3A_151 = arith.constant 32 : index
      %swap3A_152 = tpu.vector_load %arg11[%swap3A_150, %swap3A_151] {strides = array<i32>} : memref<120x144xf32, #tpu.memory_space<vmem>>, vector<16xf32>,
      tpu.vector_store %arg11[%swap3A_150, %swap3A_151], %mul3A_149 {strides = array<i32>} : memref<120x144xf32, #tpu.memory_space<vmem>>, vector<16xf32>,
      %get3A_153 = arith.index_cast %add3A_123 : i32 to index
      %get3A_154 = arith.constant 48 : index
      %get3A_155 = tpu.vector_load %arg11[%get3A_153, %get3A_154] {strides = array<i32>} : memref<120x144xf32, #tpu.memory_space<vmem>>, vector<16xf32>,
      %mul3A_156 = arith.mulf %get3A_155, %gather3A_145 : vector<16xf32>
      %swap3A_157 = arith.index_cast %add3A_123 : i32 to index
      %swap3A_158 = arith.constant 48 : index
      %swap3A_159 = tpu.vector_load %arg11[%swap3A_157, %swap3A_158] {strides = array<i32>} : memref<120x144xf32, #tpu.memory_space<vmem>>, vector<16xf32>,
      tpu.vector_store %arg11[%swap3A_157, %swap3A_158], %mul3A_156 {strides = array<i32>} : memref<120x144xf32, #tpu.memory_space<vmem>>, vector<16xf32>,
      %broadcast_in_dim3A_160 = arith.constant 2 : i32
      %broadcast_in_dim3A_161 = vector.broadcast %broadcast_in_dim3A_160 : i32 to vector<16x1xi32>
      %gather3A_162 = vector.shape_cast %broadcast_in_dim3A_161 : vector<16x1xi32> to vector<16xi32>
      %gather3A_163 = tpu.dynamic_gather %get3A_126[%gather3A_162] in [0] : vector<16xf32>, vector<16xi32> -> vector<16xf32>
      %get3A_164 = arith.index_cast %add3A_123 : i32 to index
      %get3A_165 = arith.constant 64 : index
      %get3A_166 = tpu.vector_load %arg11[%get3A_164, %get3A_165] {strides = array<i32>} : memref<120x144xf32, #tpu.memory_space<vmem>>, vector<16xf32>,
      %mul3A_167 = arith.mulf %get3A_166, %gather3A_163 : vector<16xf32>
      %swap3A_168 = arith.index_cast %add3A_123 : i32 to index
      %swap3A_169 = arith.constant 64 : index
      %swap3A_170 = tpu.vector_load %arg11[%swap3A_168, %swap3A_169] {strides = array<i32>} : memref<120x144xf32, #tpu.memory_space<vmem>>, vector<16xf32>,
      tpu.vector_store %arg11[%swap3A_168, %swap3A_169], %mul3A_167 {strides = array<i32>} : memref<120x144xf32, #tpu.memory_space<vmem>>, vector<16xf32>,
      %get3A_171 = arith.index_cast %add3A_123 : i32 to index
      %get3A_172 = arith.constant 80 : index
      %get3A_173 = tpu.vector_load %arg11[%get3A_171, %get3A_172] {strides = array<i32>} : memref<120x144xf32, #tpu.memory_space<vmem>>, vector<16xf32>,
      %mul3A_174 = arith.mulf %get3A_173, %gather3A_163 : vector<16xf32>
      %swap3A_175 = arith.index_cast %add3A_123 : i32 to index
      %swap3A_176 = arith.constant 80 : index
      %swap3A_177 = tpu.vector_load %arg11[%swap3A_175, %swap3A_176] {strides = array<i32>} : memref<120x144xf32, #tpu.memory_space<vmem>>, vector<16xf32>,
      tpu.vector_store %arg11[%swap3A_175, %swap3A_176], %mul3A_174 {strides = array<i32>} : memref<120x144xf32, #tpu.memory_space<vmem>>, vector<16xf32>,
      %broadcast_in_dim3A_178 = arith.constant 3 : i32
      %broadcast_in_dim3A_179 = vector.broadcast %broadcast_in_dim3A_178 : i32 to vector<16x1xi32>
      %gather3A_180 = vector.shape_cast %broadcast_in_dim3A_179 : vector<16x1xi32> to vector<16xi32>
      %gather3A_181 = tpu.dynamic_gather %get3A_126[%gather3A_180] in [0] : vector<16xf32>, vector<16xi32> -> vector<16xf32>
      %get3A_182 = arith.index_cast %add3A_123 : i32 to index
      %get3A_183 = arith.constant 96 : index
      %get3A_184 = tpu.vector_load %arg11[%get3A_182, %get3A_183] {strides = array<i32>} : memref<120x144xf32, #tpu.memory_space<vmem>>, vector<16xf32>,
      %mul3A_185 = arith.mulf %get3A_184, %gather3A_181 : vector<16xf32>
      %swap3A_186 = arith.index_cast %add3A_123 : i32 to index
      %swap3A_187 = arith.constant 96 : index
      %swap3A_188 = tpu.vector_load %arg11[%swap3A_186, %swap3A_187] {strides = array<i32>} : memref<120x144xf32, #tpu.memory_space<vmem>>, vector<16xf32>,
      tpu.vector_store %arg11[%swap3A_186, %swap3A_187], %mul3A_185 {strides = array<i32>} : memref<120x144xf32, #tpu.memory_space<vmem>>, vector<16xf32>,
      %get3A_189 = arith.index_cast %add3A_123 : i32 to index
      %get3A_190 = arith.constant 112 : index
      %get3A_191 = tpu.vector_load %arg11[%get3A_189, %get3A_190] {strides = array<i32>} : memref<120x144xf32, #tpu.memory_space<vmem>>, vector<16xf32>,
      %mul3A_192 = arith.mulf %get3A_191, %gather3A_181 : vector<16xf32>
      %swap3A_193 = arith.index_cast %add3A_123 : i32 to index
      %swap3A_194 = arith.constant 112 : index
      %swap3A_195 = tpu.vector_load %arg11[%swap3A_193, %swap3A_194] {strides = array<i32>} : memref<120x144xf32, #tpu.memory_space<vmem>>, vector<16xf32>,
      tpu.vector_store %arg11[%swap3A_193, %swap3A_194], %mul3A_192 {strides = array<i32>} : memref<120x144xf32, #tpu.memory_space<vmem>>, vector<16xf32>,
      %add3A_196 = arith.constant 1 : i32
      %add3A_197 = arith.addi %add3A_121, %add3A_196 : i32
      %get3A_198 = arith.index_cast %add3A_197 : i32 to index
      %get3A_199 = arith.constant 128 : index
      %get3A_200 = tpu.vector_load %arg11[%get3A_198, %get3A_199] {strides = array<i32>} : memref<120x144xf32, #tpu.memory_space<vmem>>, vector<16xf32>,
      %broadcast_in_dim3A_201 = arith.constant 0 : i32
      %broadcast_in_dim3A_202 = vector.broadcast %broadcast_in_dim3A_201 : i32 to vector<16x1xi32>
      %gather3A_203 = vector.shape_cast %broadcast_in_dim3A_202 : vector<16x1xi32> to vector<16xi32>
      %gather3A_204 = tpu.dynamic_gather %get3A_200[%gather3A_203] in [0] : vector<16xf32>, vector<16xi32> -> vector<16xf32>
      %get3A_205 = arith.index_cast %add3A_197 : i32 to index
      %get3A_206 = arith.constant 0 : index
      %get3A_207 = tpu.vector_load %arg11[%get3A_205, %get3A_206] {strides = array<i32>} : memref<120x144xf32, #tpu.memory_space<vmem>>, vector<16xf32>,
      %mul3A_208 = arith.mulf %get3A_207, %gather3A_204 : vector<16xf32>
      %swap3A_209 = arith.index_cast %add3A_197 : i32 to index
      %swap3A_210 = arith.constant 0 : index
      %swap3A_211 = tpu.vector_load %arg11[%swap3A_209, %swap3A_210] {strides = array<i32>} : memref<120x144xf32, #tpu.memory_space<vmem>>, vector<16xf32>,
      tpu.vector_store %arg11[%swap3A_209, %swap3A_210], %mul3A_208 {strides = array<i32>} : memref<120x144xf32, #tpu.memory_space<vmem>>, vector<16xf32>,
      %get3A_212 = arith.index_cast %add3A_197 : i32 to index
      %get3A_213 = arith.constant 16 : index
      %get3A_214 = tpu.vector_load %arg11[%get3A_212, %get3A_213] {strides = array<i32>} : memref<120x144xf32, #tpu.memory_space<vmem>>, vector<16xf32>,
      %mul3A_215 = arith.mulf %get3A_214, %gather3A_204 : vector<16xf32>
      %swap3A_216 = arith.index_cast %add3A_197 : i32 to index
      %swap3A_217 = arith.constant 16 : index
      %swap3A_218 = tpu.vector_load %arg11[%swap3A_216, %swap3A_217] {strides = array<i32>} : memref<120x144xf32, #tpu.memory_space<vmem>>, vector<16xf32>,
      tpu.vector_store %arg11[%swap3A_216, %swap3A_217], %mul3A_215 {strides = array<i32>} : memref<120x144xf32, #tpu.memory_space<vmem>>, vector<16xf32>,
      %broadcast_in_dim3A_219 = arith.constant 1 : i32
      %broadcast_in_dim3A_220 = vector.broadcast %broadcast_in_dim3A_219 : i32 to vector<16x1xi32>
      %gather3A_221 = vector.shape_cast %broadcast_in_dim3A_220 : vector<16x1xi32> to vector<16xi32>
      %gather3A_222 = tpu.dynamic_gather %get3A_200[%gather3A_221] in [0] : vector<16xf32>, vector<16xi32> -> vector<16xf32>
      %get3A_223 = arith.index_cast %add3A_197 : i32 to index
      %get3A_224 = arith.constant 32 : index
      %get3A_225 = tpu.vector_load %arg11[%get3A_223, %get3A_224] {strides = array<i32>} : memref<120x144xf32, #tpu.memory_space<vmem>>, vector<16xf32>,
      %mul3A_226 = arith.mulf %get3A_225, %gather3A_222 : vector<16xf32>
      %swap3A_227 = arith.index_cast %add3A_197 : i32 to index
      %swap3A_228 = arith.constant 32 : index
      %swap3A_229 = tpu.vector_load %arg11[%swap3A_227, %swap3A_228] {strides = array<i32>} : memref<120x144xf32, #tpu.memory_space<vmem>>, vector<16xf32>,
      tpu.vector_store %arg11[%swap3A_227, %swap3A_228], %mul3A_226 {strides = array<i32>} : memref<120x144xf32, #tpu.memory_space<vmem>>, vector<16xf32>,
      %get3A_230 = arith.index_cast %add3A_197 : i32 to index
      %get3A_231 = arith.constant 48 : index
      %get3A_232 = tpu.vector_load %arg11[%get3A_230, %get3A_231] {strides = array<i32>} : memref<120x144xf32, #tpu.memory_space<vmem>>, vector<16xf32>,
      %mul3A_233 = arith.mulf %get3A_232, %gather3A_222 : vector<16xf32>
      %swap3A_234 = arith.index_cast %add3A_197 : i32 to index
      %swap3A_235 = arith.constant 48 : index
      %swap3A_236 = tpu.vector_load %arg11[%swap3A_234, %swap3A_235] {strides = array<i32>} : memref<120x144xf32, #tpu.memory_space<vmem>>, vector<16xf32>,
      tpu.vector_store %arg11[%swap3A_234, %swap3A_235], %mul3A_233 {strides = array<i32>} : memref<120x144xf32, #tpu.memory_space<vmem>>, vector<16xf32>,
      %broadcast_in_dim3A_237 = arith.constant 2 : i32
      %broadcast_in_dim3A_238 = vector.broadcast %broadcast_in_dim3A_237 : i32 to vector<16x1xi32>
      %gather3A_239 = vector.shape_cast %broadcast_in_dim3A_238 : vector<16x1xi32> to vector<16xi32>
      %gather3A_240 = tpu.dynamic_gather %get3A_200[%gather3A_239] in [0] : vector<16xf32>, vector<16xi32> -> vector<16xf32>
      %get3A_241 = arith.index_cast %add3A_197 : i32 to index
      %get3A_242 = arith.constant 64 : index
      %get3A_243 = tpu.vector_load %arg11[%get3A_241, %get3A_242] {strides = array<i32>} : memref<120x144xf32, #tpu.memory_space<vmem>>, vector<16xf32>,
      %mul3A_244 = arith.mulf %get3A_243, %gather3A_240 : vector<16xf32>
      %swap3A_245 = arith.index_cast %add3A_197 : i32 to index
      %swap3A_246 = arith.constant 64 : index
      %swap3A_247 = tpu.vector_load %arg11[%swap3A_245, %swap3A_246] {strides = array<i32>} : memref<120x144xf32, #tpu.memory_space<vmem>>, vector<16xf32>,
      tpu.vector_store %arg11[%swap3A_245, %swap3A_246], %mul3A_244 {strides = array<i32>} : memref<120x144xf32, #tpu.memory_space<vmem>>, vector<16xf32>,
      %get3A_248 = arith.index_cast %add3A_197 : i32 to index
      %get3A_249 = arith.constant 80 : index
      %get3A_250 = tpu.vector_load %arg11[%get3A_248, %get3A_249] {strides = array<i32>} : memref<120x144xf32, #tpu.memory_space<vmem>>, vector<16xf32>,
      %mul3A_251 = arith.mulf %get3A_250, %gather3A_240 : vector<16xf32>
      %swap3A_252 = arith.index_cast %add3A_197 : i32 to index
      %swap3A_253 = arith.constant 80 : index
      %swap3A_254 = tpu.vector_load %arg11[%swap3A_252, %swap3A_253] {strides = array<i32>} : memref<120x144xf32, #tpu.memory_space<vmem>>, vector<16xf32>,
      tpu.vector_store %arg11[%swap3A_252, %swap3A_253], %mul3A_251 {strides = array<i32>} : memref<120x144xf32, #tpu.memory_space<vmem>>, vector<16xf32>,
      %broadcast_in_dim3A_255 = arith.constant 3 : i32
      %broadcast_in_dim3A_256 = vector.broadcast %broadcast_in_dim3A_255 : i32 to vector<16x1xi32>
      %gather3A_257 = vector.shape_cast %broadcast_in_dim3A_256 : vector<16x1xi32> to vector<16xi32>
      %gather3A_258 = tpu.dynamic_gather %get3A_200[%gather3A_257] in [0] : vector<16xf32>, vector<16xi32> -> vector<16xf32>
      %get3A_259 = arith.index_cast %add3A_197 : i32 to index
      %get3A_260 = arith.constant 96 : index
      %get3A_261 = tpu.vector_load %arg11[%get3A_259, %get3A_260] {strides = array<i32>} : memref<120x144xf32, #tpu.memory_space<vmem>>, vector<16xf32>,
      %mul3A_262 = arith.mulf %get3A_261, %gather3A_258 : vector<16xf32>
      %swap3A_263 = arith.index_cast %add3A_197 : i32 to index
      %swap3A_264 = arith.constant 96 : index
      %swap3A_265 = tpu.vector_load %arg11[%swap3A_263, %swap3A_264] {strides = array<i32>} : memref<120x144xf32, #tpu.memory_space<vmem>>, vector<16xf32>,
      tpu.vector_store %arg11[%swap3A_263, %swap3A_264], %mul3A_262 {strides = array<i32>} : memref<120x144xf32, #tpu.memory_space<vmem>>, vector<16xf32>,
      %get3A_266 = arith.index_cast %add3A_197 : i32 to index
      %get3A_267 = arith.constant 112 : index
      %get3A_268 = tpu.vector_load %arg11[%get3A_266, %get3A_267] {strides = array<i32>} : memref<120x144xf32, #tpu.memory_space<vmem>>, vector<16xf32>,
      %mul3A_269 = arith.mulf %get3A_268, %gather3A_258 : vector<16xf32>
      %swap3A_270 = arith.index_cast %add3A_197 : i32 to index
      %swap3A_271 = arith.constant 112 : index
      %swap3A_272 = tpu.vector_load %arg11[%swap3A_270, %swap3A_271] {strides = array<i32>} : memref<120x144xf32, #tpu.memory_space<vmem>>, vector<16xf32>,
      tpu.vector_store %arg11[%swap3A_270, %swap3A_271], %mul3A_269 {strides = array<i32>} : memref<120x144xf32, #tpu.memory_space<vmem>>, vector<16xf32>,
      %add3A_273 = arith.constant 2 : i32
      %add3A_274 = arith.addi %add3A_121, %add3A_273 : i32
      %get3A_275 = arith.index_cast %add3A_274 : i32 to index
      %get3A_276 = arith.constant 128 : index
      %get3A_277 = tpu.vector_load %arg11[%get3A_275, %get3A_276] {strides = array<i32>} : memref<120x144xf32, #tpu.memory_space<vmem>>, vector<16xf32>,
      %broadcast_in_dim3A_278 = arith.constant 0 : i32
      %broadcast_in_dim3A_279 = vector.broadcast %broadcast_in_dim3A_278 : i32 to vector<16x1xi32>
      %gather3A_280 = vector.shape_cast %broadcast_in_dim3A_279 : vector<16x1xi32> to vector<16xi32>
      %gather3A_281 = tpu.dynamic_gather %get3A_277[%gather3A_280] in [0] : vector<16xf32>, vector<16xi32> -> vector<16xf32>
      %get3A_282 = arith.index_cast %add3A_274 : i32 to index
      %get3A_283 = arith.constant 0 : index
      %get3A_284 = tpu.vector_load %arg11[%get3A_282, %get3A_283] {strides = array<i32>} : memref<120x144xf32, #tpu.memory_space<vmem>>, vector<16xf32>,
      %mul3A_285 = arith.mulf %get3A_284, %gather3A_281 : vector<16xf32>
      %swap3A_286 = arith.index_cast %add3A_274 : i32 to index
      %swap3A_287 = arith.constant 0 : index
      %swap3A_288 = tpu.vector_load %arg11[%swap3A_286, %swap3A_287] {strides = array<i32>} : memref<120x144xf32, #tpu.memory_space<vmem>>, vector<16xf32>,
      tpu.vector_store %arg11[%swap3A_286, %swap3A_287], %mul3A_285 {strides = array<i32>} : memref<120x144xf32, #tpu.memory_space<vmem>>, vector<16xf32>,
      %get3A_289 = arith.index_cast %add3A_274 : i32 to index
      %get3A_290 = arith.constant 16 : index
      %get3A_291 = tpu.vector_load %arg11[%get3A_289, %get3A_290] {strides = array<i32>} : memref<120x144xf32, #tpu.memory_space<vmem>>, vector<16xf32>,
      %mul3A_292 = arith.mulf %get3A_291, %gather3A_281 : vector<16xf32>
      %swap3A_293 = arith.index_cast %add3A_274 : i32 to index
      %swap3A_294 = arith.constant 16 : index
      %swap3A_295 = tpu.vector_load %arg11[%swap3A_293, %swap3A_294] {strides = array<i32>} : memref<120x144xf32, #tpu.memory_space<vmem>>, vector<16xf32>,
      tpu.vector_store %arg11[%swap3A_293, %swap3A_294], %mul3A_292 {strides = array<i32>} : memref<120x144xf32, #tpu.memory_space<vmem>>, vector<16xf32>,
      %broadcast_in_dim3A_296 = arith.constant 1 : i32
      %broadcast_in_dim3A_297 = vector.broadcast %broadcast_in_dim3A_296 : i32 to vector<16x1xi32>
      %gather3A_298 = vector.shape_cast %broadcast_in_dim3A_297 : vector<16x1xi32> to vector<16xi32>
      %gather3A_299 = tpu.dynamic_gather %get3A_277[%gather3A_298] in [0] : vector<16xf32>, vector<16xi32> -> vector<16xf32>
      %get3A_300 = arith.index_cast %add3A_274 : i32 to index
      %get3A_301 = arith.constant 32 : index
      %get3A_302 = tpu.vector_load %arg11[%get3A_300, %get3A_301] {strides = array<i32>} : memref<120x144xf32, #tpu.memory_space<vmem>>, vector<16xf32>,
      %mul3A_303 = arith.mulf %get3A_302, %gather3A_299 : vector<16xf32>
      %swap3A_304 = arith.index_cast %add3A_274 : i32 to index
      %swap3A_305 = arith.constant 32 : index
      %swap3A_306 = tpu.vector_load %arg11[%swap3A_304, %swap3A_305] {strides = array<i32>} : memref<120x144xf32, #tpu.memory_space<vmem>>, vector<16xf32>,
      tpu.vector_store %arg11[%swap3A_304, %swap3A_305], %mul3A_303 {strides = array<i32>} : memref<120x144xf32, #tpu.memory_space<vmem>>, vector<16xf32>,
      %get3A_307 = arith.index_cast %add3A_274 : i32 to index
      %get3A_308 = arith.constant 48 : index
      %get3A_309 = tpu.vector_load %arg11[%get3A_307, %get3A_308] {strides = array<i32>} : memref<120x144xf32, #tpu.memory_space<vmem>>, vector<16xf32>,
      %mul3A_310 = arith.mulf %get3A_309, %gather3A_299 : vector<16xf32>
      %swap3A_311 = arith.index_cast %add3A_274 : i32 to index
      %swap3A_312 = arith.constant 48 : index
      %swap3A_313 = tpu.vector_load %arg11[%swap3A_311, %swap3A_312] {strides = array<i32>} : memref<120x144xf32, #tpu.memory_space<vmem>>, vector<16xf32>,
      tpu.vector_store %arg11[%swap3A_311, %swap3A_312], %mul3A_310 {strides = array<i32>} : memref<120x144xf32, #tpu.memory_space<vmem>>, vector<16xf32>,
      %broadcast_in_dim3A_314 = arith.constant 2 : i32
      %broadcast_in_dim3A_315 = vector.broadcast %broadcast_in_dim3A_314 : i32 to vector<16x1xi32>
      %gather3A_316 = vector.shape_cast %broadcast_in_dim3A_315 : vector<16x1xi32> to vector<16xi32>
      %gather3A_317 = tpu.dynamic_gather %get3A_277[%gather3A_316] in [0] : vector<16xf32>, vector<16xi32> -> vector<16xf32>
      %get3A_318 = arith.index_cast %add3A_274 : i32 to index
      %get3A_319 = arith.constant 64 : index
      %get3A_320 = tpu.vector_load %arg11[%get3A_318, %get3A_319] {strides = array<i32>} : memref<120x144xf32, #tpu.memory_space<vmem>>, vector<16xf32>,
      %mul3A_321 = arith.mulf %get3A_320, %gather3A_317 : vector<16xf32>
      %swap3A_322 = arith.index_cast %add3A_274 : i32 to index
      %swap3A_323 = arith.constant 64 : index
      %swap3A_324 = tpu.vector_load %arg11[%swap3A_322, %swap3A_323] {strides = array<i32>} : memref<120x144xf32, #tpu.memory_space<vmem>>, vector<16xf32>,
      tpu.vector_store %arg11[%swap3A_322, %swap3A_323], %mul3A_321 {strides = array<i32>} : memref<120x144xf32, #tpu.memory_space<vmem>>, vector<16xf32>,
      %get3A_325 = arith.index_cast %add3A_274 : i32 to index
      %get3A_326 = arith.constant 80 : index
      %get3A_327 = tpu.vector_load %arg11[%get3A_325, %get3A_326] {strides = array<i32>} : memref<120x144xf32, #tpu.memory_space<vmem>>, vector<16xf32>,
      %mul3A_328 = arith.mulf %get3A_327, %gather3A_317 : vector<16xf32>
      %swap3A_329 = arith.index_cast %add3A_274 : i32 to index
      %swap3A_330 = arith.constant 80 : index
      %swap3A_331 = tpu.vector_load %arg11[%swap3A_329, %swap3A_330] {strides = array<i32>} : memref<120x144xf32, #tpu.memory_space<vmem>>, vector<16xf32>,
      tpu.vector_store %arg11[%swap3A_329, %swap3A_330], %mul3A_328 {strides = array<i32>} : memref<120x144xf32, #tpu.memory_space<vmem>>, vector<16xf32>,
      %broadcast_in_dim3A_332 = arith.constant 3 : i32
      %broadcast_in_dim3A_333 = vector.broadcast %broadcast_in_dim3A_332 : i32 to vector<16x1xi32>
      %gather3A_334 = vector.shape_cast %broadcast_in_dim3A_333 : vector<16x1xi32> to vector<16xi32>
      %gather3A_335 = tpu.dynamic_gather %get3A_277[%gather3A_334] in [0] : vector<16xf32>, vector<16xi32> -> vector<16xf32>
      %get3A_336 = arith.index_cast %add3A_274 : i32 to index
      %get3A_337 = arith.constant 96 : index
      %get3A_338 = tpu.vector_load %arg11[%get3A_336, %get3A_337] {strides = array<i32>} : memref<120x144xf32, #tpu.memory_space<vmem>>, vector<16xf32>,
      %mul3A_339 = arith.mulf %get3A_338, %gather3A_335 : vector<16xf32>
      %swap3A_340 = arith.index_cast %add3A_274 : i32 to index
      %swap3A_341 = arith.constant 96 : index
      %swap3A_342 = tpu.vector_load %arg11[%swap3A_340, %swap3A_341] {strides = array<i32>} : memref<120x144xf32, #tpu.memory_space<vmem>>, vector<16xf32>,
      tpu.vector_store %arg11[%swap3A_340, %swap3A_341], %mul3A_339 {strides = array<i32>} : memref<120x144xf32, #tpu.memory_space<vmem>>, vector<16xf32>,
      %get3A_343 = arith.index_cast %add3A_274 : i32 to index
      %get3A_344 = arith.constant 112 : index
      %get3A_345 = tpu.vector_load %arg11[%get3A_343, %get3A_344] {strides = array<i32>} : memref<120x144xf32, #tpu.memory_space<vmem>>, vector<16xf32>,
      %mul3A_346 = arith.mulf %get3A_345, %gather3A_335 : vector<16xf32>
      %swap3A_347 = arith.index_cast %add3A_274 : i32 to index
      %swap3A_348 = arith.constant 112 : index
      %swap3A_349 = tpu.vector_load %arg11[%swap3A_347, %swap3A_348] {strides = array<i32>} : memref<120x144xf32, #tpu.memory_space<vmem>>, vector<16xf32>,
      tpu.vector_store %arg11[%swap3A_347, %swap3A_348], %mul3A_346 {strides = array<i32>} : memref<120x144xf32, #tpu.memory_space<vmem>>, vector<16xf32>,
      %add3A_350 = arith.constant 3 : i32
      %add3A_351 = arith.addi %add3A_121, %add3A_350 : i32
      %get3A_352 = arith.index_cast %add3A_351 : i32 to index
      %get3A_353 = arith.constant 128 : index
      %get3A_354 = tpu.vector_load %arg11[%get3A_352, %get3A_353] {strides = array<i32>} : memref<120x144xf32, #tpu.memory_space<vmem>>, vector<16xf32>,
      %broadcast_in_dim3A_355 = arith.constant 0 : i32
      %broadcast_in_dim3A_356 = vector.broadcast %broadcast_in_dim3A_355 : i32 to vector<16x1xi32>
      %gather3A_357 = vector.shape_cast %broadcast_in_dim3A_356 : vector<16x1xi32> to vector<16xi32>
      %gather3A_358 = tpu.dynamic_gather %get3A_354[%gather3A_357] in [0] : vector<16xf32>, vector<16xi32> -> vector<16xf32>
      %get3A_359 = arith.index_cast %add3A_351 : i32 to index
      %get3A_360 = arith.constant 0 : index
      %get3A_361 = tpu.vector_load %arg11[%get3A_359, %get3A_360] {strides = array<i32>} : memref<120x144xf32, #tpu.memory_space<vmem>>, vector<16xf32>,
      %mul3A_362 = arith.mulf %get3A_361, %gather3A_358 : vector<16xf32>
      %swap3A_363 = arith.index_cast %add3A_351 : i32 to index
      %swap3A_364 = arith.constant 0 : index
      %swap3A_365 = tpu.vector_load %arg11[%swap3A_363, %swap3A_364] {strides = array<i32>} : memref<120x144xf32, #tpu.memory_space<vmem>>, vector<16xf32>,
      tpu.vector_store %arg11[%swap3A_363, %swap3A_364], %mul3A_362 {strides = array<i32>} : memref<120x144xf32, #tpu.memory_space<vmem>>, vector<16xf32>,
      %get3A_366 = arith.index_cast %add3A_351 : i32 to index
      %get3A_367 = arith.constant 16 : index
      %get3A_368 = tpu.vector_load %arg11[%get3A_366, %get3A_367] {strides = array<i32>} : memref<120x144xf32, #tpu.memory_space<vmem>>, vector<16xf32>,
      %mul3A_369 = arith.mulf %get3A_368, %gather3A_358 : vector<16xf32>
      %swap3A_370 = arith.index_cast %add3A_351 : i32 to index
      %swap3A_371 = arith.constant 16 : index
      %swap3A_372 = tpu.vector_load %arg11[%swap3A_370, %swap3A_371] {strides = array<i32>} : memref<120x144xf32, #tpu.memory_space<vmem>>, vector<16xf32>,
      tpu.vector_store %arg11[%swap3A_370, %swap3A_371], %mul3A_369 {strides = array<i32>} : memref<120x144xf32, #tpu.memory_space<vmem>>, vector<16xf32>,
      %broadcast_in_dim3A_373 = arith.constant 1 : i32
      %broadcast_in_dim3A_374 = vector.broadcast %broadcast_in_dim3A_373 : i32 to vector<16x1xi32>
      %gather3A_375 = vector.shape_cast %broadcast_in_dim3A_374 : vector<16x1xi32> to vector<16xi32>
      %gather3A_376 = tpu.dynamic_gather %get3A_354[%gather3A_375] in [0] : vector<16xf32>, vector<16xi32> -> vector<16xf32>
      %get3A_377 = arith.index_cast %add3A_351 : i32 to index
      %get3A_378 = arith.constant 32 : index
      %get3A_379 = tpu.vector_load %arg11[%get3A_377, %get3A_378] {strides = array<i32>} : memref<120x144xf32, #tpu.memory_space<vmem>>, vector<16xf32>,
      %mul3A_380 = arith.mulf %get3A_379, %gather3A_376 : vector<16xf32>
      %swap3A_381 = arith.index_cast %add3A_351 : i32 to index
      %swap3A_382 = arith.constant 32 : index
      %swap3A_383 = tpu.vector_load %arg11[%swap3A_381, %swap3A_382] {strides = array<i32>} : memref<120x144xf32, #tpu.memory_space<vmem>>, vector<16xf32>,
      tpu.vector_store %arg11[%swap3A_381, %swap3A_382], %mul3A_380 {strides = array<i32>} : memref<120x144xf32, #tpu.memory_space<vmem>>, vector<16xf32>,
      %get3A_384 = arith.index_cast %add3A_351 : i32 to index
      %get3A_385 = arith.constant 48 : index
      %get3A_386 = tpu.vector_load %arg11[%get3A_384, %get3A_385] {strides = array<i32>} : memref<120x144xf32, #tpu.memory_space<vmem>>, vector<16xf32>,
      %mul3A_387 = arith.mulf %get3A_386, %gather3A_376 : vector<16xf32>
      %swap3A_388 = arith.index_cast %add3A_351 : i32 to index
      %swap3A_389 = arith.constant 48 : index
      %swap3A_390 = tpu.vector_load %arg11[%swap3A_388, %swap3A_389] {strides = array<i32>} : memref<120x144xf32, #tpu.memory_space<vmem>>, vector<16xf32>,
      tpu.vector_store %arg11[%swap3A_388, %swap3A_389], %mul3A_387 {strides = array<i32>} : memref<120x144xf32, #tpu.memory_space<vmem>>, vector<16xf32>,
      %broadcast_in_dim3A_391 = arith.constant 2 : i32
      %broadcast_in_dim3A_392 = vector.broadcast %broadcast_in_dim3A_391 : i32 to vector<16x1xi32>
      %gather3A_393 = vector.shape_cast %broadcast_in_dim3A_392 : vector<16x1xi32> to vector<16xi32>
      %gather3A_394 = tpu.dynamic_gather %get3A_354[%gather3A_393] in [0] : vector<16xf32>, vector<16xi32> -> vector<16xf32>
      %get3A_395 = arith.index_cast %add3A_351 : i32 to index
      %get3A_396 = arith.constant 64 : index
      %get3A_397 = tpu.vector_load %arg11[%get3A_395, %get3A_396] {strides = array<i32>} : memref<120x144xf32, #tpu.memory_space<vmem>>, vector<16xf32>,
      %mul3A_398 = arith.mulf %get3A_397, %gather3A_394 : vector<16xf32>
      %swap3A_399 = arith.index_cast %add3A_351 : i32 to index
      %swap3A_400 = arith.constant 64 : index
      %swap3A_401 = tpu.vector_load %arg11[%swap3A_399, %swap3A_400] {strides = array<i32>} : memref<120x144xf32, #tpu.memory_space<vmem>>, vector<16xf32>,
      tpu.vector_store %arg11[%swap3A_399, %swap3A_400], %mul3A_398 {strides = array<i32>} : memref<120x144xf32, #tpu.memory_space<vmem>>, vector<16xf32>,
      %get3A_402 = arith.index_cast %add3A_351 : i32 to index
      %get3A_403 = arith.constant 80 : index
      %get3A_404 = tpu.vector_load %arg11[%get3A_402, %get3A_403] {strides = array<i32>} : memref<120x144xf32, #tpu.memory_space<vmem>>, vector<16xf32>,
      %mul3A_405 = arith.mulf %get3A_404, %gather3A_394 : vector<16xf32>
      %swap3A_406 = arith.index_cast %add3A_351 : i32 to index
      %swap3A_407 = arith.constant 80 : index
      %swap3A_408 = tpu.vector_load %arg11[%swap3A_406, %swap3A_407] {strides = array<i32>} : memref<120x144xf32, #tpu.memory_space<vmem>>, vector<16xf32>,
      tpu.vector_store %arg11[%swap3A_406, %swap3A_407], %mul3A_405 {strides = array<i32>} : memref<120x144xf32, #tpu.memory_space<vmem>>, vector<16xf32>,
      %broadcast_in_dim3A_409 = arith.constant 3 : i32
      %broadcast_in_dim3A_410 = vector.broadcast %broadcast_in_dim3A_409 : i32 to vector<16x1xi32>
      %gather3A_411 = vector.shape_cast %broadcast_in_dim3A_410 : vector<16x1xi32> to vector<16xi32>
      %gather3A_412 = tpu.dynamic_gather %get3A_354[%gather3A_411] in [0] : vector<16xf32>, vector<16xi32> -> vector<16xf32>
      %get3A_413 = arith.index_cast %add3A_351 : i32 to index
      %get3A_414 = arith.constant 96 : index
      %get3A_415 = tpu.vector_load %arg11[%get3A_413, %get3A_414] {strides = array<i32>} : memref<120x144xf32, #tpu.memory_space<vmem>>, vector<16xf32>,
      %mul3A_416 = arith.mulf %get3A_415, %gather3A_412 : vector<16xf32>
      %swap3A_417 = arith.index_cast %add3A_351 : i32 to index
      %swap3A_418 = arith.constant 96 : index
      %swap3A_419 = tpu.vector_load %arg11[%swap3A_417, %swap3A_418] {strides = array<i32>} : memref<120x144xf32, #tpu.memory_space<vmem>>, vector<16xf32>,
      tpu.vector_store %arg11[%swap3A_417, %swap3A_418], %mul3A_416 {strides = array<i32>} : memref<120x144xf32, #tpu.memory_space<vmem>>, vector<16xf32>,
      %get3A_420 = arith.index_cast %add3A_351 : i32 to index
      %get3A_421 = arith.constant 112 : index
      %get3A_422 = tpu.vector_load %arg11[%get3A_420, %get3A_421] {strides = array<i32>} : memref<120x144xf32, #tpu.memory_space<vmem>>, vector<16xf32>,
      %mul3A_423 = arith.mulf %get3A_422, %gather3A_412 : vector<16xf32>
      %swap3A_424 = arith.index_cast %add3A_351 : i32 to index
      %swap3A_425 = arith.constant 112 : index
      %swap3A_426 = tpu.vector_load %arg11[%swap3A_424, %swap3A_425] {strides = array<i32>} : memref<120x144xf32, #tpu.memory_space<vmem>>, vector<16xf32>,
      tpu.vector_store %arg11[%swap3A_424, %swap3A_425], %mul3A_423 {strides = array<i32>} : memref<120x144xf32, #tpu.memory_space<vmem>>, vector<16xf32>,
    }
    %scan3A_63 = arith.constant 30 : i32
    %dma_start3A_64 = arith.constant 1 : i32
    %dma_start3A_65 = arith.constant 0 : i32
    %dma_start3A_66 = tpu.memref_slice %arg9[%dma_start3A_64, %dma_start3A_65] : memref<2x120xi32, #tpu.memory_space<vmem>> -> memref<1x120xi32, #tpu.memory_space<vmem>>
    %dma_start3A_67 = tpu.memref_squeeze %dma_start3A_66 : memref<1x120xi32, #tpu.memory_space<vmem>> -> memref<120xi32, #tpu.memory_space<vmem>>
    %dma_start3A_68 = arith.constant 0 : i32
    %dma_start3A_69 = arith.constant 0 : i32
    %dma_start3A_70 = tpu.memref_slice %arg8[%dma_start3A_68, %dma_start3A_69] : memref<10016x144xf32, #tpu.memory_space<vmem_shared>> -> memref<10016x144xf32, #tpu.memory_space<vmem_shared>>
    tpu.enqueue_indirect_dma source(%arg11 : memref<120x144xf32, #tpu.memory_space<vmem>>) target(%dma_start3A_70 : memref<10016x144xf32, #tpu.memory_space<vmem_shared>>) offsets(%dma_start3A_67 : memref<120xi32, #tpu.memory_space<vmem>>) semaphore(%arg20 : memref<!tpu.dma_semaphore, #tpu.memory_space<semaphore_mem>>) {add = true}
    %dma_wait3A_71 = arith.constant 0 : i32
    %dma_wait3A_72 = arith.constant 0 : i32
    %dma_wait3A_73 = tpu.memref_slice %arg10[%dma_wait3A_71, %dma_wait3A_72] : memref<2x120xi32, #tpu.memory_space<vmem>> -> memref<1x120xi32, #tpu.memory_space<vmem>>
    %dma_wait3A_74 = tpu.memref_squeeze %dma_wait3A_73 : memref<1x120xi32, #tpu.memory_space<vmem>> -> memref<120xi32, #tpu.memory_space<vmem>>
    %dma_wait3A_75 = arith.constant 0 : i32
    %dma_wait3A_76 = arith.constant 0 : i32
    %dma_wait3A_77 = tpu.memref_slice %arg2[%dma_wait3A_75, %dma_wait3A_76] : memref<10016x144xf32, #tpu.memory_space<hbm>> -> memref<10016x144xf32, #tpu.memory_space<hbm>>
    tpu.wait_indirect_dma semaphore(%arg17 : memref<!tpu.dma_semaphore, #tpu.memory_space<semaphore_mem>>) src(%dma_wait3A_77 : memref<10016x144xf32, #tpu.memory_space<hbm>>) dst(%arg12 : memref<120x144xf32, #tpu.memory_space<vmem>>)
    %dma_wait3A_78 = arith.constant 1 : i32
    %dma_wait3A_79 = arith.constant 0 : i32
    %dma_wait3A_80 = tpu.memref_slice %arg10[%dma_wait3A_78, %dma_wait3A_79] : memref<2x120xi32, #tpu.memory_space<vmem>> -> memref<1x120xi32, #tpu.memory_space<vmem>>
    %dma_wait3A_81 = tpu.memref_squeeze %dma_wait3A_80 : memref<1x120xi32, #tpu.memory_space<vmem>> -> memref<120xi32, #tpu.memory_space<vmem>>
    %dma_wait3A_82 = arith.constant 0 : i32
    %dma_wait3A_83 = arith.constant 0 : i32
    %dma_wait3A_84 = tpu.memref_slice %arg3[%dma_wait3A_82, %dma_wait3A_83] : memref<10016x16xf32, #tpu.memory_space<hbm>> -> memref<10016x16xf32, #tpu.memory_space<hbm>>
    tpu.wait_indirect_dma semaphore(%arg19 : memref<!tpu.dma_semaphore, #tpu.memory_space<semaphore_mem>>) src(%dma_wait3A_84 : memref<10016x16xf32, #tpu.memory_space<hbm>>) dst(%arg14 : memref<120x16xf32, #tpu.memory_space<vmem>>)
    %scan3A_85 = arith.constant 0 : i32
    %scan3A_86 = arith.constant 30 : i32
    %scan3A_87 = arith.addi %scan3A_85, %scan3A_86 : i32
    %scan3A_88 = arith.constant 1 : i32
    scf.for %scan3A_117 = %scan3A_85 to %scan3A_87 step %scan3A_88  : i32 {
      %mul3A_118 = arith.constant 4 : i32
      %mul3A_119 = arith.muli %scan3A_117, %mul3A_118 : i32
      %add3A_120 = arith.constant 0 : i32
      %add3A_121 = arith.addi %add3A_120, %mul3A_119 : i32
      %add3A_122 = arith.constant 0 : i32
      %add3A_123 = arith.addi %add3A_121, %add3A_122 : i32
      %get3A_124 = arith.index_cast %add3A_123 : i32 to index
      %get3A_125 = arith.constant 128 : index
      %get3A_126 = tpu.vector_load %arg12[%get3A_124, %get3A_125] {strides = array<i32>} : memref<120x144xf32, #tpu.memory_space<vmem>>, vector<16xf32>,
      %get3A_127 = arith.index_cast %add3A_123 : i32 to index
      %get3A_128 = arith.constant 0 : index
      %get3A_129 = tpu.vector_load %arg14[%get3A_127, %get3A_128] {strides = array<i32>} : memref<120x16xf32, #tpu.memory_space<vmem>>, vector<16xf32>,
      %add3A_130 = arith.addf %get3A_126, %get3A_129 : vector<16xf32>
      %mul3A_131 = arith.constant 2.000000e-01 : f32
      %mul3A_132 = vector.broadcast %mul3A_131 : f32 to vector<16xf32>
      %mul3A_133 = arith.mulf %mul3A_132, %add3A_130 : vector<16xf32>
      %max3A = arith.maximumf %add3A_130, %mul3A_133 : vector<16xf32>
      %sub3A = arith.subf %max3A, %get3A_7 : vector<16xf32>
      %exp3A = math.exp %sub3A : vector<16xf32>
      %swap3A = arith.index_cast %add3A_123 : i32 to index
      %swap3A_134 = arith.constant 128 : index
      %swap3A_135 = tpu.vector_load %arg12[%swap3A, %swap3A_134] {strides = array<i32>} : memref<120x144xf32, #tpu.memory_space<vmem>>, vector<16xf32>,
      tpu.vector_store %arg12[%swap3A, %swap3A_134], %exp3A {strides = array<i32>} : memref<120x144xf32, #tpu.memory_space<vmem>>, vector<16xf32>,
      %add3A_136 = arith.constant 1 : i32
      %add3A_137 = arith.addi %add3A_121, %add3A_136 : i32
      %get3A_138 = arith.index_cast %add3A_137 : i32 to index
      %get3A_139 = arith.constant 128 : index
      %get3A_140 = tpu.vector_load %arg12[%get3A_138, %get3A_139] {strides = array<i32>} : memref<120x144xf32, #tpu.memory_space<vmem>>, vector<16xf32>,
      %get3A_141 = arith.index_cast %add3A_137 : i32 to index
      %get3A_142 = arith.constant 0 : index
      %get3A_143 = tpu.vector_load %arg14[%get3A_141, %get3A_142] {strides = array<i32>} : memref<120x16xf32, #tpu.memory_space<vmem>>, vector<16xf32>,
      %add3A_144 = arith.addf %get3A_140, %get3A_143 : vector<16xf32>
      %mul3A_145 = arith.constant 2.000000e-01 : f32
      %mul3A_146 = vector.broadcast %mul3A_145 : f32 to vector<16xf32>
      %mul3A_147 = arith.mulf %mul3A_146, %add3A_144 : vector<16xf32>
      %max3A_148 = arith.maximumf %add3A_144, %mul3A_147 : vector<16xf32>
      %sub3A_149 = arith.subf %max3A_148, %get3A_7 : vector<16xf32>
      %exp3A_150 = math.exp %sub3A_149 : vector<16xf32>
      %swap3A_151 = arith.index_cast %add3A_137 : i32 to index
      %swap3A_152 = arith.constant 128 : index
      %swap3A_153 = tpu.vector_load %arg12[%swap3A_151, %swap3A_152] {strides = array<i32>} : memref<120x144xf32, #tpu.memory_space<vmem>>, vector<16xf32>,
      tpu.vector_store %arg12[%swap3A_151, %swap3A_152], %exp3A_150 {strides = array<i32>} : memref<120x144xf32, #tpu.memory_space<vmem>>, vector<16xf32>,
      %add3A_154 = arith.constant 2 : i32
      %add3A_155 = arith.addi %add3A_121, %add3A_154 : i32
      %get3A_156 = arith.index_cast %add3A_155 : i32 to index
      %get3A_157 = arith.constant 128 : index
      %get3A_158 = tpu.vector_load %arg12[%get3A_156, %get3A_157] {strides = array<i32>} : memref<120x144xf32, #tpu.memory_space<vmem>>, vector<16xf32>,
      %get3A_159 = arith.index_cast %add3A_155 : i32 to index
      %get3A_160 = arith.constant 0 : index
      %get3A_161 = tpu.vector_load %arg14[%get3A_159, %get3A_160] {strides = array<i32>} : memref<120x16xf32, #tpu.memory_space<vmem>>, vector<16xf32>,
      %add3A_162 = arith.addf %get3A_158, %get3A_161 : vector<16xf32>
      %mul3A_163 = arith.constant 2.000000e-01 : f32
      %mul3A_164 = vector.broadcast %mul3A_163 : f32 to vector<16xf32>
      %mul3A_165 = arith.mulf %mul3A_164, %add3A_162 : vector<16xf32>
      %max3A_166 = arith.maximumf %add3A_162, %mul3A_165 : vector<16xf32>
      %sub3A_167 = arith.subf %max3A_166, %get3A_7 : vector<16xf32>
      %exp3A_168 = math.exp %sub3A_167 : vector<16xf32>
      %swap3A_169 = arith.index_cast %add3A_155 : i32 to index
      %swap3A_170 = arith.constant 128 : index
      %swap3A_171 = tpu.vector_load %arg12[%swap3A_169, %swap3A_170] {strides = array<i32>} : memref<120x144xf32, #tpu.memory_space<vmem>>, vector<16xf32>,
      tpu.vector_store %arg12[%swap3A_169, %swap3A_170], %exp3A_168 {strides = array<i32>} : memref<120x144xf32, #tpu.memory_space<vmem>>, vector<16xf32>,
      %add3A_172 = arith.constant 3 : i32
      %add3A_173 = arith.addi %add3A_121, %add3A_172 : i32
      %get3A_174 = arith.index_cast %add3A_173 : i32 to index
      %get3A_175 = arith.constant 128 : index
      %get3A_176 = tpu.vector_load %arg12[%get3A_174, %get3A_175] {strides = array<i32>} : memref<120x144xf32, #tpu.memory_space<vmem>>, vector<16xf32>,
      %get3A_177 = arith.index_cast %add3A_173 : i32 to index
      %get3A_178 = arith.constant 0 : index
      %get3A_179 = tpu.vector_load %arg14[%get3A_177, %get3A_178] {strides = array<i32>} : memref<120x16xf32, #tpu.memory_space<vmem>>, vector<16xf32>,
      %add3A_180 = arith.addf %get3A_176, %get3A_179 : vector<16xf32>
      %mul3A_181 = arith.constant 2.000000e-01 : f32
      %mul3A_182 = vector.broadcast %mul3A_181 : f32 to vector<16xf32>
      %mul3A_183 = arith.mulf %mul3A_182, %add3A_180 : vector<16xf32>
      %max3A_184 = arith.maximumf %add3A_180, %mul3A_183 : vector<16xf32>
      %sub3A_185 = arith.subf %max3A_184, %get3A_7 : vector<16xf32>
      %exp3A_186 = math.exp %sub3A_185 : vector<16xf32>
      %swap3A_187 = arith.index_cast %add3A_173 : i32 to index
      %swap3A_188 = arith.constant 128 : index
      %swap3A_189 = tpu.vector_load %arg12[%swap3A_187, %swap3A_188] {strides = array<i32>} : memref<120x144xf32, #tpu.memory_space<vmem>>, vector<16xf32>,
      tpu.vector_store %arg12[%swap3A_187, %swap3A_188], %exp3A_186 {strides = array<i32>} : memref<120x144xf32, #tpu.memory_space<vmem>>, vector<16xf32>,
    }
    %scan3A_89 = arith.constant 30 : i32
    %scan3A_90 = arith.constant 0 : i32
    %scan3A_91 = arith.constant 30 : i32
    %scan3A_92 = arith.addi %scan3A_90, %scan3A_91 : i32
    %scan3A_93 = arith.constant 1 : i32
    scf.for %scan3A_117 = %scan3A_90 to %scan3A_92 step %scan3A_93  : i32 {
      %mul3A_118 = arith.constant 4 : i32
      %mul3A_119 = arith.muli %scan3A_117, %mul3A_118 : i32
      %add3A_120 = arith.constant 0 : i32
      %add3A_121 = arith.addi %add3A_120, %mul3A_119 : i32
      %add3A_122 = arith.constant 0 : i32
      %add3A_123 = arith.addi %add3A_121, %add3A_122 : i32
      %get3A_124 = arith.index_cast %add3A_123 : i32 to index
      %get3A_125 = arith.constant 128 : index
      %get3A_126 = tpu.vector_load %arg12[%get3A_124, %get3A_125] {strides = array<i32>} : memref<120x144xf32, #tpu.memory_space<vmem>>, vector<16xf32>,
      %broadcast_in_dim3A = arith.constant 0 : i32
      %broadcast_in_dim3A_127 = vector.broadcast %broadcast_in_dim3A : i32 to vector<16x1xi32>
      %gather3A = vector.shape_cast %broadcast_in_dim3A_127 : vector<16x1xi32> to vector<16xi32>
      %gather3A_128 = tpu.dynamic_gather %get3A_126[%gather3A] in [0] : vector<16xf32>, vector<16xi32> -> vector<16xf32>
      %get3A_129 = arith.index_cast %add3A_123 : i32 to index
      %get3A_130 = arith.constant 0 : index
      %get3A_131 = tpu.vector_load %arg12[%get3A_129, %get3A_130] {strides = array<i32>} : memref<120x144xf32, #tpu.memory_space<vmem>>, vector<16xf32>,
      %mul3A_132 = arith.mulf %get3A_131, %gather3A_128 : vector<16xf32>
      %swap3A = arith.index_cast %add3A_123 : i32 to index
      %swap3A_133 = arith.constant 0 : index
      %swap3A_134 = tpu.vector_load %arg12[%swap3A, %swap3A_133] {strides = array<i32>} : memref<120x144xf32, #tpu.memory_space<vmem>>, vector<16xf32>,
      tpu.vector_store %arg12[%swap3A, %swap3A_133], %mul3A_132 {strides = array<i32>} : memref<120x144xf32, #tpu.memory_space<vmem>>, vector<16xf32>,
      %get3A_135 = arith.index_cast %add3A_123 : i32 to index
      %get3A_136 = arith.constant 16 : index
      %get3A_137 = tpu.vector_load %arg12[%get3A_135, %get3A_136] {strides = array<i32>} : memref<120x144xf32, #tpu.memory_space<vmem>>, vector<16xf32>,
      %mul3A_138 = arith.mulf %get3A_137, %gather3A_128 : vector<16xf32>
      %swap3A_139 = arith.index_cast %add3A_123 : i32 to index
      %swap3A_140 = arith.constant 16 : index
      %swap3A_141 = tpu.vector_load %arg12[%swap3A_139, %swap3A_140] {strides = array<i32>} : memref<120x144xf32, #tpu.memory_space<vmem>>, vector<16xf32>,
      tpu.vector_store %arg12[%swap3A_139, %swap3A_140], %mul3A_138 {strides = array<i32>} : memref<120x144xf32, #tpu.memory_space<vmem>>, vector<16xf32>,
      %broadcast_in_dim3A_142 = arith.constant 1 : i32
      %broadcast_in_dim3A_143 = vector.broadcast %broadcast_in_dim3A_142 : i32 to vector<16x1xi32>
      %gather3A_144 = vector.shape_cast %broadcast_in_dim3A_143 : vector<16x1xi32> to vector<16xi32>
      %gather3A_145 = tpu.dynamic_gather %get3A_126[%gather3A_144] in [0] : vector<16xf32>, vector<16xi32> -> vector<16xf32>
      %get3A_146 = arith.index_cast %add3A_123 : i32 to index
      %get3A_147 = arith.constant 32 : index
      %get3A_148 = tpu.vector_load %arg12[%get3A_146, %get3A_147] {strides = array<i32>} : memref<120x144xf32, #tpu.memory_space<vmem>>, vector<16xf32>,
      %mul3A_149 = arith.mulf %get3A_148, %gather3A_145 : vector<16xf32>
      %swap3A_150 = arith.index_cast %add3A_123 : i32 to index
      %swap3A_151 = arith.constant 32 : index
      %swap3A_152 = tpu.vector_load %arg12[%swap3A_150, %swap3A_151] {strides = array<i32>} : memref<120x144xf32, #tpu.memory_space<vmem>>, vector<16xf32>,
      tpu.vector_store %arg12[%swap3A_150, %swap3A_151], %mul3A_149 {strides = array<i32>} : memref<120x144xf32, #tpu.memory_space<vmem>>, vector<16xf32>,
      %get3A_153 = arith.index_cast %add3A_123 : i32 to index
      %get3A_154 = arith.constant 48 : index
      %get3A_155 = tpu.vector_load %arg12[%get3A_153, %get3A_154] {strides = array<i32>} : memref<120x144xf32, #tpu.memory_space<vmem>>, vector<16xf32>,
      %mul3A_156 = arith.mulf %get3A_155, %gather3A_145 : vector<16xf32>
      %swap3A_157 = arith.index_cast %add3A_123 : i32 to index
      %swap3A_158 = arith.constant 48 : index
      %swap3A_159 = tpu.vector_load %arg12[%swap3A_157, %swap3A_158] {strides = array<i32>} : memref<120x144xf32, #tpu.memory_space<vmem>>, vector<16xf32>,
      tpu.vector_store %arg12[%swap3A_157, %swap3A_158], %mul3A_156 {strides = array<i32>} : memref<120x144xf32, #tpu.memory_space<vmem>>, vector<16xf32>,
      %broadcast_in_dim3A_160 = arith.constant 2 : i32
      %broadcast_in_dim3A_161 = vector.broadcast %broadcast_in_dim3A_160 : i32 to vector<16x1xi32>
      %gather3A_162 = vector.shape_cast %broadcast_in_dim3A_161 : vector<16x1xi32> to vector<16xi32>
      %gather3A_163 = tpu.dynamic_gather %get3A_126[%gather3A_162] in [0] : vector<16xf32>, vector<16xi32> -> vector<16xf32>
      %get3A_164 = arith.index_cast %add3A_123 : i32 to index
      %get3A_165 = arith.constant 64 : index
      %get3A_166 = tpu.vector_load %arg12[%get3A_164, %get3A_165] {strides = array<i32>} : memref<120x144xf32, #tpu.memory_space<vmem>>, vector<16xf32>,
      %mul3A_167 = arith.mulf %get3A_166, %gather3A_163 : vector<16xf32>
      %swap3A_168 = arith.index_cast %add3A_123 : i32 to index
      %swap3A_169 = arith.constant 64 : index
      %swap3A_170 = tpu.vector_load %arg12[%swap3A_168, %swap3A_169] {strides = array<i32>} : memref<120x144xf32, #tpu.memory_space<vmem>>, vector<16xf32>,
      tpu.vector_store %arg12[%swap3A_168, %swap3A_169], %mul3A_167 {strides = array<i32>} : memref<120x144xf32, #tpu.memory_space<vmem>>, vector<16xf32>,
      %get3A_171 = arith.index_cast %add3A_123 : i32 to index
      %get3A_172 = arith.constant 80 : index
      %get3A_173 = tpu.vector_load %arg12[%get3A_171, %get3A_172] {strides = array<i32>} : memref<120x144xf32, #tpu.memory_space<vmem>>, vector<16xf32>,
      %mul3A_174 = arith.mulf %get3A_173, %gather3A_163 : vector<16xf32>
      %swap3A_175 = arith.index_cast %add3A_123 : i32 to index
      %swap3A_176 = arith.constant 80 : index
      %swap3A_177 = tpu.vector_load %arg12[%swap3A_175, %swap3A_176] {strides = array<i32>} : memref<120x144xf32, #tpu.memory_space<vmem>>, vector<16xf32>,
      tpu.vector_store %arg12[%swap3A_175, %swap3A_176], %mul3A_174 {strides = array<i32>} : memref<120x144xf32, #tpu.memory_space<vmem>>, vector<16xf32>,
      %broadcast_in_dim3A_178 = arith.constant 3 : i32
      %broadcast_in_dim3A_179 = vector.broadcast %broadcast_in_dim3A_178 : i32 to vector<16x1xi32>
      %gather3A_180 = vector.shape_cast %broadcast_in_dim3A_179 : vector<16x1xi32> to vector<16xi32>
      %gather3A_181 = tpu.dynamic_gather %get3A_126[%gather3A_180] in [0] : vector<16xf32>, vector<16xi32> -> vector<16xf32>
      %get3A_182 = arith.index_cast %add3A_123 : i32 to index
      %get3A_183 = arith.constant 96 : index
      %get3A_184 = tpu.vector_load %arg12[%get3A_182, %get3A_183] {strides = array<i32>} : memref<120x144xf32, #tpu.memory_space<vmem>>, vector<16xf32>,
      %mul3A_185 = arith.mulf %get3A_184, %gather3A_181 : vector<16xf32>
      %swap3A_186 = arith.index_cast %add3A_123 : i32 to index
      %swap3A_187 = arith.constant 96 : index
      %swap3A_188 = tpu.vector_load %arg12[%swap3A_186, %swap3A_187] {strides = array<i32>} : memref<120x144xf32, #tpu.memory_space<vmem>>, vector<16xf32>,
      tpu.vector_store %arg12[%swap3A_186, %swap3A_187], %mul3A_185 {strides = array<i32>} : memref<120x144xf32, #tpu.memory_space<vmem>>, vector<16xf32>,
      %get3A_189 = arith.index_cast %add3A_123 : i32 to index
      %get3A_190 = arith.constant 112 : index
      %get3A_191 = tpu.vector_load %arg12[%get3A_189, %get3A_190] {strides = array<i32>} : memref<120x144xf32, #tpu.memory_space<vmem>>, vector<16xf32>,
      %mul3A_192 = arith.mulf %get3A_191, %gather3A_181 : vector<16xf32>
      %swap3A_193 = arith.index_cast %add3A_123 : i32 to index
      %swap3A_194 = arith.constant 112 : index
      %swap3A_195 = tpu.vector_load %arg12[%swap3A_193, %swap3A_194] {strides = array<i32>} : memref<120x144xf32, #tpu.memory_space<vmem>>, vector<16xf32>,
      tpu.vector_store %arg12[%swap3A_193, %swap3A_194], %mul3A_192 {strides = array<i32>} : memref<120x144xf32, #tpu.memory_space<vmem>>, vector<16xf32>,
      %add3A_196 = arith.constant 1 : i32
      %add3A_197 = arith.addi %add3A_121, %add3A_196 : i32
      %get3A_198 = arith.index_cast %add3A_197 : i32 to index
      %get3A_199 = arith.constant 128 : index
      %get3A_200 = tpu.vector_load %arg12[%get3A_198, %get3A_199] {strides = array<i32>} : memref<120x144xf32, #tpu.memory_space<vmem>>, vector<16xf32>,
      %broadcast_in_dim3A_201 = arith.constant 0 : i32
      %broadcast_in_dim3A_202 = vector.broadcast %broadcast_in_dim3A_201 : i32 to vector<16x1xi32>
      %gather3A_203 = vector.shape_cast %broadcast_in_dim3A_202 : vector<16x1xi32> to vector<16xi32>
      %gather3A_204 = tpu.dynamic_gather %get3A_200[%gather3A_203] in [0] : vector<16xf32>, vector<16xi32> -> vector<16xf32>
      %get3A_205 = arith.index_cast %add3A_197 : i32 to index
      %get3A_206 = arith.constant 0 : index
      %get3A_207 = tpu.vector_load %arg12[%get3A_205, %get3A_206] {strides = array<i32>} : memref<120x144xf32, #tpu.memory_space<vmem>>, vector<16xf32>,
      %mul3A_208 = arith.mulf %get3A_207, %gather3A_204 : vector<16xf32>
      %swap3A_209 = arith.index_cast %add3A_197 : i32 to index
      %swap3A_210 = arith.constant 0 : index
      %swap3A_211 = tpu.vector_load %arg12[%swap3A_209, %swap3A_210] {strides = array<i32>} : memref<120x144xf32, #tpu.memory_space<vmem>>, vector<16xf32>,
      tpu.vector_store %arg12[%swap3A_209, %swap3A_210], %mul3A_208 {strides = array<i32>} : memref<120x144xf32, #tpu.memory_space<vmem>>, vector<16xf32>,
      %get3A_212 = arith.index_cast %add3A_197 : i32 to index
      %get3A_213 = arith.constant 16 : index
      %get3A_214 = tpu.vector_load %arg12[%get3A_212, %get3A_213] {strides = array<i32>} : memref<120x144xf32, #tpu.memory_space<vmem>>, vector<16xf32>,
      %mul3A_215 = arith.mulf %get3A_214, %gather3A_204 : vector<16xf32>
      %swap3A_216 = arith.index_cast %add3A_197 : i32 to index
      %swap3A_217 = arith.constant 16 : index
      %swap3A_218 = tpu.vector_load %arg12[%swap3A_216, %swap3A_217] {strides = array<i32>} : memref<120x144xf32, #tpu.memory_space<vmem>>, vector<16xf32>,
      tpu.vector_store %arg12[%swap3A_216, %swap3A_217], %mul3A_215 {strides = array<i32>} : memref<120x144xf32, #tpu.memory_space<vmem>>, vector<16xf32>,
      %broadcast_in_dim3A_219 = arith.constant 1 : i32
      %broadcast_in_dim3A_220 = vector.broadcast %broadcast_in_dim3A_219 : i32 to vector<16x1xi32>
      %gather3A_221 = vector.shape_cast %broadcast_in_dim3A_220 : vector<16x1xi32> to vector<16xi32>
      %gather3A_222 = tpu.dynamic_gather %get3A_200[%gather3A_221] in [0] : vector<16xf32>, vector<16xi32> -> vector<16xf32>
      %get3A_223 = arith.index_cast %add3A_197 : i32 to index
      %get3A_224 = arith.constant 32 : index
      %get3A_225 = tpu.vector_load %arg12[%get3A_223, %get3A_224] {strides = array<i32>} : memref<120x144xf32, #tpu.memory_space<vmem>>, vector<16xf32>,
      %mul3A_226 = arith.mulf %get3A_225, %gather3A_222 : vector<16xf32>
      %swap3A_227 = arith.index_cast %add3A_197 : i32 to index
      %swap3A_228 = arith.constant 32 : index
      %swap3A_229 = tpu.vector_load %arg12[%swap3A_227, %swap3A_228] {strides = array<i32>} : memref<120x144xf32, #tpu.memory_space<vmem>>, vector<16xf32>,
      tpu.vector_store %arg12[%swap3A_227, %swap3A_228], %mul3A_226 {strides = array<i32>} : memref<120x144xf32, #tpu.memory_space<vmem>>, vector<16xf32>,
      %get3A_230 = arith.index_cast %add3A_197 : i32 to index
      %get3A_231 = arith.constant 48 : index
      %get3A_232 = tpu.vector_load %arg12[%get3A_230, %get3A_231] {strides = array<i32>} : memref<120x144xf32, #tpu.memory_space<vmem>>, vector<16xf32>,
      %mul3A_233 = arith.mulf %get3A_232, %gather3A_222 : vector<16xf32>
      %swap3A_234 = arith.index_cast %add3A_197 : i32 to index
      %swap3A_235 = arith.constant 48 : index
      %swap3A_236 = tpu.vector_load %arg12[%swap3A_234, %swap3A_235] {strides = array<i32>} : memref<120x144xf32, #tpu.memory_space<vmem>>, vector<16xf32>,
      tpu.vector_store %arg12[%swap3A_234, %swap3A_235], %mul3A_233 {strides = array<i32>} : memref<120x144xf32, #tpu.memory_space<vmem>>, vector<16xf32>,
      %broadcast_in_dim3A_237 = arith.constant 2 : i32
      %broadcast_in_dim3A_238 = vector.broadcast %broadcast_in_dim3A_237 : i32 to vector<16x1xi32>
      %gather3A_239 = vector.shape_cast %broadcast_in_dim3A_238 : vector<16x1xi32> to vector<16xi32>
      %gather3A_240 = tpu.dynamic_gather %get3A_200[%gather3A_239] in [0] : vector<16xf32>, vector<16xi32> -> vector<16xf32>
      %get3A_241 = arith.index_cast %add3A_197 : i32 to index
      %get3A_242 = arith.constant 64 : index
      %get3A_243 = tpu.vector_load %arg12[%get3A_241, %get3A_242] {strides = array<i32>} : memref<120x144xf32, #tpu.memory_space<vmem>>, vector<16xf32>,
      %mul3A_244 = arith.mulf %get3A_243, %gather3A_240 : vector<16xf32>
      %swap3A_245 = arith.index_cast %add3A_197 : i32 to index
      %swap3A_246 = arith.constant 64 : index
      %swap3A_247 = tpu.vector_load %arg12[%swap3A_245, %swap3A_246] {strides = array<i32>} : memref<120x144xf32, #tpu.memory_space<vmem>>, vector<16xf32>,
      tpu.vector_store %arg12[%swap3A_245, %swap3A_246], %mul3A_244 {strides = array<i32>} : memref<120x144xf32, #tpu.memory_space<vmem>>, vector<16xf32>,
      %get3A_248 = arith.index_cast %add3A_197 : i32 to index
      %get3A_249 = arith.constant 80 : index
      %get3A_250 = tpu.vector_load %arg12[%get3A_248, %get3A_249] {strides = array<i32>} : memref<120x144xf32, #tpu.memory_space<vmem>>, vector<16xf32>,
      %mul3A_251 = arith.mulf %get3A_250, %gather3A_240 : vector<16xf32>
      %swap3A_252 = arith.index_cast %add3A_197 : i32 to index
      %swap3A_253 = arith.constant 80 : index
      %swap3A_254 = tpu.vector_load %arg12[%swap3A_252, %swap3A_253] {strides = array<i32>} : memref<120x144xf32, #tpu.memory_space<vmem>>, vector<16xf32>,
      tpu.vector_store %arg12[%swap3A_252, %swap3A_253], %mul3A_251 {strides = array<i32>} : memref<120x144xf32, #tpu.memory_space<vmem>>, vector<16xf32>,
      %broadcast_in_dim3A_255 = arith.constant 3 : i32
      %broadcast_in_dim3A_256 = vector.broadcast %broadcast_in_dim3A_255 : i32 to vector<16x1xi32>
      %gather3A_257 = vector.shape_cast %broadcast_in_dim3A_256 : vector<16x1xi32> to vector<16xi32>
      %gather3A_258 = tpu.dynamic_gather %get3A_200[%gather3A_257] in [0] : vector<16xf32>, vector<16xi32> -> vector<16xf32>
      %get3A_259 = arith.index_cast %add3A_197 : i32 to index
      %get3A_260 = arith.constant 96 : index
      %get3A_261 = tpu.vector_load %arg12[%get3A_259, %get3A_260] {strides = array<i32>} : memref<120x144xf32, #tpu.memory_space<vmem>>, vector<16xf32>,
      %mul3A_262 = arith.mulf %get3A_261, %gather3A_258 : vector<16xf32>
      %swap3A_263 = arith.index_cast %add3A_197 : i32 to index
      %swap3A_264 = arith.constant 96 : index
      %swap3A_265 = tpu.vector_load %arg12[%swap3A_263, %swap3A_264] {strides = array<i32>} : memref<120x144xf32, #tpu.memory_space<vmem>>, vector<16xf32>,
      tpu.vector_store %arg12[%swap3A_263, %swap3A_264], %mul3A_262 {strides = array<i32>} : memref<120x144xf32, #tpu.memory_space<vmem>>, vector<16xf32>,
      %get3A_266 = arith.index_cast %add3A_197 : i32 to index
      %get3A_267 = arith.constant 112 : index
      %get3A_268 = tpu.vector_load %arg12[%get3A_266, %get3A_267] {strides = array<i32>} : memref<120x144xf32, #tpu.memory_space<vmem>>, vector<16xf32>,
      %mul3A_269 = arith.mulf %get3A_268, %gather3A_258 : vector<16xf32>
      %swap3A_270 = arith.index_cast %add3A_197 : i32 to index
      %swap3A_271 = arith.constant 112 : index
      %swap3A_272 = tpu.vector_load %arg12[%swap3A_270, %swap3A_271] {strides = array<i32>} : memref<120x144xf32, #tpu.memory_space<vmem>>, vector<16xf32>,
      tpu.vector_store %arg12[%swap3A_270, %swap3A_271], %mul3A_269 {strides = array<i32>} : memref<120x144xf32, #tpu.memory_space<vmem>>, vector<16xf32>,
      %add3A_273 = arith.constant 2 : i32
      %add3A_274 = arith.addi %add3A_121, %add3A_273 : i32
      %get3A_275 = arith.index_cast %add3A_274 : i32 to index
      %get3A_276 = arith.constant 128 : index
      %get3A_277 = tpu.vector_load %arg12[%get3A_275, %get3A_276] {strides = array<i32>} : memref<120x144xf32, #tpu.memory_space<vmem>>, vector<16xf32>,
      %broadcast_in_dim3A_278 = arith.constant 0 : i32
      %broadcast_in_dim3A_279 = vector.broadcast %broadcast_in_dim3A_278 : i32 to vector<16x1xi32>
      %gather3A_280 = vector.shape_cast %broadcast_in_dim3A_279 : vector<16x1xi32> to vector<16xi32>
      %gather3A_281 = tpu.dynamic_gather %get3A_277[%gather3A_280] in [0] : vector<16xf32>, vector<16xi32> -> vector<16xf32>
      %get3A_282 = arith.index_cast %add3A_274 : i32 to index
      %get3A_283 = arith.constant 0 : index
      %get3A_284 = tpu.vector_load %arg12[%get3A_282, %get3A_283] {strides = array<i32>} : memref<120x144xf32, #tpu.memory_space<vmem>>, vector<16xf32>,
      %mul3A_285 = arith.mulf %get3A_284, %gather3A_281 : vector<16xf32>
      %swap3A_286 = arith.index_cast %add3A_274 : i32 to index
      %swap3A_287 = arith.constant 0 : index
      %swap3A_288 = tpu.vector_load %arg12[%swap3A_286, %swap3A_287] {strides = array<i32>} : memref<120x144xf32, #tpu.memory_space<vmem>>, vector<16xf32>,
      tpu.vector_store %arg12[%swap3A_286, %swap3A_287], %mul3A_285 {strides = array<i32>} : memref<120x144xf32, #tpu.memory_space<vmem>>, vector<16xf32>,
      %get3A_289 = arith.index_cast %add3A_274 : i32 to index
      %get3A_290 = arith.constant 16 : index
      %get3A_291 = tpu.vector_load %arg12[%get3A_289, %get3A_290] {strides = array<i32>} : memref<120x144xf32, #tpu.memory_space<vmem>>, vector<16xf32>,
      %mul3A_292 = arith.mulf %get3A_291, %gather3A_281 : vector<16xf32>
      %swap3A_293 = arith.index_cast %add3A_274 : i32 to index
      %swap3A_294 = arith.constant 16 : index
      %swap3A_295 = tpu.vector_load %arg12[%swap3A_293, %swap3A_294] {strides = array<i32>} : memref<120x144xf32, #tpu.memory_space<vmem>>, vector<16xf32>,
      tpu.vector_store %arg12[%swap3A_293, %swap3A_294], %mul3A_292 {strides = array<i32>} : memref<120x144xf32, #tpu.memory_space<vmem>>, vector<16xf32>,
      %broadcast_in_dim3A_296 = arith.constant 1 : i32
      %broadcast_in_dim3A_297 = vector.broadcast %broadcast_in_dim3A_296 : i32 to vector<16x1xi32>
      %gather3A_298 = vector.shape_cast %broadcast_in_dim3A_297 : vector<16x1xi32> to vector<16xi32>
      %gather3A_299 = tpu.dynamic_gather %get3A_277[%gather3A_298] in [0] : vector<16xf32>, vector<16xi32> -> vector<16xf32>
      %get3A_300 = arith.index_cast %add3A_274 : i32 to index
      %get3A_301 = arith.constant 32 : index
      %get3A_302 = tpu.vector_load %arg12[%get3A_300, %get3A_301] {strides = array<i32>} : memref<120x144xf32, #tpu.memory_space<vmem>>, vector<16xf32>,
      %mul3A_303 = arith.mulf %get3A_302, %gather3A_299 : vector<16xf32>
      %swap3A_304 = arith.index_cast %add3A_274 : i32 to index
      %swap3A_305 = arith.constant 32 : index
      %swap3A_306 = tpu.vector_load %arg12[%swap3A_304, %swap3A_305] {strides = array<i32>} : memref<120x144xf32, #tpu.memory_space<vmem>>, vector<16xf32>,
      tpu.vector_store %arg12[%swap3A_304, %swap3A_305], %mul3A_303 {strides = array<i32>} : memref<120x144xf32, #tpu.memory_space<vmem>>, vector<16xf32>,
      %get3A_307 = arith.index_cast %add3A_274 : i32 to index
      %get3A_308 = arith.constant 48 : index
      %get3A_309 = tpu.vector_load %arg12[%get3A_307, %get3A_308] {strides = array<i32>} : memref<120x144xf32, #tpu.memory_space<vmem>>, vector<16xf32>,
      %mul3A_310 = arith.mulf %get3A_309, %gather3A_299 : vector<16xf32>
      %swap3A_311 = arith.index_cast %add3A_274 : i32 to index
      %swap3A_312 = arith.constant 48 : index
      %swap3A_313 = tpu.vector_load %arg12[%swap3A_311, %swap3A_312] {strides = array<i32>} : memref<120x144xf32, #tpu.memory_space<vmem>>, vector<16xf32>,
      tpu.vector_store %arg12[%swap3A_311, %swap3A_312], %mul3A_310 {strides = array<i32>} : memref<120x144xf32, #tpu.memory_space<vmem>>, vector<16xf32>,
      %broadcast_in_dim3A_314 = arith.constant 2 : i32
      %broadcast_in_dim3A_315 = vector.broadcast %broadcast_in_dim3A_314 : i32 to vector<16x1xi32>
      %gather3A_316 = vector.shape_cast %broadcast_in_dim3A_315 : vector<16x1xi32> to vector<16xi32>
      %gather3A_317 = tpu.dynamic_gather %get3A_277[%gather3A_316] in [0] : vector<16xf32>, vector<16xi32> -> vector<16xf32>
      %get3A_318 = arith.index_cast %add3A_274 : i32 to index
      %get3A_319 = arith.constant 64 : index
      %get3A_320 = tpu.vector_load %arg12[%get3A_318, %get3A_319] {strides = array<i32>} : memref<120x144xf32, #tpu.memory_space<vmem>>, vector<16xf32>,
      %mul3A_321 = arith.mulf %get3A_320, %gather3A_317 : vector<16xf32>
      %swap3A_322 = arith.index_cast %add3A_274 : i32 to index
      %swap3A_323 = arith.constant 64 : index
      %swap3A_324 = tpu.vector_load %arg12[%swap3A_322, %swap3A_323] {strides = array<i32>} : memref<120x144xf32, #tpu.memory_space<vmem>>, vector<16xf32>,
      tpu.vector_store %arg12[%swap3A_322, %swap3A_323], %mul3A_321 {strides = array<i32>} : memref<120x144xf32, #tpu.memory_space<vmem>>, vector<16xf32>,
      %get3A_325 = arith.index_cast %add3A_274 : i32 to index
      %get3A_326 = arith.constant 80 : index
      %get3A_327 = tpu.vector_load %arg12[%get3A_325, %get3A_326] {strides = array<i32>} : memref<120x144xf32, #tpu.memory_space<vmem>>, vector<16xf32>,
      %mul3A_328 = arith.mulf %get3A_327, %gather3A_317 : vector<16xf32>
      %swap3A_329 = arith.index_cast %add3A_274 : i32 to index
      %swap3A_330 = arith.constant 80 : index
      %swap3A_331 = tpu.vector_load %arg12[%swap3A_329, %swap3A_330] {strides = array<i32>} : memref<120x144xf32, #tpu.memory_space<vmem>>, vector<16xf32>,
      tpu.vector_store %arg12[%swap3A_329, %swap3A_330], %mul3A_328 {strides = array<i32>} : memref<120x144xf32, #tpu.memory_space<vmem>>, vector<16xf32>,
      %broadcast_in_dim3A_332 = arith.constant 3 : i32
      %broadcast_in_dim3A_333 = vector.broadcast %broadcast_in_dim3A_332 : i32 to vector<16x1xi32>
      %gather3A_334 = vector.shape_cast %broadcast_in_dim3A_333 : vector<16x1xi32> to vector<16xi32>
      %gather3A_335 = tpu.dynamic_gather %get3A_277[%gather3A_334] in [0] : vector<16xf32>, vector<16xi32> -> vector<16xf32>
      %get3A_336 = arith.index_cast %add3A_274 : i32 to index
      %get3A_337 = arith.constant 96 : index
      %get3A_338 = tpu.vector_load %arg12[%get3A_336, %get3A_337] {strides = array<i32>} : memref<120x144xf32, #tpu.memory_space<vmem>>, vector<16xf32>,
      %mul3A_339 = arith.mulf %get3A_338, %gather3A_335 : vector<16xf32>
      %swap3A_340 = arith.index_cast %add3A_274 : i32 to index
      %swap3A_341 = arith.constant 96 : index
      %swap3A_342 = tpu.vector_load %arg12[%swap3A_340, %swap3A_341] {strides = array<i32>} : memref<120x144xf32, #tpu.memory_space<vmem>>, vector<16xf32>,
      tpu.vector_store %arg12[%swap3A_340, %swap3A_341], %mul3A_339 {strides = array<i32>} : memref<120x144xf32, #tpu.memory_space<vmem>>, vector<16xf32>,
      %get3A_343 = arith.index_cast %add3A_274 : i32 to index
      %get3A_344 = arith.constant 112 : index
      %get3A_345 = tpu.vector_load %arg12[%get3A_343, %get3A_344] {strides = array<i32>} : memref<120x144xf32, #tpu.memory_space<vmem>>, vector<16xf32>,
      %mul3A_346 = arith.mulf %get3A_345, %gather3A_335 : vector<16xf32>
      %swap3A_347 = arith.index_cast %add3A_274 : i32 to index
      %swap3A_348 = arith.constant 112 : index
      %swap3A_349 = tpu.vector_load %arg12[%swap3A_347, %swap3A_348] {strides = array<i32>} : memref<120x144xf32, #tpu.memory_space<vmem>>, vector<16xf32>,
      tpu.vector_store %arg12[%swap3A_347, %swap3A_348], %mul3A_346 {strides = array<i32>} : memref<120x144xf32, #tpu.memory_space<vmem>>, vector<16xf32>,
      %add3A_350 = arith.constant 3 : i32
      %add3A_351 = arith.addi %add3A_121, %add3A_350 : i32
      %get3A_352 = arith.index_cast %add3A_351 : i32 to index
      %get3A_353 = arith.constant 128 : index
      %get3A_354 = tpu.vector_load %arg12[%get3A_352, %get3A_353] {strides = array<i32>} : memref<120x144xf32, #tpu.memory_space<vmem>>, vector<16xf32>,
      %broadcast_in_dim3A_355 = arith.constant 0 : i32
      %broadcast_in_dim3A_356 = vector.broadcast %broadcast_in_dim3A_355 : i32 to vector<16x1xi32>
      %gather3A_357 = vector.shape_cast %broadcast_in_dim3A_356 : vector<16x1xi32> to vector<16xi32>
      %gather3A_358 = tpu.dynamic_gather %get3A_354[%gather3A_357] in [0] : vector<16xf32>, vector<16xi32> -> vector<16xf32>
      %get3A_359 = arith.index_cast %add3A_351 : i32 to index
      %get3A_360 = arith.constant 0 : index
      %get3A_361 = tpu.vector_load %arg12[%get3A_359, %get3A_360] {strides = array<i32>} : memref<120x144xf32, #tpu.memory_space<vmem>>, vector<16xf32>,
      %mul3A_362 = arith.mulf %get3A_361, %gather3A_358 : vector<16xf32>
      %swap3A_363 = arith.index_cast %add3A_351 : i32 to index
      %swap3A_364 = arith.constant 0 : index
      %swap3A_365 = tpu.vector_load %arg12[%swap3A_363, %swap3A_364] {strides = array<i32>} : memref<120x144xf32, #tpu.memory_space<vmem>>, vector<16xf32>,
      tpu.vector_store %arg12[%swap3A_363, %swap3A_364], %mul3A_362 {strides = array<i32>} : memref<120x144xf32, #tpu.memory_space<vmem>>, vector<16xf32>,
      %get3A_366 = arith.index_cast %add3A_351 : i32 to index
      %get3A_367 = arith.constant 16 : index
      %get3A_368 = tpu.vector_load %arg12[%get3A_366, %get3A_367] {strides = array<i32>} : memref<120x144xf32, #tpu.memory_space<vmem>>, vector<16xf32>,
      %mul3A_369 = arith.mulf %get3A_368, %gather3A_358 : vector<16xf32>
      %swap3A_370 = arith.index_cast %add3A_351 : i32 to index
      %swap3A_371 = arith.constant 16 : index
      %swap3A_372 = tpu.vector_load %arg12[%swap3A_370, %swap3A_371] {strides = array<i32>} : memref<120x144xf32, #tpu.memory_space<vmem>>, vector<16xf32>,
      tpu.vector_store %arg12[%swap3A_370, %swap3A_371], %mul3A_369 {strides = array<i32>} : memref<120x144xf32, #tpu.memory_space<vmem>>, vector<16xf32>,
      %broadcast_in_dim3A_373 = arith.constant 1 : i32
      %broadcast_in_dim3A_374 = vector.broadcast %broadcast_in_dim3A_373 : i32 to vector<16x1xi32>
      %gather3A_375 = vector.shape_cast %broadcast_in_dim3A_374 : vector<16x1xi32> to vector<16xi32>
      %gather3A_376 = tpu.dynamic_gather %get3A_354[%gather3A_375] in [0] : vector<16xf32>, vector<16xi32> -> vector<16xf32>
      %get3A_377 = arith.index_cast %add3A_351 : i32 to index
      %get3A_378 = arith.constant 32 : index
      %get3A_379 = tpu.vector_load %arg12[%get3A_377, %get3A_378] {strides = array<i32>} : memref<120x144xf32, #tpu.memory_space<vmem>>, vector<16xf32>,
      %mul3A_380 = arith.mulf %get3A_379, %gather3A_376 : vector<16xf32>
      %swap3A_381 = arith.index_cast %add3A_351 : i32 to index
      %swap3A_382 = arith.constant 32 : index
      %swap3A_383 = tpu.vector_load %arg12[%swap3A_381, %swap3A_382] {strides = array<i32>} : memref<120x144xf32, #tpu.memory_space<vmem>>, vector<16xf32>,
      tpu.vector_store %arg12[%swap3A_381, %swap3A_382], %mul3A_380 {strides = array<i32>} : memref<120x144xf32, #tpu.memory_space<vmem>>, vector<16xf32>,
      %get3A_384 = arith.index_cast %add3A_351 : i32 to index
      %get3A_385 = arith.constant 48 : index
      %get3A_386 = tpu.vector_load %arg12[%get3A_384, %get3A_385] {strides = array<i32>} : memref<120x144xf32, #tpu.memory_space<vmem>>, vector<16xf32>,
      %mul3A_387 = arith.mulf %get3A_386, %gather3A_376 : vector<16xf32>
      %swap3A_388 = arith.index_cast %add3A_351 : i32 to index
      %swap3A_389 = arith.constant 48 : index
      %swap3A_390 = tpu.vector_load %arg12[%swap3A_388, %swap3A_389] {strides = array<i32>} : memref<120x144xf32, #tpu.memory_space<vmem>>, vector<16xf32>,
      tpu.vector_store %arg12[%swap3A_388, %swap3A_389], %mul3A_387 {strides = array<i32>} : memref<120x144xf32, #tpu.memory_space<vmem>>, vector<16xf32>,
      %broadcast_in_dim3A_391 = arith.constant 2 : i32
      %broadcast_in_dim3A_392 = vector.broadcast %broadcast_in_dim3A_391 : i32 to vector<16x1xi32>
      %gather3A_393 = vector.shape_cast %broadcast_in_dim3A_392 : vector<16x1xi32> to vector<16xi32>
      %gather3A_394 = tpu.dynamic_gather %get3A_354[%gather3A_393] in [0] : vector<16xf32>, vector<16xi32> -> vector<16xf32>
      %get3A_395 = arith.index_cast %add3A_351 : i32 to index
      %get3A_396 = arith.constant 64 : index
      %get3A_397 = tpu.vector_load %arg12[%get3A_395, %get3A_396] {strides = array<i32>} : memref<120x144xf32, #tpu.memory_space<vmem>>, vector<16xf32>,
      %mul3A_398 = arith.mulf %get3A_397, %gather3A_394 : vector<16xf32>
      %swap3A_399 = arith.index_cast %add3A_351 : i32 to index
      %swap3A_400 = arith.constant 64 : index
      %swap3A_401 = tpu.vector_load %arg12[%swap3A_399, %swap3A_400] {strides = array<i32>} : memref<120x144xf32, #tpu.memory_space<vmem>>, vector<16xf32>,
      tpu.vector_store %arg12[%swap3A_399, %swap3A_400], %mul3A_398 {strides = array<i32>} : memref<120x144xf32, #tpu.memory_space<vmem>>, vector<16xf32>,
      %get3A_402 = arith.index_cast %add3A_351 : i32 to index
      %get3A_403 = arith.constant 80 : index
      %get3A_404 = tpu.vector_load %arg12[%get3A_402, %get3A_403] {strides = array<i32>} : memref<120x144xf32, #tpu.memory_space<vmem>>, vector<16xf32>,
      %mul3A_405 = arith.mulf %get3A_404, %gather3A_394 : vector<16xf32>
      %swap3A_406 = arith.index_cast %add3A_351 : i32 to index
      %swap3A_407 = arith.constant 80 : index
      %swap3A_408 = tpu.vector_load %arg12[%swap3A_406, %swap3A_407] {strides = array<i32>} : memref<120x144xf32, #tpu.memory_space<vmem>>, vector<16xf32>,
      tpu.vector_store %arg12[%swap3A_406, %swap3A_407], %mul3A_405 {strides = array<i32>} : memref<120x144xf32, #tpu.memory_space<vmem>>, vector<16xf32>,
      %broadcast_in_dim3A_409 = arith.constant 3 : i32
      %broadcast_in_dim3A_410 = vector.broadcast %broadcast_in_dim3A_409 : i32 to vector<16x1xi32>
      %gather3A_411 = vector.shape_cast %broadcast_in_dim3A_410 : vector<16x1xi32> to vector<16xi32>
      %gather3A_412 = tpu.dynamic_gather %get3A_354[%gather3A_411] in [0] : vector<16xf32>, vector<16xi32> -> vector<16xf32>
      %get3A_413 = arith.index_cast %add3A_351 : i32 to index
      %get3A_414 = arith.constant 96 : index
      %get3A_415 = tpu.vector_load %arg12[%get3A_413, %get3A_414] {strides = array<i32>} : memref<120x144xf32, #tpu.memory_space<vmem>>, vector<16xf32>,
      %mul3A_416 = arith.mulf %get3A_415, %gather3A_412 : vector<16xf32>
      %swap3A_417 = arith.index_cast %add3A_351 : i32 to index
      %swap3A_418 = arith.constant 96 : index
      %swap3A_419 = tpu.vector_load %arg12[%swap3A_417, %swap3A_418] {strides = array<i32>} : memref<120x144xf32, #tpu.memory_space<vmem>>, vector<16xf32>,
      tpu.vector_store %arg12[%swap3A_417, %swap3A_418], %mul3A_416 {strides = array<i32>} : memref<120x144xf32, #tpu.memory_space<vmem>>, vector<16xf32>,
      %get3A_420 = arith.index_cast %add3A_351 : i32 to index
      %get3A_421 = arith.constant 112 : index
      %get3A_422 = tpu.vector_load %arg12[%get3A_420, %get3A_421] {strides = array<i32>} : memref<120x144xf32, #tpu.memory_space<vmem>>, vector<16xf32>,
      %mul3A_423 = arith.mulf %get3A_422, %gather3A_412 : vector<16xf32>
      %swap3A_424 = arith.index_cast %add3A_351 : i32 to index
      %swap3A_425 = arith.constant 112 : index
      %swap3A_426 = tpu.vector_load %arg12[%swap3A_424, %swap3A_425] {strides = array<i32>} : memref<120x144xf32, #tpu.memory_space<vmem>>, vector<16xf32>,
      tpu.vector_store %arg12[%swap3A_424, %swap3A_425], %mul3A_423 {strides = array<i32>} : memref<120x144xf32, #tpu.memory_space<vmem>>, vector<16xf32>,
    }
    %scan3A_94 = arith.constant 30 : i32
    %dma_start3A_95 = arith.constant 1 : i32
    %dma_start3A_96 = arith.constant 0 : i32
    %dma_start3A_97 = tpu.memref_slice %arg10[%dma_start3A_95, %dma_start3A_96] : memref<2x120xi32, #tpu.memory_space<vmem>> -> memref<1x120xi32, #tpu.memory_space<vmem>>
    %dma_start3A_98 = tpu.memref_squeeze %dma_start3A_97 : memref<1x120xi32, #tpu.memory_space<vmem>> -> memref<120xi32, #tpu.memory_space<vmem>>
    %dma_start3A_99 = arith.constant 0 : i32
    %dma_start3A_100 = arith.constant 0 : i32
    %dma_start3A_101 = tpu.memref_slice %arg8[%dma_start3A_99, %dma_start3A_100] : memref<10016x144xf32, #tpu.memory_space<vmem_shared>> -> memref<10016x144xf32, #tpu.memory_space<vmem_shared>>
    tpu.enqueue_indirect_dma source(%arg12 : memref<120x144xf32, #tpu.memory_space<vmem>>) target(%dma_start3A_101 : memref<10016x144xf32, #tpu.memory_space<vmem_shared>>) offsets(%dma_start3A_98 : memref<120xi32, #tpu.memory_space<vmem>>) semaphore(%arg21 : memref<!tpu.dma_semaphore, #tpu.memory_space<semaphore_mem>>) {add = true}
    %dma_wait3A_102 = arith.constant 1 : i32
    %dma_wait3A_103 = arith.constant 0 : i32
    %dma_wait3A_104 = tpu.memref_slice %arg9[%dma_wait3A_102, %dma_wait3A_103] : memref<2x120xi32, #tpu.memory_space<vmem>> -> memref<1x120xi32, #tpu.memory_space<vmem>>
    %dma_wait3A_105 = tpu.memref_squeeze %dma_wait3A_104 : memref<1x120xi32, #tpu.memory_space<vmem>> -> memref<120xi32, #tpu.memory_space<vmem>>
    %dma_wait3A_106 = arith.constant 0 : i32
    %dma_wait3A_107 = arith.constant 0 : i32
    %dma_wait3A_108 = tpu.memref_slice %arg8[%dma_wait3A_106, %dma_wait3A_107] : memref<10016x144xf32, #tpu.memory_space<vmem_shared>> -> memref<10016x144xf32, #tpu.memory_space<vmem_shared>>
    tpu.wait_indirect_dma semaphore(%arg20 : memref<!tpu.dma_semaphore, #tpu.memory_space<semaphore_mem>>) src(%arg11 : memref<120x144xf32, #tpu.memory_space<vmem>>) dst(%dma_wait3A_108 : memref<10016x144xf32, #tpu.memory_space<vmem_shared>>)
    %dma_wait3A_109 = arith.constant 1 : i32
    %dma_wait3A_110 = arith.constant 0 : i32
    %dma_wait3A_111 = tpu.memref_slice %arg10[%dma_wait3A_109, %dma_wait3A_110] : memref<2x120xi32, #tpu.memory_space<vmem>> -> memref<1x120xi32, #tpu.memory_space<vmem>>
    %dma_wait3A_112 = tpu.memref_squeeze %dma_wait3A_111 : memref<1x120xi32, #tpu.memory_space<vmem>> -> memref<120xi32, #tpu.memory_space<vmem>>
    %dma_wait3A_113 = arith.constant 0 : i32
    %dma_wait3A_114 = arith.constant 0 : i32
    %dma_wait3A_115 = tpu.memref_slice %arg8[%dma_wait3A_113, %dma_wait3A_114] : memref<10016x144xf32, #tpu.memory_space<vmem_shared>> -> memref<10016x144xf32, #tpu.memory_space<vmem_shared>>
    tpu.wait_indirect_dma semaphore(%arg21 : memref<!tpu.dma_semaphore, #tpu.memory_space<semaphore_mem>>) src(%arg12 : memref<120x144xf32, #tpu.memory_space<vmem>>) dst(%dma_wait3A_115 : memref<10016x144xf32, #tpu.memory_space<vmem_shared>>)
    %barrier3A_116 = arith.constant 0 : index
    tpu.barrier barrier_id(%barrier3A_116)
    "tpu.region"() ({
      %run_scoped3A = tpu.sem_alloc : memref<!tpu.dma_semaphore, #tpu.memory_space<semaphore_mem>>
      %dma_start3A_117 = arith.constant 0 : i32
      %dma_start3A_118 = tpu.memref_slice %arg7[%arg0, %mul3A_4, %dma_start3A_117] : memref<2x10016x144xf32, #tpu.memory_space<hbm>> -> memref<1x626x144xf32, #tpu.memory_space<hbm>>
      %dma_start3A_119 = tpu.memref_squeeze %dma_start3A_118 : memref<1x626x144xf32, #tpu.memory_space<hbm>> -> memref<626x144xf32, #tpu.memory_space<hbm>>
      %dma_start3A_120 = arith.constant 0 : i32
      %dma_start3A_121 = tpu.memref_slice %arg8[%mul3A_4, %dma_start3A_120] : memref<10016x144xf32, #tpu.memory_space<vmem_shared>> -> memref<626x144xf32, #tpu.memory_space<vmem_shared>>
      tpu.enqueue_dma source(%dma_start3A_121 : memref<626x144xf32, #tpu.memory_space<vmem_shared>>) target(%dma_start3A_119 : memref<626x144xf32, #tpu.memory_space<hbm>>) target_semaphore(%run_scoped3A : memref<!tpu.dma_semaphore, #tpu.memory_space<semaphore_mem>>)
      %dma_wait3A_122 = arith.constant 0 : i32
      %dma_wait3A_123 = tpu.memref_slice %arg7[%arg0, %mul3A_4, %dma_wait3A_122] : memref<2x10016x144xf32, #tpu.memory_space<hbm>> -> memref<1x626x144xf32, #tpu.memory_space<hbm>>
      %dma_wait3A_124 = tpu.memref_squeeze %dma_wait3A_123 : memref<1x626x144xf32, #tpu.memory_space<hbm>> -> memref<626x144xf32, #tpu.memory_space<hbm>>
      %dma_wait3A_125 = arith.constant 0 : i32
      %dma_wait3A_126 = tpu.memref_slice %arg8[%mul3A_4, %dma_wait3A_125] : memref<10016x144xf32, #tpu.memory_space<vmem_shared>> -> memref<626x144xf32, #tpu.memory_space<vmem_shared>>
      tpu.wait_dma2 semaphore(%run_scoped3A : memref<!tpu.dma_semaphore, #tpu.memory_space<semaphore_mem>>) src(%dma_wait3A_126 : memref<626x144xf32, #tpu.memory_space<vmem_shared>>) dst(%dma_wait3A_124 : memref<626x144xf32, #tpu.memory_space<hbm>>)
      tpu.yield
    }) : () -> ()
    return
  }
}

#map = affine_map<(d0, d1) -> (0, 0)>
#map1 = affine_map<(d0, d1) -> (0, 0, 0)>
module attributes {stable_mosaic.version = 14 : i64} {
  func.func @sage_sc(%arg0: i32, %arg1: i32, %arg2: memref<10016x144xf32, #tpu.memory_space<hbm>>, %arg3: memref<2560x2x128xi32, #tpu.memory_space<hbm>>, %arg4: memref<10016x144xf32, #tpu.memory_space<hbm>>, %arg5: memref<2x10016x144xf32, #tpu.memory_space<hbm>>, %arg6: memref<10016x144xf32, #tpu.memory_space<vmem_shared>>, %arg7: memref<2x128xi32, #tpu.memory_space<vmem>>, %arg8: memref<2x128xi32, #tpu.memory_space<vmem>>, %arg9: memref<128x144xf32, #tpu.memory_space<vmem>>, %arg10: memref<128x144xf32, #tpu.memory_space<vmem>>, %arg11: memref<!tpu.dma_semaphore, #tpu.memory_space<semaphore_mem>>, %arg12: memref<!tpu.dma_semaphore, #tpu.memory_space<semaphore_mem>>, %arg13: memref<!tpu.dma_semaphore, #tpu.memory_space<semaphore_mem>>, %arg14: memref<!tpu.dma_semaphore, #tpu.memory_space<semaphore_mem>>) attributes {dimension_semantics = [#tpu.dimension_semantics<core_parallel>, #tpu.dimension_semantics<subcore_parallel>], iteration_bounds = array<i64: 2, 16>, scalar_prefetch = 0 : i64, scratch_operands = 9 : i64, tpu.core_type = #tpu.core_type<sc_vector_subcore>, window_params = [{transform_indices = #map}, {transform_indices = #map1}, {transform_indices = #map}, {transform_indices = #map1}]} {
    %mul3A = arith.constant 16 : i32
    %mul3A_0 = arith.muli %arg0, %mul3A : i32
    %add3A = arith.addi %mul3A_0, %arg1 : i32
    %mul3A_1 = arith.constant 80 : i32
    %mul3A_2 = arith.muli %add3A, %mul3A_1 : i32
    %mul3A_3 = arith.constant 626 : i32
    %mul3A_4 = arith.muli %arg1, %mul3A_3 : i32
    "tpu.region"() ({
      %run_scoped3A = tpu.sem_alloc : memref<!tpu.dma_semaphore, #tpu.memory_space<semaphore_mem>>
      %dma_start3A_66 = arith.constant 0 : i32
      %dma_start3A_67 = tpu.memref_slice %arg6[%mul3A_4, %dma_start3A_66] : memref<10016x144xf32, #tpu.memory_space<vmem_shared>> -> memref<626x144xf32, #tpu.memory_space<vmem_shared>>
      %dma_start3A_68 = arith.constant 0 : i32
      %dma_start3A_69 = tpu.memref_slice %arg4[%mul3A_4, %dma_start3A_68] : memref<10016x144xf32, #tpu.memory_space<hbm>> -> memref<626x144xf32, #tpu.memory_space<hbm>>
      tpu.enqueue_dma source(%dma_start3A_69 : memref<626x144xf32, #tpu.memory_space<hbm>>) target(%dma_start3A_67 : memref<626x144xf32, #tpu.memory_space<vmem_shared>>) target_semaphore(%run_scoped3A : memref<!tpu.dma_semaphore, #tpu.memory_space<semaphore_mem>>)
      %dma_wait3A_70 = arith.constant 0 : i32
      %dma_wait3A_71 = tpu.memref_slice %arg6[%mul3A_4, %dma_wait3A_70] : memref<10016x144xf32, #tpu.memory_space<vmem_shared>> -> memref<626x144xf32, #tpu.memory_space<vmem_shared>>
      %dma_wait3A_72 = arith.constant 0 : i32
      %dma_wait3A_73 = tpu.memref_slice %arg4[%mul3A_4, %dma_wait3A_72] : memref<10016x144xf32, #tpu.memory_space<hbm>> -> memref<626x144xf32, #tpu.memory_space<hbm>>
      tpu.wait_dma2 semaphore(%run_scoped3A : memref<!tpu.dma_semaphore, #tpu.memory_space<semaphore_mem>>) src(%dma_wait3A_73 : memref<626x144xf32, #tpu.memory_space<hbm>>) dst(%dma_wait3A_71 : memref<626x144xf32, #tpu.memory_space<vmem_shared>>)
      tpu.yield
    }) : () -> ()
    %barrier3A = arith.constant 0 : index
    tpu.barrier barrier_id(%barrier3A)
    "tpu.region"() ({
      %run_scoped3A = tpu.sem_alloc : memref<!tpu.dma_semaphore, #tpu.memory_space<semaphore_mem>>
      %dma_start3A_66 = arith.constant 0 : i32
      %dma_start3A_67 = arith.constant 0 : i32
      %dma_start3A_68 = tpu.memref_slice %arg3[%mul3A_2, %dma_start3A_66, %dma_start3A_67] : memref<2560x2x128xi32, #tpu.memory_space<hbm>> -> memref<1x2x128xi32, #tpu.memory_space<hbm>>
      %dma_start3A_69 = tpu.memref_squeeze %dma_start3A_68 : memref<1x2x128xi32, #tpu.memory_space<hbm>> -> memref<2x128xi32, #tpu.memory_space<hbm>>
      %dma_start3A_70 = arith.constant 0 : i32
      %dma_start3A_71 = arith.constant 0 : i32
      %dma_start3A_72 = tpu.memref_slice %arg3[%mul3A_2, %dma_start3A_70, %dma_start3A_71] : memref<2560x2x128xi32, #tpu.memory_space<hbm>> -> memref<1x2x128xi32, #tpu.memory_space<hbm>>
      %dma_start3A_73 = tpu.memref_squeeze %dma_start3A_72 : memref<1x2x128xi32, #tpu.memory_space<hbm>> -> memref<2x128xi32, #tpu.memory_space<hbm>>
      tpu.enqueue_dma source(%dma_start3A_73 : memref<2x128xi32, #tpu.memory_space<hbm>>) target(%arg7 : memref<2x128xi32, #tpu.memory_space<vmem>>) target_semaphore(%run_scoped3A : memref<!tpu.dma_semaphore, #tpu.memory_space<semaphore_mem>>)
      %dma_wait3A_74 = arith.constant 0 : i32
      %dma_wait3A_75 = arith.constant 0 : i32
      %dma_wait3A_76 = tpu.memref_slice %arg3[%mul3A_2, %dma_wait3A_74, %dma_wait3A_75] : memref<2560x2x128xi32, #tpu.memory_space<hbm>> -> memref<1x2x128xi32, #tpu.memory_space<hbm>>
      %dma_wait3A_77 = tpu.memref_squeeze %dma_wait3A_76 : memref<1x2x128xi32, #tpu.memory_space<hbm>> -> memref<2x128xi32, #tpu.memory_space<hbm>>
      %dma_wait3A_78 = arith.constant 0 : i32
      %dma_wait3A_79 = arith.constant 0 : i32
      %dma_wait3A_80 = tpu.memref_slice %arg3[%mul3A_2, %dma_wait3A_78, %dma_wait3A_79] : memref<2560x2x128xi32, #tpu.memory_space<hbm>> -> memref<1x2x128xi32, #tpu.memory_space<hbm>>
      %dma_wait3A_81 = tpu.memref_squeeze %dma_wait3A_80 : memref<1x2x128xi32, #tpu.memory_space<hbm>> -> memref<2x128xi32, #tpu.memory_space<hbm>>
      tpu.wait_dma2 semaphore(%run_scoped3A : memref<!tpu.dma_semaphore, #tpu.memory_space<semaphore_mem>>) src(%dma_wait3A_81 : memref<2x128xi32, #tpu.memory_space<hbm>>) dst(%arg7 : memref<2x128xi32, #tpu.memory_space<vmem>>)
      tpu.yield
    }) : () -> ()
    %add3A_5 = arith.constant 1 : i32
    %add3A_6 = arith.addi %mul3A_2, %add3A_5 : i32
    "tpu.region"() ({
      %run_scoped3A = tpu.sem_alloc : memref<!tpu.dma_semaphore, #tpu.memory_space<semaphore_mem>>
      %dma_start3A_66 = arith.constant 0 : i32
      %dma_start3A_67 = arith.constant 0 : i32
      %dma_start3A_68 = tpu.memref_slice %arg3[%add3A_6, %dma_start3A_66, %dma_start3A_67] : memref<2560x2x128xi32, #tpu.memory_space<hbm>> -> memref<1x2x128xi32, #tpu.memory_space<hbm>>
      %dma_start3A_69 = tpu.memref_squeeze %dma_start3A_68 : memref<1x2x128xi32, #tpu.memory_space<hbm>> -> memref<2x128xi32, #tpu.memory_space<hbm>>
      %dma_start3A_70 = arith.constant 0 : i32
      %dma_start3A_71 = arith.constant 0 : i32
      %dma_start3A_72 = tpu.memref_slice %arg3[%add3A_6, %dma_start3A_70, %dma_start3A_71] : memref<2560x2x128xi32, #tpu.memory_space<hbm>> -> memref<1x2x128xi32, #tpu.memory_space<hbm>>
      %dma_start3A_73 = tpu.memref_squeeze %dma_start3A_72 : memref<1x2x128xi32, #tpu.memory_space<hbm>> -> memref<2x128xi32, #tpu.memory_space<hbm>>
      tpu.enqueue_dma source(%dma_start3A_73 : memref<2x128xi32, #tpu.memory_space<hbm>>) target(%arg8 : memref<2x128xi32, #tpu.memory_space<vmem>>) target_semaphore(%run_scoped3A : memref<!tpu.dma_semaphore, #tpu.memory_space<semaphore_mem>>)
      %dma_wait3A_74 = arith.constant 0 : i32
      %dma_wait3A_75 = arith.constant 0 : i32
      %dma_wait3A_76 = tpu.memref_slice %arg3[%add3A_6, %dma_wait3A_74, %dma_wait3A_75] : memref<2560x2x128xi32, #tpu.memory_space<hbm>> -> memref<1x2x128xi32, #tpu.memory_space<hbm>>
      %dma_wait3A_77 = tpu.memref_squeeze %dma_wait3A_76 : memref<1x2x128xi32, #tpu.memory_space<hbm>> -> memref<2x128xi32, #tpu.memory_space<hbm>>
      %dma_wait3A_78 = arith.constant 0 : i32
      %dma_wait3A_79 = arith.constant 0 : i32
      %dma_wait3A_80 = tpu.memref_slice %arg3[%add3A_6, %dma_wait3A_78, %dma_wait3A_79] : memref<2560x2x128xi32, #tpu.memory_space<hbm>> -> memref<1x2x128xi32, #tpu.memory_space<hbm>>
      %dma_wait3A_81 = tpu.memref_squeeze %dma_wait3A_80 : memref<1x2x128xi32, #tpu.memory_space<hbm>> -> memref<2x128xi32, #tpu.memory_space<hbm>>
      tpu.wait_dma2 semaphore(%run_scoped3A : memref<!tpu.dma_semaphore, #tpu.memory_space<semaphore_mem>>) src(%dma_wait3A_81 : memref<2x128xi32, #tpu.memory_space<hbm>>) dst(%arg8 : memref<2x128xi32, #tpu.memory_space<vmem>>)
      tpu.yield
    }) : () -> ()
    %dma_start3A = arith.constant 0 : i32
    %dma_start3A_7 = arith.constant 0 : i32
    %dma_start3A_8 = tpu.memref_slice %arg7[%dma_start3A, %dma_start3A_7] : memref<2x128xi32, #tpu.memory_space<vmem>> -> memref<1x128xi32, #tpu.memory_space<vmem>>
    %dma_start3A_9 = tpu.memref_squeeze %dma_start3A_8 : memref<1x128xi32, #tpu.memory_space<vmem>> -> memref<128xi32, #tpu.memory_space<vmem>>
    %dma_start3A_10 = arith.constant 0 : i32
    %dma_start3A_11 = arith.constant 0 : i32
    %dma_start3A_12 = tpu.memref_slice %arg2[%dma_start3A_10, %dma_start3A_11] : memref<10016x144xf32, #tpu.memory_space<hbm>> -> memref<10016x144xf32, #tpu.memory_space<hbm>>
    tpu.enqueue_indirect_dma source(%dma_start3A_12 : memref<10016x144xf32, #tpu.memory_space<hbm>>) target(%arg9 : memref<128x144xf32, #tpu.memory_space<vmem>>) offsets(%dma_start3A_9 : memref<128xi32, #tpu.memory_space<vmem>>) semaphore(%arg11 : memref<!tpu.dma_semaphore, #tpu.memory_space<semaphore_mem>>)
    %dma_start3A_13 = arith.constant 0 : i32
    %dma_start3A_14 = arith.constant 0 : i32
    %dma_start3A_15 = tpu.memref_slice %arg8[%dma_start3A_13, %dma_start3A_14] : memref<2x128xi32, #tpu.memory_space<vmem>> -> memref<1x128xi32, #tpu.memory_space<vmem>>
    %dma_start3A_16 = tpu.memref_squeeze %dma_start3A_15 : memref<1x128xi32, #tpu.memory_space<vmem>> -> memref<128xi32, #tpu.memory_space<vmem>>
    %dma_start3A_17 = arith.constant 0 : i32
    %dma_start3A_18 = arith.constant 0 : i32
    %dma_start3A_19 = tpu.memref_slice %arg2[%dma_start3A_17, %dma_start3A_18] : memref<10016x144xf32, #tpu.memory_space<hbm>> -> memref<10016x144xf32, #tpu.memory_space<hbm>>
    tpu.enqueue_indirect_dma source(%dma_start3A_19 : memref<10016x144xf32, #tpu.memory_space<hbm>>) target(%arg10 : memref<128x144xf32, #tpu.memory_space<vmem>>) offsets(%dma_start3A_16 : memref<128xi32, #tpu.memory_space<vmem>>) semaphore(%arg12 : memref<!tpu.dma_semaphore, #tpu.memory_space<semaphore_mem>>)
    %scan3A = arith.constant 0 : i32
    %scan3A_20 = arith.constant 39 : i32
    %scan3A_21 = arith.addi %scan3A, %scan3A_20 : i32
    %scan3A_22 = arith.constant 1 : i32
    scf.for %scan3A_66 = %scan3A to %scan3A_21 step %scan3A_22  : i32 {
      %mul3A_67 = arith.constant 1 : i32
      %mul3A_68 = arith.muli %scan3A_66, %mul3A_67 : i32
      %add3A_69 = arith.constant 0 : i32
      %add3A_70 = arith.addi %add3A_69, %mul3A_68 : i32
      %dma_wait3A_71 = arith.constant 0 : i32
      %dma_wait3A_72 = arith.constant 0 : i32
      %dma_wait3A_73 = tpu.memref_slice %arg7[%dma_wait3A_71, %dma_wait3A_72] : memref<2x128xi32, #tpu.memory_space<vmem>> -> memref<1x128xi32, #tpu.memory_space<vmem>>
      %dma_wait3A_74 = tpu.memref_squeeze %dma_wait3A_73 : memref<1x128xi32, #tpu.memory_space<vmem>> -> memref<128xi32, #tpu.memory_space<vmem>>
      %dma_wait3A_75 = arith.constant 0 : i32
      %dma_wait3A_76 = arith.constant 0 : i32
      %dma_wait3A_77 = tpu.memref_slice %arg2[%dma_wait3A_75, %dma_wait3A_76] : memref<10016x144xf32, #tpu.memory_space<hbm>> -> memref<10016x144xf32, #tpu.memory_space<hbm>>
      tpu.wait_indirect_dma semaphore(%arg11 : memref<!tpu.dma_semaphore, #tpu.memory_space<semaphore_mem>>) src(%dma_wait3A_77 : memref<10016x144xf32, #tpu.memory_space<hbm>>) dst(%arg9 : memref<128x144xf32, #tpu.memory_space<vmem>>)
      %dma_start3A_78 = arith.constant 1 : i32
      %dma_start3A_79 = arith.constant 0 : i32
      %dma_start3A_80 = tpu.memref_slice %arg7[%dma_start3A_78, %dma_start3A_79] : memref<2x128xi32, #tpu.memory_space<vmem>> -> memref<1x128xi32, #tpu.memory_space<vmem>>
      %dma_start3A_81 = tpu.memref_squeeze %dma_start3A_80 : memref<1x128xi32, #tpu.memory_space<vmem>> -> memref<128xi32, #tpu.memory_space<vmem>>
      %dma_start3A_82 = arith.constant 0 : i32
      %dma_start3A_83 = arith.constant 0 : i32
      %dma_start3A_84 = tpu.memref_slice %arg6[%dma_start3A_82, %dma_start3A_83] : memref<10016x144xf32, #tpu.memory_space<vmem_shared>> -> memref<10016x144xf32, #tpu.memory_space<vmem_shared>>
      tpu.enqueue_indirect_dma source(%arg9 : memref<128x144xf32, #tpu.memory_space<vmem>>) target(%dma_start3A_84 : memref<10016x144xf32, #tpu.memory_space<vmem_shared>>) offsets(%dma_start3A_81 : memref<128xi32, #tpu.memory_space<vmem>>) semaphore(%arg13 : memref<!tpu.dma_semaphore, #tpu.memory_space<semaphore_mem>>) {add = true}
      %dma_wait3A_85 = arith.constant 0 : i32
      %dma_wait3A_86 = arith.constant 0 : i32
      %dma_wait3A_87 = tpu.memref_slice %arg8[%dma_wait3A_85, %dma_wait3A_86] : memref<2x128xi32, #tpu.memory_space<vmem>> -> memref<1x128xi32, #tpu.memory_space<vmem>>
      %dma_wait3A_88 = tpu.memref_squeeze %dma_wait3A_87 : memref<1x128xi32, #tpu.memory_space<vmem>> -> memref<128xi32, #tpu.memory_space<vmem>>
      %dma_wait3A_89 = arith.constant 0 : i32
      %dma_wait3A_90 = arith.constant 0 : i32
      %dma_wait3A_91 = tpu.memref_slice %arg2[%dma_wait3A_89, %dma_wait3A_90] : memref<10016x144xf32, #tpu.memory_space<hbm>> -> memref<10016x144xf32, #tpu.memory_space<hbm>>
      tpu.wait_indirect_dma semaphore(%arg12 : memref<!tpu.dma_semaphore, #tpu.memory_space<semaphore_mem>>) src(%dma_wait3A_91 : memref<10016x144xf32, #tpu.memory_space<hbm>>) dst(%arg10 : memref<128x144xf32, #tpu.memory_space<vmem>>)
      %dma_start3A_92 = arith.constant 1 : i32
      %dma_start3A_93 = arith.constant 0 : i32
      %dma_start3A_94 = tpu.memref_slice %arg8[%dma_start3A_92, %dma_start3A_93] : memref<2x128xi32, #tpu.memory_space<vmem>> -> memref<1x128xi32, #tpu.memory_space<vmem>>
      %dma_start3A_95 = tpu.memref_squeeze %dma_start3A_94 : memref<1x128xi32, #tpu.memory_space<vmem>> -> memref<128xi32, #tpu.memory_space<vmem>>
      %dma_start3A_96 = arith.constant 0 : i32
      %dma_start3A_97 = arith.constant 0 : i32
      %dma_start3A_98 = tpu.memref_slice %arg6[%dma_start3A_96, %dma_start3A_97] : memref<10016x144xf32, #tpu.memory_space<vmem_shared>> -> memref<10016x144xf32, #tpu.memory_space<vmem_shared>>
      tpu.enqueue_indirect_dma source(%arg10 : memref<128x144xf32, #tpu.memory_space<vmem>>) target(%dma_start3A_98 : memref<10016x144xf32, #tpu.memory_space<vmem_shared>>) offsets(%dma_start3A_95 : memref<128xi32, #tpu.memory_space<vmem>>) semaphore(%arg14 : memref<!tpu.dma_semaphore, #tpu.memory_space<semaphore_mem>>) {add = true}
      %dma_wait3A_99 = arith.constant 1 : i32
      %dma_wait3A_100 = arith.constant 0 : i32
      %dma_wait3A_101 = tpu.memref_slice %arg7[%dma_wait3A_99, %dma_wait3A_100] : memref<2x128xi32, #tpu.memory_space<vmem>> -> memref<1x128xi32, #tpu.memory_space<vmem>>
      %dma_wait3A_102 = tpu.memref_squeeze %dma_wait3A_101 : memref<1x128xi32, #tpu.memory_space<vmem>> -> memref<128xi32, #tpu.memory_space<vmem>>
      %dma_wait3A_103 = arith.constant 0 : i32
      %dma_wait3A_104 = arith.constant 0 : i32
      %dma_wait3A_105 = tpu.memref_slice %arg6[%dma_wait3A_103, %dma_wait3A_104] : memref<10016x144xf32, #tpu.memory_space<vmem_shared>> -> memref<10016x144xf32, #tpu.memory_space<vmem_shared>>
      tpu.wait_indirect_dma semaphore(%arg13 : memref<!tpu.dma_semaphore, #tpu.memory_space<semaphore_mem>>) src(%arg9 : memref<128x144xf32, #tpu.memory_space<vmem>>) dst(%dma_wait3A_105 : memref<10016x144xf32, #tpu.memory_space<vmem_shared>>)
      %mul3A_106 = arith.constant 2 : i32
      %mul3A_107 = arith.muli %mul3A_106, %add3A_70 : i32
      %add3A_108 = arith.addi %mul3A_2, %mul3A_107 : i32
      %add3A_109 = arith.constant 2 : i32
      %add3A_110 = arith.addi %add3A_108, %add3A_109 : i32
      "tpu.region"() ({
        %run_scoped3A = tpu.sem_alloc : memref<!tpu.dma_semaphore, #tpu.memory_space<semaphore_mem>>
        %dma_start3A_137 = arith.constant 0 : i32
        %dma_start3A_138 = arith.constant 0 : i32
        %dma_start3A_139 = tpu.memref_slice %arg3[%add3A_110, %dma_start3A_137, %dma_start3A_138] : memref<2560x2x128xi32, #tpu.memory_space<hbm>> -> memref<1x2x128xi32, #tpu.memory_space<hbm>>
        %dma_start3A_140 = tpu.memref_squeeze %dma_start3A_139 : memref<1x2x128xi32, #tpu.memory_space<hbm>> -> memref<2x128xi32, #tpu.memory_space<hbm>>
        %dma_start3A_141 = arith.constant 0 : i32
        %dma_start3A_142 = arith.constant 0 : i32
        %dma_start3A_143 = tpu.memref_slice %arg3[%add3A_110, %dma_start3A_141, %dma_start3A_142] : memref<2560x2x128xi32, #tpu.memory_space<hbm>> -> memref<1x2x128xi32, #tpu.memory_space<hbm>>
        %dma_start3A_144 = tpu.memref_squeeze %dma_start3A_143 : memref<1x2x128xi32, #tpu.memory_space<hbm>> -> memref<2x128xi32, #tpu.memory_space<hbm>>
        tpu.enqueue_dma source(%dma_start3A_144 : memref<2x128xi32, #tpu.memory_space<hbm>>) target(%arg7 : memref<2x128xi32, #tpu.memory_space<vmem>>) target_semaphore(%run_scoped3A : memref<!tpu.dma_semaphore, #tpu.memory_space<semaphore_mem>>)
        %dma_wait3A_145 = arith.constant 0 : i32
        %dma_wait3A_146 = arith.constant 0 : i32
        %dma_wait3A_147 = tpu.memref_slice %arg3[%add3A_110, %dma_wait3A_145, %dma_wait3A_146] : memref<2560x2x128xi32, #tpu.memory_space<hbm>> -> memref<1x2x128xi32, #tpu.memory_space<hbm>>
        %dma_wait3A_148 = tpu.memref_squeeze %dma_wait3A_147 : memref<1x2x128xi32, #tpu.memory_space<hbm>> -> memref<2x128xi32, #tpu.memory_space<hbm>>
        %dma_wait3A_149 = arith.constant 0 : i32
        %dma_wait3A_150 = arith.constant 0 : i32
        %dma_wait3A_151 = tpu.memref_slice %arg3[%add3A_110, %dma_wait3A_149, %dma_wait3A_150] : memref<2560x2x128xi32, #tpu.memory_space<hbm>> -> memref<1x2x128xi32, #tpu.memory_space<hbm>>
        %dma_wait3A_152 = tpu.memref_squeeze %dma_wait3A_151 : memref<1x2x128xi32, #tpu.memory_space<hbm>> -> memref<2x128xi32, #tpu.memory_space<hbm>>
        tpu.wait_dma2 semaphore(%run_scoped3A : memref<!tpu.dma_semaphore, #tpu.memory_space<semaphore_mem>>) src(%dma_wait3A_152 : memref<2x128xi32, #tpu.memory_space<hbm>>) dst(%arg7 : memref<2x128xi32, #tpu.memory_space<vmem>>)
        tpu.yield
      }) : () -> ()
      %dma_start3A_111 = arith.constant 0 : i32
      %dma_start3A_112 = arith.constant 0 : i32
      %dma_start3A_113 = tpu.memref_slice %arg7[%dma_start3A_111, %dma_start3A_112] : memref<2x128xi32, #tpu.memory_space<vmem>> -> memref<1x128xi32, #tpu.memory_space<vmem>>
      %dma_start3A_114 = tpu.memref_squeeze %dma_start3A_113 : memref<1x128xi32, #tpu.memory_space<vmem>> -> memref<128xi32, #tpu.memory_space<vmem>>
      %dma_start3A_115 = arith.constant 0 : i32
      %dma_start3A_116 = arith.constant 0 : i32
      %dma_start3A_117 = tpu.memref_slice %arg2[%dma_start3A_115, %dma_start3A_116] : memref<10016x144xf32, #tpu.memory_space<hbm>> -> memref<10016x144xf32, #tpu.memory_space<hbm>>
      tpu.enqueue_indirect_dma source(%dma_start3A_117 : memref<10016x144xf32, #tpu.memory_space<hbm>>) target(%arg9 : memref<128x144xf32, #tpu.memory_space<vmem>>) offsets(%dma_start3A_114 : memref<128xi32, #tpu.memory_space<vmem>>) semaphore(%arg11 : memref<!tpu.dma_semaphore, #tpu.memory_space<semaphore_mem>>)
      %dma_wait3A_118 = arith.constant 1 : i32
      %dma_wait3A_119 = arith.constant 0 : i32
      %dma_wait3A_120 = tpu.memref_slice %arg8[%dma_wait3A_118, %dma_wait3A_119] : memref<2x128xi32, #tpu.memory_space<vmem>> -> memref<1x128xi32, #tpu.memory_space<vmem>>
      %dma_wait3A_121 = tpu.memref_squeeze %dma_wait3A_120 : memref<1x128xi32, #tpu.memory_space<vmem>> -> memref<128xi32, #tpu.memory_space<vmem>>
      %dma_wait3A_122 = arith.constant 0 : i32
      %dma_wait3A_123 = arith.constant 0 : i32
      %dma_wait3A_124 = tpu.memref_slice %arg6[%dma_wait3A_122, %dma_wait3A_123] : memref<10016x144xf32, #tpu.memory_space<vmem_shared>> -> memref<10016x144xf32, #tpu.memory_space<vmem_shared>>
      tpu.wait_indirect_dma semaphore(%arg14 : memref<!tpu.dma_semaphore, #tpu.memory_space<semaphore_mem>>) src(%arg10 : memref<128x144xf32, #tpu.memory_space<vmem>>) dst(%dma_wait3A_124 : memref<10016x144xf32, #tpu.memory_space<vmem_shared>>)
      %mul3A_125 = arith.constant 2 : i32
      %mul3A_126 = arith.muli %mul3A_125, %add3A_70 : i32
      %add3A_127 = arith.addi %mul3A_2, %mul3A_126 : i32
      %add3A_128 = arith.constant 3 : i32
      %add3A_129 = arith.addi %add3A_127, %add3A_128 : i32
      "tpu.region"() ({
        %run_scoped3A = tpu.sem_alloc : memref<!tpu.dma_semaphore, #tpu.memory_space<semaphore_mem>>
        %dma_start3A_137 = arith.constant 0 : i32
        %dma_start3A_138 = arith.constant 0 : i32
        %dma_start3A_139 = tpu.memref_slice %arg3[%add3A_129, %dma_start3A_137, %dma_start3A_138] : memref<2560x2x128xi32, #tpu.memory_space<hbm>> -> memref<1x2x128xi32, #tpu.memory_space<hbm>>
        %dma_start3A_140 = tpu.memref_squeeze %dma_start3A_139 : memref<1x2x128xi32, #tpu.memory_space<hbm>> -> memref<2x128xi32, #tpu.memory_space<hbm>>
        %dma_start3A_141 = arith.constant 0 : i32
        %dma_start3A_142 = arith.constant 0 : i32
        %dma_start3A_143 = tpu.memref_slice %arg3[%add3A_129, %dma_start3A_141, %dma_start3A_142] : memref<2560x2x128xi32, #tpu.memory_space<hbm>> -> memref<1x2x128xi32, #tpu.memory_space<hbm>>
        %dma_start3A_144 = tpu.memref_squeeze %dma_start3A_143 : memref<1x2x128xi32, #tpu.memory_space<hbm>> -> memref<2x128xi32, #tpu.memory_space<hbm>>
        tpu.enqueue_dma source(%dma_start3A_144 : memref<2x128xi32, #tpu.memory_space<hbm>>) target(%arg8 : memref<2x128xi32, #tpu.memory_space<vmem>>) target_semaphore(%run_scoped3A : memref<!tpu.dma_semaphore, #tpu.memory_space<semaphore_mem>>)
        %dma_wait3A_145 = arith.constant 0 : i32
        %dma_wait3A_146 = arith.constant 0 : i32
        %dma_wait3A_147 = tpu.memref_slice %arg3[%add3A_129, %dma_wait3A_145, %dma_wait3A_146] : memref<2560x2x128xi32, #tpu.memory_space<hbm>> -> memref<1x2x128xi32, #tpu.memory_space<hbm>>
        %dma_wait3A_148 = tpu.memref_squeeze %dma_wait3A_147 : memref<1x2x128xi32, #tpu.memory_space<hbm>> -> memref<2x128xi32, #tpu.memory_space<hbm>>
        %dma_wait3A_149 = arith.constant 0 : i32
        %dma_wait3A_150 = arith.constant 0 : i32
        %dma_wait3A_151 = tpu.memref_slice %arg3[%add3A_129, %dma_wait3A_149, %dma_wait3A_150] : memref<2560x2x128xi32, #tpu.memory_space<hbm>> -> memref<1x2x128xi32, #tpu.memory_space<hbm>>
        %dma_wait3A_152 = tpu.memref_squeeze %dma_wait3A_151 : memref<1x2x128xi32, #tpu.memory_space<hbm>> -> memref<2x128xi32, #tpu.memory_space<hbm>>
        tpu.wait_dma2 semaphore(%run_scoped3A : memref<!tpu.dma_semaphore, #tpu.memory_space<semaphore_mem>>) src(%dma_wait3A_152 : memref<2x128xi32, #tpu.memory_space<hbm>>) dst(%arg8 : memref<2x128xi32, #tpu.memory_space<vmem>>)
        tpu.yield
      }) : () -> ()
      %dma_start3A_130 = arith.constant 0 : i32
      %dma_start3A_131 = arith.constant 0 : i32
      %dma_start3A_132 = tpu.memref_slice %arg8[%dma_start3A_130, %dma_start3A_131] : memref<2x128xi32, #tpu.memory_space<vmem>> -> memref<1x128xi32, #tpu.memory_space<vmem>>
      %dma_start3A_133 = tpu.memref_squeeze %dma_start3A_132 : memref<1x128xi32, #tpu.memory_space<vmem>> -> memref<128xi32, #tpu.memory_space<vmem>>
      %dma_start3A_134 = arith.constant 0 : i32
      %dma_start3A_135 = arith.constant 0 : i32
      %dma_start3A_136 = tpu.memref_slice %arg2[%dma_start3A_134, %dma_start3A_135] : memref<10016x144xf32, #tpu.memory_space<hbm>> -> memref<10016x144xf32, #tpu.memory_space<hbm>>
      tpu.enqueue_indirect_dma source(%dma_start3A_136 : memref<10016x144xf32, #tpu.memory_space<hbm>>) target(%arg10 : memref<128x144xf32, #tpu.memory_space<vmem>>) offsets(%dma_start3A_133 : memref<128xi32, #tpu.memory_space<vmem>>) semaphore(%arg12 : memref<!tpu.dma_semaphore, #tpu.memory_space<semaphore_mem>>)
    }
    %scan3A_23 = arith.constant 39 : i32
    %dma_wait3A = arith.constant 0 : i32
    %dma_wait3A_24 = arith.constant 0 : i32
    %dma_wait3A_25 = tpu.memref_slice %arg7[%dma_wait3A, %dma_wait3A_24] : memref<2x128xi32, #tpu.memory_space<vmem>> -> memref<1x128xi32, #tpu.memory_space<vmem>>
    %dma_wait3A_26 = tpu.memref_squeeze %dma_wait3A_25 : memref<1x128xi32, #tpu.memory_space<vmem>> -> memref<128xi32, #tpu.memory_space<vmem>>
    %dma_wait3A_27 = arith.constant 0 : i32
    %dma_wait3A_28 = arith.constant 0 : i32
    %dma_wait3A_29 = tpu.memref_slice %arg2[%dma_wait3A_27, %dma_wait3A_28] : memref<10016x144xf32, #tpu.memory_space<hbm>> -> memref<10016x144xf32, #tpu.memory_space<hbm>>
    tpu.wait_indirect_dma semaphore(%arg11 : memref<!tpu.dma_semaphore, #tpu.memory_space<semaphore_mem>>) src(%dma_wait3A_29 : memref<10016x144xf32, #tpu.memory_space<hbm>>) dst(%arg9 : memref<128x144xf32, #tpu.memory_space<vmem>>)
    %dma_start3A_30 = arith.constant 1 : i32
    %dma_start3A_31 = arith.constant 0 : i32
    %dma_start3A_32 = tpu.memref_slice %arg7[%dma_start3A_30, %dma_start3A_31] : memref<2x128xi32, #tpu.memory_space<vmem>> -> memref<1x128xi32, #tpu.memory_space<vmem>>
    %dma_start3A_33 = tpu.memref_squeeze %dma_start3A_32 : memref<1x128xi32, #tpu.memory_space<vmem>> -> memref<128xi32, #tpu.memory_space<vmem>>
    %dma_start3A_34 = arith.constant 0 : i32
    %dma_start3A_35 = arith.constant 0 : i32
    %dma_start3A_36 = tpu.memref_slice %arg6[%dma_start3A_34, %dma_start3A_35] : memref<10016x144xf32, #tpu.memory_space<vmem_shared>> -> memref<10016x144xf32, #tpu.memory_space<vmem_shared>>
    tpu.enqueue_indirect_dma source(%arg9 : memref<128x144xf32, #tpu.memory_space<vmem>>) target(%dma_start3A_36 : memref<10016x144xf32, #tpu.memory_space<vmem_shared>>) offsets(%dma_start3A_33 : memref<128xi32, #tpu.memory_space<vmem>>) semaphore(%arg13 : memref<!tpu.dma_semaphore, #tpu.memory_space<semaphore_mem>>) {add = true}
    %dma_wait3A_37 = arith.constant 0 : i32
    %dma_wait3A_38 = arith.constant 0 : i32
    %dma_wait3A_39 = tpu.memref_slice %arg8[%dma_wait3A_37, %dma_wait3A_38] : memref<2x128xi32, #tpu.memory_space<vmem>> -> memref<1x128xi32, #tpu.memory_space<vmem>>
    %dma_wait3A_40 = tpu.memref_squeeze %dma_wait3A_39 : memref<1x128xi32, #tpu.memory_space<vmem>> -> memref<128xi32, #tpu.memory_space<vmem>>
    %dma_wait3A_41 = arith.constant 0 : i32
    %dma_wait3A_42 = arith.constant 0 : i32
    %dma_wait3A_43 = tpu.memref_slice %arg2[%dma_wait3A_41, %dma_wait3A_42] : memref<10016x144xf32, #tpu.memory_space<hbm>> -> memref<10016x144xf32, #tpu.memory_space<hbm>>
    tpu.wait_indirect_dma semaphore(%arg12 : memref<!tpu.dma_semaphore, #tpu.memory_space<semaphore_mem>>) src(%dma_wait3A_43 : memref<10016x144xf32, #tpu.memory_space<hbm>>) dst(%arg10 : memref<128x144xf32, #tpu.memory_space<vmem>>)
    %dma_start3A_44 = arith.constant 1 : i32
    %dma_start3A_45 = arith.constant 0 : i32
    %dma_start3A_46 = tpu.memref_slice %arg8[%dma_start3A_44, %dma_start3A_45] : memref<2x128xi32, #tpu.memory_space<vmem>> -> memref<1x128xi32, #tpu.memory_space<vmem>>
    %dma_start3A_47 = tpu.memref_squeeze %dma_start3A_46 : memref<1x128xi32, #tpu.memory_space<vmem>> -> memref<128xi32, #tpu.memory_space<vmem>>
    %dma_start3A_48 = arith.constant 0 : i32
    %dma_start3A_49 = arith.constant 0 : i32
    %dma_start3A_50 = tpu.memref_slice %arg6[%dma_start3A_48, %dma_start3A_49] : memref<10016x144xf32, #tpu.memory_space<vmem_shared>> -> memref<10016x144xf32, #tpu.memory_space<vmem_shared>>
    tpu.enqueue_indirect_dma source(%arg10 : memref<128x144xf32, #tpu.memory_space<vmem>>) target(%dma_start3A_50 : memref<10016x144xf32, #tpu.memory_space<vmem_shared>>) offsets(%dma_start3A_47 : memref<128xi32, #tpu.memory_space<vmem>>) semaphore(%arg14 : memref<!tpu.dma_semaphore, #tpu.memory_space<semaphore_mem>>) {add = true}
    %dma_wait3A_51 = arith.constant 1 : i32
    %dma_wait3A_52 = arith.constant 0 : i32
    %dma_wait3A_53 = tpu.memref_slice %arg7[%dma_wait3A_51, %dma_wait3A_52] : memref<2x128xi32, #tpu.memory_space<vmem>> -> memref<1x128xi32, #tpu.memory_space<vmem>>
    %dma_wait3A_54 = tpu.memref_squeeze %dma_wait3A_53 : memref<1x128xi32, #tpu.memory_space<vmem>> -> memref<128xi32, #tpu.memory_space<vmem>>
    %dma_wait3A_55 = arith.constant 0 : i32
    %dma_wait3A_56 = arith.constant 0 : i32
    %dma_wait3A_57 = tpu.memref_slice %arg6[%dma_wait3A_55, %dma_wait3A_56] : memref<10016x144xf32, #tpu.memory_space<vmem_shared>> -> memref<10016x144xf32, #tpu.memory_space<vmem_shared>>
    tpu.wait_indirect_dma semaphore(%arg13 : memref<!tpu.dma_semaphore, #tpu.memory_space<semaphore_mem>>) src(%arg9 : memref<128x144xf32, #tpu.memory_space<vmem>>) dst(%dma_wait3A_57 : memref<10016x144xf32, #tpu.memory_space<vmem_shared>>)
    %dma_wait3A_58 = arith.constant 1 : i32
    %dma_wait3A_59 = arith.constant 0 : i32
    %dma_wait3A_60 = tpu.memref_slice %arg8[%dma_wait3A_58, %dma_wait3A_59] : memref<2x128xi32, #tpu.memory_space<vmem>> -> memref<1x128xi32, #tpu.memory_space<vmem>>
    %dma_wait3A_61 = tpu.memref_squeeze %dma_wait3A_60 : memref<1x128xi32, #tpu.memory_space<vmem>> -> memref<128xi32, #tpu.memory_space<vmem>>
    %dma_wait3A_62 = arith.constant 0 : i32
    %dma_wait3A_63 = arith.constant 0 : i32
    %dma_wait3A_64 = tpu.memref_slice %arg6[%dma_wait3A_62, %dma_wait3A_63] : memref<10016x144xf32, #tpu.memory_space<vmem_shared>> -> memref<10016x144xf32, #tpu.memory_space<vmem_shared>>
    tpu.wait_indirect_dma semaphore(%arg14 : memref<!tpu.dma_semaphore, #tpu.memory_space<semaphore_mem>>) src(%arg10 : memref<128x144xf32, #tpu.memory_space<vmem>>) dst(%dma_wait3A_64 : memref<10016x144xf32, #tpu.memory_space<vmem_shared>>)
    %barrier3A_65 = arith.constant 0 : index
    tpu.barrier barrier_id(%barrier3A_65)
    "tpu.region"() ({
      %run_scoped3A = tpu.sem_alloc : memref<!tpu.dma_semaphore, #tpu.memory_space<semaphore_mem>>
      %dma_start3A_66 = arith.constant 0 : i32
      %dma_start3A_67 = tpu.memref_slice %arg5[%arg0, %mul3A_4, %dma_start3A_66] : memref<2x10016x144xf32, #tpu.memory_space<hbm>> -> memref<1x626x144xf32, #tpu.memory_space<hbm>>
      %dma_start3A_68 = tpu.memref_squeeze %dma_start3A_67 : memref<1x626x144xf32, #tpu.memory_space<hbm>> -> memref<626x144xf32, #tpu.memory_space<hbm>>
      %dma_start3A_69 = arith.constant 0 : i32
      %dma_start3A_70 = tpu.memref_slice %arg6[%mul3A_4, %dma_start3A_69] : memref<10016x144xf32, #tpu.memory_space<vmem_shared>> -> memref<626x144xf32, #tpu.memory_space<vmem_shared>>
      tpu.enqueue_dma source(%dma_start3A_70 : memref<626x144xf32, #tpu.memory_space<vmem_shared>>) target(%dma_start3A_68 : memref<626x144xf32, #tpu.memory_space<hbm>>) target_semaphore(%run_scoped3A : memref<!tpu.dma_semaphore, #tpu.memory_space<semaphore_mem>>)
      %dma_wait3A_71 = arith.constant 0 : i32
      %dma_wait3A_72 = tpu.memref_slice %arg5[%arg0, %mul3A_4, %dma_wait3A_71] : memref<2x10016x144xf32, #tpu.memory_space<hbm>> -> memref<1x626x144xf32, #tpu.memory_space<hbm>>
      %dma_wait3A_73 = tpu.memref_squeeze %dma_wait3A_72 : memref<1x626x144xf32, #tpu.memory_space<hbm>> -> memref<626x144xf32, #tpu.memory_space<hbm>>
      %dma_wait3A_74 = arith.constant 0 : i32
      %dma_wait3A_75 = tpu.memref_slice %arg6[%mul3A_4, %dma_wait3A_74] : memref<10016x144xf32, #tpu.memory_space<vmem_shared>> -> memref<626x144xf32, #tpu.memory_space<vmem_shared>>
      tpu.wait_dma2 semaphore(%run_scoped3A : memref<!tpu.dma_semaphore, #tpu.memory_space<semaphore_mem>>) src(%dma_wait3A_75 : memref<626x144xf32, #tpu.memory_space<vmem_shared>>) dst(%dma_wait3A_73 : memref<626x144xf32, #tpu.memory_space<hbm>>)
      tpu.yield
    }) : () -> ()
    return
  }
}

#map = affine_map<(d0, d1) -> (0, 0)>
#map1 = affine_map<(d0, d1) -> (0, 0, 0)>
module attributes {stable_mosaic.version = 14 : i64} {
  func.func @sage_sc(%arg0: i32, %arg1: i32, %arg2: memref<10016x128xf32, #tpu.memory_space<hbm>>, %arg3: memref<2560x2x128xi32, #tpu.memory_space<hbm>>, %arg4: memref<10016x128xf32, #tpu.memory_space<hbm>>, %arg5: memref<2x10016x128xf32, #tpu.memory_space<hbm>>, %arg6: memref<10016x128xf32, #tpu.memory_space<vmem_shared>>, %arg7: memref<2x128xi32, #tpu.memory_space<vmem>>, %arg8: memref<2x128xi32, #tpu.memory_space<vmem>>, %arg9: memref<128x128xf32, #tpu.memory_space<vmem>>, %arg10: memref<128x128xf32, #tpu.memory_space<vmem>>, %arg11: memref<!tpu.dma_semaphore, #tpu.memory_space<semaphore_mem>>, %arg12: memref<!tpu.dma_semaphore, #tpu.memory_space<semaphore_mem>>, %arg13: memref<!tpu.dma_semaphore, #tpu.memory_space<semaphore_mem>>, %arg14: memref<!tpu.dma_semaphore, #tpu.memory_space<semaphore_mem>>) attributes {dimension_semantics = [#tpu.dimension_semantics<core_parallel>, #tpu.dimension_semantics<subcore_parallel>], iteration_bounds = array<i64: 2, 16>, scalar_prefetch = 0 : i64, scratch_operands = 9 : i64, tpu.core_type = #tpu.core_type<sc_vector_subcore>, window_params = [{transform_indices = #map}, {transform_indices = #map1}, {transform_indices = #map}, {transform_indices = #map1}]} {
    %mul3A = arith.constant 16 : i32
    %mul3A_0 = arith.muli %arg0, %mul3A : i32
    %add3A = arith.addi %mul3A_0, %arg1 : i32
    %mul3A_1 = arith.constant 80 : i32
    %mul3A_2 = arith.muli %add3A, %mul3A_1 : i32
    %mul3A_3 = arith.constant 626 : i32
    %mul3A_4 = arith.muli %arg1, %mul3A_3 : i32
    "tpu.region"() ({
      %run_scoped3A = tpu.sem_alloc : memref<!tpu.dma_semaphore, #tpu.memory_space<semaphore_mem>>
      %dma_start3A_66 = arith.constant 0 : i32
      %dma_start3A_67 = tpu.memref_slice %arg6[%mul3A_4, %dma_start3A_66] : memref<10016x128xf32, #tpu.memory_space<vmem_shared>> -> memref<626x128xf32, #tpu.memory_space<vmem_shared>>
      %dma_start3A_68 = arith.constant 0 : i32
      %dma_start3A_69 = tpu.memref_slice %arg4[%mul3A_4, %dma_start3A_68] : memref<10016x128xf32, #tpu.memory_space<hbm>> -> memref<626x128xf32, #tpu.memory_space<hbm>>
      tpu.enqueue_dma source(%dma_start3A_69 : memref<626x128xf32, #tpu.memory_space<hbm>>) target(%dma_start3A_67 : memref<626x128xf32, #tpu.memory_space<vmem_shared>>) target_semaphore(%run_scoped3A : memref<!tpu.dma_semaphore, #tpu.memory_space<semaphore_mem>>)
      %dma_wait3A_70 = arith.constant 0 : i32
      %dma_wait3A_71 = tpu.memref_slice %arg6[%mul3A_4, %dma_wait3A_70] : memref<10016x128xf32, #tpu.memory_space<vmem_shared>> -> memref<626x128xf32, #tpu.memory_space<vmem_shared>>
      %dma_wait3A_72 = arith.constant 0 : i32
      %dma_wait3A_73 = tpu.memref_slice %arg4[%mul3A_4, %dma_wait3A_72] : memref<10016x128xf32, #tpu.memory_space<hbm>> -> memref<626x128xf32, #tpu.memory_space<hbm>>
      tpu.wait_dma2 semaphore(%run_scoped3A : memref<!tpu.dma_semaphore, #tpu.memory_space<semaphore_mem>>) src(%dma_wait3A_73 : memref<626x128xf32, #tpu.memory_space<hbm>>) dst(%dma_wait3A_71 : memref<626x128xf32, #tpu.memory_space<vmem_shared>>)
      tpu.yield
    }) : () -> ()
    %barrier3A = arith.constant 0 : index
    tpu.barrier barrier_id(%barrier3A)
    "tpu.region"() ({
      %run_scoped3A = tpu.sem_alloc : memref<!tpu.dma_semaphore, #tpu.memory_space<semaphore_mem>>
      %dma_start3A_66 = arith.constant 0 : i32
      %dma_start3A_67 = arith.constant 0 : i32
      %dma_start3A_68 = tpu.memref_slice %arg3[%mul3A_2, %dma_start3A_66, %dma_start3A_67] : memref<2560x2x128xi32, #tpu.memory_space<hbm>> -> memref<1x2x128xi32, #tpu.memory_space<hbm>>
      %dma_start3A_69 = tpu.memref_squeeze %dma_start3A_68 : memref<1x2x128xi32, #tpu.memory_space<hbm>> -> memref<2x128xi32, #tpu.memory_space<hbm>>
      %dma_start3A_70 = arith.constant 0 : i32
      %dma_start3A_71 = arith.constant 0 : i32
      %dma_start3A_72 = tpu.memref_slice %arg3[%mul3A_2, %dma_start3A_70, %dma_start3A_71] : memref<2560x2x128xi32, #tpu.memory_space<hbm>> -> memref<1x2x128xi32, #tpu.memory_space<hbm>>
      %dma_start3A_73 = tpu.memref_squeeze %dma_start3A_72 : memref<1x2x128xi32, #tpu.memory_space<hbm>> -> memref<2x128xi32, #tpu.memory_space<hbm>>
      tpu.enqueue_dma source(%dma_start3A_73 : memref<2x128xi32, #tpu.memory_space<hbm>>) target(%arg7 : memref<2x128xi32, #tpu.memory_space<vmem>>) target_semaphore(%run_scoped3A : memref<!tpu.dma_semaphore, #tpu.memory_space<semaphore_mem>>)
      %dma_wait3A_74 = arith.constant 0 : i32
      %dma_wait3A_75 = arith.constant 0 : i32
      %dma_wait3A_76 = tpu.memref_slice %arg3[%mul3A_2, %dma_wait3A_74, %dma_wait3A_75] : memref<2560x2x128xi32, #tpu.memory_space<hbm>> -> memref<1x2x128xi32, #tpu.memory_space<hbm>>
      %dma_wait3A_77 = tpu.memref_squeeze %dma_wait3A_76 : memref<1x2x128xi32, #tpu.memory_space<hbm>> -> memref<2x128xi32, #tpu.memory_space<hbm>>
      %dma_wait3A_78 = arith.constant 0 : i32
      %dma_wait3A_79 = arith.constant 0 : i32
      %dma_wait3A_80 = tpu.memref_slice %arg3[%mul3A_2, %dma_wait3A_78, %dma_wait3A_79] : memref<2560x2x128xi32, #tpu.memory_space<hbm>> -> memref<1x2x128xi32, #tpu.memory_space<hbm>>
      %dma_wait3A_81 = tpu.memref_squeeze %dma_wait3A_80 : memref<1x2x128xi32, #tpu.memory_space<hbm>> -> memref<2x128xi32, #tpu.memory_space<hbm>>
      tpu.wait_dma2 semaphore(%run_scoped3A : memref<!tpu.dma_semaphore, #tpu.memory_space<semaphore_mem>>) src(%dma_wait3A_81 : memref<2x128xi32, #tpu.memory_space<hbm>>) dst(%arg7 : memref<2x128xi32, #tpu.memory_space<vmem>>)
      tpu.yield
    }) : () -> ()
    %add3A_5 = arith.constant 1 : i32
    %add3A_6 = arith.addi %mul3A_2, %add3A_5 : i32
    "tpu.region"() ({
      %run_scoped3A = tpu.sem_alloc : memref<!tpu.dma_semaphore, #tpu.memory_space<semaphore_mem>>
      %dma_start3A_66 = arith.constant 0 : i32
      %dma_start3A_67 = arith.constant 0 : i32
      %dma_start3A_68 = tpu.memref_slice %arg3[%add3A_6, %dma_start3A_66, %dma_start3A_67] : memref<2560x2x128xi32, #tpu.memory_space<hbm>> -> memref<1x2x128xi32, #tpu.memory_space<hbm>>
      %dma_start3A_69 = tpu.memref_squeeze %dma_start3A_68 : memref<1x2x128xi32, #tpu.memory_space<hbm>> -> memref<2x128xi32, #tpu.memory_space<hbm>>
      %dma_start3A_70 = arith.constant 0 : i32
      %dma_start3A_71 = arith.constant 0 : i32
      %dma_start3A_72 = tpu.memref_slice %arg3[%add3A_6, %dma_start3A_70, %dma_start3A_71] : memref<2560x2x128xi32, #tpu.memory_space<hbm>> -> memref<1x2x128xi32, #tpu.memory_space<hbm>>
      %dma_start3A_73 = tpu.memref_squeeze %dma_start3A_72 : memref<1x2x128xi32, #tpu.memory_space<hbm>> -> memref<2x128xi32, #tpu.memory_space<hbm>>
      tpu.enqueue_dma source(%dma_start3A_73 : memref<2x128xi32, #tpu.memory_space<hbm>>) target(%arg8 : memref<2x128xi32, #tpu.memory_space<vmem>>) target_semaphore(%run_scoped3A : memref<!tpu.dma_semaphore, #tpu.memory_space<semaphore_mem>>)
      %dma_wait3A_74 = arith.constant 0 : i32
      %dma_wait3A_75 = arith.constant 0 : i32
      %dma_wait3A_76 = tpu.memref_slice %arg3[%add3A_6, %dma_wait3A_74, %dma_wait3A_75] : memref<2560x2x128xi32, #tpu.memory_space<hbm>> -> memref<1x2x128xi32, #tpu.memory_space<hbm>>
      %dma_wait3A_77 = tpu.memref_squeeze %dma_wait3A_76 : memref<1x2x128xi32, #tpu.memory_space<hbm>> -> memref<2x128xi32, #tpu.memory_space<hbm>>
      %dma_wait3A_78 = arith.constant 0 : i32
      %dma_wait3A_79 = arith.constant 0 : i32
      %dma_wait3A_80 = tpu.memref_slice %arg3[%add3A_6, %dma_wait3A_78, %dma_wait3A_79] : memref<2560x2x128xi32, #tpu.memory_space<hbm>> -> memref<1x2x128xi32, #tpu.memory_space<hbm>>
      %dma_wait3A_81 = tpu.memref_squeeze %dma_wait3A_80 : memref<1x2x128xi32, #tpu.memory_space<hbm>> -> memref<2x128xi32, #tpu.memory_space<hbm>>
      tpu.wait_dma2 semaphore(%run_scoped3A : memref<!tpu.dma_semaphore, #tpu.memory_space<semaphore_mem>>) src(%dma_wait3A_81 : memref<2x128xi32, #tpu.memory_space<hbm>>) dst(%arg8 : memref<2x128xi32, #tpu.memory_space<vmem>>)
      tpu.yield
    }) : () -> ()
    %dma_start3A = arith.constant 0 : i32
    %dma_start3A_7 = arith.constant 0 : i32
    %dma_start3A_8 = tpu.memref_slice %arg7[%dma_start3A, %dma_start3A_7] : memref<2x128xi32, #tpu.memory_space<vmem>> -> memref<1x128xi32, #tpu.memory_space<vmem>>
    %dma_start3A_9 = tpu.memref_squeeze %dma_start3A_8 : memref<1x128xi32, #tpu.memory_space<vmem>> -> memref<128xi32, #tpu.memory_space<vmem>>
    %dma_start3A_10 = arith.constant 0 : i32
    %dma_start3A_11 = arith.constant 0 : i32
    %dma_start3A_12 = tpu.memref_slice %arg2[%dma_start3A_10, %dma_start3A_11] : memref<10016x128xf32, #tpu.memory_space<hbm>> -> memref<10016x128xf32, #tpu.memory_space<hbm>>
    tpu.enqueue_indirect_dma source(%dma_start3A_12 : memref<10016x128xf32, #tpu.memory_space<hbm>>) target(%arg9 : memref<128x128xf32, #tpu.memory_space<vmem>>) offsets(%dma_start3A_9 : memref<128xi32, #tpu.memory_space<vmem>>) semaphore(%arg11 : memref<!tpu.dma_semaphore, #tpu.memory_space<semaphore_mem>>)
    %dma_start3A_13 = arith.constant 0 : i32
    %dma_start3A_14 = arith.constant 0 : i32
    %dma_start3A_15 = tpu.memref_slice %arg8[%dma_start3A_13, %dma_start3A_14] : memref<2x128xi32, #tpu.memory_space<vmem>> -> memref<1x128xi32, #tpu.memory_space<vmem>>
    %dma_start3A_16 = tpu.memref_squeeze %dma_start3A_15 : memref<1x128xi32, #tpu.memory_space<vmem>> -> memref<128xi32, #tpu.memory_space<vmem>>
    %dma_start3A_17 = arith.constant 0 : i32
    %dma_start3A_18 = arith.constant 0 : i32
    %dma_start3A_19 = tpu.memref_slice %arg2[%dma_start3A_17, %dma_start3A_18] : memref<10016x128xf32, #tpu.memory_space<hbm>> -> memref<10016x128xf32, #tpu.memory_space<hbm>>
    tpu.enqueue_indirect_dma source(%dma_start3A_19 : memref<10016x128xf32, #tpu.memory_space<hbm>>) target(%arg10 : memref<128x128xf32, #tpu.memory_space<vmem>>) offsets(%dma_start3A_16 : memref<128xi32, #tpu.memory_space<vmem>>) semaphore(%arg12 : memref<!tpu.dma_semaphore, #tpu.memory_space<semaphore_mem>>)
    %scan3A = arith.constant 0 : i32
    %scan3A_20 = arith.constant 39 : i32
    %scan3A_21 = arith.addi %scan3A, %scan3A_20 : i32
    %scan3A_22 = arith.constant 1 : i32
    scf.for %scan3A_66 = %scan3A to %scan3A_21 step %scan3A_22  : i32 {
      %mul3A_67 = arith.constant 1 : i32
      %mul3A_68 = arith.muli %scan3A_66, %mul3A_67 : i32
      %add3A_69 = arith.constant 0 : i32
      %add3A_70 = arith.addi %add3A_69, %mul3A_68 : i32
      %dma_wait3A_71 = arith.constant 0 : i32
      %dma_wait3A_72 = arith.constant 0 : i32
      %dma_wait3A_73 = tpu.memref_slice %arg7[%dma_wait3A_71, %dma_wait3A_72] : memref<2x128xi32, #tpu.memory_space<vmem>> -> memref<1x128xi32, #tpu.memory_space<vmem>>
      %dma_wait3A_74 = tpu.memref_squeeze %dma_wait3A_73 : memref<1x128xi32, #tpu.memory_space<vmem>> -> memref<128xi32, #tpu.memory_space<vmem>>
      %dma_wait3A_75 = arith.constant 0 : i32
      %dma_wait3A_76 = arith.constant 0 : i32
      %dma_wait3A_77 = tpu.memref_slice %arg2[%dma_wait3A_75, %dma_wait3A_76] : memref<10016x128xf32, #tpu.memory_space<hbm>> -> memref<10016x128xf32, #tpu.memory_space<hbm>>
      tpu.wait_indirect_dma semaphore(%arg11 : memref<!tpu.dma_semaphore, #tpu.memory_space<semaphore_mem>>) src(%dma_wait3A_77 : memref<10016x128xf32, #tpu.memory_space<hbm>>) dst(%arg9 : memref<128x128xf32, #tpu.memory_space<vmem>>)
      %dma_start3A_78 = arith.constant 1 : i32
      %dma_start3A_79 = arith.constant 0 : i32
      %dma_start3A_80 = tpu.memref_slice %arg7[%dma_start3A_78, %dma_start3A_79] : memref<2x128xi32, #tpu.memory_space<vmem>> -> memref<1x128xi32, #tpu.memory_space<vmem>>
      %dma_start3A_81 = tpu.memref_squeeze %dma_start3A_80 : memref<1x128xi32, #tpu.memory_space<vmem>> -> memref<128xi32, #tpu.memory_space<vmem>>
      %dma_start3A_82 = arith.constant 0 : i32
      %dma_start3A_83 = arith.constant 0 : i32
      %dma_start3A_84 = tpu.memref_slice %arg6[%dma_start3A_82, %dma_start3A_83] : memref<10016x128xf32, #tpu.memory_space<vmem_shared>> -> memref<10016x128xf32, #tpu.memory_space<vmem_shared>>
      tpu.enqueue_indirect_dma source(%arg9 : memref<128x128xf32, #tpu.memory_space<vmem>>) target(%dma_start3A_84 : memref<10016x128xf32, #tpu.memory_space<vmem_shared>>) offsets(%dma_start3A_81 : memref<128xi32, #tpu.memory_space<vmem>>) semaphore(%arg13 : memref<!tpu.dma_semaphore, #tpu.memory_space<semaphore_mem>>) {add = true}
      %dma_wait3A_85 = arith.constant 0 : i32
      %dma_wait3A_86 = arith.constant 0 : i32
      %dma_wait3A_87 = tpu.memref_slice %arg8[%dma_wait3A_85, %dma_wait3A_86] : memref<2x128xi32, #tpu.memory_space<vmem>> -> memref<1x128xi32, #tpu.memory_space<vmem>>
      %dma_wait3A_88 = tpu.memref_squeeze %dma_wait3A_87 : memref<1x128xi32, #tpu.memory_space<vmem>> -> memref<128xi32, #tpu.memory_space<vmem>>
      %dma_wait3A_89 = arith.constant 0 : i32
      %dma_wait3A_90 = arith.constant 0 : i32
      %dma_wait3A_91 = tpu.memref_slice %arg2[%dma_wait3A_89, %dma_wait3A_90] : memref<10016x128xf32, #tpu.memory_space<hbm>> -> memref<10016x128xf32, #tpu.memory_space<hbm>>
      tpu.wait_indirect_dma semaphore(%arg12 : memref<!tpu.dma_semaphore, #tpu.memory_space<semaphore_mem>>) src(%dma_wait3A_91 : memref<10016x128xf32, #tpu.memory_space<hbm>>) dst(%arg10 : memref<128x128xf32, #tpu.memory_space<vmem>>)
      %dma_start3A_92 = arith.constant 1 : i32
      %dma_start3A_93 = arith.constant 0 : i32
      %dma_start3A_94 = tpu.memref_slice %arg8[%dma_start3A_92, %dma_start3A_93] : memref<2x128xi32, #tpu.memory_space<vmem>> -> memref<1x128xi32, #tpu.memory_space<vmem>>
      %dma_start3A_95 = tpu.memref_squeeze %dma_start3A_94 : memref<1x128xi32, #tpu.memory_space<vmem>> -> memref<128xi32, #tpu.memory_space<vmem>>
      %dma_start3A_96 = arith.constant 0 : i32
      %dma_start3A_97 = arith.constant 0 : i32
      %dma_start3A_98 = tpu.memref_slice %arg6[%dma_start3A_96, %dma_start3A_97] : memref<10016x128xf32, #tpu.memory_space<vmem_shared>> -> memref<10016x128xf32, #tpu.memory_space<vmem_shared>>
      tpu.enqueue_indirect_dma source(%arg10 : memref<128x128xf32, #tpu.memory_space<vmem>>) target(%dma_start3A_98 : memref<10016x128xf32, #tpu.memory_space<vmem_shared>>) offsets(%dma_start3A_95 : memref<128xi32, #tpu.memory_space<vmem>>) semaphore(%arg14 : memref<!tpu.dma_semaphore, #tpu.memory_space<semaphore_mem>>) {add = true}
      %dma_wait3A_99 = arith.constant 1 : i32
      %dma_wait3A_100 = arith.constant 0 : i32
      %dma_wait3A_101 = tpu.memref_slice %arg7[%dma_wait3A_99, %dma_wait3A_100] : memref<2x128xi32, #tpu.memory_space<vmem>> -> memref<1x128xi32, #tpu.memory_space<vmem>>
      %dma_wait3A_102 = tpu.memref_squeeze %dma_wait3A_101 : memref<1x128xi32, #tpu.memory_space<vmem>> -> memref<128xi32, #tpu.memory_space<vmem>>
      %dma_wait3A_103 = arith.constant 0 : i32
      %dma_wait3A_104 = arith.constant 0 : i32
      %dma_wait3A_105 = tpu.memref_slice %arg6[%dma_wait3A_103, %dma_wait3A_104] : memref<10016x128xf32, #tpu.memory_space<vmem_shared>> -> memref<10016x128xf32, #tpu.memory_space<vmem_shared>>
      tpu.wait_indirect_dma semaphore(%arg13 : memref<!tpu.dma_semaphore, #tpu.memory_space<semaphore_mem>>) src(%arg9 : memref<128x128xf32, #tpu.memory_space<vmem>>) dst(%dma_wait3A_105 : memref<10016x128xf32, #tpu.memory_space<vmem_shared>>)
      %mul3A_106 = arith.constant 2 : i32
      %mul3A_107 = arith.muli %mul3A_106, %add3A_70 : i32
      %add3A_108 = arith.addi %mul3A_2, %mul3A_107 : i32
      %add3A_109 = arith.constant 2 : i32
      %add3A_110 = arith.addi %add3A_108, %add3A_109 : i32
      "tpu.region"() ({
        %run_scoped3A = tpu.sem_alloc : memref<!tpu.dma_semaphore, #tpu.memory_space<semaphore_mem>>
        %dma_start3A_137 = arith.constant 0 : i32
        %dma_start3A_138 = arith.constant 0 : i32
        %dma_start3A_139 = tpu.memref_slice %arg3[%add3A_110, %dma_start3A_137, %dma_start3A_138] : memref<2560x2x128xi32, #tpu.memory_space<hbm>> -> memref<1x2x128xi32, #tpu.memory_space<hbm>>
        %dma_start3A_140 = tpu.memref_squeeze %dma_start3A_139 : memref<1x2x128xi32, #tpu.memory_space<hbm>> -> memref<2x128xi32, #tpu.memory_space<hbm>>
        %dma_start3A_141 = arith.constant 0 : i32
        %dma_start3A_142 = arith.constant 0 : i32
        %dma_start3A_143 = tpu.memref_slice %arg3[%add3A_110, %dma_start3A_141, %dma_start3A_142] : memref<2560x2x128xi32, #tpu.memory_space<hbm>> -> memref<1x2x128xi32, #tpu.memory_space<hbm>>
        %dma_start3A_144 = tpu.memref_squeeze %dma_start3A_143 : memref<1x2x128xi32, #tpu.memory_space<hbm>> -> memref<2x128xi32, #tpu.memory_space<hbm>>
        tpu.enqueue_dma source(%dma_start3A_144 : memref<2x128xi32, #tpu.memory_space<hbm>>) target(%arg7 : memref<2x128xi32, #tpu.memory_space<vmem>>) target_semaphore(%run_scoped3A : memref<!tpu.dma_semaphore, #tpu.memory_space<semaphore_mem>>)
        %dma_wait3A_145 = arith.constant 0 : i32
        %dma_wait3A_146 = arith.constant 0 : i32
        %dma_wait3A_147 = tpu.memref_slice %arg3[%add3A_110, %dma_wait3A_145, %dma_wait3A_146] : memref<2560x2x128xi32, #tpu.memory_space<hbm>> -> memref<1x2x128xi32, #tpu.memory_space<hbm>>
        %dma_wait3A_148 = tpu.memref_squeeze %dma_wait3A_147 : memref<1x2x128xi32, #tpu.memory_space<hbm>> -> memref<2x128xi32, #tpu.memory_space<hbm>>
        %dma_wait3A_149 = arith.constant 0 : i32
        %dma_wait3A_150 = arith.constant 0 : i32
        %dma_wait3A_151 = tpu.memref_slice %arg3[%add3A_110, %dma_wait3A_149, %dma_wait3A_150] : memref<2560x2x128xi32, #tpu.memory_space<hbm>> -> memref<1x2x128xi32, #tpu.memory_space<hbm>>
        %dma_wait3A_152 = tpu.memref_squeeze %dma_wait3A_151 : memref<1x2x128xi32, #tpu.memory_space<hbm>> -> memref<2x128xi32, #tpu.memory_space<hbm>>
        tpu.wait_dma2 semaphore(%run_scoped3A : memref<!tpu.dma_semaphore, #tpu.memory_space<semaphore_mem>>) src(%dma_wait3A_152 : memref<2x128xi32, #tpu.memory_space<hbm>>) dst(%arg7 : memref<2x128xi32, #tpu.memory_space<vmem>>)
        tpu.yield
      }) : () -> ()
      %dma_start3A_111 = arith.constant 0 : i32
      %dma_start3A_112 = arith.constant 0 : i32
      %dma_start3A_113 = tpu.memref_slice %arg7[%dma_start3A_111, %dma_start3A_112] : memref<2x128xi32, #tpu.memory_space<vmem>> -> memref<1x128xi32, #tpu.memory_space<vmem>>
      %dma_start3A_114 = tpu.memref_squeeze %dma_start3A_113 : memref<1x128xi32, #tpu.memory_space<vmem>> -> memref<128xi32, #tpu.memory_space<vmem>>
      %dma_start3A_115 = arith.constant 0 : i32
      %dma_start3A_116 = arith.constant 0 : i32
      %dma_start3A_117 = tpu.memref_slice %arg2[%dma_start3A_115, %dma_start3A_116] : memref<10016x128xf32, #tpu.memory_space<hbm>> -> memref<10016x128xf32, #tpu.memory_space<hbm>>
      tpu.enqueue_indirect_dma source(%dma_start3A_117 : memref<10016x128xf32, #tpu.memory_space<hbm>>) target(%arg9 : memref<128x128xf32, #tpu.memory_space<vmem>>) offsets(%dma_start3A_114 : memref<128xi32, #tpu.memory_space<vmem>>) semaphore(%arg11 : memref<!tpu.dma_semaphore, #tpu.memory_space<semaphore_mem>>)
      %dma_wait3A_118 = arith.constant 1 : i32
      %dma_wait3A_119 = arith.constant 0 : i32
      %dma_wait3A_120 = tpu.memref_slice %arg8[%dma_wait3A_118, %dma_wait3A_119] : memref<2x128xi32, #tpu.memory_space<vmem>> -> memref<1x128xi32, #tpu.memory_space<vmem>>
      %dma_wait3A_121 = tpu.memref_squeeze %dma_wait3A_120 : memref<1x128xi32, #tpu.memory_space<vmem>> -> memref<128xi32, #tpu.memory_space<vmem>>
      %dma_wait3A_122 = arith.constant 0 : i32
      %dma_wait3A_123 = arith.constant 0 : i32
      %dma_wait3A_124 = tpu.memref_slice %arg6[%dma_wait3A_122, %dma_wait3A_123] : memref<10016x128xf32, #tpu.memory_space<vmem_shared>> -> memref<10016x128xf32, #tpu.memory_space<vmem_shared>>
      tpu.wait_indirect_dma semaphore(%arg14 : memref<!tpu.dma_semaphore, #tpu.memory_space<semaphore_mem>>) src(%arg10 : memref<128x128xf32, #tpu.memory_space<vmem>>) dst(%dma_wait3A_124 : memref<10016x128xf32, #tpu.memory_space<vmem_shared>>)
      %mul3A_125 = arith.constant 2 : i32
      %mul3A_126 = arith.muli %mul3A_125, %add3A_70 : i32
      %add3A_127 = arith.addi %mul3A_2, %mul3A_126 : i32
      %add3A_128 = arith.constant 3 : i32
      %add3A_129 = arith.addi %add3A_127, %add3A_128 : i32
      "tpu.region"() ({
        %run_scoped3A = tpu.sem_alloc : memref<!tpu.dma_semaphore, #tpu.memory_space<semaphore_mem>>
        %dma_start3A_137 = arith.constant 0 : i32
        %dma_start3A_138 = arith.constant 0 : i32
        %dma_start3A_139 = tpu.memref_slice %arg3[%add3A_129, %dma_start3A_137, %dma_start3A_138] : memref<2560x2x128xi32, #tpu.memory_space<hbm>> -> memref<1x2x128xi32, #tpu.memory_space<hbm>>
        %dma_start3A_140 = tpu.memref_squeeze %dma_start3A_139 : memref<1x2x128xi32, #tpu.memory_space<hbm>> -> memref<2x128xi32, #tpu.memory_space<hbm>>
        %dma_start3A_141 = arith.constant 0 : i32
        %dma_start3A_142 = arith.constant 0 : i32
        %dma_start3A_143 = tpu.memref_slice %arg3[%add3A_129, %dma_start3A_141, %dma_start3A_142] : memref<2560x2x128xi32, #tpu.memory_space<hbm>> -> memref<1x2x128xi32, #tpu.memory_space<hbm>>
        %dma_start3A_144 = tpu.memref_squeeze %dma_start3A_143 : memref<1x2x128xi32, #tpu.memory_space<hbm>> -> memref<2x128xi32, #tpu.memory_space<hbm>>
        tpu.enqueue_dma source(%dma_start3A_144 : memref<2x128xi32, #tpu.memory_space<hbm>>) target(%arg8 : memref<2x128xi32, #tpu.memory_space<vmem>>) target_semaphore(%run_scoped3A : memref<!tpu.dma_semaphore, #tpu.memory_space<semaphore_mem>>)
        %dma_wait3A_145 = arith.constant 0 : i32
        %dma_wait3A_146 = arith.constant 0 : i32
        %dma_wait3A_147 = tpu.memref_slice %arg3[%add3A_129, %dma_wait3A_145, %dma_wait3A_146] : memref<2560x2x128xi32, #tpu.memory_space<hbm>> -> memref<1x2x128xi32, #tpu.memory_space<hbm>>
        %dma_wait3A_148 = tpu.memref_squeeze %dma_wait3A_147 : memref<1x2x128xi32, #tpu.memory_space<hbm>> -> memref<2x128xi32, #tpu.memory_space<hbm>>
        %dma_wait3A_149 = arith.constant 0 : i32
        %dma_wait3A_150 = arith.constant 0 : i32
        %dma_wait3A_151 = tpu.memref_slice %arg3[%add3A_129, %dma_wait3A_149, %dma_wait3A_150] : memref<2560x2x128xi32, #tpu.memory_space<hbm>> -> memref<1x2x128xi32, #tpu.memory_space<hbm>>
        %dma_wait3A_152 = tpu.memref_squeeze %dma_wait3A_151 : memref<1x2x128xi32, #tpu.memory_space<hbm>> -> memref<2x128xi32, #tpu.memory_space<hbm>>
        tpu.wait_dma2 semaphore(%run_scoped3A : memref<!tpu.dma_semaphore, #tpu.memory_space<semaphore_mem>>) src(%dma_wait3A_152 : memref<2x128xi32, #tpu.memory_space<hbm>>) dst(%arg8 : memref<2x128xi32, #tpu.memory_space<vmem>>)
        tpu.yield
      }) : () -> ()
      %dma_start3A_130 = arith.constant 0 : i32
      %dma_start3A_131 = arith.constant 0 : i32
      %dma_start3A_132 = tpu.memref_slice %arg8[%dma_start3A_130, %dma_start3A_131] : memref<2x128xi32, #tpu.memory_space<vmem>> -> memref<1x128xi32, #tpu.memory_space<vmem>>
      %dma_start3A_133 = tpu.memref_squeeze %dma_start3A_132 : memref<1x128xi32, #tpu.memory_space<vmem>> -> memref<128xi32, #tpu.memory_space<vmem>>
      %dma_start3A_134 = arith.constant 0 : i32
      %dma_start3A_135 = arith.constant 0 : i32
      %dma_start3A_136 = tpu.memref_slice %arg2[%dma_start3A_134, %dma_start3A_135] : memref<10016x128xf32, #tpu.memory_space<hbm>> -> memref<10016x128xf32, #tpu.memory_space<hbm>>
      tpu.enqueue_indirect_dma source(%dma_start3A_136 : memref<10016x128xf32, #tpu.memory_space<hbm>>) target(%arg10 : memref<128x128xf32, #tpu.memory_space<vmem>>) offsets(%dma_start3A_133 : memref<128xi32, #tpu.memory_space<vmem>>) semaphore(%arg12 : memref<!tpu.dma_semaphore, #tpu.memory_space<semaphore_mem>>)
    }
    %scan3A_23 = arith.constant 39 : i32
    %dma_wait3A = arith.constant 0 : i32
    %dma_wait3A_24 = arith.constant 0 : i32
    %dma_wait3A_25 = tpu.memref_slice %arg7[%dma_wait3A, %dma_wait3A_24] : memref<2x128xi32, #tpu.memory_space<vmem>> -> memref<1x128xi32, #tpu.memory_space<vmem>>
    %dma_wait3A_26 = tpu.memref_squeeze %dma_wait3A_25 : memref<1x128xi32, #tpu.memory_space<vmem>> -> memref<128xi32, #tpu.memory_space<vmem>>
    %dma_wait3A_27 = arith.constant 0 : i32
    %dma_wait3A_28 = arith.constant 0 : i32
    %dma_wait3A_29 = tpu.memref_slice %arg2[%dma_wait3A_27, %dma_wait3A_28] : memref<10016x128xf32, #tpu.memory_space<hbm>> -> memref<10016x128xf32, #tpu.memory_space<hbm>>
    tpu.wait_indirect_dma semaphore(%arg11 : memref<!tpu.dma_semaphore, #tpu.memory_space<semaphore_mem>>) src(%dma_wait3A_29 : memref<10016x128xf32, #tpu.memory_space<hbm>>) dst(%arg9 : memref<128x128xf32, #tpu.memory_space<vmem>>)
    %dma_start3A_30 = arith.constant 1 : i32
    %dma_start3A_31 = arith.constant 0 : i32
    %dma_start3A_32 = tpu.memref_slice %arg7[%dma_start3A_30, %dma_start3A_31] : memref<2x128xi32, #tpu.memory_space<vmem>> -> memref<1x128xi32, #tpu.memory_space<vmem>>
    %dma_start3A_33 = tpu.memref_squeeze %dma_start3A_32 : memref<1x128xi32, #tpu.memory_space<vmem>> -> memref<128xi32, #tpu.memory_space<vmem>>
    %dma_start3A_34 = arith.constant 0 : i32
    %dma_start3A_35 = arith.constant 0 : i32
    %dma_start3A_36 = tpu.memref_slice %arg6[%dma_start3A_34, %dma_start3A_35] : memref<10016x128xf32, #tpu.memory_space<vmem_shared>> -> memref<10016x128xf32, #tpu.memory_space<vmem_shared>>
    tpu.enqueue_indirect_dma source(%arg9 : memref<128x128xf32, #tpu.memory_space<vmem>>) target(%dma_start3A_36 : memref<10016x128xf32, #tpu.memory_space<vmem_shared>>) offsets(%dma_start3A_33 : memref<128xi32, #tpu.memory_space<vmem>>) semaphore(%arg13 : memref<!tpu.dma_semaphore, #tpu.memory_space<semaphore_mem>>) {add = true}
    %dma_wait3A_37 = arith.constant 0 : i32
    %dma_wait3A_38 = arith.constant 0 : i32
    %dma_wait3A_39 = tpu.memref_slice %arg8[%dma_wait3A_37, %dma_wait3A_38] : memref<2x128xi32, #tpu.memory_space<vmem>> -> memref<1x128xi32, #tpu.memory_space<vmem>>
    %dma_wait3A_40 = tpu.memref_squeeze %dma_wait3A_39 : memref<1x128xi32, #tpu.memory_space<vmem>> -> memref<128xi32, #tpu.memory_space<vmem>>
    %dma_wait3A_41 = arith.constant 0 : i32
    %dma_wait3A_42 = arith.constant 0 : i32
    %dma_wait3A_43 = tpu.memref_slice %arg2[%dma_wait3A_41, %dma_wait3A_42] : memref<10016x128xf32, #tpu.memory_space<hbm>> -> memref<10016x128xf32, #tpu.memory_space<hbm>>
    tpu.wait_indirect_dma semaphore(%arg12 : memref<!tpu.dma_semaphore, #tpu.memory_space<semaphore_mem>>) src(%dma_wait3A_43 : memref<10016x128xf32, #tpu.memory_space<hbm>>) dst(%arg10 : memref<128x128xf32, #tpu.memory_space<vmem>>)
    %dma_start3A_44 = arith.constant 1 : i32
    %dma_start3A_45 = arith.constant 0 : i32
    %dma_start3A_46 = tpu.memref_slice %arg8[%dma_start3A_44, %dma_start3A_45] : memref<2x128xi32, #tpu.memory_space<vmem>> -> memref<1x128xi32, #tpu.memory_space<vmem>>
    %dma_start3A_47 = tpu.memref_squeeze %dma_start3A_46 : memref<1x128xi32, #tpu.memory_space<vmem>> -> memref<128xi32, #tpu.memory_space<vmem>>
    %dma_start3A_48 = arith.constant 0 : i32
    %dma_start3A_49 = arith.constant 0 : i32
    %dma_start3A_50 = tpu.memref_slice %arg6[%dma_start3A_48, %dma_start3A_49] : memref<10016x128xf32, #tpu.memory_space<vmem_shared>> -> memref<10016x128xf32, #tpu.memory_space<vmem_shared>>
    tpu.enqueue_indirect_dma source(%arg10 : memref<128x128xf32, #tpu.memory_space<vmem>>) target(%dma_start3A_50 : memref<10016x128xf32, #tpu.memory_space<vmem_shared>>) offsets(%dma_start3A_47 : memref<128xi32, #tpu.memory_space<vmem>>) semaphore(%arg14 : memref<!tpu.dma_semaphore, #tpu.memory_space<semaphore_mem>>) {add = true}
    %dma_wait3A_51 = arith.constant 1 : i32
    %dma_wait3A_52 = arith.constant 0 : i32
    %dma_wait3A_53 = tpu.memref_slice %arg7[%dma_wait3A_51, %dma_wait3A_52] : memref<2x128xi32, #tpu.memory_space<vmem>> -> memref<1x128xi32, #tpu.memory_space<vmem>>
    %dma_wait3A_54 = tpu.memref_squeeze %dma_wait3A_53 : memref<1x128xi32, #tpu.memory_space<vmem>> -> memref<128xi32, #tpu.memory_space<vmem>>
    %dma_wait3A_55 = arith.constant 0 : i32
    %dma_wait3A_56 = arith.constant 0 : i32
    %dma_wait3A_57 = tpu.memref_slice %arg6[%dma_wait3A_55, %dma_wait3A_56] : memref<10016x128xf32, #tpu.memory_space<vmem_shared>> -> memref<10016x128xf32, #tpu.memory_space<vmem_shared>>
    tpu.wait_indirect_dma semaphore(%arg13 : memref<!tpu.dma_semaphore, #tpu.memory_space<semaphore_mem>>) src(%arg9 : memref<128x128xf32, #tpu.memory_space<vmem>>) dst(%dma_wait3A_57 : memref<10016x128xf32, #tpu.memory_space<vmem_shared>>)
    %dma_wait3A_58 = arith.constant 1 : i32
    %dma_wait3A_59 = arith.constant 0 : i32
    %dma_wait3A_60 = tpu.memref_slice %arg8[%dma_wait3A_58, %dma_wait3A_59] : memref<2x128xi32, #tpu.memory_space<vmem>> -> memref<1x128xi32, #tpu.memory_space<vmem>>
    %dma_wait3A_61 = tpu.memref_squeeze %dma_wait3A_60 : memref<1x128xi32, #tpu.memory_space<vmem>> -> memref<128xi32, #tpu.memory_space<vmem>>
    %dma_wait3A_62 = arith.constant 0 : i32
    %dma_wait3A_63 = arith.constant 0 : i32
    %dma_wait3A_64 = tpu.memref_slice %arg6[%dma_wait3A_62, %dma_wait3A_63] : memref<10016x128xf32, #tpu.memory_space<vmem_shared>> -> memref<10016x128xf32, #tpu.memory_space<vmem_shared>>
    tpu.wait_indirect_dma semaphore(%arg14 : memref<!tpu.dma_semaphore, #tpu.memory_space<semaphore_mem>>) src(%arg10 : memref<128x128xf32, #tpu.memory_space<vmem>>) dst(%dma_wait3A_64 : memref<10016x128xf32, #tpu.memory_space<vmem_shared>>)
    %barrier3A_65 = arith.constant 0 : index
    tpu.barrier barrier_id(%barrier3A_65)
    "tpu.region"() ({
      %run_scoped3A = tpu.sem_alloc : memref<!tpu.dma_semaphore, #tpu.memory_space<semaphore_mem>>
      %dma_start3A_66 = arith.constant 0 : i32
      %dma_start3A_67 = tpu.memref_slice %arg5[%arg0, %mul3A_4, %dma_start3A_66] : memref<2x10016x128xf32, #tpu.memory_space<hbm>> -> memref<1x626x128xf32, #tpu.memory_space<hbm>>
      %dma_start3A_68 = tpu.memref_squeeze %dma_start3A_67 : memref<1x626x128xf32, #tpu.memory_space<hbm>> -> memref<626x128xf32, #tpu.memory_space<hbm>>
      %dma_start3A_69 = arith.constant 0 : i32
      %dma_start3A_70 = tpu.memref_slice %arg6[%mul3A_4, %dma_start3A_69] : memref<10016x128xf32, #tpu.memory_space<vmem_shared>> -> memref<626x128xf32, #tpu.memory_space<vmem_shared>>
      tpu.enqueue_dma source(%dma_start3A_70 : memref<626x128xf32, #tpu.memory_space<vmem_shared>>) target(%dma_start3A_68 : memref<626x128xf32, #tpu.memory_space<hbm>>) target_semaphore(%run_scoped3A : memref<!tpu.dma_semaphore, #tpu.memory_space<semaphore_mem>>)
      %dma_wait3A_71 = arith.constant 0 : i32
      %dma_wait3A_72 = tpu.memref_slice %arg5[%arg0, %mul3A_4, %dma_wait3A_71] : memref<2x10016x128xf32, #tpu.memory_space<hbm>> -> memref<1x626x128xf32, #tpu.memory_space<hbm>>
      %dma_wait3A_73 = tpu.memref_squeeze %dma_wait3A_72 : memref<1x626x128xf32, #tpu.memory_space<hbm>> -> memref<626x128xf32, #tpu.memory_space<hbm>>
      %dma_wait3A_74 = arith.constant 0 : i32
      %dma_wait3A_75 = tpu.memref_slice %arg6[%mul3A_4, %dma_wait3A_74] : memref<10016x128xf32, #tpu.memory_space<vmem_shared>> -> memref<626x128xf32, #tpu.memory_space<vmem_shared>>
      tpu.wait_dma2 semaphore(%run_scoped3A : memref<!tpu.dma_semaphore, #tpu.memory_space<semaphore_mem>>) src(%dma_wait3A_75 : memref<626x128xf32, #tpu.memory_space<vmem_shared>>) dst(%dma_wait3A_73 : memref<626x128xf32, #tpu.memory_space<hbm>>)
      tpu.yield
    }) : () -> ()
    return
  }
}

module attributes {stable_mosaic.version = 14 : i64} {
  func.func @_xa_body(%arg0: i32, %arg1: memref<2000x128xf32, #tpu.memory_space<vmem>>, %arg2: memref<2000x144xf32, #tpu.memory_space<vmem>>) attributes {dimension_semantics = [#tpu.dimension_semantics<arbitrary>], iteration_bounds = array<i64: 5>, scalar_prefetch = 0 : i64, scratch_operands = 0 : i64, tpu.core_type = #tpu.core_type<tc>, window_params = [{transform_indices = @transform_0, window_bounds = array<i64: 2000, 128>}, {transform_indices = @transform_1, window_bounds = array<i64: 2000, 144>}]} {
    %get3A = arith.constant 0 : index
    %get3A_0 = arith.constant 0 : index
    %get3A_1 = vector.load %arg1[%get3A, %get3A_0] : memref<2000x128xf32, #tpu.memory_space<vmem>>, vector<2000x128xf32>
    %swap3A = arith.constant 0 : index
    %swap3A_2 = arith.constant 0 : index
    %swap3A_3 = vector.load %arg2[%swap3A, %swap3A_2] : memref<2000x144xf32, #tpu.memory_space<vmem>>, vector<2000x128xf32>
    tpu.vector_store %arg2[%swap3A, %swap3A_2], %get3A_1 {strides = array<i32>} : memref<2000x144xf32, #tpu.memory_space<vmem>>, vector<2000x128xf32>,
    %broadcast_in_dim3A = arith.constant 1.000000e+00 : f32
    %broadcast_in_dim3A_4 = vector.broadcast %broadcast_in_dim3A : f32 to vector<2000x1xf32>
    %swap3A_5 = arith.constant 0 : index
    %swap3A_6 = arith.constant 128 : index
    %swap3A_7 = vector.load %arg2[%swap3A_5, %swap3A_6] : memref<2000x144xf32, #tpu.memory_space<vmem>>, vector<2000x1xf32>
    tpu.vector_store %arg2[%swap3A_5, %swap3A_6], %broadcast_in_dim3A_4 {strides = array<i32>} : memref<2000x144xf32, #tpu.memory_space<vmem>>, vector<2000x1xf32>,
    %broadcast_in_dim3A_8 = arith.constant 0.000000e+00 : f32
    %broadcast_in_dim3A_9 = vector.broadcast %broadcast_in_dim3A_8 : f32 to vector<2000x15xf32>
    %swap3A_10 = arith.constant 0 : index
    %swap3A_11 = arith.constant 129 : index
    %swap3A_12 = vector.load %arg2[%swap3A_10, %swap3A_11] : memref<2000x144xf32, #tpu.memory_space<vmem>>, vector<2000x15xf32>
    tpu.vector_store %arg2[%swap3A_10, %swap3A_11], %broadcast_in_dim3A_9 {strides = array<i32>} : memref<2000x144xf32, #tpu.memory_space<vmem>>, vector<2000x15xf32>,
    return
  }
  func.func @transform_0(%arg0: i32) -> (i32, i32) {
    %c0_i32 = arith.constant 0 : i32
    %c0_i32_0 = arith.constant 0 : i32
    return %arg0, %c0_i32 : i32, i32
  }
  func.func @transform_1(%arg0: i32) -> (i32, i32) {
    %c0_i32 = arith.constant 0 : i32
    %c0_i32_0 = arith.constant 0 : i32
    return %arg0, %c0_i32 : i32, i32
  }
}

module attributes {stable_mosaic.version = 14 : i64} {
  func.func @_sage_dense_body(%arg0: i32, %arg1: memref<2000x144xf32, #tpu.memory_space<vmem>>, %arg2: memref<2000x144xf32, #tpu.memory_space<vmem>>, %arg3: memref<2000x128xf32, #tpu.memory_space<vmem>>, %arg4: memref<128x128xf32, #tpu.memory_space<vmem>>, %arg5: memref<1x128xf32, #tpu.memory_space<vmem>>, %arg6: memref<128x128xf32, #tpu.memory_space<vmem>>, %arg7: memref<2000x128xf32, #tpu.memory_space<vmem>>, %arg8: memref<1x2x128xf32, #tpu.memory_space<vmem>>, %arg9: memref<2000x8xf32, #tpu.memory_space<vmem>>) attributes {dimension_semantics = [#tpu.dimension_semantics<arbitrary>], iteration_bounds = array<i64: 5>, scalar_prefetch = 0 : i64, scratch_operands = 0 : i64, tpu.core_type = #tpu.core_type<tc>, window_params = [{transform_indices = @transform_0, window_bounds = array<i64: 2000, 144>}, {transform_indices = @transform_1, window_bounds = array<i64: 2000, 144>}, {transform_indices = @transform_2, window_bounds = array<i64: 2000, 128>}, {pipeline_mode = #tpu.pipeline_mode<synchronous>, transform_indices = @transform_3, window_bounds = array<i64: 128, 128>}, {pipeline_mode = #tpu.pipeline_mode<synchronous>, transform_indices = @transform_4, window_bounds = array<i64: 1, 128>}, {pipeline_mode = #tpu.pipeline_mode<synchronous>, transform_indices = @transform_5, window_bounds = array<i64: 128, 128>}, {transform_indices = @transform_6, window_bounds = array<i64: 2000, 128>}, {transform_indices = @transform_7, window_bounds = array<i64: 1, 2, 128>}, {transform_indices = @transform_8, window_bounds = array<i64: 2000, 8>}]} {
    %get3A = arith.constant 0 : index
    %get3A_0 = arith.constant 0 : index
    %get3A_1 = vector.load %arg1[%get3A, %get3A_0] : memref<2000x144xf32, #tpu.memory_space<vmem>>, vector<2000x128xf32>
    %get3A_2 = arith.constant 0 : index
    %get3A_3 = arith.constant 0 : index
    %get3A_4 = vector.load %arg2[%get3A_2, %get3A_3] : memref<2000x144xf32, #tpu.memory_space<vmem>>, vector<2000x128xf32>
    %add3A = arith.addf %get3A_1, %get3A_4 : vector<2000x128xf32>
    %get3A_5 = arith.constant 0 : index
    %get3A_6 = arith.constant 128 : index
    %get3A_7 = vector.load %arg1[%get3A_5, %get3A_6] : memref<2000x144xf32, #tpu.memory_space<vmem>>, vector<2000x1xf32>
    %get3A_8 = arith.constant 0 : index
    %get3A_9 = arith.constant 128 : index
    %get3A_10 = vector.load %arg2[%get3A_8, %get3A_9] : memref<2000x144xf32, #tpu.memory_space<vmem>>, vector<2000x1xf32>
    %add3A_11 = arith.addf %get3A_7, %get3A_10 : vector<2000x1xf32>
    %max3A = arith.constant 1.000000e+00 : f32
    %max3A_12 = vector.broadcast %max3A : f32 to vector<2000x1xf32>
    %max3A_13 = arith.maximumf %add3A_11, %max3A_12 : vector<2000x1xf32>
    %div3A = arith.constant 1.000000e+00 : f32
    %div3A_14 = vector.broadcast %div3A : f32 to vector<2000x1xf32>
    %div3A_15 = arith.divf %div3A_14, %max3A_13 : vector<2000x1xf32>
    %mul3A = vector.broadcast %div3A_15 : vector<2000x1xf32> to vector<2000x128xf32>
    %mul3A_16 = arith.mulf %add3A, %mul3A : vector<2000x128xf32>
    %get3A_17 = arith.constant 0 : index
    %get3A_18 = arith.constant 0 : index
    %get3A_19 = vector.load %arg4[%get3A_17, %get3A_18] : memref<128x128xf32, #tpu.memory_space<vmem>>, vector<128x128xf32>
    %dot_general3A = arith.constant dense<0.000000e+00> : vector<2000x128xf32>
    %dot_general3A_20 = tpu.matmul %mul3A_16, %get3A_19, %dot_general3A {dimension_numbers = #tpu.dot_dimension_numbers<[1], [0], [0], [1], [0, 0, 1, 1], [], []>, transpose_lhs_hint = false} : vector<2000x128xf32>, vector<128x128xf32>, vector<2000x128xf32> -> vector<2000x128xf32>
    %get3A_21 = arith.constant 0 : index
    %get3A_22 = arith.constant 0 : index
    %get3A_23 = vector.load %arg5[%get3A_21, %get3A_22] : memref<1x128xf32, #tpu.memory_space<vmem>>, vector<1x128xf32>
    %add3A_24 = vector.broadcast %get3A_23 : vector<1x128xf32> to vector<2000x128xf32>
    %add3A_25 = arith.addf %dot_general3A_20, %add3A_24 : vector<2000x128xf32>
    %get3A_26 = arith.constant 0 : index
    %get3A_27 = arith.constant 0 : index
    %get3A_28 = vector.load %arg3[%get3A_26, %get3A_27] : memref<2000x128xf32, #tpu.memory_space<vmem>>, vector<2000x128xf32>
    %get3A_29 = arith.constant 0 : index
    %get3A_30 = arith.constant 0 : index
    %get3A_31 = vector.load %arg6[%get3A_29, %get3A_30] : memref<128x128xf32, #tpu.memory_space<vmem>>, vector<128x128xf32>
    %dot_general3A_32 = arith.constant dense<0.000000e+00> : vector<2000x128xf32>
    %dot_general3A_33 = tpu.matmul %get3A_28, %get3A_31, %dot_general3A_32 {dimension_numbers = #tpu.dot_dimension_numbers<[1], [0], [0], [1], [0, 0, 1, 1], [], []>, transpose_lhs_hint = false} : vector<2000x128xf32>, vector<128x128xf32>, vector<2000x128xf32> -> vector<2000x128xf32>
    %add3A_34 = arith.addf %add3A_25, %dot_general3A_33 : vector<2000x128xf32>
    %swap3A = arith.constant 0 : index
    %swap3A_35 = arith.constant 0 : index
    %swap3A_36 = vector.load %arg7[%swap3A, %swap3A_35] : memref<2000x128xf32, #tpu.memory_space<vmem>>, vector<2000x128xf32>
    tpu.vector_store %arg7[%swap3A, %swap3A_35], %add3A_34 {strides = array<i32>} : memref<2000x128xf32, #tpu.memory_space<vmem>>, vector<2000x128xf32>,
    %reduce_sum3A = arith.constant dense<0.000000e+00> : vector<128xf32>
    %reduce_sum3A_37 = vector.multi_reduction <add>, %add3A_34, %reduce_sum3A [0] : vector<2000x128xf32> to vector<128xf32>
    %swap3A_38 = arith.constant 0 : index
    %swap3A_39 = arith.constant 0 : index
    %swap3A_40 = arith.constant 0 : index
    %swap3A_41 = vector.load %arg8[%swap3A_38, %swap3A_39, %swap3A_40] : memref<1x2x128xf32, #tpu.memory_space<vmem>>, vector<1x1x128xf32>
    %swap3A_42 = vector.shape_cast %swap3A_41 : vector<1x1x128xf32> to vector<128xf32>
    %swap3A_43 = vector.shape_cast %reduce_sum3A_37 : vector<128xf32> to vector<1x1x128xf32>
    tpu.vector_store %arg8[%swap3A_38, %swap3A_39, %swap3A_40], %swap3A_43 {strides = array<i32>} : memref<1x2x128xf32, #tpu.memory_space<vmem>>, vector<1x1x128xf32>,
    %mul3A_44 = arith.mulf %add3A_34, %add3A_34 : vector<2000x128xf32>
    %reduce_sum3A_45 = arith.constant dense<0.000000e+00> : vector<128xf32>
    %reduce_sum3A_46 = vector.multi_reduction <add>, %mul3A_44, %reduce_sum3A_45 [0] : vector<2000x128xf32> to vector<128xf32>
    %swap3A_47 = arith.constant 0 : index
    %swap3A_48 = arith.constant 1 : index
    %swap3A_49 = arith.constant 0 : index
    %swap3A_50 = vector.load %arg8[%swap3A_47, %swap3A_48, %swap3A_49] : memref<1x2x128xf32, #tpu.memory_space<vmem>>, vector<1x1x128xf32>
    %swap3A_51 = vector.shape_cast %swap3A_50 : vector<1x1x128xf32> to vector<128xf32>
    %swap3A_52 = vector.shape_cast %reduce_sum3A_46 : vector<128xf32> to vector<1x1x128xf32>
    tpu.vector_store %arg8[%swap3A_47, %swap3A_48, %swap3A_49], %swap3A_52 {strides = array<i32>} : memref<1x2x128xf32, #tpu.memory_space<vmem>>, vector<1x1x128xf32>,
    %broadcast_in_dim3A = vector.shape_cast %div3A_15 : vector<2000x1xf32> to vector<2000x1xf32>
    %broadcast_in_dim3A_53 = vector.broadcast %broadcast_in_dim3A : vector<2000x1xf32> to vector<2000x8xf32>
    %swap3A_54 = arith.constant 0 : index
    %swap3A_55 = arith.constant 0 : index
    %swap3A_56 = vector.load %arg9[%swap3A_54, %swap3A_55] : memref<2000x8xf32, #tpu.memory_space<vmem>>, vector<2000x8xf32>
    tpu.vector_store %arg9[%swap3A_54, %swap3A_55], %broadcast_in_dim3A_53 {strides = array<i32>} : memref<2000x8xf32, #tpu.memory_space<vmem>>, vector<2000x8xf32>,
    return
  }
  func.func @transform_0(%arg0: i32) -> (i32, i32) {
    %c0_i32 = arith.constant 0 : i32
    %c0_i32_0 = arith.constant 0 : i32
    return %arg0, %c0_i32 : i32, i32
  }
  func.func @transform_1(%arg0: i32) -> (i32, i32) {
    %c0_i32 = arith.constant 0 : i32
    %c0_i32_0 = arith.constant 0 : i32
    return %arg0, %c0_i32 : i32, i32
  }
  func.func @transform_2(%arg0: i32) -> (i32, i32) {
    %c0_i32 = arith.constant 0 : i32
    %c0_i32_0 = arith.constant 0 : i32
    return %arg0, %c0_i32 : i32, i32
  }
  func.func @transform_3(%arg0: i32) -> (i32, i32) {
    %c0_i32 = arith.constant 0 : i32
    %c0_i32_0 = arith.constant 0 : i32
    %c0_i32_1 = arith.constant 0 : i32
    return %c0_i32, %c0_i32_0 : i32, i32
  }
  func.func @transform_4(%arg0: i32) -> (i32, i32) {
    %c0_i32 = arith.constant 0 : i32
    %c0_i32_0 = arith.constant 0 : i32
    %c0_i32_1 = arith.constant 0 : i32
    return %c0_i32, %c0_i32_0 : i32, i32
  }
  func.func @transform_5(%arg0: i32) -> (i32, i32) {
    %c0_i32 = arith.constant 0 : i32
    %c0_i32_0 = arith.constant 0 : i32
    %c0_i32_1 = arith.constant 0 : i32
    return %c0_i32, %c0_i32_0 : i32, i32
  }
  func.func @transform_6(%arg0: i32) -> (i32, i32) {
    %c0_i32 = arith.constant 0 : i32
    %c0_i32_0 = arith.constant 0 : i32
    return %arg0, %c0_i32 : i32, i32
  }
  func.func @transform_7(%arg0: i32) -> (i32, i32, i32) {
    %c0_i32 = arith.constant 0 : i32
    %c0_i32_0 = arith.constant 0 : i32
    %c0_i32_1 = arith.constant 0 : i32
    return %arg0, %c0_i32, %c0_i32_0 : i32, i32, i32
  }
  func.func @transform_8(%arg0: i32) -> (i32, i32) {
    %c0_i32 = arith.constant 0 : i32
    %c0_i32_0 = arith.constant 0 : i32
    return %arg0, %c0_i32 : i32, i32
  }
}

module attributes {stable_mosaic.version = 14 : i64} {
  func.func @_bn_finish_body(%arg0: i32, %arg1: memref<2000x128xf32, #tpu.memory_space<vmem>>, %arg2: memref<5x2x128xf32, #tpu.memory_space<vmem>>, %arg3: memref<2000x128xf32, #tpu.memory_space<vmem>>, %arg4: memref<1x128xf32, #tpu.memory_space<vmem>>, %arg5: memref<1x128xf32, #tpu.memory_space<vmem>>, %arg6: memref<2000x128xf32, #tpu.memory_space<vmem>>) attributes {dimension_semantics = [#tpu.dimension_semantics<arbitrary>], iteration_bounds = array<i64: 5>, scalar_prefetch = 0 : i64, scratch_operands = 0 : i64, tpu.core_type = #tpu.core_type<tc>, window_params = [{transform_indices = @transform_0, window_bounds = array<i64: 2000, 128>}, {pipeline_mode = #tpu.pipeline_mode<synchronous>, transform_indices = @transform_1, window_bounds = array<i64: 5, 2, 128>}, {transform_indices = @transform_2, window_bounds = array<i64: 2000, 128>}, {pipeline_mode = #tpu.pipeline_mode<synchronous>, transform_indices = @transform_3, window_bounds = array<i64: 1, 128>}, {pipeline_mode = #tpu.pipeline_mode<synchronous>, transform_indices = @transform_4, window_bounds = array<i64: 1, 128>}, {transform_indices = @transform_5, window_bounds = array<i64: 2000, 128>}]} {
    %get3A = arith.constant 0 : index
    %get3A_0 = arith.constant 0 : index
    %get3A_1 = arith.constant 0 : index
    %get3A_2 = vector.load %arg2[%get3A, %get3A_0, %get3A_1] : memref<5x2x128xf32, #tpu.memory_space<vmem>>, vector<5x1x128xf32>
    %get3A_3 = vector.shape_cast %get3A_2 : vector<5x1x128xf32> to vector<5x128xf32>
    %reduce_sum3A = arith.constant dense<0.000000e+00> : vector<128xf32>
    %reduce_sum3A_4 = vector.multi_reduction <add>, %get3A_3, %reduce_sum3A [0] : vector<5x128xf32> to vector<128xf32>
    %broadcast_in_dim3A = vector.shape_cast %reduce_sum3A_4 : vector<128xf32> to vector<1x128xf32>
    %mul3A = arith.constant 9.99999974E-5 : f32
    %mul3A_5 = vector.broadcast %mul3A : f32 to vector<1x128xf32>
    %mul3A_6 = arith.mulf %broadcast_in_dim3A, %mul3A_5 : vector<1x128xf32>
    %get3A_7 = arith.constant 0 : index
    %get3A_8 = arith.constant 1 : index
    %get3A_9 = arith.constant 0 : index
    %get3A_10 = vector.load %arg2[%get3A_7, %get3A_8, %get3A_9] : memref<5x2x128xf32, #tpu.memory_space<vmem>>, vector<5x1x128xf32>
    %get3A_11 = vector.shape_cast %get3A_10 : vector<5x1x128xf32> to vector<5x128xf32>
    %reduce_sum3A_12 = arith.constant dense<0.000000e+00> : vector<128xf32>
    %reduce_sum3A_13 = vector.multi_reduction <add>, %get3A_11, %reduce_sum3A_12 [0] : vector<5x128xf32> to vector<128xf32>
    %broadcast_in_dim3A_14 = vector.shape_cast %reduce_sum3A_13 : vector<128xf32> to vector<1x128xf32>
    %mul3A_15 = arith.constant 9.99999974E-5 : f32
    %mul3A_16 = vector.broadcast %mul3A_15 : f32 to vector<1x128xf32>
    %mul3A_17 = arith.mulf %broadcast_in_dim3A_14, %mul3A_16 : vector<1x128xf32>
    %mul3A_18 = arith.mulf %mul3A_6, %mul3A_6 : vector<1x128xf32>
    %sub3A = arith.subf %mul3A_17, %mul3A_18 : vector<1x128xf32>
    %get3A_19 = arith.constant 0 : index
    %get3A_20 = arith.constant 0 : index
    %get3A_21 = vector.load %arg4[%get3A_19, %get3A_20] : memref<1x128xf32, #tpu.memory_space<vmem>>, vector<1x128xf32>
    %get3A_22 = arith.constant 0 : index
    %get3A_23 = arith.constant 0 : index
    %get3A_24 = vector.load %arg1[%get3A_22, %get3A_23] : memref<2000x128xf32, #tpu.memory_space<vmem>>, vector<2000x128xf32>
    %sub3A_25 = vector.broadcast %mul3A_6 : vector<1x128xf32> to vector<2000x128xf32>
    %sub3A_26 = arith.subf %get3A_24, %sub3A_25 : vector<2000x128xf32>
    %mul3A_27 = vector.broadcast %get3A_21 : vector<1x128xf32> to vector<2000x128xf32>
    %mul3A_28 = arith.mulf %mul3A_27, %sub3A_26 : vector<2000x128xf32>
    %add3A = arith.constant 9.99999974E-6 : f32
    %add3A_29 = vector.broadcast %add3A : f32 to vector<1x128xf32>
    %add3A_30 = arith.addf %sub3A, %add3A_29 : vector<1x128xf32>
    %rsqrt3A = math.rsqrt %add3A_30 : vector<1x128xf32>
    %mul3A_31 = vector.broadcast %rsqrt3A : vector<1x128xf32> to vector<2000x128xf32>
    %mul3A_32 = arith.mulf %mul3A_28, %mul3A_31 : vector<2000x128xf32>
    %get3A_33 = arith.constant 0 : index
    %get3A_34 = arith.constant 0 : index
    %get3A_35 = vector.load %arg5[%get3A_33, %get3A_34] : memref<1x128xf32, #tpu.memory_space<vmem>>, vector<1x128xf32>
    %add3A_36 = vector.broadcast %get3A_35 : vector<1x128xf32> to vector<2000x128xf32>
    %add3A_37 = arith.addf %mul3A_32, %add3A_36 : vector<2000x128xf32>
    %get3A_38 = arith.constant 0 : index
    %get3A_39 = arith.constant 0 : index
    %get3A_40 = vector.load %arg3[%get3A_38, %get3A_39] : memref<2000x128xf32, #tpu.memory_space<vmem>>, vector<2000x128xf32>
    %add3A_41 = arith.addf %add3A_37, %get3A_40 : vector<2000x128xf32>
    %max3A = arith.constant 0.000000e+00 : f32
    %max3A_42 = vector.broadcast %max3A : f32 to vector<2000x128xf32>
    %max3A_43 = arith.maximumf %add3A_41, %max3A_42 : vector<2000x128xf32>
    %swap3A = arith.constant 0 : index
    %swap3A_44 = arith.constant 0 : index
    %swap3A_45 = vector.load %arg6[%swap3A, %swap3A_44] : memref<2000x128xf32, #tpu.memory_space<vmem>>, vector<2000x128xf32>
    tpu.vector_store %arg6[%swap3A, %swap3A_44], %max3A_43 {strides = array<i32>} : memref<2000x128xf32, #tpu.memory_space<vmem>>, vector<2000x128xf32>,
    return
  }
  func.func @transform_0(%arg0: i32) -> (i32, i32) {
    %c0_i32 = arith.constant 0 : i32
    %c0_i32_0 = arith.constant 0 : i32
    return %arg0, %c0_i32 : i32, i32
  }
  func.func @transform_1(%arg0: i32) -> (i32, i32, i32) {
    %c0_i32 = arith.constant 0 : i32
    %c0_i32_0 = arith.constant 0 : i32
    %c0_i32_1 = arith.constant 0 : i32
    %c0_i32_2 = arith.constant 0 : i32
    return %c0_i32, %c0_i32_0, %c0_i32_1 : i32, i32, i32
  }
  func.func @transform_2(%arg0: i32) -> (i32, i32) {
    %c0_i32 = arith.constant 0 : i32
    %c0_i32_0 = arith.constant 0 : i32
    return %arg0, %c0_i32 : i32, i32
  }
  func.func @transform_3(%arg0: i32) -> (i32, i32) {
    %c0_i32 = arith.constant 0 : i32
    %c0_i32_0 = arith.constant 0 : i32
    %c0_i32_1 = arith.constant 0 : i32
    return %c0_i32, %c0_i32_0 : i32, i32
  }
  func.func @transform_4(%arg0: i32) -> (i32, i32) {
    %c0_i32 = arith.constant 0 : i32
    %c0_i32_0 = arith.constant 0 : i32
    %c0_i32_1 = arith.constant 0 : i32
    return %c0_i32, %c0_i32_0 : i32, i32
  }
  func.func @transform_5(%arg0: i32) -> (i32, i32) {
    %c0_i32 = arith.constant 0 : i32
    %c0_i32_0 = arith.constant 0 : i32
    return %arg0, %c0_i32 : i32, i32
  }
}

module attributes {stable_mosaic.version = 14 : i64} {
  func.func @_sage_dense2_body(%arg0: i32, %arg1: memref<2000x128xf32, #tpu.memory_space<vmem>>, %arg2: memref<2000x128xf32, #tpu.memory_space<vmem>>, %arg3: memref<2000x8xf32, #tpu.memory_space<vmem>>, %arg4: memref<2000x128xf32, #tpu.memory_space<vmem>>, %arg5: memref<128x128xf32, #tpu.memory_space<vmem>>, %arg6: memref<1x128xf32, #tpu.memory_space<vmem>>, %arg7: memref<128x128xf32, #tpu.memory_space<vmem>>, %arg8: memref<2000x128xf32, #tpu.memory_space<vmem>>, %arg9: memref<1x2x128xf32, #tpu.memory_space<vmem>>) attributes {dimension_semantics = [#tpu.dimension_semantics<arbitrary>], iteration_bounds = array<i64: 5>, scalar_prefetch = 0 : i64, scratch_operands = 0 : i64, tpu.core_type = #tpu.core_type<tc>, window_params = [{transform_indices = @transform_0, window_bounds = array<i64: 2000, 128>}, {transform_indices = @transform_1, window_bounds = array<i64: 2000, 128>}, {transform_indices = @transform_2, window_bounds = array<i64: 2000, 8>}, {transform_indices = @transform_3, window_bounds = array<i64: 2000, 128>}, {pipeline_mode = #tpu.pipeline_mode<synchronous>, transform_indices = @transform_4, window_bounds = array<i64: 128, 128>}, {pipeline_mode = #tpu.pipeline_mode<synchronous>, transform_indices = @transform_5, window_bounds = array<i64: 1, 128>}, {pipeline_mode = #tpu.pipeline_mode<synchronous>, transform_indices = @transform_6, window_bounds = array<i64: 128, 128>}, {transform_indices = @transform_7, window_bounds = array<i64: 2000, 128>}, {transform_indices = @transform_8, window_bounds = array<i64: 1, 2, 128>}]} {
    %get3A = arith.constant 0 : index
    %get3A_0 = arith.constant 0 : index
    %get3A_1 = vector.load %arg1[%get3A, %get3A_0] : memref<2000x128xf32, #tpu.memory_space<vmem>>, vector<2000x128xf32>
    %get3A_2 = arith.constant 0 : index
    %get3A_3 = arith.constant 0 : index
    %get3A_4 = vector.load %arg2[%get3A_2, %get3A_3] : memref<2000x128xf32, #tpu.memory_space<vmem>>, vector<2000x128xf32>
    %add3A = arith.addf %get3A_1, %get3A_4 : vector<2000x128xf32>
    %get3A_5 = arith.constant 0 : index
    %get3A_6 = arith.constant 0 : index
    %get3A_7 = vector.load %arg3[%get3A_5, %get3A_6] : memref<2000x8xf32, #tpu.memory_space<vmem>>, vector<2000x1xf32>
    %mul3A = vector.broadcast %get3A_7 : vector<2000x1xf32> to vector<2000x128xf32>
    %mul3A_8 = arith.mulf %add3A, %mul3A : vector<2000x128xf32>
    %get3A_9 = arith.constant 0 : index
    %get3A_10 = arith.constant 0 : index
    %get3A_11 = vector.load %arg5[%get3A_9, %get3A_10] : memref<128x128xf32, #tpu.memory_space<vmem>>, vector<128x128xf32>
    %dot_general3A = arith.constant dense<0.000000e+00> : vector<2000x128xf32>
    %dot_general3A_12 = tpu.matmul %mul3A_8, %get3A_11, %dot_general3A {dimension_numbers = #tpu.dot_dimension_numbers<[1], [0], [0], [1], [0, 0, 1, 1], [], []>, transpose_lhs_hint = false} : vector<2000x128xf32>, vector<128x128xf32>, vector<2000x128xf32> -> vector<2000x128xf32>
    %get3A_13 = arith.constant 0 : index
    %get3A_14 = arith.constant 0 : index
    %get3A_15 = vector.load %arg6[%get3A_13, %get3A_14] : memref<1x128xf32, #tpu.memory_space<vmem>>, vector<1x128xf32>
    %add3A_16 = vector.broadcast %get3A_15 : vector<1x128xf32> to vector<2000x128xf32>
    %add3A_17 = arith.addf %dot_general3A_12, %add3A_16 : vector<2000x128xf32>
    %get3A_18 = arith.constant 0 : index
    %get3A_19 = arith.constant 0 : index
    %get3A_20 = vector.load %arg4[%get3A_18, %get3A_19] : memref<2000x128xf32, #tpu.memory_space<vmem>>, vector<2000x128xf32>
    %get3A_21 = arith.constant 0 : index
    %get3A_22 = arith.constant 0 : index
    %get3A_23 = vector.load %arg7[%get3A_21, %get3A_22] : memref<128x128xf32, #tpu.memory_space<vmem>>, vector<128x128xf32>
    %dot_general3A_24 = arith.constant dense<0.000000e+00> : vector<2000x128xf32>
    %dot_general3A_25 = tpu.matmul %get3A_20, %get3A_23, %dot_general3A_24 {dimension_numbers = #tpu.dot_dimension_numbers<[1], [0], [0], [1], [0, 0, 1, 1], [], []>, transpose_lhs_hint = false} : vector<2000x128xf32>, vector<128x128xf32>, vector<2000x128xf32> -> vector<2000x128xf32>
    %add3A_26 = arith.addf %add3A_17, %dot_general3A_25 : vector<2000x128xf32>
    %swap3A = arith.constant 0 : index
    %swap3A_27 = arith.constant 0 : index
    %swap3A_28 = vector.load %arg8[%swap3A, %swap3A_27] : memref<2000x128xf32, #tpu.memory_space<vmem>>, vector<2000x128xf32>
    tpu.vector_store %arg8[%swap3A, %swap3A_27], %add3A_26 {strides = array<i32>} : memref<2000x128xf32, #tpu.memory_space<vmem>>, vector<2000x128xf32>,
    %reduce_sum3A = arith.constant dense<0.000000e+00> : vector<128xf32>
    %reduce_sum3A_29 = vector.multi_reduction <add>, %add3A_26, %reduce_sum3A [0] : vector<2000x128xf32> to vector<128xf32>
    %swap3A_30 = arith.constant 0 : index
    %swap3A_31 = arith.constant 0 : index
    %swap3A_32 = arith.constant 0 : index
    %swap3A_33 = vector.load %arg9[%swap3A_30, %swap3A_31, %swap3A_32] : memref<1x2x128xf32, #tpu.memory_space<vmem>>, vector<1x1x128xf32>
    %swap3A_34 = vector.shape_cast %swap3A_33 : vector<1x1x128xf32> to vector<128xf32>
    %swap3A_35 = vector.shape_cast %reduce_sum3A_29 : vector<128xf32> to vector<1x1x128xf32>
    tpu.vector_store %arg9[%swap3A_30, %swap3A_31, %swap3A_32], %swap3A_35 {strides = array<i32>} : memref<1x2x128xf32, #tpu.memory_space<vmem>>, vector<1x1x128xf32>,
    %mul3A_36 = arith.mulf %add3A_26, %add3A_26 : vector<2000x128xf32>
    %reduce_sum3A_37 = arith.constant dense<0.000000e+00> : vector<128xf32>
    %reduce_sum3A_38 = vector.multi_reduction <add>, %mul3A_36, %reduce_sum3A_37 [0] : vector<2000x128xf32> to vector<128xf32>
    %swap3A_39 = arith.constant 0 : index
    %swap3A_40 = arith.constant 1 : index
    %swap3A_41 = arith.constant 0 : index
    %swap3A_42 = vector.load %arg9[%swap3A_39, %swap3A_40, %swap3A_41] : memref<1x2x128xf32, #tpu.memory_space<vmem>>, vector<1x1x128xf32>
    %swap3A_43 = vector.shape_cast %swap3A_42 : vector<1x1x128xf32> to vector<128xf32>
    %swap3A_44 = vector.shape_cast %reduce_sum3A_38 : vector<128xf32> to vector<1x1x128xf32>
    tpu.vector_store %arg9[%swap3A_39, %swap3A_40, %swap3A_41], %swap3A_44 {strides = array<i32>} : memref<1x2x128xf32, #tpu.memory_space<vmem>>, vector<1x1x128xf32>,
    return
  }
  func.func @transform_0(%arg0: i32) -> (i32, i32) {
    %c0_i32 = arith.constant 0 : i32
    %c0_i32_0 = arith.constant 0 : i32
    return %arg0, %c0_i32 : i32, i32
  }
  func.func @transform_1(%arg0: i32) -> (i32, i32) {
    %c0_i32 = arith.constant 0 : i32
    %c0_i32_0 = arith.constant 0 : i32
    return %arg0, %c0_i32 : i32, i32
  }
  func.func @transform_2(%arg0: i32) -> (i32, i32) {
    %c0_i32 = arith.constant 0 : i32
    %c0_i32_0 = arith.constant 0 : i32
    return %arg0, %c0_i32 : i32, i32
  }
  func.func @transform_3(%arg0: i32) -> (i32, i32) {
    %c0_i32 = arith.constant 0 : i32
    %c0_i32_0 = arith.constant 0 : i32
    return %arg0, %c0_i32 : i32, i32
  }
  func.func @transform_4(%arg0: i32) -> (i32, i32) {
    %c0_i32 = arith.constant 0 : i32
    %c0_i32_0 = arith.constant 0 : i32
    %c0_i32_1 = arith.constant 0 : i32
    return %c0_i32, %c0_i32_0 : i32, i32
  }
  func.func @transform_5(%arg0: i32) -> (i32, i32) {
    %c0_i32 = arith.constant 0 : i32
    %c0_i32_0 = arith.constant 0 : i32
    %c0_i32_1 = arith.constant 0 : i32
    return %c0_i32, %c0_i32_0 : i32, i32
  }
  func.func @transform_6(%arg0: i32) -> (i32, i32) {
    %c0_i32 = arith.constant 0 : i32
    %c0_i32_0 = arith.constant 0 : i32
    %c0_i32_1 = arith.constant 0 : i32
    return %c0_i32, %c0_i32_0 : i32, i32
  }
  func.func @transform_7(%arg0: i32) -> (i32, i32) {
    %c0_i32 = arith.constant 0 : i32
    %c0_i32_0 = arith.constant 0 : i32
    return %arg0, %c0_i32 : i32, i32
  }
  func.func @transform_8(%arg0: i32) -> (i32, i32, i32) {
    %c0_i32 = arith.constant 0 : i32
    %c0_i32_0 = arith.constant 0 : i32
    %c0_i32_1 = arith.constant 0 : i32
    return %arg0, %c0_i32, %c0_i32_0 : i32, i32, i32
  }
}

module attributes {stable_mosaic.version = 14 : i64} {
  func.func @_bn_gat_body(%arg0: i32, %arg1: memref<2000x128xf32, #tpu.memory_space<vmem>>, %arg2: memref<5x2x128xf32, #tpu.memory_space<vmem>>, %arg3: memref<2000x128xf32, #tpu.memory_space<vmem>>, %arg4: memref<1x128xf32, #tpu.memory_space<vmem>>, %arg5: memref<1x128xf32, #tpu.memory_space<vmem>>, %arg6: memref<128x128xf32, #tpu.memory_space<vmem>>, %arg7: memref<128x16xf32, #tpu.memory_space<vmem>>, %arg8: memref<128x16xf32, #tpu.memory_space<vmem>>, %arg9: memref<2000x144xf32, #tpu.memory_space<vmem>>, %arg10: memref<2000x16xf32, #tpu.memory_space<vmem>>, %arg11: memref<1x2x16xf32, #tpu.memory_space<vmem>>) attributes {dimension_semantics = [#tpu.dimension_semantics<arbitrary>], iteration_bounds = array<i64: 5>, scalar_prefetch = 0 : i64, scratch_operands = 0 : i64, tpu.core_type = #tpu.core_type<tc>, window_params = [{transform_indices = @transform_0, window_bounds = array<i64: 2000, 128>}, {pipeline_mode = #tpu.pipeline_mode<synchronous>, transform_indices = @transform_1, window_bounds = array<i64: 5, 2, 128>}, {transform_indices = @transform_2, window_bounds = array<i64: 2000, 128>}, {pipeline_mode = #tpu.pipeline_mode<synchronous>, transform_indices = @transform_3, window_bounds = array<i64: 1, 128>}, {pipeline_mode = #tpu.pipeline_mode<synchronous>, transform_indices = @transform_4, window_bounds = array<i64: 1, 128>}, {pipeline_mode = #tpu.pipeline_mode<synchronous>, transform_indices = @transform_5, window_bounds = array<i64: 128, 128>}, {pipeline_mode = #tpu.pipeline_mode<synchronous>, transform_indices = @transform_6, window_bounds = array<i64: 128, 16>}, {pipeline_mode = #tpu.pipeline_mode<synchronous>, transform_indices = @transform_7, window_bounds = array<i64: 128, 16>}, {transform_indices = @transform_8, window_bounds = array<i64: 2000, 144>}, {transform_indices = @transform_9, window_bounds = array<i64: 2000, 16>}, {transform_indices = @transform_10, window_bounds = array<i64: 1, 2, 16>}]} {
    %get3A = arith.constant 0 : index
    %get3A_0 = arith.constant 0 : index
    %get3A_1 = arith.constant 0 : index
    %get3A_2 = vector.load %arg2[%get3A, %get3A_0, %get3A_1] : memref<5x2x128xf32, #tpu.memory_space<vmem>>, vector<5x1x128xf32>
    %get3A_3 = vector.shape_cast %get3A_2 : vector<5x1x128xf32> to vector<5x128xf32>
    %reduce_sum3A = arith.constant dense<0.000000e+00> : vector<128xf32>
    %reduce_sum3A_4 = vector.multi_reduction <add>, %get3A_3, %reduce_sum3A [0] : vector<5x128xf32> to vector<128xf32>
    %broadcast_in_dim3A = vector.shape_cast %reduce_sum3A_4 : vector<128xf32> to vector<1x128xf32>
    %mul3A = arith.constant 9.99999974E-5 : f32
    %mul3A_5 = vector.broadcast %mul3A : f32 to vector<1x128xf32>
    %mul3A_6 = arith.mulf %broadcast_in_dim3A, %mul3A_5 : vector<1x128xf32>
    %get3A_7 = arith.constant 0 : index
    %get3A_8 = arith.constant 1 : index
    %get3A_9 = arith.constant 0 : index
    %get3A_10 = vector.load %arg2[%get3A_7, %get3A_8, %get3A_9] : memref<5x2x128xf32, #tpu.memory_space<vmem>>, vector<5x1x128xf32>
    %get3A_11 = vector.shape_cast %get3A_10 : vector<5x1x128xf32> to vector<5x128xf32>
    %reduce_sum3A_12 = arith.constant dense<0.000000e+00> : vector<128xf32>
    %reduce_sum3A_13 = vector.multi_reduction <add>, %get3A_11, %reduce_sum3A_12 [0] : vector<5x128xf32> to vector<128xf32>
    %broadcast_in_dim3A_14 = vector.shape_cast %reduce_sum3A_13 : vector<128xf32> to vector<1x128xf32>
    %mul3A_15 = arith.constant 9.99999974E-5 : f32
    %mul3A_16 = vector.broadcast %mul3A_15 : f32 to vector<1x128xf32>
    %mul3A_17 = arith.mulf %broadcast_in_dim3A_14, %mul3A_16 : vector<1x128xf32>
    %mul3A_18 = arith.mulf %mul3A_6, %mul3A_6 : vector<1x128xf32>
    %sub3A = arith.subf %mul3A_17, %mul3A_18 : vector<1x128xf32>
    %get3A_19 = arith.constant 0 : index
    %get3A_20 = arith.constant 0 : index
    %get3A_21 = vector.load %arg4[%get3A_19, %get3A_20] : memref<1x128xf32, #tpu.memory_space<vmem>>, vector<1x128xf32>
    %get3A_22 = arith.constant 0 : index
    %get3A_23 = arith.constant 0 : index
    %get3A_24 = vector.load %arg1[%get3A_22, %get3A_23] : memref<2000x128xf32, #tpu.memory_space<vmem>>, vector<2000x128xf32>
    %sub3A_25 = vector.broadcast %mul3A_6 : vector<1x128xf32> to vector<2000x128xf32>
    %sub3A_26 = arith.subf %get3A_24, %sub3A_25 : vector<2000x128xf32>
    %mul3A_27 = vector.broadcast %get3A_21 : vector<1x128xf32> to vector<2000x128xf32>
    %mul3A_28 = arith.mulf %mul3A_27, %sub3A_26 : vector<2000x128xf32>
    %add3A = arith.constant 9.99999974E-6 : f32
    %add3A_29 = vector.broadcast %add3A : f32 to vector<1x128xf32>
    %add3A_30 = arith.addf %sub3A, %add3A_29 : vector<1x128xf32>
    %rsqrt3A = math.rsqrt %add3A_30 : vector<1x128xf32>
    %mul3A_31 = vector.broadcast %rsqrt3A : vector<1x128xf32> to vector<2000x128xf32>
    %mul3A_32 = arith.mulf %mul3A_28, %mul3A_31 : vector<2000x128xf32>
    %get3A_33 = arith.constant 0 : index
    %get3A_34 = arith.constant 0 : index
    %get3A_35 = vector.load %arg5[%get3A_33, %get3A_34] : memref<1x128xf32, #tpu.memory_space<vmem>>, vector<1x128xf32>
    %add3A_36 = vector.broadcast %get3A_35 : vector<1x128xf32> to vector<2000x128xf32>
    %add3A_37 = arith.addf %mul3A_32, %add3A_36 : vector<2000x128xf32>
    %get3A_38 = arith.constant 0 : index
    %get3A_39 = arith.constant 0 : index
    %get3A_40 = vector.load %arg3[%get3A_38, %get3A_39] : memref<2000x128xf32, #tpu.memory_space<vmem>>, vector<2000x128xf32>
    %add3A_41 = arith.addf %add3A_37, %get3A_40 : vector<2000x128xf32>
    %max3A = arith.constant 0.000000e+00 : f32
    %max3A_42 = vector.broadcast %max3A : f32 to vector<2000x128xf32>
    %max3A_43 = arith.maximumf %add3A_41, %max3A_42 : vector<2000x128xf32>
    %get3A_44 = arith.constant 0 : index
    %get3A_45 = arith.constant 0 : index
    %get3A_46 = vector.load %arg6[%get3A_44, %get3A_45] : memref<128x128xf32, #tpu.memory_space<vmem>>, vector<128x128xf32>
    %dot_general3A = arith.constant dense<0.000000e+00> : vector<2000x128xf32>
    %dot_general3A_47 = tpu.matmul %max3A_43, %get3A_46, %dot_general3A {dimension_numbers = #tpu.dot_dimension_numbers<[1], [0], [0], [1], [0, 0, 1, 1], [], []>, transpose_lhs_hint = false} : vector<2000x128xf32>, vector<128x128xf32>, vector<2000x128xf32> -> vector<2000x128xf32>
    %get3A_48 = arith.constant 0 : index
    %get3A_49 = arith.constant 0 : index
    %get3A_50 = vector.load %arg7[%get3A_48, %get3A_49] : memref<128x16xf32, #tpu.memory_space<vmem>>, vector<128x16xf32>
    %dot_general3A_51 = arith.constant dense<0.000000e+00> : vector<2000x16xf32>
    %dot_general3A_52 = tpu.matmul %dot_general3A_47, %get3A_50, %dot_general3A_51 {dimension_numbers = #tpu.dot_dimension_numbers<[1], [0], [0], [1], [0, 0, 1, 1], [], []>, transpose_lhs_hint = false} : vector<2000x128xf32>, vector<128x16xf32>, vector<2000x16xf32> -> vector<2000x16xf32>
    %get3A_53 = arith.constant 0 : index
    %get3A_54 = arith.constant 0 : index
    %get3A_55 = vector.load %arg8[%get3A_53, %get3A_54] : memref<128x16xf32, #tpu.memory_space<vmem>>, vector<128x16xf32>
    %dot_general3A_56 = arith.constant dense<0.000000e+00> : vector<2000x16xf32>
    %dot_general3A_57 = tpu.matmul %dot_general3A_47, %get3A_55, %dot_general3A_56 {dimension_numbers = #tpu.dot_dimension_numbers<[1], [0], [0], [1], [0, 0, 1, 1], [], []>, transpose_lhs_hint = false} : vector<2000x128xf32>, vector<128x16xf32>, vector<2000x16xf32> -> vector<2000x16xf32>
    %swap3A = arith.constant 0 : index
    %swap3A_58 = arith.constant 0 : index
    %swap3A_59 = vector.load %arg9[%swap3A, %swap3A_58] : memref<2000x144xf32, #tpu.memory_space<vmem>>, vector<2000x128xf32>
    tpu.vector_store %arg9[%swap3A, %swap3A_58], %dot_general3A_47 {strides = array<i32>} : memref<2000x144xf32, #tpu.memory_space<vmem>>, vector<2000x128xf32>,
    %swap3A_60 = arith.constant 0 : index
    %swap3A_61 = arith.constant 128 : index
    %swap3A_62 = vector.load %arg9[%swap3A_60, %swap3A_61] : memref<2000x144xf32, #tpu.memory_space<vmem>>, vector<2000x16xf32>
    tpu.vector_store %arg9[%swap3A_60, %swap3A_61], %dot_general3A_52 {strides = array<i32>} : memref<2000x144xf32, #tpu.memory_space<vmem>>, vector<2000x16xf32>,
    %swap3A_63 = arith.constant 0 : index
    %swap3A_64 = arith.constant 0 : index
    %swap3A_65 = vector.load %arg10[%swap3A_63, %swap3A_64] : memref<2000x16xf32, #tpu.memory_space<vmem>>, vector<2000x16xf32>
    tpu.vector_store %arg10[%swap3A_63, %swap3A_64], %dot_general3A_57 {strides = array<i32>} : memref<2000x16xf32, #tpu.memory_space<vmem>>, vector<2000x16xf32>,
    %reduce_max3A = arith.constant dense<0xFF800000> : vector<16xf32>
    %reduce_max3A_66 = vector.multi_reduction <maximumf>, %dot_general3A_52, %reduce_max3A [0] : vector<2000x16xf32> to vector<16xf32>
    %swap3A_67 = arith.constant 0 : index
    %swap3A_68 = arith.constant 0 : index
    %swap3A_69 = arith.constant 0 : index
    %swap3A_70 = vector.load %arg11[%swap3A_67, %swap3A_68, %swap3A_69] : memref<1x2x16xf32, #tpu.memory_space<vmem>>, vector<1x1x16xf32>
    %swap3A_71 = vector.shape_cast %swap3A_70 : vector<1x1x16xf32> to vector<16xf32>
    %swap3A_72 = vector.shape_cast %reduce_max3A_66 : vector<16xf32> to vector<1x1x16xf32>
    tpu.vector_store %arg11[%swap3A_67, %swap3A_68, %swap3A_69], %swap3A_72 {strides = array<i32>} : memref<1x2x16xf32, #tpu.memory_space<vmem>>, vector<1x1x16xf32>,
    %reduce_max3A_73 = arith.constant dense<0xFF800000> : vector<16xf32>
    %reduce_max3A_74 = vector.multi_reduction <maximumf>, %dot_general3A_57, %reduce_max3A_73 [0] : vector<2000x16xf32> to vector<16xf32>
    %swap3A_75 = arith.constant 0 : index
    %swap3A_76 = arith.constant 1 : index
    %swap3A_77 = arith.constant 0 : index
    %swap3A_78 = vector.load %arg11[%swap3A_75, %swap3A_76, %swap3A_77] : memref<1x2x16xf32, #tpu.memory_space<vmem>>, vector<1x1x16xf32>
    %swap3A_79 = vector.shape_cast %swap3A_78 : vector<1x1x16xf32> to vector<16xf32>
    %swap3A_80 = vector.shape_cast %reduce_max3A_74 : vector<16xf32> to vector<1x1x16xf32>
    tpu.vector_store %arg11[%swap3A_75, %swap3A_76, %swap3A_77], %swap3A_80 {strides = array<i32>} : memref<1x2x16xf32, #tpu.memory_space<vmem>>, vector<1x1x16xf32>,
    return
  }
  func.func @transform_0(%arg0: i32) -> (i32, i32) {
    %c0_i32 = arith.constant 0 : i32
    %c0_i32_0 = arith.constant 0 : i32
    return %arg0, %c0_i32 : i32, i32
  }
  func.func @transform_1(%arg0: i32) -> (i32, i32, i32) {
    %c0_i32 = arith.constant 0 : i32
    %c0_i32_0 = arith.constant 0 : i32
    %c0_i32_1 = arith.constant 0 : i32
    %c0_i32_2 = arith.constant 0 : i32
    return %c0_i32, %c0_i32_0, %c0_i32_1 : i32, i32, i32
  }
  func.func @transform_2(%arg0: i32) -> (i32, i32) {
    %c0_i32 = arith.constant 0 : i32
    %c0_i32_0 = arith.constant 0 : i32
    return %arg0, %c0_i32 : i32, i32
  }
  func.func @transform_3(%arg0: i32) -> (i32, i32) {
    %c0_i32 = arith.constant 0 : i32
    %c0_i32_0 = arith.constant 0 : i32
    %c0_i32_1 = arith.constant 0 : i32
    return %c0_i32, %c0_i32_0 : i32, i32
  }
  func.func @transform_4(%arg0: i32) -> (i32, i32) {
    %c0_i32 = arith.constant 0 : i32
    %c0_i32_0 = arith.constant 0 : i32
    %c0_i32_1 = arith.constant 0 : i32
    return %c0_i32, %c0_i32_0 : i32, i32
  }
  func.func @transform_5(%arg0: i32) -> (i32, i32) {
    %c0_i32 = arith.constant 0 : i32
    %c0_i32_0 = arith.constant 0 : i32
    %c0_i32_1 = arith.constant 0 : i32
    return %c0_i32, %c0_i32_0 : i32, i32
  }
  func.func @transform_6(%arg0: i32) -> (i32, i32) {
    %c0_i32 = arith.constant 0 : i32
    %c0_i32_0 = arith.constant 0 : i32
    %c0_i32_1 = arith.constant 0 : i32
    return %c0_i32, %c0_i32_0 : i32, i32
  }
  func.func @transform_7(%arg0: i32) -> (i32, i32) {
    %c0_i32 = arith.constant 0 : i32
    %c0_i32_0 = arith.constant 0 : i32
    %c0_i32_1 = arith.constant 0 : i32
    return %c0_i32, %c0_i32_0 : i32, i32
  }
  func.func @transform_8(%arg0: i32) -> (i32, i32) {
    %c0_i32 = arith.constant 0 : i32
    %c0_i32_0 = arith.constant 0 : i32
    return %arg0, %c0_i32 : i32, i32
  }
  func.func @transform_9(%arg0: i32) -> (i32, i32) {
    %c0_i32 = arith.constant 0 : i32
    %c0_i32_0 = arith.constant 0 : i32
    return %arg0, %c0_i32 : i32, i32
  }
  func.func @transform_10(%arg0: i32) -> (i32, i32, i32) {
    %c0_i32 = arith.constant 0 : i32
    %c0_i32_0 = arith.constant 0 : i32
    %c0_i32_1 = arith.constant 0 : i32
    return %arg0, %c0_i32, %c0_i32_0 : i32, i32, i32
  }
}

module attributes {stable_mosaic.version = 14 : i64} {
  func.func @_head_body(%arg0: i32, %arg1: memref<2000x144xf32, #tpu.memory_space<vmem>>, %arg2: memref<2000x144xf32, #tpu.memory_space<vmem>>, %arg3: memref<2000x144xf32, #tpu.memory_space<vmem>>, %arg4: memref<2000x16xf32, #tpu.memory_space<vmem>>, %arg5: memref<1x16xf32, #tpu.memory_space<vmem>>, %arg6: memref<1x32xf32, #tpu.memory_space<vmem>>, %arg7: memref<32x64xf32, #tpu.memory_space<vmem>>, %arg8: memref<1x64xf32, #tpu.memory_space<vmem>>, %arg9: memref<64x1xf32, #tpu.memory_space<vmem>>, %arg10: memref<1x1xf32, #tpu.memory_space<vmem>>, %arg11: memref<2000x32xf32, #tpu.memory_space<vmem>>, %arg12: memref<2000x1xf32, #tpu.memory_space<vmem>>) attributes {dimension_semantics = [#tpu.dimension_semantics<arbitrary>], iteration_bounds = array<i64: 5>, scalar_prefetch = 0 : i64, scratch_operands = 0 : i64, tpu.core_type = #tpu.core_type<tc>, window_params = [{transform_indices = @transform_0, window_bounds = array<i64: 2000, 144>}, {transform_indices = @transform_1, window_bounds = array<i64: 2000, 144>}, {transform_indices = @transform_2, window_bounds = array<i64: 2000, 144>}, {transform_indices = @transform_3, window_bounds = array<i64: 2000, 16>}, {pipeline_mode = #tpu.pipeline_mode<synchronous>, transform_indices = @transform_4, window_bounds = array<i64: 1, 16>}, {pipeline_mode = #tpu.pipeline_mode<synchronous>, transform_indices = @transform_5, window_bounds = array<i64: 1, 32>}, {pipeline_mode = #tpu.pipeline_mode<synchronous>, transform_indices = @transform_6, window_bounds = array<i64: 32, 64>}, {pipeline_mode = #tpu.pipeline_mode<synchronous>, transform_indices = @transform_7, window_bounds = array<i64: 1, 64>}, {pipeline_mode = #tpu.pipeline_mode<synchronous>, transform_indices = @transform_8, window_bounds = array<i64: 64, 1>}, {pipeline_mode = #tpu.pipeline_mode<synchronous>, transform_indices = @transform_9, window_bounds = array<i64: 1, 1>}, {transform_indices = @transform_10, window_bounds = array<i64: 2000, 32>}, {transform_indices = @transform_11, window_bounds = array<i64: 2000, 1>}]} {
    %get3A = arith.constant 0 : index
    %get3A_0 = arith.constant 128 : index
    %get3A_1 = vector.load %arg3[%get3A, %get3A_0] : memref<2000x144xf32, #tpu.memory_space<vmem>>, vector<2000x16xf32>
    %get3A_2 = arith.constant 0 : index
    %get3A_3 = arith.constant 0 : index
    %get3A_4 = vector.load %arg4[%get3A_2, %get3A_3] : memref<2000x16xf32, #tpu.memory_space<vmem>>, vector<2000x16xf32>
    %add3A = arith.addf %get3A_1, %get3A_4 : vector<2000x16xf32>
    %mul3A = arith.constant 2.000000e-01 : f32
    %mul3A_5 = vector.broadcast %mul3A : f32 to vector<2000x16xf32>
    %mul3A_6 = arith.mulf %mul3A_5, %add3A : vector<2000x16xf32>
    %max3A = arith.maximumf %add3A, %mul3A_6 : vector<2000x16xf32>
    %get3A_7 = arith.constant 0 : index
    %get3A_8 = arith.constant 0 : index
    %get3A_9 = vector.load %arg5[%get3A_7, %get3A_8] : memref<1x16xf32, #tpu.memory_space<vmem>>, vector<1x16xf32>
    %sub3A = vector.broadcast %get3A_9 : vector<1x16xf32> to vector<2000x16xf32>
    %sub3A_10 = arith.subf %max3A, %sub3A : vector<2000x16xf32>
    %exp3A = math.exp %sub3A_10 : vector<2000x16xf32>
    %get3A_11 = arith.constant 0 : index
    %get3A_12 = arith.constant 128 : index
    %get3A_13 = vector.load %arg1[%get3A_11, %get3A_12] : memref<2000x144xf32, #tpu.memory_space<vmem>>, vector<2000x16xf32>
    %get3A_14 = arith.constant 0 : index
    %get3A_15 = arith.constant 128 : index
    %get3A_16 = vector.load %arg2[%get3A_14, %get3A_15] : memref<2000x144xf32, #tpu.memory_space<vmem>>, vector<2000x16xf32>
    %add3A_17 = arith.addf %get3A_13, %get3A_16 : vector<2000x16xf32>
    %add3A_18 = arith.addf %add3A_17, %exp3A : vector<2000x16xf32>
    %add3A_19 = arith.constant 1.000000e-16 : f32
    %add3A_20 = vector.broadcast %add3A_19 : f32 to vector<2000x16xf32>
    %add3A_21 = arith.addf %add3A_18, %add3A_20 : vector<2000x16xf32>
    %div3A = arith.constant 1.000000e+00 : f32
    %div3A_22 = vector.broadcast %div3A : f32 to vector<2000x16xf32>
    %div3A_23 = arith.divf %div3A_22, %add3A_21 : vector<2000x16xf32>
    %broadcast_in_dim3A = arith.constant 0.000000e+00 : f32
    %broadcast_in_dim3A_24 = vector.broadcast %broadcast_in_dim3A : f32 to vector<2000x32xf32>
    %get3A_25 = arith.constant 0 : index
    %get3A_26 = arith.constant 0 : index
    %get3A_27 = vector.load %arg1[%get3A_25, %get3A_26] : memref<2000x144xf32, #tpu.memory_space<vmem>>, vector<2000x32xf32>
    %get3A_28 = arith.constant 0 : index
    %get3A_29 = arith.constant 0 : index
    %get3A_30 = vector.load %arg2[%get3A_28, %get3A_29] : memref<2000x144xf32, #tpu.memory_space<vmem>>, vector<2000x32xf32>
    %add3A_31 = arith.addf %get3A_27, %get3A_30 : vector<2000x32xf32>
    %get3A_32 = arith.constant 0 : index
    %get3A_33 = arith.constant 0 : index
    %get3A_34 = vector.load %arg3[%get3A_32, %get3A_33] : memref<2000x144xf32, #tpu.memory_space<vmem>>, vector<2000x32xf32>
    %slice3A = vector.extract_strided_slice %exp3A {offsets = [0, 0], sizes = [2000, 1], strides = [1, 1]} : vector<2000x16xf32> to vector<2000x1xf32>
    %mul3A_35 = vector.broadcast %slice3A : vector<2000x1xf32> to vector<2000x32xf32>
    %mul3A_36 = arith.mulf %get3A_34, %mul3A_35 : vector<2000x32xf32>
    %add3A_37 = arith.addf %add3A_31, %mul3A_36 : vector<2000x32xf32>
    %slice3A_38 = vector.extract_strided_slice %div3A_23 {offsets = [0, 0], sizes = [2000, 1], strides = [1, 1]} : vector<2000x16xf32> to vector<2000x1xf32>
    %mul3A_39 = vector.broadcast %slice3A_38 : vector<2000x1xf32> to vector<2000x32xf32>
    %mul3A_40 = arith.mulf %add3A_37, %mul3A_39 : vector<2000x32xf32>
    %add3A_41 = arith.addf %broadcast_in_dim3A_24, %mul3A_40 : vector<2000x32xf32>
    %get3A_42 = arith.constant 0 : index
    %get3A_43 = arith.constant 32 : index
    %get3A_44 = vector.load %arg1[%get3A_42, %get3A_43] : memref<2000x144xf32, #tpu.memory_space<vmem>>, vector<2000x32xf32>
    %get3A_45 = arith.constant 0 : index
    %get3A_46 = arith.constant 32 : index
    %get3A_47 = vector.load %arg2[%get3A_45, %get3A_46] : memref<2000x144xf32, #tpu.memory_space<vmem>>, vector<2000x32xf32>
    %add3A_48 = arith.addf %get3A_44, %get3A_47 : vector<2000x32xf32>
    %get3A_49 = arith.constant 0 : index
    %get3A_50 = arith.constant 32 : index
    %get3A_51 = vector.load %arg3[%get3A_49, %get3A_50] : memref<2000x144xf32, #tpu.memory_space<vmem>>, vector<2000x32xf32>
    %slice3A_52 = vector.extract_strided_slice %exp3A {offsets = [0, 1], sizes = [2000, 1], strides = [1, 1]} : vector<2000x16xf32> to vector<2000x1xf32>
    %mul3A_53 = vector.broadcast %slice3A_52 : vector<2000x1xf32> to vector<2000x32xf32>
    %mul3A_54 = arith.mulf %get3A_51, %mul3A_53 : vector<2000x32xf32>
    %add3A_55 = arith.addf %add3A_48, %mul3A_54 : vector<2000x32xf32>
    %slice3A_56 = vector.extract_strided_slice %div3A_23 {offsets = [0, 1], sizes = [2000, 1], strides = [1, 1]} : vector<2000x16xf32> to vector<2000x1xf32>
    %mul3A_57 = vector.broadcast %slice3A_56 : vector<2000x1xf32> to vector<2000x32xf32>
    %mul3A_58 = arith.mulf %add3A_55, %mul3A_57 : vector<2000x32xf32>
    %add3A_59 = arith.addf %add3A_41, %mul3A_58 : vector<2000x32xf32>
    %get3A_60 = arith.constant 0 : index
    %get3A_61 = arith.constant 64 : index
    %get3A_62 = vector.load %arg1[%get3A_60, %get3A_61] : memref<2000x144xf32, #tpu.memory_space<vmem>>, vector<2000x32xf32>
    %get3A_63 = arith.constant 0 : index
    %get3A_64 = arith.constant 64 : index
    %get3A_65 = vector.load %arg2[%get3A_63, %get3A_64] : memref<2000x144xf32, #tpu.memory_space<vmem>>, vector<2000x32xf32>
    %add3A_66 = arith.addf %get3A_62, %get3A_65 : vector<2000x32xf32>
    %get3A_67 = arith.constant 0 : index
    %get3A_68 = arith.constant 64 : index
    %get3A_69 = vector.load %arg3[%get3A_67, %get3A_68] : memref<2000x144xf32, #tpu.memory_space<vmem>>, vector<2000x32xf32>
    %slice3A_70 = vector.extract_strided_slice %exp3A {offsets = [0, 2], sizes = [2000, 1], strides = [1, 1]} : vector<2000x16xf32> to vector<2000x1xf32>
    %mul3A_71 = vector.broadcast %slice3A_70 : vector<2000x1xf32> to vector<2000x32xf32>
    %mul3A_72 = arith.mulf %get3A_69, %mul3A_71 : vector<2000x32xf32>
    %add3A_73 = arith.addf %add3A_66, %mul3A_72 : vector<2000x32xf32>
    %slice3A_74 = vector.extract_strided_slice %div3A_23 {offsets = [0, 2], sizes = [2000, 1], strides = [1, 1]} : vector<2000x16xf32> to vector<2000x1xf32>
    %mul3A_75 = vector.broadcast %slice3A_74 : vector<2000x1xf32> to vector<2000x32xf32>
    %mul3A_76 = arith.mulf %add3A_73, %mul3A_75 : vector<2000x32xf32>
    %add3A_77 = arith.addf %add3A_59, %mul3A_76 : vector<2000x32xf32>
    %get3A_78 = arith.constant 0 : index
    %get3A_79 = arith.constant 96 : index
    %get3A_80 = vector.load %arg1[%get3A_78, %get3A_79] : memref<2000x144xf32, #tpu.memory_space<vmem>>, vector<2000x32xf32>
    %get3A_81 = arith.constant 0 : index
    %get3A_82 = arith.constant 96 : index
    %get3A_83 = vector.load %arg2[%get3A_81, %get3A_82] : memref<2000x144xf32, #tpu.memory_space<vmem>>, vector<2000x32xf32>
    %add3A_84 = arith.addf %get3A_80, %get3A_83 : vector<2000x32xf32>
    %get3A_85 = arith.constant 0 : index
    %get3A_86 = arith.constant 96 : index
    %get3A_87 = vector.load %arg3[%get3A_85, %get3A_86] : memref<2000x144xf32, #tpu.memory_space<vmem>>, vector<2000x32xf32>
    %slice3A_88 = vector.extract_strided_slice %exp3A {offsets = [0, 3], sizes = [2000, 1], strides = [1, 1]} : vector<2000x16xf32> to vector<2000x1xf32>
    %mul3A_89 = vector.broadcast %slice3A_88 : vector<2000x1xf32> to vector<2000x32xf32>
    %mul3A_90 = arith.mulf %get3A_87, %mul3A_89 : vector<2000x32xf32>
    %add3A_91 = arith.addf %add3A_84, %mul3A_90 : vector<2000x32xf32>
    %slice3A_92 = vector.extract_strided_slice %div3A_23 {offsets = [0, 3], sizes = [2000, 1], strides = [1, 1]} : vector<2000x16xf32> to vector<2000x1xf32>
    %mul3A_93 = vector.broadcast %slice3A_92 : vector<2000x1xf32> to vector<2000x32xf32>
    %mul3A_94 = arith.mulf %add3A_91, %mul3A_93 : vector<2000x32xf32>
    %add3A_95 = arith.addf %add3A_77, %mul3A_94 : vector<2000x32xf32>
    %mul3A_96 = arith.constant 2.500000e-01 : f32
    %mul3A_97 = vector.broadcast %mul3A_96 : f32 to vector<2000x32xf32>
    %mul3A_98 = arith.mulf %add3A_95, %mul3A_97 : vector<2000x32xf32>
    %get3A_99 = arith.constant 0 : index
    %get3A_100 = arith.constant 0 : index
    %get3A_101 = vector.load %arg6[%get3A_99, %get3A_100] : memref<1x32xf32, #tpu.memory_space<vmem>>, vector<1x32xf32>
    %add3A_102 = vector.broadcast %get3A_101 : vector<1x32xf32> to vector<2000x32xf32>
    %add3A_103 = arith.addf %mul3A_98, %add3A_102 : vector<2000x32xf32>
    %get3A_104 = arith.constant 0 : index
    %get3A_105 = arith.constant 0 : index
    %get3A_106 = vector.load %arg7[%get3A_104, %get3A_105] : memref<32x64xf32, #tpu.memory_space<vmem>>, vector<32x64xf32>
    %dot_general3A = arith.constant dense<0.000000e+00> : vector<2000x64xf32>
    %dot_general3A_107 = tpu.matmul %add3A_103, %get3A_106, %dot_general3A {dimension_numbers = #tpu.dot_dimension_numbers<[1], [0], [0], [1], [0, 0, 1, 1], [], []>, transpose_lhs_hint = false} : vector<2000x32xf32>, vector<32x64xf32>, vector<2000x64xf32> -> vector<2000x64xf32>
    %get3A_108 = arith.constant 0 : index
    %get3A_109 = arith.constant 0 : index
    %get3A_110 = vector.load %arg8[%get3A_108, %get3A_109] : memref<1x64xf32, #tpu.memory_space<vmem>>, vector<1x64xf32>
    %add3A_111 = vector.broadcast %get3A_110 : vector<1x64xf32> to vector<2000x64xf32>
    %add3A_112 = arith.addf %dot_general3A_107, %add3A_111 : vector<2000x64xf32>
    %max3A_113 = arith.constant 0.000000e+00 : f32
    %max3A_114 = vector.broadcast %max3A_113 : f32 to vector<2000x64xf32>
    %max3A_115 = arith.maximumf %add3A_112, %max3A_114 : vector<2000x64xf32>
    %get3A_116 = arith.constant 0 : index
    %get3A_117 = arith.constant 0 : index
    %get3A_118 = vector.load %arg9[%get3A_116, %get3A_117] : memref<64x1xf32, #tpu.memory_space<vmem>>, vector<64x1xf32>
    %dot_general3A_119 = arith.constant dense<0.000000e+00> : vector<2000x1xf32>
    %dot_general3A_120 = tpu.matmul %max3A_115, %get3A_118, %dot_general3A_119 {dimension_numbers = #tpu.dot_dimension_numbers<[1], [0], [0], [1], [0, 0, 1, 1], [], []>, transpose_lhs_hint = false} : vector<2000x64xf32>, vector<64x1xf32>, vector<2000x1xf32> -> vector<2000x1xf32>
    %get3A_121 = arith.constant 0 : index
    %get3A_122 = arith.constant 0 : index
    %get3A_123 = vector.load %arg10[%get3A_121, %get3A_122] : memref<1x1xf32, #tpu.memory_space<vmem>>, vector<1x1xf32>
    %add3A_124 = vector.broadcast %get3A_123 : vector<1x1xf32> to vector<2000x1xf32>
    %add3A_125 = arith.addf %dot_general3A_120, %add3A_124 : vector<2000x1xf32>
    %swap3A = arith.constant 0 : index
    %swap3A_126 = arith.constant 0 : index
    %swap3A_127 = vector.load %arg12[%swap3A, %swap3A_126] : memref<2000x1xf32, #tpu.memory_space<vmem>>, vector<2000x1xf32>
    tpu.vector_store %arg12[%swap3A, %swap3A_126], %add3A_125 {strides = array<i32>} : memref<2000x1xf32, #tpu.memory_space<vmem>>, vector<2000x1xf32>,
    %swap3A_128 = arith.constant 0 : index
    %swap3A_129 = arith.constant 0 : index
    %swap3A_130 = vector.load %arg11[%swap3A_128, %swap3A_129] : memref<2000x32xf32, #tpu.memory_space<vmem>>, vector<2000x32xf32>
    tpu.vector_store %arg11[%swap3A_128, %swap3A_129], %add3A_103 {strides = array<i32>} : memref<2000x32xf32, #tpu.memory_space<vmem>>, vector<2000x32xf32>,
    return
  }
  func.func @transform_0(%arg0: i32) -> (i32, i32) {
    %c0_i32 = arith.constant 0 : i32
    %c0_i32_0 = arith.constant 0 : i32
    return %arg0, %c0_i32 : i32, i32
  }
  func.func @transform_1(%arg0: i32) -> (i32, i32) {
    %c0_i32 = arith.constant 0 : i32
    %c0_i32_0 = arith.constant 0 : i32
    return %arg0, %c0_i32 : i32, i32
  }
  func.func @transform_2(%arg0: i32) -> (i32, i32) {
    %c0_i32 = arith.constant 0 : i32
    %c0_i32_0 = arith.constant 0 : i32
    return %arg0, %c0_i32 : i32, i32
  }
  func.func @transform_3(%arg0: i32) -> (i32, i32) {
    %c0_i32 = arith.constant 0 : i32
    %c0_i32_0 = arith.constant 0 : i32
    return %arg0, %c0_i32 : i32, i32
  }
  func.func @transform_4(%arg0: i32) -> (i32, i32) {
    %c0_i32 = arith.constant 0 : i32
    %c0_i32_0 = arith.constant 0 : i32
    %c0_i32_1 = arith.constant 0 : i32
    return %c0_i32, %c0_i32_0 : i32, i32
  }
  func.func @transform_5(%arg0: i32) -> (i32, i32) {
    %c0_i32 = arith.constant 0 : i32
    %c0_i32_0 = arith.constant 0 : i32
    %c0_i32_1 = arith.constant 0 : i32
    return %c0_i32, %c0_i32_0 : i32, i32
  }
  func.func @transform_6(%arg0: i32) -> (i32, i32) {
    %c0_i32 = arith.constant 0 : i32
    %c0_i32_0 = arith.constant 0 : i32
    %c0_i32_1 = arith.constant 0 : i32
    return %c0_i32, %c0_i32_0 : i32, i32
  }
  func.func @transform_7(%arg0: i32) -> (i32, i32) {
    %c0_i32 = arith.constant 0 : i32
    %c0_i32_0 = arith.constant 0 : i32
    %c0_i32_1 = arith.constant 0 : i32
    return %c0_i32, %c0_i32_0 : i32, i32
  }
  func.func @transform_8(%arg0: i32) -> (i32, i32) {
    %c0_i32 = arith.constant 0 : i32
    %c0_i32_0 = arith.constant 0 : i32
    %c0_i32_1 = arith.constant 0 : i32
    return %c0_i32, %c0_i32_0 : i32, i32
  }
  func.func @transform_9(%arg0: i32) -> (i32, i32) {
    %c0_i32 = arith.constant 0 : i32
    %c0_i32_0 = arith.constant 0 : i32
    %c0_i32_1 = arith.constant 0 : i32
    return %c0_i32, %c0_i32_0 : i32, i32
  }
  func.func @transform_10(%arg0: i32) -> (i32, i32) {
    %c0_i32 = arith.constant 0 : i32
    %c0_i32_0 = arith.constant 0 : i32
    return %arg0, %c0_i32 : i32, i32
  }
  func.func @transform_11(%arg0: i32) -> (i32, i32) {
    %c0_i32 = arith.constant 0 : i32
    %c0_i32_0 = arith.constant 0 : i32
    return %arg0, %c0_i32 : i32, i32
  }
}

</mosaic_0001>

<sc_bundles>
// kernel: kernel.11.cloned.1.call-start
scs
__scs_entry_jumppad:
0x0: {  	(pc) =	sbr.rel $0x88, $3  }
0x1: {  	(tag) =	ssettag $0x0;
	lr =	simm.s32 $0x1  }
0x2: {  	[smem:$0x3F8D] =	sst lr;
	_ =	strace $0xD0000000  }
0x3: {  	_ = 	snop  }
0x4: {  	_ = 	snop  }
0x5: {  	_ = 	snop  }
0x6: {  	_ = 	snop  }
0x7: {  	_ = 	snop  }
__scs_overlays_trampoline_lowered:
0x8: {  	[smem:$0x3F9C] =	sst s0  }
0x9: {  	[smem:$0x3F9D] =	sst s1  }
0xa: {  	[smem:$0x3F9E] =	sst s2  }
0xb: {  	[smem:$0x3F9F] =	sst s3  }
0xc: {  	[smem:$0x3FA0] =	sst s4  }
0xd: {  	[smem:$0x3FA1] =	sst s5  }
0xe: {  	[smem:$0x3FA2] =	sst s6  }
0xf: {  	[smem:$0x3FA3] =	sst s7  }
0x10: {  	[smem:$0x3FA4] =	sst s8  }
0x11: {  	[smem:$0x3FA5] =	sst s9;
	s0 =	simm.s32 @!p0 $0x0  }
0x12: {  	s1 =	sld [smem:$0x3F8B];
	s0 =	simm.s32 @p0 $0x1  }
0x13: {  	[smem:$0x3FA6] =	sst s0;
	s0 =	simm.s32 @!p1 $0x0  }
0x14: {  	s2 =	sld [smem:$0x3F8A];
	s0 =	simm.s32 @p1 $0x1  }
0x15: {  	[smem:$0x3FA7] =	sst s0;
	s0 =	simm.s32 @!p2 $0x0  }
0x16: {  	s3 =	sld [smem:$0x3FDB];
	s0 =	simm.s32 @p2 $0x1  }
0x17: {  	s4 =	simm.s32 $0x1BF5;
	[smem:$0x3FA9] =	sst s0  }
0x18: {  	s0 =	sld [smem:$0x3F8C];
	_ =	swait.ge [sflag:s4], $0x0  }
0x19: {  	s7 =	sld [smem:$0x3F8D]  }
0x1a: {  	s8 =	sadd.s32 $0xFFFFE003, lr  }
0x1b: {  	s9 =	sadd.s32 $0xFFFFFEF7, lr;
	s5 =	simm.s32 $0xFFFFFFFF;
	p2 =	slt.u32 s8, $0xFFFFF086  }
0x1c: {  	p1 =	slt.u32 s9, $0xF7A;
	s5 =	simm.s32 @!p2 $0x0  }
0x1d: {  	s5 =	simm.s32 @p1 $0x1;
	p0 =	seq.s32 s7, s2  }
0x1e: {  	s7 =	smul.u32 @!p0 $0xF7A, s2;
	p2 =	seq.s32 @!p0 s5, $0x0  }
0x1f: {  	s9 =	smul.u32 $0xF7A, s1;
	s8 =	simm.s32 @!p0 $0x1BF5;
	p2 =	por !p2, p0  }
0x20: {  	[sflag:s8] =	ssyncset.s32 @!p0 $0xFFFFF086;
	s6 =	sadd.s32 @!p0 s3, s7;
	s7 =	simm.s32 @!p0 $0x108  }
0x21: {  	s3 =	sadd.s32 s3, s9;
	s6 =	sadd.s32 @!p0 $0x88, s6;
	s7 =	simm.s32 @p2 $0x1082  }
0x22: {  	[simem:s7], [sflag:s8] =	dma.local @!p0 [hbm:s6], $0xF7A  }
0x23: {  	s9 =	sor.u32 $0xD0000000, s2;
	s6 =	simm.s32 $0x108;
	_ =	swait.ge @!p0 [sflag:s8], $0x0  }
0x24: {  	s3 =	sadd.s32 $0x88, s3;
	s6 =	simm.s32 @!p1 $0x1082;
	[sflag:s4] =	ssyncset.s32 $0xFFFFF086  }
0x25: {  	[simem:s6], [sflag:s4] =	dma.local [hbm:s3], $0xF7A  }
0x26: {  	[smem:$0x3F8D] =	sst s1;
	(tag) =	ssettag s2;
	_ =	strace s9  }
0x27: {  	s1 =	sld [smem:$0x3F9D]  }
0x28: {  	s2 =	sld [smem:$0x3F9E]  }
0x29: {  	s4 =	sld [smem:$0x3FA0]  }
0x2a: {  	p0 =	seq.s32 s5, $0x0;
	s5 =	sld [smem:$0x3FA1]  }
0x2b: {  	s6 =	sld [smem:$0x3FA2]  }
0x2c: {  	s7 =	sld [smem:$0x3FA3]  }
0x2d: {  	s3 =	simm.s32 $0x108;
	s8 =	sld [smem:$0x3FA4]  }
0x2e: {  	s3 =	simm.s32 @!p0 $0x1082;
	s9 =	sld [smem:$0x3FA5]  }
0x2f: {  	lr =	sadd.s32 s0, s3;
	s0 =	sld [smem:$0x3F9C]  }
0x30: {  	s3 =	sld [smem:$0x3F9F]  }
0x31: {  	[smem:$0x3FA8] =	sst s10  }
0x32: {  	s10 =	sld [smem:$0x3FA6];
	_ =	sdelay $0x3  }
0x33: {  	p0 =	seq.s32 s10, $0x1;
	s10 =	sld [smem:$0x3FA8];
	_ =	sdelay $0x3  }
0x34: {  	[smem:$0x3FA8] =	sst s10  }
0x35: {  	s10 =	sld [smem:$0x3FA7];
	_ =	sdelay $0x3  }
0x36: {  	p1 =	seq.s32 s10, $0x1;
	s10 =	sld [smem:$0x3FA8];
	_ =	sdelay $0x3  }
0x37: {  	[smem:$0x3FA8] =	sst s10  }
0x38: {  	s10 =	sld [smem:$0x3FA9]  }
0x39: {  	_ = 	snop;
	(pc) =	sbr.ind lr, $3  }
0x3a: {  	_ = 	snop  }
0x3b: {  	_ = 	snop  }
0x3c: {  	p2 =	seq.s32 s10, $0x1;
	s10 =	sld [smem:$0x3FA8]  }
0x3d: {  	_ =	shalt  }
0x3e: {  	_ =	shalt  }
0x3f: {  	_ =	shalt  }
0x40: {  	_ =	shalt  }
0x41: {  	_ =	shalt  }
0x42: {  	_ =	shalt  }
0x43: {  	_ =	shalt  }
0x44: {  	_ =	shalt  }
0x45: {  	_ =	shalt  }
0x46: {  	_ =	shalt  }
0x47: {  	_ =	shalt  }
0x48: {  	_ =	shalt  }
0x49: {  	_ =	shalt  }
0x4a: {  	_ =	shalt  }
0x4b: {  	_ =	shalt  }
0x4c: {  	_ =	shalt  }
0x4d: {  	_ =	shalt  }
0x4e: {  	_ =	shalt  }
0x4f: {  	_ =	shalt  }
0x50: {  	_ =	shalt  }
0x51: {  	_ =	shalt  }
0x52: {  	_ =	shalt  }
0x53: {  	_ =	shalt  }
0x54: {  	_ =	shalt  }
0x55: {  	_ =	shalt  }
0x56: {  	_ =	shalt  }
0x57: {  	_ =	shalt  }
0x58: {  	_ =	shalt  }
0x59: {  	_ =	shalt  }
0x5a: {  	_ =	shalt  }
0x5b: {  	_ =	shalt  }
0x5c: {  	_ =	shalt  }
0x5d: {  	_ =	shalt  }
0x5e: {  	_ =	shalt  }
0x5f: {  	_ =	shalt  }
0x60: {  	_ =	shalt  }
0x61: {  	_ =	shalt  }
0x62: {  	_ =	shalt  }
0x63: {  	_ =	shalt  }
0x64: {  	_ =	shalt  }
0x65: {  	_ =	shalt  }
0x66: {  	_ =	shalt  }
0x67: {  	_ =	shalt  }
0x68: {  	_ =	shalt  }
0x69: {  	_ =	shalt  }
0x6a: {  	_ =	shalt  }
0x6b: {  	_ =	shalt  }
0x6c: {  	_ =	shalt  }
0x6d: {  	_ =	shalt  }
0x6e: {  	_ =	shalt  }
0x6f: {  	_ =	shalt  }
0x70: {  	_ =	shalt  }
0x71: {  	_ =	shalt  }
0x72: {  	_ =	shalt  }
0x73: {  	_ =	shalt  }
0x74: {  	_ =	shalt  }
0x75: {  	_ =	shalt  }
0x76: {  	_ =	shalt  }
0x77: {  	_ =	shalt  }
0x78: {  	_ =	shalt  }
0x79: {  	_ =	shalt  }
0x7a: {  	_ =	shalt  }
0x7b: {  	_ =	shalt  }
0x7c: {  	_ =	shalt  }
0x7d: {  	_ =	shalt  }
0x7e: {  	_ =	shalt  }
0x7f: {  	_ =	shalt  }
0x80: {  	_ =	shalt  }
0x81: {  	_ =	shalt  }
0x82: {  	_ =	shalt  }
0x83: {  	_ =	shalt  }
0x84: {  	_ =	shalt  }
0x85: {  	_ =	shalt  }
0x86: {  	_ =	shalt  }
0x87: {  	_ =	shalt  }
.Lfunc_end0:
.L_simem_size_0:
called_computation_lowered:
.L_overlay_start_0:
0x88: {  	s2 =	sld [smem:$0x3FD9]  }
0x89: {  	s3 =	sld [smem:$0x3FFE];
	_ =	sdelay $0x1  }
0x8a: {  	s1 =	srdreg.scid  }
0x8b: {  	s0 =	sand.u32 $0x1, s1  }
0x8c: {  	s16 =	sshll.u32 s0, $0xA;
	s2 =	sadd.s32 s3, s2  }
0x8d: {  	s2 =	sadd.s32 s2, s16  }
0x8e: {  	[smem:$0x3FB4] =	sst s2  }
0x8f: {  	_ = 	snop  }
0x90: {  	(tm) =	ssettm $0x1  }
0x91: {  	s17 =	sld [smem:$0x3FFB];
	_ =	sdelay $0x3  }
0x92: {  	_ =	strace s17  }
0x93: {  	s2 =	sld [smem:$0x3FFC];
	_ =	sdelay $0x3  }
0x94: {  	_ =	strace s2  }
0x95: {  	s2 =	sld [smem:$0x3FFD];
	_ =	sdelay $0x3  }
0x96: {  	_ =	strace s2  }
0x97: {  	_ =	strace $0x8FFFFFFF  }
0x98: {  	s18 =	sld [smem:$0x3FDB];
	_ =	sdelay $0x1  }
0x99: {  	s19 =	simm.s32 $_scs_section_size  }
0x9a: {  	s4 =	simm.s32 $_size__tile_overlayer_lowered;
	s5 =	simm.s32 $_tile_overlayer_lowered  }
0x9b: {  	s22 =	simm.s32 $0x1BFF;
	s21 =	sshll.u32 s5, $0x1;
	s2 =	sadd.s32 s19, s18  }
0x9c: {  	s6 =	simm.s32 $0x0;
	s20 =	sshll.u32 s4, $0x1;
	s4 =	sadd.s32 s21, s2  }
0x9d: {  	[timem:s6], [sflag:s22] =	dma.local [hbm:s4], s20  }
0x9e: {  	_ =	swait.ge [sflag:s22], s20  }
0x9f: {  	s3 =	ssub.s32 $0x0, s20;
	[sflag:s22] =	ssyncset.done $0x0  }
0xa0: {  	[sflag:s22] =	ssyncadd.s32 s3;
	_ =	sdelay $0x1  }
0xa1: {  	s23 =	simm.s32 $0x1B8B  }
0xa2: {  	_ =	swait.ge [sflag:s23], $0x1  }
0xa3: {  	[sflag:s23] =	ssyncset.done $0x0  }
0xa4: {  	s25 =	simm.s32 $0x1B8E;
	s24 =	sld [smem:$0x3FFE];
	[sflag:s23] =	ssyncadd.s32 $0xFFFFFFFF  }
0xa5: {  	s26 =	simm.s32 $execute0_lowered;
	[smem:$0x3FD2] =	sst s25  }
0xa6: {  	s4 =	sshll.u32 s26, $0x1;
	_ =	strace $0x80000046;
	[dreg:$0x1] =	wrdreg $0xFFFFFFFF  }
0xa7: {  	s28 =	simm.s32 $_size_execute0_lowered;
	s2 =	sadd.s32 s2, s4;
	[dreg:$0x0] =	wrdreg $0x0  }
0xa8: {  	s4 =	sshll.u32 s28, $0x1;
	[dreg:$0x2] =	wrdreg s2  }
0xa9: {  	[dreg:$0x3] =	wrdreg s4  }
0xaa: {  	[dreg:$0x4] =	wrdreg $0xC0  }
0xab: {  	_ =	task [dreg:s6], $0x5FFFF  }
0xac: {  	[dreg:$0x1] =	wrdreg $0xFFFFFFFF  }
0xad: {  	[dreg:$0x0] =	wrdreg $0x60  }
0xae: {  	[dreg:$0x2] =	wrdreg s24  }
0xaf: {  	[dreg:$0x3] =	wrdreg $0x0  }
0xb0: {  	[dreg:$0x4] =	wrdreg $0x9  }
0xb1: {  	_ =	task.clear_ibuf [dreg:s6], $0x5FFFF;
	_ =	strace $0x90000046  }
0xb2: {  	s29 =	simm.s32 $0x9;
	_ =	strace $0x80000048  }
0xb3: {  	_ =	swait.ge [sflag:s29], $0x1  }
0xb4: {  	[sflag:s29] =	ssyncadd.s32 $0xFFFFFFFF  }
0xb5: {  	_ =	strace $0x90000048  }
0xb6: {  	_ =	sfence  }
0xb7: {  	s30 =	sld [smem:$0x0];
	_ =	sdelay $0x2  }
0xb8: {  	s31 =	sshll.u32 s1, $0xD;
	s1 =	sshrl.u32 s1, $0x2  }
0xb9: {  	s3 =	sand.u32 $0x4000, s31;
	s1 =	sadd.s32 s1, s30  }
0xba: {  	s0 =	sor.u32 s3, s0;
	s1 =	sshll.u32 s1, $0x11  }
0xbb: {  	s0 =	sor.u32 s1, s0  }
0xbc: {  	s0 =	sadd.s32 $0x8F2B, s0  }
0xbd: {  	[sflag:s0] =	ssyncadd.remote.s32 $0x1  }
0xbe: {  	_ =	sfence.sel $0xFFFF  }
0xbf: {  	[dreg:$0x0] =	wrdreg $0xFFFFFFFF;
	(pc) =	sbr.abs _section_cstart, $3  }
0xc0: {  	[dreg:$0x1] =	wrdreg $0xFFFFFFFF  }
0xc1: {  	_ =	task.clear_ibuf [dreg:s6], $0x2FFFF;
	_ =	strace $0x9FFFFFFF  }
0xc2: {  	(tm) =	ssettm $0x7FFFFFFF  }
0xc3: {  	_ =	shalt  }
tec
execute0_lowered:
.L_overlay_start_1:
0x0: {  	(tag) =	ssettag $0x1  }
0x1: {  	s5 =	rddreg [dreg:$0x0]  }
0x2: {  	s2 =	rddreg [dreg:$0x1]  }
0x3: {  	s0 =	rddreg [dreg:$0x2];
	s3 =	simm.s32 $0x0;
	s1 =	stileid.u32  }
0x4: {  	s4 =	srdreg.scid;
	s16 =	simm.s32 $0x80;
	s17 =	simm.s32 $0x16220  }
0x5: {  	s18 =	simm.s32 $0x1AA20;
	s19 =	simm.s32 $0x1;
	s20 =	simm.s32 $0x160A0  }
0x6: {  	s21 =	simm.s32 $0x2;
	s22 =	simm.s32 $0x161A0;
	s23 =	simm.s32 $0x3  }
0x7: {  	s24 =	simm.s32 $0x4;
	s25 =	simm.s32 $0x0;
	[smem:$0x7FF] =	sst s3  }
0x8: {  	s6 =	smul.u32 $0x16020, s1;
	s7 =	sand.u32 $0x1, s4;
	s4 =	sadd.s32 $0x3E00, s5  }
0x9: {  	s11 =	sadd.s32 $0x30000, s5;
	s31 =	sshll.u32 s1, $0x6;
	s15 =	smul.u32 $0xA00, s1  }
0xa: {  	_ =	strace $0x80000047;
	s8 =	smul.u32 $0x160200, s7;
	s10 =	sshll.u32 s7, $0x4  }
0xb: {  	s12 =	ssub.s32 $0x2, s7;
	s14 =	smul.u32 $0xA000, s7;
	s7 =	sor.u32 $0x1C05, s31  }
0xc: {  	s9 =	sshrl.u32 s6, $0x3;
	s10 =	sor.u32 s1, s10;
	s26 =	sshrl.u32 s12, $0x1  }
0xd: {  	s30 =	sadd.s32 s6, s2;
	s9 =	sadd.s32 s9, s5;
	s8 =	sadd.s32 s6, s8  }
0xe: {  	s28 =	smul.u32 $0xA00, s10;
	s29 =	ssub.s32 s12, s26;
	s8 =	sshrl.u32 s8, $0x3  }
0xf: {  	s12 =	sshrl.u32 s30, $0x3;
	s10 =	smax.u32 s29, $0x1;
	s13 =	sadd.s32 s8, s5  }
0x10: {  	s5 =	sadd.s32 $0x44000, s9;
	s6 =	sadd.s32 s11, s28;
	s11 =	sadd.s32 s14, s11  }
0x11: {  	s14 =	simm.s32 $0x16020;
	s8 =	sadd.s32 $0x20, s6;
	s9 =	sadd.s32 $0x70200, s13  }
0x12: {  	s11 =	sadd.s32 s15, s11;
	s13 =	simm.s32 $0x5;
	s15 =	simm.s32 $0x16120  }
.LBB2_1:
0x13: {  	[spmem:s12], [sflag:s7] =	dma.local [hbm:s5], $0x2C04  }
0x14: {  	_ =	swait.ge [sflag:s13], $0x2C04  }
0x15: {  	[sflag:s13] =	ssyncset.done $0x0  }
0x16: {  	[sflag:s13] =	ssyncadd.s32 $0xFFFFD3FC  }
0x17: {  	[bflag:$0x0] =	sbarrier.arrive $0xFFFF  }
0x18: {  	[tilespmem:s14], [sflag:$0x5] =	stream.linear.gather [hbm4b:s6+s3], $0x100, $0x38;
	[tilespmem:$0x1F220] =	vst v63  }
0x19: {  	_ =	swait.ge [sflag:s13], $0x100  }
0x1a: {  	[sflag:s13] =	ssyncset.done $0x0  }
0x1b: {  	[sflag:s13] =	ssyncadd.s32 $0xFFFFFF00  }
0x1c: {  	[tilespmem:s15], [sflag:$0x5] =	stream.linear.gather [hbm4b:s8+s3], $0x100, $0x38;
	[tilespmem:$0x1F220] =	vst v63  }
0x1d: {  	_ =	swait.ge [sflag:s13], $0x100  }
0x1e: {  	[sflag:s13] =	ssyncset.done $0x0  }
0x1f: {  	[sflag:s13] =	ssyncadd.s32 $0xFFFFFF00  }
0x20: {  	[tilespmem:s17], [sflag:$0x1] =	stream.indirect.gather [hbm4b:s4+s16], $0x90, s14, s16, $0xb8;
	[tilespmem:$0x1F220] =	vst v63  }
0x21: {  	_ = 	snop  }
0x22: {  	[tilespmem:s18], [sflag:$0x2] =	stream.indirect.gather [hbm4b:s4+s16], $0x90, s15, s16, $0xb8;
	[tilespmem:$0x1F220] =	vst v63  }
0x23: {  	_ =	swait.ge [sflag:s19], $0x4800  }
0x24: {  	[sflag:s19] =	ssyncset.done $0x0  }
0x25: {  	[sflag:s19] =	ssyncadd.s32 $0xFFFFB800  }
0x26: {  	[spmem:s2] =	stream.indirect.scatter.add.f32 [tilespmem:s17], [sflag:$0x3], $0x90, s20, s16, $0xb8;
	[tilespmem:$0x1F220] =	vst v63  }
0x27: {  	_ =	swait.ge [sflag:s21], $0x4800  }
0x28: {  	[sflag:s21] =	ssyncset.done $0x0  }
0x29: {  	[sflag:s21] =	ssyncadd.s32 $0xFFFFB800  }
0x2a: {  	[spmem:s2] =	stream.indirect.scatter.add.f32 [tilespmem:s18], [sflag:$0x4], $0x90, s22, s16, $0xb8;
	[tilespmem:$0x1F220] =	vst v63  }
0x2b: {  	_ =	swait.ge [sflag:s23], $0x4800  }
0x2c: {  	s26 =	sadd.s32 $0xFFFFF640, s11;
	[sflag:s23] =	ssyncset.done $0x0  }
0x2d: {  	s28 =	sadd.s32 $0xA00, s26;
	[sflag:s23] =	ssyncadd.s32 $0xFFFFB800  }
0x2e: {  	[tilespmem:s14], [sflag:$0x5] =	stream.linear.gather [hbm4b:s28+s3], $0x100, $0x38;
	[tilespmem:$0x1F220] =	vst v63  }
0x2f: {  	_ =	swait.ge [sflag:s13], $0x100  }
0x30: {  	[sflag:s13] =	ssyncset.done $0x0  }
0x31: {  	[sflag:s13] =	ssyncadd.s32 $0xFFFFFF00  }
0x32: {  	[tilespmem:s17], [sflag:$0x1] =	stream.indirect.gather [hbm4b:s4+s16], $0x90, s14, s16, $0xb8;
	[tilespmem:$0x1F220] =	vst v63  }
0x33: {  	_ =	swait.ge [sflag:s24], $0x4800  }
0x34: {  	[sflag:s24] =	ssyncset.done $0x0  }
0x35: {  	s26 =	sadd.s32 $0xA20, s26;
	[sflag:s24] =	ssyncadd.s32 $0xFFFFB800  }
0x36: {  	[tilespmem:s15], [sflag:$0x5] =	stream.linear.gather [hbm4b:s26+s3], $0x100, $0x38;
	[tilespmem:$0x1F220] =	vst v63  }
0x37: {  	_ =	swait.ge [sflag:s13], $0x100  }
0x38: {  	[sflag:s13] =	ssyncset.done $0x0  }
0x39: {  	s26 =	simm.s32 $0xFFFFF680;
	[sflag:s13] =	ssyncadd.s32 $0xFFFFFF00  }
.LBB2_2:
0x3a: {  	[tilespmem:s18], [sflag:$0x2] =	stream.indirect.gather [hbm4b:s4+s16], $0x90, s15, s16, $0xb8;
	[tilespmem:$0x1F220] =	vst v63  }
0x3b: {  	s28 =	smov.u32 s26  }
0x3c: {  	p0 =	sne.s32 s26, $0xFFFFFFC0;
	s26 =	sadd.s32 $0x40, s26;
	_ =	swait.ge [sflag:s19], $0x4800  }
0x3d: {  	[sflag:s19] =	ssyncset.done $0x0  }
0x3e: {  	[sflag:s19] =	ssyncadd.s32 $0xFFFFB800  }
0x3f: {  	[spmem:s2] =	stream.indirect.scatter.add.f32 [tilespmem:s17], [sflag:$0x3], $0x90, s20, s16, $0xb8;
	[tilespmem:$0x1F220] =	vst v63  }
0x40: {  	_ =	swait.ge [sflag:s21], $0x4800  }
0x41: {  	[sflag:s21] =	ssyncset.done $0x0  }
0x42: {  	[sflag:s21] =	ssyncadd.s32 $0xFFFFB800  }
0x43: {  	[spmem:s2] =	stream.indirect.scatter.add.f32 [tilespmem:s18], [sflag:$0x4], $0x90, s22, s16, $0xb8;
	[tilespmem:$0x1F220] =	vst v63  }
0x44: {  	_ =	swait.ge [sflag:s23], $0x4800  }
0x45: {  	s28 =	sadd.s32 s28, s11;
	[sflag:s23] =	ssyncset.done $0x0  }
0x46: {  	s29 =	sadd.s32 $0xA00, s28;
	[sflag:s23] =	ssyncadd.s32 $0xFFFFB800  }
0x47: {  	[tilespmem:s14], [sflag:$0x5] =	stream.linear.gather [hbm4b:s29+s3], $0x100, $0x38;
	[tilespmem:$0x1F220] =	vst v63  }
0x48: {  	_ =	swait.ge [sflag:s13], $0x100  }
0x49: {  	[sflag:s13] =	ssyncset.done $0x0  }
0x4a: {  	[sflag:s13] =	ssyncadd.s32 $0xFFFFFF00  }
0x4b: {  	[tilespmem:s17], [sflag:$0x1] =	stream.indirect.gather [hbm4b:s4+s16], $0x90, s14, s16, $0xb8;
	[tilespmem:$0x1F220] =	vst v63  }
0x4c: {  	_ =	swait.ge [sflag:s24], $0x4800  }
0x4d: {  	[sflag:s24] =	ssyncset.done $0x0  }
.Ltmp0:
0x4e: {  	s28 =	sadd.s32 $0xA20, s28;
	[sflag:s24] =	ssyncadd.s32 $0xFFFFB800;
	(pc) =	sbr.rel @p0 .LBB2_2-.Ltmp0, $4  }
0x4f: {  	[tilespmem:s15], [sflag:$0x5] =	stream.linear.gather [hbm4b:s28+s3], $0x100, $0x38;
	[tilespmem:$0x1F220] =	vst v63  }
0x50: {  	_ =	swait.ge [sflag:s13], $0x100  }
0x51: {  	[sflag:s13] =	ssyncset.done $0x0  }
0x52: {  	[sflag:s13] =	ssyncadd.s32 $0xFFFFFF00  }
0x53: {  	[tilespmem:s18], [sflag:$0x2] =	stream.indirect.gather [hbm4b:s4+s16], $0x90, s15, s16, $0xb8;
	[tilespmem:$0x1F220] =	vst v63  }
0x54: {  	_ =	swait.ge [sflag:s19], $0x4800  }
0x55: {  	[sflag:s19] =	ssyncset.done $0x0  }
0x56: {  	[sflag:s19] =	ssyncadd.s32 $0xFFFFB800  }
0x57: {  	[spmem:s2] =	stream.indirect.scatter.add.f32 [tilespmem:s17], [sflag:$0x3], $0x90, s20, s16, $0xb8;
	[tilespmem:$0x1F220] =	vst v63  }
0x58: {  	_ =	swait.ge [sflag:s21], $0x4800  }
0x59: {  	[sflag:s21] =	ssyncset.done $0x0  }
0x5a: {  	[sflag:s21] =	ssyncadd.s32 $0xFFFFB800  }
0x5b: {  	[spmem:s2] =	stream.indirect.scatter.add.f32 [tilespmem:s18], [sflag:$0x4], $0x90, s22, s16, $0xb8;
	[tilespmem:$0x1F220] =	vst v63  }
0x5c: {  	_ =	swait.ge [sflag:s23], $0x4800  }
0x5d: {  	[sflag:s23] =	ssyncset.done $0x0  }
0x5e: {  	[sflag:s23] =	ssyncadd.s32 $0xFFFFB800  }
0x5f: {  	_ =	swait.ge [sflag:s24], $0x4800  }
0x60: {  	s25 =	sadd.s32 $0x1, s25;
	[sflag:s24] =	ssyncset.done $0x0  }
0x61: {  	p0 =	sne.s32 s25, s10;
	[sflag:s24] =	ssyncadd.s32 $0xFFFFB800  }
.Ltmp1:
0x62: {  	[bflag:$0x0] =	sbarrier.arrive $0xFFFF;
	(pc) =	sbr.rel @p0 .LBB2_1-.Ltmp1, $4  }
0x63: {  	[hbm:s9], [sflag:s7] =	dma.local [spmem:s12], $0x2C04  }
0x64: {  	_ =	swait.ge [sflag:s13], $0x2C04  }
0x65: {  	[sflag:s13] =	ssyncset.done $0x0  }
0x66: {  	[sflag:s13] =	ssyncadd.s32 $0xFFFFD3FC  }
0x67: {  	_ =	sfence.sel $0x180000  }
0x68: {  	[bflag:$0x0] =	sbarrier.arrive $0xFFFF  }
0x69: {  	p0 =	sne.s32 s1, $0x0;
	_ =	strace $0x90000047  }
0x6a: {  	s0 =	sadd.s32 @!p0 $0x100000, s0;
	[bflag:$0x2] =	sbarrier.arrive $0xFFFF  }
0x6b: {  	[sflag:s0] =	ssyncadd.tile.s32 @!p0 $0x1;
	_ =	shalt  }
.Lfunc_end2:
_tile_overlayer_lowered:
.L_overlay_start_2:
0x6c: {  	(tag) =	ssettag $0x2  }
0x6d: {  	s0 =	rddreg [dreg:$0x0];
	s2 =	stileid.u32  }
0x6e: {  	s1 =	rddreg [dreg:$0x1];
	p0 =	sne.s32 s2, $0x0  }
0x6f: {  	s3 =	rddreg [dreg:$0x2];
	[bflag:$0x3] =	sbarrier.arrive $0xFFFF;
	s2 =	simm.s32 @!p0 $0x1C05  }
0x70: {  	[timem:s3], [sflag:s2] =	dma.local @!p0 [hbm:s0], s1  }
0x71: {  	s0 =	simm.s32 @!p0 $0x5  }
0x72: {  	_ =	swait.ge @!p0 [sflag:s0], s1  }
0x73: {  	s1 =	ssub.s32 @!p0 $0x0, s1;
	[sflag:s0] =	ssyncset.done @!p0 $0x0  }
0x74: {  	[sflag:s0] =	ssyncadd.s32 @!p0 s1  }
0x75: {  	[bflag:$0x3] =	sbarrier.arrive $0xFFFF  }
0x76: {  	_ =	shalt  }

// kernel: kernel.14.cloned.1.call-start
scs
__scs_entry_jumppad:
0x0: {  	(pc) =	sbr.rel $0x88, $3  }
0x1: {  	(tag) =	ssettag $0x0;
	lr =	simm.s32 $0x1  }
0x2: {  	[smem:$0x3F8D] =	sst lr;
	_ =	strace $0xD0000000  }
0x3: {  	_ = 	snop  }
0x4: {  	_ = 	snop  }
0x5: {  	_ = 	snop  }
0x6: {  	_ = 	snop  }
0x7: {  	_ = 	snop  }
__scs_overlays_trampoline_lowered:
0x8: {  	[smem:$0x3F9C] =	sst s0  }
0x9: {  	[smem:$0x3F9D] =	sst s1  }
0xa: {  	[smem:$0x3F9E] =	sst s2  }
0xb: {  	[smem:$0x3F9F] =	sst s3  }
0xc: {  	[smem:$0x3FA0] =	sst s4  }
0xd: {  	[smem:$0x3FA1] =	sst s5  }
0xe: {  	[smem:$0x3FA2] =	sst s6  }
0xf: {  	[smem:$0x3FA3] =	sst s7  }
0x10: {  	[smem:$0x3FA4] =	sst s8  }
0x11: {  	[smem:$0x3FA5] =	sst s9;
	s0 =	simm.s32 @!p0 $0x0  }
0x12: {  	s1 =	sld [smem:$0x3F8B];
	s0 =	simm.s32 @p0 $0x1  }
0x13: {  	[smem:$0x3FA6] =	sst s0;
	s0 =	simm.s32 @!p1 $0x0  }
0x14: {  	s2 =	sld [smem:$0x3F8A];
	s0 =	simm.s32 @p1 $0x1  }
0x15: {  	[smem:$0x3FA7] =	sst s0;
	s0 =	simm.s32 @!p2 $0x0  }
0x16: {  	s3 =	sld [smem:$0x3FDB];
	s0 =	simm.s32 @p2 $0x1  }
0x17: {  	s4 =	simm.s32 $0x1BF5;
	[smem:$0x3FA9] =	sst s0  }
0x18: {  	s0 =	sld [smem:$0x3F8C];
	_ =	swait.ge [sflag:s4], $0x0  }
0x19: {  	s7 =	sld [smem:$0x3F8D]  }
0x1a: {  	s8 =	sadd.s32 $0xFFFFE003, lr  }
0x1b: {  	s9 =	sadd.s32 $0xFFFFFEF7, lr;
	s5 =	simm.s32 $0xFFFFFFFF;
	p2 =	slt.u32 s8, $0xFFFFF086  }
0x1c: {  	p1 =	slt.u32 s9, $0xF7A;
	s5 =	simm.s32 @!p2 $0x0  }
0x1d: {  	s5 =	simm.s32 @p1 $0x1;
	p0 =	seq.s32 s7, s2  }
0x1e: {  	s7 =	smul.u32 @!p0 $0xF7A, s2;
	p2 =	seq.s32 @!p0 s5, $0x0  }
0x1f: {  	s9 =	smul.u32 $0xF7A, s1;
	s8 =	simm.s32 @!p0 $0x1BF5;
	p2 =	por !p2, p0  }
0x20: {  	[sflag:s8] =	ssyncset.s32 @!p0 $0xFFFFF086;
	s6 =	sadd.s32 @!p0 s3, s7;
	s7 =	simm.s32 @!p0 $0x108  }
0x21: {  	s3 =	sadd.s32 s3, s9;
	s6 =	sadd.s32 @!p0 $0x88, s6;
	s7 =	simm.s32 @p2 $0x1082  }
0x22: {  	[simem:s7], [sflag:s8] =	dma.local @!p0 [hbm:s6], $0xF7A  }
0x23: {  	s9 =	sor.u32 $0xD0000000, s2;
	s6 =	simm.s32 $0x108;
	_ =	swait.ge @!p0 [sflag:s8], $0x0  }
0x24: {  	s3 =	sadd.s32 $0x88, s3;
	s6 =	simm.s32 @!p1 $0x1082;
	[sflag:s4] =	ssyncset.s32 $0xFFFFF086  }
0x25: {  	[simem:s6], [sflag:s4] =	dma.local [hbm:s3], $0xF7A  }
0x26: {  	[smem:$0x3F8D] =	sst s1;
	(tag) =	ssettag s2;
	_ =	strace s9  }
0x27: {  	s1 =	sld [smem:$0x3F9D]  }
0x28: {  	s2 =	sld [smem:$0x3F9E]  }
0x29: {  	s4 =	sld [smem:$0x3FA0]  }
0x2a: {  	p0 =	seq.s32 s5, $0x0;
	s5 =	sld [smem:$0x3FA1]  }
0x2b: {  	s6 =	sld [smem:$0x3FA2]  }
0x2c: {  	s7 =	sld [smem:$0x3FA3]  }
0x2d: {  	s3 =	simm.s32 $0x108;
	s8 =	sld [smem:$0x3FA4]  }
0x2e: {  	s3 =	simm.s32 @!p0 $0x1082;
	s9 =	sld [smem:$0x3FA5]  }
0x2f: {  	lr =	sadd.s32 s0, s3;
	s0 =	sld [smem:$0x3F9C]  }
0x30: {  	s3 =	sld [smem:$0x3F9F]  }
0x31: {  	[smem:$0x3FA8] =	sst s10  }
0x32: {  	s10 =	sld [smem:$0x3FA6];
	_ =	sdelay $0x3  }
0x33: {  	p0 =	seq.s32 s10, $0x1;
	s10 =	sld [smem:$0x3FA8];
	_ =	sdelay $0x3  }
0x34: {  	[smem:$0x3FA8] =	sst s10  }
0x35: {  	s10 =	sld [smem:$0x3FA7];
	_ =	sdelay $0x3  }
0x36: {  	p1 =	seq.s32 s10, $0x1;
	s10 =	sld [smem:$0x3FA8];
	_ =	sdelay $0x3  }
0x37: {  	[smem:$0x3FA8] =	sst s10  }
0x38: {  	s10 =	sld [smem:$0x3FA9]  }
0x39: {  	_ = 	snop;
	(pc) =	sbr.ind lr, $3  }
0x3a: {  	_ = 	snop  }
0x3b: {  	_ = 	snop  }
0x3c: {  	p2 =	seq.s32 s10, $0x1;
	s10 =	sld [smem:$0x3FA8]  }
0x3d: {  	_ =	shalt  }
0x3e: {  	_ =	shalt  }
0x3f: {  	_ =	shalt  }
0x40: {  	_ =	shalt  }
0x41: {  	_ =	shalt  }
0x42: {  	_ =	shalt  }
0x43: {  	_ =	shalt  }
0x44: {  	_ =	shalt  }
0x45: {  	_ =	shalt  }
0x46: {  	_ =	shalt  }
0x47: {  	_ =	shalt  }
0x48: {  	_ =	shalt  }
0x49: {  	_ =	shalt  }
0x4a: {  	_ =	shalt  }
0x4b: {  	_ =	shalt  }
0x4c: {  	_ =	shalt  }
0x4d: {  	_ =	shalt  }
0x4e: {  	_ =	shalt  }
0x4f: {  	_ =	shalt  }
0x50: {  	_ =	shalt  }
0x51: {  	_ =	shalt  }
0x52: {  	_ =	shalt  }
0x53: {  	_ =	shalt  }
0x54: {  	_ =	shalt  }
0x55: {  	_ =	shalt  }
0x56: {  	_ =	shalt  }
0x57: {  	_ =	shalt  }
0x58: {  	_ =	shalt  }
0x59: {  	_ =	shalt  }
0x5a: {  	_ =	shalt  }
0x5b: {  	_ =	shalt  }
0x5c: {  	_ =	shalt  }
0x5d: {  	_ =	shalt  }
0x5e: {  	_ =	shalt  }
0x5f: {  	_ =	shalt  }
0x60: {  	_ =	shalt  }
0x61: {  	_ =	shalt  }
0x62: {  	_ =	shalt  }
0x63: {  	_ =	shalt  }
0x64: {  	_ =	shalt  }
0x65: {  	_ =	shalt  }
0x66: {  	_ =	shalt  }
0x67: {  	_ =	shalt  }
0x68: {  	_ =	shalt  }
0x69: {  	_ =	shalt  }
0x6a: {  	_ =	shalt  }
0x6b: {  	_ =	shalt  }
0x6c: {  	_ =	shalt  }
0x6d: {  	_ =	shalt  }
0x6e: {  	_ =	shalt  }
0x6f: {  	_ =	shalt  }
0x70: {  	_ =	shalt  }
0x71: {  	_ =	shalt  }
0x72: {  	_ =	shalt  }
0x73: {  	_ =	shalt  }
0x74: {  	_ =	shalt  }
0x75: {  	_ =	shalt  }
0x76: {  	_ =	shalt  }
0x77: {  	_ =	shalt  }
0x78: {  	_ =	shalt  }
0x79: {  	_ =	shalt  }
0x7a: {  	_ =	shalt  }
0x7b: {  	_ =	shalt  }
0x7c: {  	_ =	shalt  }
0x7d: {  	_ =	shalt  }
0x7e: {  	_ =	shalt  }
0x7f: {  	_ =	shalt  }
0x80: {  	_ =	shalt  }
0x81: {  	_ =	shalt  }
0x82: {  	_ =	shalt  }
0x83: {  	_ =	shalt  }
0x84: {  	_ =	shalt  }
0x85: {  	_ =	shalt  }
0x86: {  	_ =	shalt  }
0x87: {  	_ =	shalt  }
.Lfunc_end0:
.L_simem_size_0:
called_computation.1_lowered:
.L_overlay_start_0:
0x88: {  	s2 =	sld [smem:$0x3FD9]  }
0x89: {  	s3 =	sld [smem:$0x3FFE];
	_ =	sdelay $0x1  }
0x8a: {  	s1 =	srdreg.scid  }
0x8b: {  	s0 =	sand.u32 $0x1, s1  }
0x8c: {  	s16 =	sshll.u32 s0, $0xA;
	s2 =	sadd.s32 s3, s2  }
0x8d: {  	s2 =	sadd.s32 s2, s16  }
0x8e: {  	[smem:$0x3FB4] =	sst s2  }
0x8f: {  	_ = 	snop  }
0x90: {  	(tm) =	ssettm $0x1  }
0x91: {  	s17 =	sld [smem:$0x3FFB];
	_ =	sdelay $0x3  }
0x92: {  	_ =	strace s17  }
0x93: {  	s2 =	sld [smem:$0x3FFC];
	_ =	sdelay $0x3  }
0x94: {  	_ =	strace s2  }
0x95: {  	s2 =	sld [smem:$0x3FFD];
	_ =	sdelay $0x3  }
0x96: {  	_ =	strace s2  }
0x97: {  	_ =	strace $0x8FFFFFFF  }
0x98: {  	s18 =	sld [smem:$0x3FDB];
	_ =	sdelay $0x1  }
0x99: {  	s19 =	simm.s32 $_scs_section_size  }
0x9a: {  	s4 =	simm.s32 $_size__tile_overlayer_lowered;
	s5 =	simm.s32 $_tile_overlayer_lowered  }
0x9b: {  	s22 =	simm.s32 $0x1BFF;
	s21 =	sshll.u32 s5, $0x1;
	s2 =	sadd.s32 s19, s18  }
0x9c: {  	s6 =	simm.s32 $0x0;
	s20 =	sshll.u32 s4, $0x1;
	s4 =	sadd.s32 s21, s2  }
0x9d: {  	[timem:s6], [sflag:s22] =	dma.local [hbm:s4], s20  }
0x9e: {  	_ =	swait.ge [sflag:s22], s20  }
0x9f: {  	s3 =	ssub.s32 $0x0, s20;
	[sflag:s22] =	ssyncset.done $0x0  }
0xa0: {  	[sflag:s22] =	ssyncadd.s32 s3;
	_ =	sdelay $0x1  }
0xa1: {  	s23 =	simm.s32 $0x1B8B  }
0xa2: {  	_ =	swait.ge [sflag:s23], $0x1  }
0xa3: {  	[sflag:s23] =	ssyncset.done $0x0  }
0xa4: {  	s25 =	simm.s32 $0x1B8E;
	s24 =	sld [smem:$0x3FFE];
	[sflag:s23] =	ssyncadd.s32 $0xFFFFFFFF  }
0xa5: {  	s26 =	simm.s32 $execute0_lowered;
	[smem:$0x3FD2] =	sst s25  }
0xa6: {  	s4 =	sshll.u32 s26, $0x1;
	_ =	strace $0x80000049;
	[dreg:$0x1] =	wrdreg $0xFFFFFFFF  }
0xa7: {  	s28 =	simm.s32 $_size_execute0_lowered;
	s2 =	sadd.s32 s2, s4;
	[dreg:$0x0] =	wrdreg $0x0  }
0xa8: {  	s4 =	sshll.u32 s28, $0x1;
	[dreg:$0x2] =	wrdreg s2  }
0xa9: {  	[dreg:$0x3] =	wrdreg s4  }
0xaa: {  	[dreg:$0x4] =	wrdreg $0xC0  }
0xab: {  	_ =	task [dreg:s6], $0x5FFFF  }
0xac: {  	[dreg:$0x1] =	wrdreg $0xFFFFFFFF  }
0xad: {  	[dreg:$0x0] =	wrdreg $0x60  }
0xae: {  	[dreg:$0x2] =	wrdreg s24  }
0xaf: {  	[dreg:$0x3] =	wrdreg $0x0  }
0xb0: {  	[dreg:$0x4] =	wrdreg $0x9  }
0xb1: {  	_ =	task.clear_ibuf [dreg:s6], $0x5FFFF;
	_ =	strace $0x90000049  }
0xb2: {  	s29 =	simm.s32 $0x9;
	_ =	strace $0x8000004B  }
0xb3: {  	_ =	swait.ge [sflag:s29], $0x1  }
0xb4: {  	[sflag:s29] =	ssyncadd.s32 $0xFFFFFFFF  }
0xb5: {  	_ =	strace $0x9000004B  }
0xb6: {  	_ =	sfence  }
0xb7: {  	s30 =	sld [smem:$0x0];
	_ =	sdelay $0x2  }
0xb8: {  	s31 =	sshll.u32 s1, $0xD;
	s1 =	sshrl.u32 s1, $0x2  }
0xb9: {  	s3 =	sand.u32 $0x4000, s31;
	s1 =	sadd.s32 s1, s30  }
0xba: {  	s0 =	sor.u32 s3, s0;
	s1 =	sshll.u32 s1, $0x11  }
0xbb: {  	s0 =	sor.u32 s1, s0  }
0xbc: {  	s0 =	sadd.s32 $0x8F2B, s0  }
0xbd: {  	[sflag:s0] =	ssyncadd.remote.s32 $0x1  }
0xbe: {  	_ =	sfence.sel $0xFFFF  }
0xbf: {  	[dreg:$0x0] =	wrdreg $0xFFFFFFFF;
	(pc) =	sbr.abs _section_cstart, $3  }
0xc0: {  	[dreg:$0x1] =	wrdreg $0xFFFFFFFF  }
0xc1: {  	_ =	task.clear_ibuf [dreg:s6], $0x2FFFF;
	_ =	strace $0x9FFFFFFF  }
0xc2: {  	(tm) =	ssettm $0x7FFFFFFF  }
0xc3: {  	_ =	shalt  }
tec
execute0_lowered:
.L_overlay_start_1:
0x0: {  	(tag) =	ssettag $0x1  }
0x1: {  	s5 =	rddreg [dreg:$0x0]  }
0x2: {  	s2 =	rddreg [dreg:$0x1]  }
0x3: {  	s0 =	rddreg [dreg:$0x2];
	s3 =	simm.s32 $0x0;
	s1 =	stileid.u32  }
0x4: {  	s4 =	srdreg.scid;
	s16 =	simm.s32 $0x80;
	s17 =	simm.s32 $0x13B00  }
0x5: {  	s18 =	simm.s32 $0x17B00;
	s19 =	simm.s32 $0x1;
	s20 =	simm.s32 $0x13980  }
0x6: {  	s21 =	simm.s32 $0x2;
	s22 =	simm.s32 $0x13A80;
	s23 =	simm.s32 $0x3  }
0x7: {  	s24 =	simm.s32 $0x4;
	s25 =	simm.s32 $0x0;
	[smem:$0x7FF] =	sst s3  }
0x8: {  	s6 =	smul.u32 $0x13900, s1;
	s7 =	sand.u32 $0x1, s4;
	s4 =	sadd.s32 $0x3E00, s5  }
0x9: {  	s11 =	sadd.s32 $0x30000, s5;
	s31 =	sshll.u32 s1, $0x6;
	s15 =	smul.u32 $0xA00, s1  }
0xa: {  	_ =	strace $0x8000004A;
	s8 =	smul.u32 $0x139000, s7;
	s10 =	sshll.u32 s7, $0x4  }
0xb: {  	s12 =	ssub.s32 $0x2, s7;
	s14 =	smul.u32 $0xA000, s7;
	s7 =	sor.u32 $0x1C05, s31  }
0xc: {  	s9 =	sshrl.u32 s6, $0x3;
	s10 =	sor.u32 s1, s10;
	s26 =	sshrl.u32 s12, $0x1  }
0xd: {  	s30 =	sadd.s32 s6, s2;
	s9 =	sadd.s32 s9, s5;
	s8 =	sadd.s32 s6, s8  }
0xe: {  	s28 =	smul.u32 $0xA00, s10;
	s29 =	ssub.s32 s12, s26;
	s8 =	sshrl.u32 s8, $0x3  }
0xf: {  	s12 =	sshrl.u32 s30, $0x3;
	s10 =	smax.u32 s29, $0x1;
	s13 =	sadd.s32 s8, s5  }
0x10: {  	s5 =	sadd.s32 $0x70200, s9;
	s6 =	sadd.s32 s11, s28;
	s11 =	sadd.s32 s14, s11  }
0x11: {  	s14 =	simm.s32 $0x13900;
	s8 =	sadd.s32 $0x20, s6;
	s9 =	sadd.s32 $0x97400, s13  }
0x12: {  	s11 =	sadd.s32 s15, s11;
	s13 =	simm.s32 $0x5;
	s15 =	simm.s32 $0x13A00  }
.LBB2_1:
0x13: {  	[spmem:s12], [sflag:s7] =	dma.local [hbm:s5], $0x2720  }
0x14: {  	_ =	swait.ge [sflag:s13], $0x2720  }
0x15: {  	[sflag:s13] =	ssyncset.done $0x0  }
0x16: {  	[sflag:s13] =	ssyncadd.s32 $0xFFFFD8E0  }
0x17: {  	[bflag:$0x0] =	sbarrier.arrive $0xFFFF  }
0x18: {  	[tilespmem:s14], [sflag:$0x5] =	stream.linear.gather [hbm4b:s6+s3], $0x100, $0x38;
	[tilespmem:$0x1BB00] =	vst v63  }
0x19: {  	_ =	swait.ge [sflag:s13], $0x100  }
0x1a: {  	[sflag:s13] =	ssyncset.done $0x0  }
0x1b: {  	[sflag:s13] =	ssyncadd.s32 $0xFFFFFF00  }
0x1c: {  	[tilespmem:s15], [sflag:$0x5] =	stream.linear.gather [hbm4b:s8+s3], $0x100, $0x38;
	[tilespmem:$0x1BB00] =	vst v63  }
0x1d: {  	_ =	swait.ge [sflag:s13], $0x100  }
0x1e: {  	[sflag:s13] =	ssyncset.done $0x0  }
0x1f: {  	[sflag:s13] =	ssyncadd.s32 $0xFFFFFF00  }
0x20: {  	[tilespmem:s17], [sflag:$0x1] =	stream.indirect.gather [hbm4b:s4+s16], $0x80, s14, s16, $0xb8;
	[tilespmem:$0x1BB00] =	vst v63  }
0x21: {  	_ = 	snop  }
0x22: {  	[tilespmem:s18], [sflag:$0x2] =	stream.indirect.gather [hbm4b:s4+s16], $0x80, s15, s16, $0xb8;
	[tilespmem:$0x1BB00] =	vst v63  }
0x23: {  	_ =	swait.ge [sflag:s19], $0x4000  }
0x24: {  	[sflag:s19] =	ssyncset.done $0x0  }
0x25: {  	[sflag:s19] =	ssyncadd.s32 $0xFFFFC000  }
0x26: {  	[spmem:s2] =	stream.indirect.scatter.add.f32 [tilespmem:s17], [sflag:$0x3], $0x80, s20, s16, $0xb8;
	[tilespmem:$0x1BB00] =	vst v63  }
0x27: {  	_ =	swait.ge [sflag:s21], $0x4000  }
0x28: {  	[sflag:s21] =	ssyncset.done $0x0  }
0x29: {  	[sflag:s21] =	ssyncadd.s32 $0xFFFFC000  }
0x2a: {  	[spmem:s2] =	stream.indirect.scatter.add.f32 [tilespmem:s18], [sflag:$0x4], $0x80, s22, s16, $0xb8;
	[tilespmem:$0x1BB00] =	vst v63  }
0x2b: {  	_ =	swait.ge [sflag:s23], $0x4000  }
0x2c: {  	s26 =	sadd.s32 $0xFFFFF640, s11;
	[sflag:s23] =	ssyncset.done $0x0  }
0x2d: {  	s28 =	sadd.s32 $0xA00, s26;
	[sflag:s23] =	ssyncadd.s32 $0xFFFFC000  }
0x2e: {  	[tilespmem:s14], [sflag:$0x5] =	stream.linear.gather [hbm4b:s28+s3], $0x100, $0x38;
	[tilespmem:$0x1BB00] =	vst v63  }
0x2f: {  	_ =	swait.ge [sflag:s13], $0x100  }
0x30: {  	[sflag:s13] =	ssyncset.done $0x0  }
0x31: {  	[sflag:s13] =	ssyncadd.s32 $0xFFFFFF00  }
0x32: {  	[tilespmem:s17], [sflag:$0x1] =	stream.indirect.gather [hbm4b:s4+s16], $0x80, s14, s16, $0xb8;
	[tilespmem:$0x1BB00] =	vst v63  }
0x33: {  	_ =	swait.ge [sflag:s24], $0x4000  }
0x34: {  	[sflag:s24] =	ssyncset.done $0x0  }
0x35: {  	s26 =	sadd.s32 $0xA20, s26;
	[sflag:s24] =	ssyncadd.s32 $0xFFFFC000  }
0x36: {  	[tilespmem:s15], [sflag:$0x5] =	stream.linear.gather [hbm4b:s26+s3], $0x100, $0x38;
	[tilespmem:$0x1BB00] =	vst v63  }
0x37: {  	_ =	swait.ge [sflag:s13], $0x100  }
0x38: {  	[sflag:s13] =	ssyncset.done $0x0  }
0x39: {  	s26 =	simm.s32 $0xFFFFF680;
	[sflag:s13] =	ssyncadd.s32 $0xFFFFFF00  }
.LBB2_2:
0x3a: {  	[tilespmem:s18], [sflag:$0x2] =	stream.indirect.gather [hbm4b:s4+s16], $0x80, s15, s16, $0xb8;
	[tilespmem:$0x1BB00] =	vst v63  }
0x3b: {  	s28 =	smov.u32 s26  }
0x3c: {  	p0 =	sne.s32 s26, $0xFFFFFFC0;
	s26 =	sadd.s32 $0x40, s26;
	_ =	swait.ge [sflag:s19], $0x4000  }
0x3d: {  	[sflag:s19] =	ssyncset.done $0x0  }
0x3e: {  	[sflag:s19] =	ssyncadd.s32 $0xFFFFC000  }
0x3f: {  	[spmem:s2] =	stream.indirect.scatter.add.f32 [tilespmem:s17], [sflag:$0x3], $0x80, s20, s16, $0xb8;
	[tilespmem:$0x1BB00] =	vst v63  }
0x40: {  	_ =	swait.ge [sflag:s21], $0x4000  }
0x41: {  	[sflag:s21] =	ssyncset.done $0x0  }
0x42: {  	[sflag:s21] =	ssyncadd.s32 $0xFFFFC000  }
0x43: {  	[spmem:s2] =	stream.indirect.scatter.add.f32 [tilespmem:s18], [sflag:$0x4], $0x80, s22, s16, $0xb8;
	[tilespmem:$0x1BB00] =	vst v63  }
0x44: {  	_ =	swait.ge [sflag:s23], $0x4000  }
0x45: {  	s28 =	sadd.s32 s28, s11;
	[sflag:s23] =	ssyncset.done $0x0  }
0x46: {  	s29 =	sadd.s32 $0xA00, s28;
	[sflag:s23] =	ssyncadd.s32 $0xFFFFC000  }
0x47: {  	[tilespmem:s14], [sflag:$0x5] =	stream.linear.gather [hbm4b:s29+s3], $0x100, $0x38;
	[tilespmem:$0x1BB00] =	vst v63  }
0x48: {  	_ =	swait.ge [sflag:s13], $0x100  }
0x49: {  	[sflag:s13] =	ssyncset.done $0x0  }
0x4a: {  	[sflag:s13] =	ssyncadd.s32 $0xFFFFFF00  }
0x4b: {  	[tilespmem:s17], [sflag:$0x1] =	stream.indirect.gather [hbm4b:s4+s16], $0x80, s14, s16, $0xb8;
	[tilespmem:$0x1BB00] =	vst v63  }
0x4c: {  	_ =	swait.ge [sflag:s24], $0x4000  }
0x4d: {  	[sflag:s24] =	ssyncset.done $0x0  }
.Ltmp0:
0x4e: {  	s28 =	sadd.s32 $0xA20, s28;
	[sflag:s24] =	ssyncadd.s32 $0xFFFFC000;
	(pc) =	sbr.rel @p0 .LBB2_2-.Ltmp0, $4  }
0x4f: {  	[tilespmem:s15], [sflag:$0x5] =	stream.linear.gather [hbm4b:s28+s3], $0x100, $0x38;
	[tilespmem:$0x1BB00] =	vst v63  }
0x50: {  	_ =	swait.ge [sflag:s13], $0x100  }
0x51: {  	[sflag:s13] =	ssyncset.done $0x0  }
0x52: {  	[sflag:s13] =	ssyncadd.s32 $0xFFFFFF00  }
0x53: {  	[tilespmem:s18], [sflag:$0x2] =	stream.indirect.gather [hbm4b:s4+s16], $0x80, s15, s16, $0xb8;
	[tilespmem:$0x1BB00] =	vst v63  }
0x54: {  	_ =	swait.ge [sflag:s19], $0x4000  }
0x55: {  	[sflag:s19] =	ssyncset.done $0x0  }
0x56: {  	[sflag:s19] =	ssyncadd.s32 $0xFFFFC000  }
0x57: {  	[spmem:s2] =	stream.indirect.scatter.add.f32 [tilespmem:s17], [sflag:$0x3], $0x80, s20, s16, $0xb8;
	[tilespmem:$0x1BB00] =	vst v63  }
0x58: {  	_ =	swait.ge [sflag:s21], $0x4000  }
0x59: {  	[sflag:s21] =	ssyncset.done $0x0  }
0x5a: {  	[sflag:s21] =	ssyncadd.s32 $0xFFFFC000  }
0x5b: {  	[spmem:s2] =	stream.indirect.scatter.add.f32 [tilespmem:s18], [sflag:$0x4], $0x80, s22, s16, $0xb8;
	[tilespmem:$0x1BB00] =	vst v63  }
0x5c: {  	_ =	swait.ge [sflag:s23], $0x4000  }
0x5d: {  	[sflag:s23] =	ssyncset.done $0x0  }
0x5e: {  	[sflag:s23] =	ssyncadd.s32 $0xFFFFC000  }
0x5f: {  	_ =	swait.ge [sflag:s24], $0x4000  }
0x60: {  	s25 =	sadd.s32 $0x1, s25;
	[sflag:s24] =	ssyncset.done $0x0  }
0x61: {  	p0 =	sne.s32 s25, s10;
	[sflag:s24] =	ssyncadd.s32 $0xFFFFC000  }
.Ltmp1:
0x62: {  	[bflag:$0x0] =	sbarrier.arrive $0xFFFF;
	(pc) =	sbr.rel @p0 .LBB2_1-.Ltmp1, $4  }
0x63: {  	[hbm:s9], [sflag:s7] =	dma.local [spmem:s12], $0x2720  }
0x64: {  	_ =	swait.ge [sflag:s13], $0x2720  }
0x65: {  	[sflag:s13] =	ssyncset.done $0x0  }
0x66: {  	[sflag:s13] =	ssyncadd.s32 $0xFFFFD8E0  }
0x67: {  	_ =	sfence.sel $0x180000  }
0x68: {  	[bflag:$0x0] =	sbarrier.arrive $0xFFFF  }
0x69: {  	p0 =	sne.s32 s1, $0x0;
	_ =	strace $0x9000004A  }
0x6a: {  	s0 =	sadd.s32 @!p0 $0x100000, s0;
	[bflag:$0x2] =	sbarrier.arrive $0xFFFF  }
0x6b: {  	[sflag:s0] =	ssyncadd.tile.s32 @!p0 $0x1;
	_ =	shalt  }
.Lfunc_end2:
_tile_overlayer_lowered:
.L_overlay_start_2:
0x6c: {  	(tag) =	ssettag $0x2  }
0x6d: {  	s0 =	rddreg [dreg:$0x0];
	s2 =	stileid.u32  }
0x6e: {  	s1 =	rddreg [dreg:$0x1];
	p0 =	sne.s32 s2, $0x0  }
0x6f: {  	s3 =	rddreg [dreg:$0x2];
	[bflag:$0x3] =	sbarrier.arrive $0xFFFF;
	s2 =	simm.s32 @!p0 $0x1C05  }
0x70: {  	[timem:s3], [sflag:s2] =	dma.local @!p0 [hbm:s0], s1  }
0x71: {  	s0 =	simm.s32 @!p0 $0x5  }
0x72: {  	_ =	swait.ge @!p0 [sflag:s0], s1  }
0x73: {  	s1 =	ssub.s32 @!p0 $0x0, s1;
	[sflag:s0] =	ssyncset.done @!p0 $0x0  }
0x74: {  	[sflag:s0] =	ssyncadd.s32 @!p0 s1  }
0x75: {  	[bflag:$0x3] =	sbarrier.arrive $0xFFFF  }
0x76: {  	_ =	shalt  }

// kernel: kernel.17.cloned.1.call-start
scs
__scs_entry_jumppad:
0x0: {  	(pc) =	sbr.rel $0x88, $3  }
0x1: {  	(tag) =	ssettag $0x0;
	lr =	simm.s32 $0x1  }
0x2: {  	[smem:$0x3F8D] =	sst lr;
	_ =	strace $0xD0000000  }
0x3: {  	_ = 	snop  }
0x4: {  	_ = 	snop  }
0x5: {  	_ = 	snop  }
0x6: {  	_ = 	snop  }
0x7: {  	_ = 	snop  }
__scs_overlays_trampoline_lowered:
0x8: {  	[smem:$0x3F9C] =	sst s0  }
0x9: {  	[smem:$0x3F9D] =	sst s1  }
0xa: {  	[smem:$0x3F9E] =	sst s2  }
0xb: {  	[smem:$0x3F9F] =	sst s3  }
0xc: {  	[smem:$0x3FA0] =	sst s4  }
0xd: {  	[smem:$0x3FA1] =	sst s5  }
0xe: {  	[smem:$0x3FA2] =	sst s6  }
0xf: {  	[smem:$0x3FA3] =	sst s7  }
0x10: {  	[smem:$0x3FA4] =	sst s8  }
0x11: {  	[smem:$0x3FA5] =	sst s9;
	s0 =	simm.s32 @!p0 $0x0  }
0x12: {  	s1 =	sld [smem:$0x3F8B];
	s0 =	simm.s32 @p0 $0x1  }
0x13: {  	[smem:$0x3FA6] =	sst s0;
	s0 =	simm.s32 @!p1 $0x0  }
0x14: {  	s2 =	sld [smem:$0x3F8A];
	s0 =	simm.s32 @p1 $0x1  }
0x15: {  	[smem:$0x3FA7] =	sst s0;
	s0 =	simm.s32 @!p2 $0x0  }
0x16: {  	s3 =	sld [smem:$0x3FDB];
	s0 =	simm.s32 @p2 $0x1  }
0x17: {  	s4 =	simm.s32 $0x1BF5;
	[smem:$0x3FA9] =	sst s0  }
0x18: {  	s0 =	sld [smem:$0x3F8C];
	_ =	swait.ge [sflag:s4], $0x0  }
0x19: {  	s7 =	sld [smem:$0x3F8D]  }
0x1a: {  	s8 =	sadd.s32 $0xFFFFE003, lr  }
0x1b: {  	s9 =	sadd.s32 $0xFFFFFEF7, lr;
	s5 =	simm.s32 $0xFFFFFFFF;
	p2 =	slt.u32 s8, $0xFFFFF086  }
0x1c: {  	p1 =	slt.u32 s9, $0xF7A;
	s5 =	simm.s32 @!p2 $0x0  }
0x1d: {  	s5 =	simm.s32 @p1 $0x1;
	p0 =	seq.s32 s7, s2  }
0x1e: {  	s7 =	smul.u32 @!p0 $0xF7A, s2;
	p2 =	seq.s32 @!p0 s5, $0x0  }
0x1f: {  	s9 =	smul.u32 $0xF7A, s1;
	s8 =	simm.s32 @!p0 $0x1BF5;
	p2 =	por !p2, p0  }
0x20: {  	[sflag:s8] =	ssyncset.s32 @!p0 $0xFFFFF086;
	s6 =	sadd.s32 @!p0 s3, s7;
	s7 =	simm.s32 @!p0 $0x108  }
0x21: {  	s3 =	sadd.s32 s3, s9;
	s6 =	sadd.s32 @!p0 $0x88, s6;
	s7 =	simm.s32 @p2 $0x1082  }
0x22: {  	[simem:s7], [sflag:s8] =	dma.local @!p0 [hbm:s6], $0xF7A  }
0x23: {  	s9 =	sor.u32 $0xD0000000, s2;
	s6 =	simm.s32 $0x108;
	_ =	swait.ge @!p0 [sflag:s8], $0x0  }
0x24: {  	s3 =	sadd.s32 $0x88, s3;
	s6 =	simm.s32 @!p1 $0x1082;
	[sflag:s4] =	ssyncset.s32 $0xFFFFF086  }
0x25: {  	[simem:s6], [sflag:s4] =	dma.local [hbm:s3], $0xF7A  }
0x26: {  	[smem:$0x3F8D] =	sst s1;
	(tag) =	ssettag s2;
	_ =	strace s9  }
0x27: {  	s1 =	sld [smem:$0x3F9D]  }
0x28: {  	s2 =	sld [smem:$0x3F9E]  }
0x29: {  	s4 =	sld [smem:$0x3FA0]  }
0x2a: {  	p0 =	seq.s32 s5, $0x0;
	s5 =	sld [smem:$0x3FA1]  }
0x2b: {  	s6 =	sld [smem:$0x3FA2]  }
0x2c: {  	s7 =	sld [smem:$0x3FA3]  }
0x2d: {  	s3 =	simm.s32 $0x108;
	s8 =	sld [smem:$0x3FA4]  }
0x2e: {  	s3 =	simm.s32 @!p0 $0x1082;
	s9 =	sld [smem:$0x3FA5]  }
0x2f: {  	lr =	sadd.s32 s0, s3;
	s0 =	sld [smem:$0x3F9C]  }
0x30: {  	s3 =	sld [smem:$0x3F9F]  }
0x31: {  	[smem:$0x3FA8] =	sst s10  }
0x32: {  	s10 =	sld [smem:$0x3FA6];
	_ =	sdelay $0x3  }
0x33: {  	p0 =	seq.s32 s10, $0x1;
	s10 =	sld [smem:$0x3FA8];
	_ =	sdelay $0x3  }
0x34: {  	[smem:$0x3FA8] =	sst s10  }
0x35: {  	s10 =	sld [smem:$0x3FA7];
	_ =	sdelay $0x3  }
0x36: {  	p1 =	seq.s32 s10, $0x1;
	s10 =	sld [smem:$0x3FA8];
	_ =	sdelay $0x3  }
0x37: {  	[smem:$0x3FA8] =	sst s10  }
0x38: {  	s10 =	sld [smem:$0x3FA9]  }
0x39: {  	_ = 	snop;
	(pc) =	sbr.ind lr, $3  }
0x3a: {  	_ = 	snop  }
0x3b: {  	_ = 	snop  }
0x3c: {  	p2 =	seq.s32 s10, $0x1;
	s10 =	sld [smem:$0x3FA8]  }
0x3d: {  	_ =	shalt  }
0x3e: {  	_ =	shalt  }
0x3f: {  	_ =	shalt  }
0x40: {  	_ =	shalt  }
0x41: {  	_ =	shalt  }
0x42: {  	_ =	shalt  }
0x43: {  	_ =	shalt  }
0x44: {  	_ =	shalt  }
0x45: {  	_ =	shalt  }
0x46: {  	_ =	shalt  }
0x47: {  	_ =	shalt  }
0x48: {  	_ =	shalt  }
0x49: {  	_ =	shalt  }
0x4a: {  	_ =	shalt  }
0x4b: {  	_ =	shalt  }
0x4c: {  	_ =	shalt  }
0x4d: {  	_ =	shalt  }
0x4e: {  	_ =	shalt  }
0x4f: {  	_ =	shalt  }
0x50: {  	_ =	shalt  }
0x51: {  	_ =	shalt  }
0x52: {  	_ =	shalt  }
0x53: {  	_ =	shalt  }
0x54: {  	_ =	shalt  }
0x55: {  	_ =	shalt  }
0x56: {  	_ =	shalt  }
0x57: {  	_ =	shalt  }
0x58: {  	_ =	shalt  }
0x59: {  	_ =	shalt  }
0x5a: {  	_ =	shalt  }
0x5b: {  	_ =	shalt  }
0x5c: {  	_ =	shalt  }
0x5d: {  	_ =	shalt  }
0x5e: {  	_ =	shalt  }
0x5f: {  	_ =	shalt  }
0x60: {  	_ =	shalt  }
0x61: {  	_ =	shalt  }
0x62: {  	_ =	shalt  }
0x63: {  	_ =	shalt  }
0x64: {  	_ =	shalt  }
0x65: {  	_ =	shalt  }
0x66: {  	_ =	shalt  }
0x67: {  	_ =	shalt  }
0x68: {  	_ =	shalt  }
0x69: {  	_ =	shalt  }
0x6a: {  	_ =	shalt  }
0x6b: {  	_ =	shalt  }
0x6c: {  	_ =	shalt  }
0x6d: {  	_ =	shalt  }
0x6e: {  	_ =	shalt  }
0x6f: {  	_ =	shalt  }
0x70: {  	_ =	shalt  }
0x71: {  	_ =	shalt  }
0x72: {  	_ =	shalt  }
0x73: {  	_ =	shalt  }
0x74: {  	_ =	shalt  }
0x75: {  	_ =	shalt  }
0x76: {  	_ =	shalt  }
0x77: {  	_ =	shalt  }
0x78: {  	_ =	shalt  }
0x79: {  	_ =	shalt  }
0x7a: {  	_ =	shalt  }
0x7b: {  	_ =	shalt  }
0x7c: {  	_ =	shalt  }
0x7d: {  	_ =	shalt  }
0x7e: {  	_ =	shalt  }
0x7f: {  	_ =	shalt  }
0x80: {  	_ =	shalt  }
0x81: {  	_ =	shalt  }
0x82: {  	_ =	shalt  }
0x83: {  	_ =	shalt  }
0x84: {  	_ =	shalt  }
0x85: {  	_ =	shalt  }
0x86: {  	_ =	shalt  }
0x87: {  	_ =	shalt  }
.Lfunc_end0:
.L_simem_size_0:
called_computation.2_lowered:
.L_overlay_start_0:
0x88: {  	s2 =	sld [smem:$0x3FD9]  }
0x89: {  	s3 =	sld [smem:$0x3FFE];
	_ =	sdelay $0x1  }
0x8a: {  	s1 =	srdreg.scid  }
0x8b: {  	s0 =	sand.u32 $0x1, s1  }
0x8c: {  	s14 =	sshll.u32 s0, $0xA;
	s2 =	sadd.s32 s3, s2  }
0x8d: {  	s2 =	sadd.s32 s2, s14  }
0x8e: {  	[smem:$0x3FB4] =	sst s2  }
0x8f: {  	_ = 	snop  }
0x90: {  	s2 =	sld [smem:$0x3FD0];
	_ =	sdelay $0x2  }
0x91: {  	s15 =	simm.s32 $0xA;
	s4 =	simm.s32 $0x10  }
0x92: {  	[smem:s4], [sflag:s15] =	dma.local [hbm:s2], $0x1  }
0x93: {  	_ =	swait.eq [sflag:s15], $0x1  }
0x94: {  	[sflag:s15] =	ssyncset.done $0x0  }
0x95: {  	s16 =	sld [smem:$0x10];
	[sflag:s15] =	ssyncadd.s32 $0xFFFFFFFF  }
0x96: {  	s17 =	sld [smem:$0x11];
	(tm) =	ssettm $0x1  }
0x97: {  	s18 =	sld [smem:$0x3FFB];
	_ =	sdelay $0x3  }
0x98: {  	_ =	strace s18  }
0x99: {  	s4 =	sld [smem:$0x3FFC];
	_ =	sdelay $0x3  }
0x9a: {  	_ =	strace s4  }
0x9b: {  	s4 =	sld [smem:$0x3FFD];
	_ =	sdelay $0x3  }
0x9c: {  	_ =	strace s4  }
0x9d: {  	_ =	strace $0x8FFFFFFF  }
0x9e: {  	s19 =	sld [smem:$0x3FDB];
	_ =	sdelay $0x1  }
0x9f: {  	s5 =	simm.s32 $_scs_section_size  }
0xa0: {  	s6 =	simm.s32 $_size__tile_overlayer_lowered;
	s7 =	simm.s32 $_tile_overlayer_lowered  }
0xa1: {  	s22 =	simm.s32 $0x1BFF;
	s21 =	sshll.u32 s7, $0x1;
	s4 =	sadd.s32 s5, s19  }
0xa2: {  	s8 =	simm.s32 $0x0;
	s20 =	sshll.u32 s6, $0x1;
	s6 =	sadd.s32 s21, s4  }
0xa3: {  	[timem:s8], [sflag:s22] =	dma.local [hbm:s6], s20  }
0xa4: {  	_ =	swait.ge [sflag:s22], s20  }
0xa5: {  	s5 =	ssub.s32 $0x0, s20;
	[sflag:s22] =	ssyncset.done $0x0  }
0xa6: {  	[sflag:s22] =	ssyncadd.s32 s5;
	_ =	sdelay $0x1  }
0xa7: {  	s23 =	simm.s32 $0x1B8B  }
0xa8: {  	_ =	swait.ge [sflag:s23], $0x1  }
0xa9: {  	[sflag:s23] =	ssyncset.done $0x0  }
0xaa: {  	s25 =	simm.s32 $0x1B8E;
	s24 =	sld [smem:$0x3FFE];
	[sflag:s23] =	ssyncadd.s32 $0xFFFFFFFF  }
0xab: {  	s26 =	simm.s32 $execute0_lowered;
	[smem:$0x3FD2] =	sst s25  }
0xac: {  	s6 =	sshll.u32 s26, $0x1;
	_ =	strace $0x8000004C;
	[dreg:$0x1] =	wrdreg $0xFFFFFFFF  }
0xad: {  	s28 =	simm.s32 $_size_execute0_lowered;
	s4 =	sadd.s32 s4, s6;
	[dreg:$0x0] =	wrdreg $0x0  }
0xae: {  	s6 =	sshll.u32 s28, $0x1;
	[dreg:$0x2] =	wrdreg s4  }
0xaf: {  	[dreg:$0x3] =	wrdreg s6  }
0xb0: {  	[dreg:$0x4] =	wrdreg $0xC0  }
0xb1: {  	_ =	task [dreg:s8], $0x5FFFF  }
0xb2: {  	[dreg:$0x1] =	wrdreg $0xFFFFFFFF  }
0xb3: {  	[dreg:$0x0] =	wrdreg $0x60  }
0xb4: {  	[dreg:$0x2] =	wrdreg s24  }
0xb5: {  	[dreg:$0x3] =	wrdreg s16  }
0xb6: {  	[dreg:$0x4] =	wrdreg s17  }
0xb7: {  	[dreg:$0x5] =	wrdreg $0x0  }
0xb8: {  	[dreg:$0x6] =	wrdreg $0x9  }
0xb9: {  	_ =	task.clear_ibuf [dreg:s8], $0x7FFFF;
	_ =	strace $0x9000004C  }
0xba: {  	s29 =	simm.s32 $0x9;
	_ =	strace $0x8000004E  }
0xbb: {  	_ =	swait.ge [sflag:s29], $0x1  }
0xbc: {  	[sflag:s29] =	ssyncadd.s32 $0xFFFFFFFF  }
0xbd: {  	_ =	strace $0x9000004E  }
0xbe: {  	_ =	sfence  }
0xbf: {  	s30 =	sld [smem:$0x0];
	_ =	sdelay $0x2  }
0xc0: {  	s31 =	sshll.u32 s1, $0xD;
	s1 =	sshrl.u32 s1, $0x2  }
0xc1: {  	s3 =	sand.u32 $0x4000, s31;
	s1 =	sadd.s32 s1, s30  }
0xc2: {  	s0 =	sor.u32 s3, s0;
	s1 =	sshll.u32 s1, $0x11  }
0xc3: {  	s0 =	sor.u32 s1, s0  }
0xc4: {  	s0 =	sadd.s32 $0x8F2B, s0  }
0xc5: {  	[sflag:s0] =	ssyncadd.remote.s32 $0x1  }
0xc6: {  	_ =	sfence.sel $0xFFFF  }
0xc7: {  	[dreg:$0x0] =	wrdreg $0xFFFFFFFF;
	(pc) =	sbr.abs _section_cstart, $3  }
0xc8: {  	[dreg:$0x1] =	wrdreg $0xFFFFFFFF  }
0xc9: {  	_ =	task.clear_ibuf [dreg:s8], $0x2FFFF;
	_ =	strace $0x9FFFFFFF  }
0xca: {  	(tm) =	ssettm $0x7FFFFFFF  }
0xcb: {  	_ =	shalt  }
tec
execute0_lowered:
.L_overlay_start_1:
0x0: {  	(tag) =	ssettag $0x1  }
0x1: {  	s0 =	rddreg [dreg:$0x0]  }
0x2: {  	s1 =	rddreg [dreg:$0x1]  }
0x3: {  	s4 =	rddreg [dreg:$0x3];
	s5 =	simm.s32 $0x0  }
0x4: {  	s13 =	stileid.u32;
	s3 =	srdreg.scid;
	s16 =	simm.s32 $0x7  }
0x5: {  	s18 =	simm.s32 $0x16020;
	s19 =	simm.s32 $0x16110;
	s28 =	simm.s32 $0x1  }
0x6: {  	s29 =	simm.s32 $0x3;
	s30 =	simm.s32 $0x2;
	s31 =	simm.s32 $0x4  }
0x7: {  	[smem:$0x7FF] =	sst s5;
	s2 =	smul.u32 $0x16020, s13;
	s3 =	sand.u32 $0x1, s3  }
0x8: {  	s6 =	sadd.s32 $0x3E00, s0;
	s7 =	sadd.s32 $0xE5800, s0;
	s25 =	sshll.u32 s13, $0x6  }
0x9: {  	_ =	strace $0x8000004D;
	s9 =	smul.u32 $0x160200, s3;
	s20 =	sshll.u32 s3, $0x4  }
0xa: {  	s3 =	ssub.s32 $0x2, s3;
	s8 =	sshrl.u32 s2, $0x3;
	s11 =	sor.u32 s13, s20  }
0xb: {  	s22 =	sshrl.u32 s3, $0x1;
	s20 =	simm.s32 $0x78;
	s12 =	smul.u32 $0x4EC0, s11  }
0xc: {  	s10 =	sadd.s32 s8, s0;
	s9 =	sadd.s32 s2, s9;
	s8 =	smul.u32 $0x54, s11  }
0xd: {  	s3 =	ssub.s32 s3, s22;
	s2 =	sadd.s32 s2, s4;
	s23 =	smul.u32 $0x9D8, s11  }
0xe: {  	s22 =	simm.s32 $0x16098;
	s21 =	sshrl.u32 s9, $0x3;
	s10 =	sadd.s32 $0x44000, s10  }
0xf: {  	s14 =	smax.u32 s3, $0x1;
	s15 =	sshrl.u32 s2, $0x3;
	s3 =	simm.s32 $0x6  }
0x10: {  	s2 =	simm.s32 $0x0;
	s0 =	sadd.s32 s21, s0;
	s24 =	sshrl.u32 s12, $0x3  }
0x11: {  	[dreg:$0x5] =	wrdreg s10;
	s10 =	sor.u32 $0x1C07, s25;
	s9 =	sadd.s32 s7, s23  }
0x12: {  	s21 =	simm.s32 $0x16200;
	s23 =	simm.s32 $0x1E900;
	s25 =	simm.s32 $0x16188  }
0x13: {  	s11 =	sadd.s32 s7, s24;
	[dreg:$0x6] =	wrdreg s9;
	s0 =	sadd.s32 $0xF9400, s0  }
0x14: {  	v0 =	vimm.s32 $0x0;
	s24 =	simm.s32 $0x1A580;
	s26 =	sadd.s32 $0x1E, s11;
	[dreg:$0x8] =	wrdreg s0  }
0x15: {  	v1 =	vimm.s32 $0x1;
	v2 =	vimm.s32 $0x2;
	v3 =	vimm.s32 $0x3;
	s0 =	simm.s32 $0x5;
	[dreg:$0x7] =	wrdreg s26;
	s26 =	simm.s32 $0x1F080  }
.LBB2_1:
0x16: {  	s9 =	rddreg [dreg:$0x5]  }
0x17: {  	[spmem:s15], [sflag:s10] =	dma.local [hbm:s9], $0x2C04  }
0x18: {  	_ =	swait.ge [sflag:s16], $0x2C04  }
0x19: {  	[sflag:s16] =	ssyncset.done $0x0  }
0x1a: {  	[sflag:s16] =	ssyncadd.s32 $0xFFFFD3FC  }
0x1b: {  	s11 =	simm.s32 $0x1F800;
	s12 =	rddreg [dreg:$0x2]  }
0x1c: {  	[tilespmem:s11], [sflag:$0x7] =	stream.linear.gather [hbm4b:s12+s5], $0x10, $0x38;
	[tilespmem:$0x1F810] =	vst v63  }
0x1d: {  	_ =	swait.ge [sflag:s16], $0x10  }
0x1e: {  	[sflag:s16] =	ssyncset.done $0x0  }
0x1f: {  	[sflag:s16] =	ssyncadd.s32 $0xFFFFFFF0  }
0x20: {  	[bflag:$0x0] =	sbarrier.arrive $0xFFFF  }
0x21: {  	s13 =	rddreg [dreg:$0x6]  }
0x22: {  	v4 =	vld [tilespmem:$0x1F800];
	[tilespmem:s18], [sflag:$0x7] =	stream.linear.gather [hbm4b:s13+s5], $0xF0, $0x38  }
0x23: {  	_ =	swait.ge [sflag:s16], $0xF0  }
0x24: {  	[sflag:s16] =	ssyncset.done $0x0  }
0x25: {  	s17 =	rddreg [dreg:$0x7];
	[sflag:s16] =	ssyncadd.s32 $0xFFFFFF10  }
0x26: {  	[tilespmem:s19], [sflag:$0x7] =	stream.linear.gather [hbm4b:s17+s5], $0xF0, $0x38;
	[tilespmem:$0x1F810] =	vst v63  }
0x27: {  	_ =	swait.ge [sflag:s16], $0xF0  }
0x28: {  	[sflag:s16] =	ssyncset.done $0x0  }
0x29: {  	[sflag:s16] =	ssyncadd.s32 $0xFFFFFF10  }
0x2a: {  	[tilespmem:s21], [sflag:$0x1] =	stream.indirect.gather [hbm4b:s6+s20], $0x90, s18, s20, $0xb8;
	[tilespmem:$0x1F810] =	vst v63  }
0x2b: {  	_ = 	snop  }
0x2c: {  	[tilespmem:s23], [sflag:$0x3] =	stream.indirect.gather [hbm4b:s1+s20], $0x10, s22, s20, $0xb8;
	[tilespmem:$0x1F810] =	vst v63  }
0x2d: {  	_ = 	snop  }
0x2e: {  	[tilespmem:s24], [sflag:$0x2] =	stream.indirect.gather [hbm4b:s6+s20], $0x90, s19, s20, $0xb8;
	[tilespmem:$0x1F810] =	vst v63  }
0x2f: {  	s17 =	simm.s32 $0x0  }
0x30: {  	[tilespmem:s26], [sflag:$0x4] =	stream.indirect.gather [hbm4b:s1+s20], $0x10, s25, s20, $0xb8;
	[tilespmem:$0x1F810] =	vst v63  }
.LBB2_2:
0x31: {  	_ =	swait.ge [sflag:s28], $0x4380  }
0x32: {  	[sflag:s28] =	ssyncset.done $0x0  }
0x33: {  	[sflag:s28] =	ssyncadd.s32 $0xFFFFBC80  }
0x34: {  	_ =	swait.ge [sflag:s29], $0x780  }
0x35: {  	[sflag:s29] =	ssyncset.done $0x0  }
0x36: {  	s11 =	simm.s32 $0x163A0;
	[sflag:s29] =	ssyncadd.s32 $0xFFFFF880  }
0x37: {  	s13 =	simm.s32 $0x30;
	s12 =	simm.s32 $0x1C0;
	s9 =	simm.s32 $0x163A0;
	v5 =	vld [tilespmem:s11+$0xFFFFFEE0]  }
.LBB2_3:
0x38: {  	p0 =	sne.s32 s12, $0x1DC0;
	v6 =	vld [tilespmem:s13+$0x1E8D0];
	_ =	sdelay $0x4  }
0x39: {  	v5 =	vadd.f32 v6, v5;
	_ =	sdelay $0x1  }
0x3a: {  	v6 =	vmul.f32 $2.000000030e-01, v5;
	_ =	sdelay $0x1  }
0x3b: {  	v5 =	vmax.f32 v5, v6  }
0x3c: {  	v5 =	vsub.f32 v5, v4;
	_ =	sdelay $0x1  }
0x3d: {  	v5 =	vmul.f32 $1.442695020e+00, v5;
	_ =	sdelay $0x1  }
0x3e: {  	(erf) = vpow2.f32 v5;
	_ =	sdelay $0x8  }
0x3f: {  	v5 =	vpop (erf)  }
0x40: {  	[tilespmem:s11+$0xFFFFFEE0] =	vst v5;
	v5 =	vld [tilespmem:s11+$0xFFFFFF70]  }
0x41: {  	v6 =	vld [tilespmem:s13+$0x1E8E0];
	_ =	sdelay $0x4  }
0x42: {  	v5 =	vadd.f32 v6, v5;
	_ =	sdelay $0x1  }
0x43: {  	v6 =	vmul.f32 $2.000000030e-01, v5;
	_ =	sdelay $0x1  }
0x44: {  	v5 =	vmax.f32 v5, v6  }
0x45: {  	v5 =	vsub.f32 v5, v4;
	_ =	sdelay $0x1  }
0x46: {  	v5 =	vmul.f32 $1.442695020e+00, v5;
	_ =	sdelay $0x1  }
0x47: {  	(erf) = vpow2.f32 v5;
	_ =	sdelay $0x8  }
0x48: {  	v5 =	vpop (erf)  }
0x49: {  	[tilespmem:s11+$0xFFFFFF70] =	vst v5;
	v5 =	vld [tilespmem:s11+$0x0]  }
0x4a: {  	v6 =	vld [tilespmem:s13+$0x1E8F0];
	_ =	sdelay $0x4  }
0x4b: {  	v5 =	vadd.f32 v6, v5;
	_ =	sdelay $0x1  }
0x4c: {  	v6 =	vmul.f32 $2.000000030e-01, v5;
	_ =	sdelay $0x1  }
0x4d: {  	v5 =	vmax.f32 v5, v6  }
0x4e: {  	v5 =	vsub.f32 v5, v4;
	_ =	sdelay $0x1  }
0x4f: {  	v5 =	vmul.f32 $1.442695020e+00, v5;
	_ =	sdelay $0x1  }
0x50: {  	(erf) = vpow2.f32 v5;
	_ =	sdelay $0x8  }
0x51: {  	v5 =	vpop (erf)  }
0x52: {  	[tilespmem:s11+$0x0] =	vst v5;
	v5 =	vld [tilespmem:s11+$0x90]  }
0x53: {  	v6 =	vld [tilespmem:s13+$0x1E900];
	_ =	sdelay $0x4  }
0x54: {  	v5 =	vadd.f32 v6, v5;
	_ =	sdelay $0x1  }
0x55: {  	v6 =	vmul.f32 $2.000000030e-01, v5;
	_ =	sdelay $0x1  }
0x56: {  	v5 =	vmax.f32 v5, v6  }
0x57: {  	v5 =	vsub.f32 v5, v4;
	_ =	sdelay $0x1  }
0x58: {  	v5 =	vmul.f32 $1.442695020e+00, v5;
	_ =	sdelay $0x1  }
0x59: {  	(erf) = vpow2.f32 v5;
	_ =	sdelay $0x5  }
.Ltmp0:
0x5a: {  	(pc) =	sbr.rel @p0 .LBB2_3-.Ltmp0, $3  }
0x5b: {  	_ =	sdelay $0x1  }
0x5c: {  	s11 =	sadd.s32 $0x240, s11;
	v6 =	vpop (erf)  }
0x5d: {  	s13 =	sshra.s32 s12, $0x2;
	s12 =	sadd.s32 $0x100, s12;
	v5 =	vld [tilespmem:s11+$0xFFFFFEE0];
	[tilespmem:s9+$0x90] =	vst v6;
	s9 =	smov.u32 s11  }
0x5e: {  	v6 =	vld [tilespmem:s13+$0x1E8D0];
	_ =	sdelay $0x4  }
0x5f: {  	v5 =	vadd.f32 v6, v5;
	_ =	sdelay $0x1  }
0x60: {  	v6 =	vmul.f32 $2.000000030e-01, v5;
	_ =	sdelay $0x1  }
0x61: {  	v5 =	vmax.f32 v5, v6  }
0x62: {  	v5 =	vsub.f32 v5, v4;
	_ =	sdelay $0x1  }
0x63: {  	v5 =	vmul.f32 $1.442695020e+00, v5;
	_ =	sdelay $0x1  }
0x64: {  	(erf) = vpow2.f32 v5;
	_ =	sdelay $0x8  }
0x65: {  	v5 =	vpop (erf)  }
0x66: {  	[tilespmem:s11+$0xFFFFFEE0] =	vst v5;
	v5 =	vld [tilespmem:s11+$0xFFFFFF70]  }
0x67: {  	v6 =	vld [tilespmem:s13+$0x1E8E0];
	_ =	sdelay $0x4  }
0x68: {  	v5 =	vadd.f32 v6, v5;
	_ =	sdelay $0x1  }
0x69: {  	v6 =	vmul.f32 $2.000000030e-01, v5;
	_ =	sdelay $0x1  }
0x6a: {  	v5 =	vmax.f32 v5, v6  }
0x6b: {  	v5 =	vsub.f32 v5, v4;
	_ =	sdelay $0x1  }
0x6c: {  	v5 =	vmul.f32 $1.442695020e+00, v5;
	_ =	sdelay $0x1  }
0x6d: {  	(erf) = vpow2.f32 v5;
	_ =	sdelay $0x8  }
0x6e: {  	v5 =	vpop (erf)  }
0x6f: {  	[tilespmem:s11+$0xFFFFFF70] =	vst v5;
	v5 =	vld [tilespmem:s11+$0x0]  }
0x70: {  	v6 =	vld [tilespmem:s13+$0x1E8F0];
	_ =	sdelay $0x4  }
0x71: {  	v5 =	vadd.f32 v6, v5;
	_ =	sdelay $0x1  }
0x72: {  	v6 =	vmul.f32 $2.000000030e-01, v5;
	_ =	sdelay $0x1  }
0x73: {  	v5 =	vmax.f32 v5, v6  }
0x74: {  	v5 =	vsub.f32 v5, v4;
	_ =	sdelay $0x1  }
0x75: {  	v5 =	vmul.f32 $1.442695020e+00, v5;
	_ =	sdelay $0x1  }
0x76: {  	(erf) = vpow2.f32 v5;
	_ =	sdelay $0x8  }
0x77: {  	v5 =	vpop (erf)  }
0x78: {  	[tilespmem:s11+$0x0] =	vst v5;
	v5 =	vld [tilespmem:s11+$0x90]  }
0x79: {  	v6 =	vld [tilespmem:s13+$0x1E900];
	_ =	sdelay $0x4  }
0x7a: {  	v5 =	vadd.f32 v6, v5;
	_ =	sdelay $0x1  }
0x7b: {  	v6 =	vmul.f32 $2.000000030e-01, v5;
	_ =	sdelay $0x1  }
0x7c: {  	v5 =	vmax.f32 v5, v6  }
0x7d: {  	v5 =	vsub.f32 v5, v4;
	_ =	sdelay $0x1  }
0x7e: {  	v5 =	vmul.f32 $1.442695020e+00, v5;
	_ =	sdelay $0x1  }
0x7f: {  	(erf) = vpow2.f32 v5;
	_ =	sdelay $0x8  }
0x80: {  	v5 =	vpop (erf)  }
0x81: {  	[tilespmem:s9+$0x90] =	vst v5;
	s9 =	simm.s32 $0x0  }
0x82: {  	v6 =	vld [tilespmem:s9+$0x16280]  }
0x83: {  	v7 =	vld [tilespmem:s9+$0x16310]  }
0x84: {  	v10 =	vld [tilespmem:s9+$0x163A0]  }
0x85: {  	v8 =	vld [tilespmem:s9+$0x16200]  }
0x86: {  	v9 =	vld [tilespmem:s9+$0x16210]  }
0x87: {  	v11 =	vld [tilespmem:s9+$0x16220]  }
0x88: {  	v13 =	vld [tilespmem:s9+$0x16230];
	v12 =	vperm.xlane v6, v0  }
0x89: {  	v14 =	vld [tilespmem:s9+$0x16240]  }
0x8a: {  	v15 =	vld [tilespmem:s9+$0x16250];
	v17 =	vperm.xlane v6, v1;
	v8 =	vmul.f32 v8, v12  }
0x8b: {  	v16 =	vld [tilespmem:s9+$0x16260];
	v9 =	vmul.f32 v9, v12  }
0x8c: {  	v11 =	vmul.f32 v11, v17;
	v12 =	vperm.xlane v6, v2;
	[tilespmem:s9+$0x16200] =	vst v8;
	v8 =	vld [tilespmem:s9+$0x16270]  }
0x8d: {  	v13 =	vmul.f32 v13, v17;
	[tilespmem:s9+$0x16210] =	vst v9;
	v9 =	vld [tilespmem:s9+$0x16290]  }
0x8e: {  	v6 =	vperm.xlane v6, v3;
	[tilespmem:s9+$0x16220] =	vst v11;
	v11 =	vld [tilespmem:s9+$0x162A0];
	v14 =	vmul.f32 v14, v12  }
0x8f: {  	[tilespmem:s9+$0x16230] =	vst v13;
	v13 =	vld [tilespmem:s9+$0x162B0];
	v12 =	vmul.f32 v15, v12  }
0x90: {  	v61 =	vperm.xlane v7, v0;
	v15 =	vmul.f32 v16, v6;
	[tilespmem:s9+$0x16240] =	vst v14;
	v14 =	vld [tilespmem:s9+$0x162C0]  }
0x91: {  	[tilespmem:s9+$0x16250] =	vst v12;
	v12 =	vld [tilespmem:s9+$0x162D0];
	v6 =	vmul.f32 v8, v6  }
0x92: {  	[tilespmem:s9+$0x16260] =	vst v15;
	v15 =	vperm.xlane v7, v1;
	v8 =	vld [tilespmem:s9+$0x162E0];
	v9 =	vmul.f32 v9, v61  }
0x93: {  	v5 =	vld [tilespmem:s9+$0x16430];
	v11 =	vmul.f32 v11, v61;
	[tilespmem:s9+$0x16270] =	vst v6  }
0x94: {  	v62 =	vperm.xlane v7, v2;
	v13 =	vmul.f32 v13, v15;
	v6 =	vld [tilespmem:s9+$0x162F0];
	[tilespmem:s9+$0x16290] =	vst v9  }
0x95: {  	v9 =	vld [tilespmem:s9+$0x16300];
	[tilespmem:s9+$0x162A0] =	vst v11;
	v14 =	vmul.f32 v14, v15  }
0x96: {  	v11 =	vld [tilespmem:s9+$0x16320];
	[tilespmem:s9+$0x162B0] =	vst v13;
	v12 =	vmul.f32 v12, v62  }
0x97: {  	v7 =	vperm.xlane v7, v3;
	v13 =	vld [tilespmem:s9+$0x16330];
	[tilespmem:s9+$0x162C0] =	vst v14;
	v8 =	vmul.f32 v8, v62  }
0x98: {  	v14 =	vld [tilespmem:s9+$0x16340];
	[tilespmem:s9+$0x162D0] =	vst v12  }
0x99: {  	v12 =	vld [tilespmem:s9+$0x16350];
	v6 =	vmul.f32 v6, v7;
	[tilespmem:s9+$0x162E0] =	vst v8;
	v8 =	vperm.xlane v10, v0  }
0x9a: {  	v15 =	vld [tilespmem:s9+$0x16360];
	v7 =	vmul.f32 v9, v7  }
0x9b: {  	v63 =	vperm.xlane v10, v1;
	[tilespmem:s9+$0x162F0] =	vst v6;
	v6 =	vld [tilespmem:s9+$0x16370];
	v9 =	vmul.f32 v11, v8  }
0x9c: {  	[tilespmem:s9+$0x16300] =	vst v7;
	v11 =	vld [tilespmem:s9+$0x16380];
	v7 =	vmul.f32 v13, v8  }
0x9d: {  	v13 =	vld [tilespmem:s9+$0x16390];
	v8 =	vmul.f32 v14, v63;
	v14 =	vperm.xlane v10, v2;
	[tilespmem:s9+$0x16320] =	vst v9  }
0x9e: {  	[tilespmem:s9+$0x16330] =	vst v7;
	v7 =	vld [tilespmem:s9+$0x163B0];
	v9 =	vmul.f32 v12, v63  }
0x9f: {  	v10 =	vperm.xlane v10, v3;
	[tilespmem:s9+$0x16340] =	vst v8;
	v8 =	vld [tilespmem:s9+$0x163C0];
	v12 =	vmul.f32 v15, v14  }
0xa0: {  	[tilespmem:s9+$0x16350] =	vst v9;
	v9 =	vld [tilespmem:s9+$0x163D0];
	v14 =	vmul.f32 v6, v14  }
0xa1: {  	[tilespmem:s9+$0x16360] =	vst v12;
	v6 =	vld [tilespmem:s9+$0x163E0];
	v12 =	vmul.f32 v11, v10;
	v11 =	vperm.xlane v5, v0  }
0xa2: {  	s11 =	simm.s32 $0x900;
	v13 =	vmul.f32 v13, v10;
	v10 =	vld [tilespmem:s9+$0x163F0];
	[tilespmem:s9+$0x16370] =	vst v14  }
.LBB2_5:
0xa3: {  	p0 =	sne.s32 s11, $0x10500;
	[tilespmem:s9+$0x16380] =	vst v12;
	v7 =	vmul.f32 v7, v11;
	v12 =	vperm.xlane v5, v1;
	v14 =	vld [tilespmem:s9+$0x16400]  }
0xa4: {  	[tilespmem:s9+$0x16390] =	vst v13;
	v8 =	vmul.f32 v8, v11;
	v11 =	vld [tilespmem:s9+$0x16410]  }
0xa5: {  	s12 =	sshra.s32 s11, $0x2;
	[tilespmem:s9+$0x163B0] =	vst v7;
	v7 =	vmul.f32 v9, v12;
	v9 =	vperm.xlane v5, v2;
	v13 =	vld [tilespmem:s9+$0x16420]  }
0xa6: {  	v15 =	vld [tilespmem:s12+$0x16280];
	[tilespmem:s9+$0x163C0] =	vst v8;
	v6 =	vmul.f32 v6, v12  }
0xa7: {  	v8 =	vld [tilespmem:s12+$0x16310];
	[tilespmem:s9+$0x163D0] =	vst v7;
	v7 =	vmul.f32 v10, v9;
	v10 =	vperm.xlane v5, v3  }
0xa8: {  	v12 =	vld [tilespmem:s12+$0x163A0];
	[tilespmem:s9+$0x163E0] =	vst v6;
	v6 =	vmul.f32 v14, v9  }
0xa9: {  	v5 =	vld [tilespmem:s12+$0x16430];
	[tilespmem:s9+$0x163F0] =	vst v7;
	v7 =	vmul.f32 v11, v10  }
0xaa: {  	v9 =	vld [tilespmem:s12+$0x16200];
	[tilespmem:s9+$0x16400] =	vst v6;
	v6 =	vmul.f32 v13, v10  }
0xab: {  	v10 =	vld [tilespmem:s12+$0x16210];
	[tilespmem:s9+$0x16410] =	vst v7  }
0xac: {  	v7 =	vld [tilespmem:s12+$0x16220];
	[tilespmem:s9+$0x16420] =	vst v6;
	s9 =	smov.u32 s12  }
0xad: {  	v6 =	vperm.xlane v15, v0;
	v11 =	vld [tilespmem:s9+$0x16230]  }
0xae: {  	v13 =	vld [tilespmem:s9+$0x16240]  }
0xaf: {  	v14 =	vperm.xlane v15, v1;
	v9 =	vmul.f32 v9, v6;
	v16 =	vld [tilespmem:s9+$0x16250]  }
0xb0: {  	v6 =	vmul.f32 v10, v6;
	v10 =	vld [tilespmem:s9+$0x16260]  }
0xb1: {  	[tilespmem:s9+$0x16200] =	vst v9;
	v7 =	vmul.f32 v7, v14;
	v9 =	vperm.xlane v15, v2;
	v17 =	vld [tilespmem:s9+$0x16270]  }
0xb2: {  	[tilespmem:s9+$0x16210] =	vst v6;
	v6 =	vmul.f32 v11, v14;
	v11 =	vld [tilespmem:s9+$0x16290]  }
0xb3: {  	[tilespmem:s9+$0x16220] =	vst v7;
	v7 =	vmul.f32 v13, v9;
	v13 =	vperm.xlane v15, v3;
	v14 =	vld [tilespmem:s9+$0x162A0]  }
0xb4: {  	[tilespmem:s9+$0x16230] =	vst v6;
	v6 =	vmul.f32 v16, v9;
	v9 =	vld [tilespmem:s9+$0x162B0]  }
0xb5: {  	[tilespmem:s9+$0x16240] =	vst v7;
	v7 =	vmul.f32 v10, v13;
	v10 =	vperm.xlane v8, v0;
	v15 =	vld [tilespmem:s9+$0x162C0]  }
0xb6: {  	[tilespmem:s9+$0x16250] =	vst v6;
	v6 =	vmul.f32 v17, v13;
	v13 =	vld [tilespmem:s9+$0x162D0]  }
0xb7: {  	[tilespmem:s9+$0x16260] =	vst v7;
	v7 =	vmul.f32 v11, v10;
	v11 =	vperm.xlane v8, v1;
	v16 =	vld [tilespmem:s9+$0x162E0]  }
0xb8: {  	[tilespmem:s9+$0x16270] =	vst v6;
	v6 =	vmul.f32 v14, v10;
	v10 =	vld [tilespmem:s9+$0x162F0]  }
0xb9: {  	[tilespmem:s9+$0x16290] =	vst v7;
	v7 =	vmul.f32 v9, v11;
	v9 =	vperm.xlane v8, v2;
	v14 =	vld [tilespmem:s9+$0x16300]  }
0xba: {  	[tilespmem:s9+$0x162A0] =	vst v6;
	v6 =	vmul.f32 v15, v11;
	v11 =	vld [tilespmem:s9+$0x16320]  }
0xbb: {  	v8 =	vperm.xlane v8, v3;
	[tilespmem:s9+$0x162B0] =	vst v7;
	v7 =	vmul.f32 v13, v9;
	v13 =	vld [tilespmem:s9+$0x16330]  }
0xbc: {  	[tilespmem:s9+$0x162C0] =	vst v6;
	v6 =	vmul.f32 v16, v9;
	v9 =	vld [tilespmem:s9+$0x16340]  }
0xbd: {  	[tilespmem:s9+$0x162D0] =	vst v7;
	v7 =	vmul.f32 v10, v8;
	v10 =	vperm.xlane v12, v0;
	v15 =	vld [tilespmem:s9+$0x16350]  }
0xbe: {  	[tilespmem:s9+$0x162E0] =	vst v6;
	v6 =	vmul.f32 v14, v8;
	v8 =	vld [tilespmem:s9+$0x16360]  }
0xbf: {  	[tilespmem:s9+$0x162F0] =	vst v7;
	v7 =	vmul.f32 v11, v10;
	v11 =	vperm.xlane v12, v1;
	v14 =	vld [tilespmem:s9+$0x16370]  }
0xc0: {  	[tilespmem:s9+$0x16300] =	vst v6;
	v6 =	vmul.f32 v13, v10;
	v10 =	vld [tilespmem:s9+$0x16380]  }
0xc1: {  	v13 =	vperm.xlane v12, v2;
	[tilespmem:s9+$0x16320] =	vst v7;
	v9 =	vmul.f32 v9, v11;
	v16 =	vld [tilespmem:s9+$0x16390]  }
.Ltmp1:
0xc2: {  	[tilespmem:s9+$0x16330] =	vst v6;
	v6 =	vmul.f32 v15, v11;
	v7 =	vld [tilespmem:s9+$0x163B0];
	(pc) =	sbr.rel @p0 .LBB2_5-.Ltmp1, $4  }
0xc3: {  	v15 =	vperm.xlane v12, v3;
	[tilespmem:s9+$0x16340] =	vst v9;
	v11 =	vmul.f32 v8, v13;
	v8 =	vld [tilespmem:s9+$0x163C0]  }
0xc4: {  	[tilespmem:s9+$0x16350] =	vst v6;
	v13 =	vmul.f32 v14, v13;
	v9 =	vld [tilespmem:s9+$0x163D0]  }
0xc5: {  	[tilespmem:s9+$0x16360] =	vst v11;
	v12 =	vmul.f32 v10, v15;
	v11 =	vperm.xlane v5, v0;
	v6 =	vld [tilespmem:s9+$0x163E0]  }
0xc6: {  	s11 =	sadd.s32 $0x900, s11;
	[tilespmem:s9+$0x16370] =	vst v13;
	v13 =	vmul.f32 v16, v15;
	v10 =	vld [tilespmem:s9+$0x163F0]  }
0xc7: {  	[tilespmem:s9+$0x16380] =	vst v12;
	v60 =	vld [tilespmem:s9+$0x16400];
	v7 =	vmul.f32 v7, v11;
	v61 =	vperm.xlane v5, v1  }
0xc8: {  	v14 =	vld [tilespmem:s9+$0x16410];
	[tilespmem:s9+$0x16390] =	vst v13;
	v8 =	vmul.f32 v8, v11  }
0xc9: {  	v62 =	vperm.xlane v5, v2;
	v63 =	vld [tilespmem:s9+$0x16420];
	[tilespmem:s9+$0x163B0] =	vst v7;
	v7 =	vmul.f32 v9, v61  }
0xca: {  	[tilespmem:s9+$0x163C0] =	vst v8;
	v6 =	vmul.f32 v6, v61  }
0xcb: {  	v5 =	vperm.xlane v5, v3;
	[tilespmem:s9+$0x163D0] =	vst v7;
	v7 =	vmul.f32 v10, v62  }
0xcc: {  	[tilespmem:s9+$0x163E0] =	vst v6;
	v6 =	vmul.f32 v60, v62  }
0xcd: {  	[tilespmem:s9+$0x163F0] =	vst v7;
	v7 =	vmul.f32 v14, v5  }
0xce: {  	v5 =	vmul.f32 v63, v5;
	[tilespmem:s9+$0x16400] =	vst v6  }
0xcf: {  	[tilespmem:s9+$0x16410] =	vst v7  }
0xd0: {  	[tilespmem:s9+$0x16420] =	vst v5  }
0xd1: {  	[spmem:s4] =	stream.indirect.scatter.add.f32 [tilespmem:s21], [sflag:$0x5], $0x90, s22, s20, $0xb8;
	[tilespmem:$0x1F810] =	vst v63  }
0xd2: {  	_ =	swait.ge [sflag:s30], $0x4380  }
0xd3: {  	[sflag:s30] =	ssyncset.done $0x0  }
0xd4: {  	[sflag:s30] =	ssyncadd.s32 $0xFFFFBC80  }
0xd5: {  	_ =	swait.ge [sflag:s31], $0x780  }
0xd6: {  	[sflag:s31] =	ssyncset.done $0x0  }
0xd7: {  	s11 =	simm.s32 $0x1A720;
	[sflag:s31] =	ssyncadd.s32 $0xFFFFF880  }
0xd8: {  	s13 =	simm.s32 $0x30;
	s12 =	simm.s32 $0x1C0;
	s9 =	simm.s32 $0x1A720;
	v5 =	vld [tilespmem:s11+$0xFFFFFEE0]  }
.LBB2_7:
0xd9: {  	p0 =	sne.s32 s12, $0x1DC0;
	v6 =	vld [tilespmem:s13+$0x1F050];
	_ =	sdelay $0x4  }
0xda: {  	v5 =	vadd.f32 v6, v5;
	_ =	sdelay $0x1  }
0xdb: {  	v6 =	vmul.f32 $2.000000030e-01, v5;
	_ =	sdelay $0x1  }
0xdc: {  	v5 =	vmax.f32 v5, v6  }
0xdd: {  	v5 =	vsub.f32 v5, v4;
	_ =	sdelay $0x1  }
0xde: {  	v5 =	vmul.f32 $1.442695020e+00, v5;
	_ =	sdelay $0x1  }
0xdf: {  	(erf) = vpow2.f32 v5;
	_ =	sdelay $0x8  }
0xe0: {  	v5 =	vpop (erf)  }
0xe1: {  	[tilespmem:s11+$0xFFFFFEE0] =	vst v5;
	v5 =	vld [tilespmem:s11+$0xFFFFFF70]  }
0xe2: {  	v6 =	vld [tilespmem:s13+$0x1F060];
	_ =	sdelay $0x4  }
0xe3: {  	v5 =	vadd.f32 v6, v5;
	_ =	sdelay $0x1  }
0xe4: {  	v6 =	vmul.f32 $2.000000030e-01, v5;
	_ =	sdelay $0x1  }
0xe5: {  	v5 =	vmax.f32 v5, v6  }
0xe6: {  	v5 =	vsub.f32 v5, v4;
	_ =	sdelay $0x1  }
0xe7: {  	v5 =	vmul.f32 $1.442695020e+00, v5;
	_ =	sdelay $0x1  }
0xe8: {  	(erf) = vpow2.f32 v5;
	_ =	sdelay $0x8  }
0xe9: {  	v5 =	vpop (erf)  }
0xea: {  	[tilespmem:s11+$0xFFFFFF70] =	vst v5;
	v5 =	vld [tilespmem:s11+$0x0]  }
0xeb: {  	v6 =	vld [tilespmem:s13+$0x1F070];
	_ =	sdelay $0x4  }
0xec: {  	v5 =	vadd.f32 v6, v5;
	_ =	sdelay $0x1  }
0xed: {  	v6 =	vmul.f32 $2.000000030e-01, v5;
	_ =	sdelay $0x1  }
0xee: {  	v5 =	vmax.f32 v5, v6  }
0xef: {  	v5 =	vsub.f32 v5, v4;
	_ =	sdelay $0x1  }
0xf0: {  	v5 =	vmul.f32 $1.442695020e+00, v5;
	_ =	sdelay $0x1  }
0xf1: {  	(erf) = vpow2.f32 v5;
	_ =	sdelay $0x8  }
0xf2: {  	v5 =	vpop (erf)  }
0xf3: {  	[tilespmem:s11+$0x0] =	vst v5;
	v5 =	vld [tilespmem:s11+$0x90]  }
0xf4: {  	v6 =	vld [tilespmem:s13+$0x1F080];
	_ =	sdelay $0x4  }
0xf5: {  	v5 =	vadd.f32 v6, v5;
	_ =	sdelay $0x1  }
0xf6: {  	v6 =	vmul.f32 $2.000000030e-01, v5;
	_ =	sdelay $0x1  }
0xf7: {  	v5 =	vmax.f32 v5, v6  }
0xf8: {  	v5 =	vsub.f32 v5, v4;
	_ =	sdelay $0x1  }
0xf9: {  	v5 =	vmul.f32 $1.442695020e+00, v5;
	_ =	sdelay $0x1  }
0xfa: {  	(erf) = vpow2.f32 v5;
	_ =	sdelay $0x5  }
.Ltmp2:
0xfb: {  	(pc) =	sbr.rel @p0 .LBB2_7-.Ltmp2, $3  }
0xfc: {  	_ =	sdelay $0x1  }
0xfd: {  	s11 =	sadd.s32 $0x240, s11;
	v6 =	vpop (erf)  }
0xfe: {  	s13 =	sshra.s32 s12, $0x2;
	s12 =	sadd.s32 $0x100, s12;
	v5 =	vld [tilespmem:s11+$0xFFFFFEE0];
	[tilespmem:s9+$0x90] =	vst v6;
	s9 =	smov.u32 s11  }
0xff: {  	v6 =	vld [tilespmem:s13+$0x1F050];
	_ =	sdelay $0x4  }
0x100: {  	v5 =	vadd.f32 v6, v5;
	_ =	sdelay $0x1  }
0x101: {  	v6 =	vmul.f32 $2.000000030e-01, v5;
	_ =	sdelay $0x1  }
0x102: {  	v5 =	vmax.f32 v5, v6  }
0x103: {  	v5 =	vsub.f32 v5, v4;
	_ =	sdelay $0x1  }
0x104: {  	v5 =	vmul.f32 $1.442695020e+00, v5;
	_ =	sdelay $0x1  }
0x105: {  	(erf) = vpow2.f32 v5;
	_ =	sdelay $0x8  }
0x106: {  	v5 =	vpop (erf)  }
0x107: {  	[tilespmem:s11+$0xFFFFFEE0] =	vst v5;
	v5 =	vld [tilespmem:s11+$0xFFFFFF70]  }
0x108: {  	v6 =	vld [tilespmem:s13+$0x1F060];
	_ =	sdelay $0x4  }
0x109: {  	v5 =	vadd.f32 v6, v5;
	_ =	sdelay $0x1  }
0x10a: {  	v6 =	vmul.f32 $2.000000030e-01, v5;
	_ =	sdelay $0x1  }
0x10b: {  	v5 =	vmax.f32 v5, v6  }
0x10c: {  	v5 =	vsub.f32 v5, v4;
	_ =	sdelay $0x1  }
0x10d: {  	v5 =	vmul.f32 $1.442695020e+00, v5;
	_ =	sdelay $0x1  }
0x10e: {  	(erf) = vpow2.f32 v5;
	_ =	sdelay $0x8  }
0x10f: {  	v5 =	vpop (erf)  }
0x110: {  	[tilespmem:s11+$0xFFFFFF70] =	vst v5;
	v5 =	vld [tilespmem:s11+$0x0]  }
0x111: {  	v6 =	vld [tilespmem:s13+$0x1F070];
	_ =	sdelay $0x4  }
0x112: {  	v5 =	vadd.f32 v6, v5;
	_ =	sdelay $0x1  }
0x113: {  	v6 =	vmul.f32 $2.000000030e-01, v5;
	_ =	sdelay $0x1  }
0x114: {  	v5 =	vmax.f32 v5, v6  }
0x115: {  	v5 =	vsub.f32 v5, v4;
	_ =	sdelay $0x1  }
0x116: {  	v5 =	vmul.f32 $1.442695020e+00, v5;
	_ =	sdelay $0x1  }
0x117: {  	(erf) = vpow2.f32 v5;
	_ =	sdelay $0x8  }
0x118: {  	v5 =	vpop (erf)  }
0x119: {  	[tilespmem:s11+$0x0] =	vst v5;
	v5 =	vld [tilespmem:s11+$0x90]  }
0x11a: {  	v6 =	vld [tilespmem:s13+$0x1F080];
	_ =	sdelay $0x4  }
0x11b: {  	v5 =	vadd.f32 v6, v5;
	_ =	sdelay $0x1  }
0x11c: {  	v6 =	vmul.f32 $2.000000030e-01, v5;
	_ =	sdelay $0x1  }
0x11d: {  	v5 =	vmax.f32 v5, v6  }
0x11e: {  	v5 =	vsub.f32 v5, v4;
	_ =	sdelay $0x1  }
0x11f: {  	v5 =	vmul.f32 $1.442695020e+00, v5;
	_ =	sdelay $0x1  }
0x120: {  	(erf) = vpow2.f32 v5;
	_ =	sdelay $0x8  }
0x121: {  	v5 =	vpop (erf)  }
0x122: {  	[tilespmem:s9+$0x90] =	vst v5;
	s9 =	simm.s32 $0x0  }
0x123: {  	v6 =	vld [tilespmem:s9+$0x1A600]  }
0x124: {  	v7 =	vld [tilespmem:s9+$0x1A690]  }
0x125: {  	v10 =	vld [tilespmem:s9+$0x1A720]  }
0x126: {  	v8 =	vld [tilespmem:s9+$0x1A580]  }
0x127: {  	v9 =	vld [tilespmem:s9+$0x1A590]  }
0x128: {  	v11 =	vld [tilespmem:s9+$0x1A5A0]  }
0x129: {  	v13 =	vld [tilespmem:s9+$0x1A5B0];
	v12 =	vperm.xlane v6, v0  }
0x12a: {  	v14 =	vld [tilespmem:s9+$0x1A5C0]  }
0x12b: {  	v15 =	vld [tilespmem:s9+$0x1A5D0];
	v17 =	vperm.xlane v6, v1;
	v8 =	vmul.f32 v8, v12  }
0x12c: {  	v16 =	vld [tilespmem:s9+$0x1A5E0];
	v9 =	vmul.f32 v9, v12  }
0x12d: {  	v11 =	vmul.f32 v11, v17;
	v12 =	vperm.xlane v6, v2;
	[tilespmem:s9+$0x1A580] =	vst v8;
	v8 =	vld [tilespmem:s9+$0x1A5F0]  }
0x12e: {  	v13 =	vmul.f32 v13, v17;
	[tilespmem:s9+$0x1A590] =	vst v9;
	v9 =	vld [tilespmem:s9+$0x1A610]  }
0x12f: {  	v6 =	vperm.xlane v6, v3;
	[tilespmem:s9+$0x1A5A0] =	vst v11;
	v11 =	vld [tilespmem:s9+$0x1A620];
	v14 =	vmul.f32 v14, v12  }
0x130: {  	[tilespmem:s9+$0x1A5B0] =	vst v13;
	v13 =	vld [tilespmem:s9+$0x1A630];
	v12 =	vmul.f32 v15, v12  }
0x131: {  	v61 =	vperm.xlane v7, v0;
	v15 =	vmul.f32 v16, v6;
	[tilespmem:s9+$0x1A5C0] =	vst v14;
	v14 =	vld [tilespmem:s9+$0x1A640]  }
0x132: {  	[tilespmem:s9+$0x1A5D0] =	vst v12;
	v12 =	vld [tilespmem:s9+$0x1A650];
	v6 =	vmul.f32 v8, v6  }
0x133: {  	[tilespmem:s9+$0x1A5E0] =	vst v15;
	v15 =	vperm.xlane v7, v1;
	v8 =	vld [tilespmem:s9+$0x1A660];
	v9 =	vmul.f32 v9, v61  }
0x134: {  	v5 =	vld [tilespmem:s9+$0x1A7B0];
	v11 =	vmul.f32 v11, v61;
	[tilespmem:s9+$0x1A5F0] =	vst v6  }
0x135: {  	v62 =	vperm.xlane v7, v2;
	v13 =	vmul.f32 v13, v15;
	v6 =	vld [tilespmem:s9+$0x1A670];
	[tilespmem:s9+$0x1A610] =	vst v9  }
0x136: {  	v9 =	vld [tilespmem:s9+$0x1A680];
	[tilespmem:s9+$0x1A620] =	vst v11;
	v14 =	vmul.f32 v14, v15  }
0x137: {  	v11 =	vld [tilespmem:s9+$0x1A6A0];
	[tilespmem:s9+$0x1A630] =	vst v13;
	v12 =	vmul.f32 v12, v62  }
0x138: {  	v7 =	vperm.xlane v7, v3;
	v13 =	vld [tilespmem:s9+$0x1A6B0];
	[tilespmem:s9+$0x1A640] =	vst v14;
	v8 =	vmul.f32 v8, v62  }
0x139: {  	v14 =	vld [tilespmem:s9+$0x1A6C0];
	[tilespmem:s9+$0x1A650] =	vst v12  }
0x13a: {  	v12 =	vld [tilespmem:s9+$0x1A6D0];
	v6 =	vmul.f32 v6, v7;
	[tilespmem:s9+$0x1A660] =	vst v8;
	v8 =	vperm.xlane v10, v0  }
0x13b: {  	v15 =	vld [tilespmem:s9+$0x1A6E0];
	v7 =	vmul.f32 v9, v7  }
0x13c: {  	v63 =	vperm.xlane v10, v1;
	[tilespmem:s9+$0x1A670] =	vst v6;
	v6 =	vld [tilespmem:s9+$0x1A6F0];
	v9 =	vmul.f32 v11, v8  }
0x13d: {  	[tilespmem:s9+$0x1A680] =	vst v7;
	v11 =	vld [tilespmem:s9+$0x1A700];
	v7 =	vmul.f32 v13, v8  }
0x13e: {  	v13 =	vld [tilespmem:s9+$0x1A710];
	v8 =	vmul.f32 v14, v63;
	v14 =	vperm.xlane v10, v2;
	[tilespmem:s9+$0x1A6A0] =	vst v9  }
0x13f: {  	[tilespmem:s9+$0x1A6B0] =	vst v7;
	v7 =	vld [tilespmem:s9+$0x1A730];
	v9 =	vmul.f32 v12, v63  }
0x140: {  	v10 =	vperm.xlane v10, v3;
	[tilespmem:s9+$0x1A6C0] =	vst v8;
	v8 =	vld [tilespmem:s9+$0x1A740];
	v12 =	vmul.f32 v15, v14  }
0x141: {  	[tilespmem:s9+$0x1A6D0] =	vst v9;
	v9 =	vld [tilespmem:s9+$0x1A750];
	v14 =	vmul.f32 v6, v14  }
0x142: {  	[tilespmem:s9+$0x1A6E0] =	vst v12;
	v6 =	vld [tilespmem:s9+$0x1A760];
	v12 =	vmul.f32 v11, v10;
	v11 =	vperm.xlane v5, v0  }
0x143: {  	s11 =	simm.s32 $0x900;
	v13 =	vmul.f32 v13, v10;
	v10 =	vld [tilespmem:s9+$0x1A770];
	[tilespmem:s9+$0x1A6F0] =	vst v14  }
.LBB2_9:
0x144: {  	p0 =	sne.s32 s11, $0x10500;
	[tilespmem:s9+$0x1A700] =	vst v12;
	v7 =	vmul.f32 v7, v11;
	v12 =	vperm.xlane v5, v1;
	v14 =	vld [tilespmem:s9+$0x1A780]  }
0x145: {  	[tilespmem:s9+$0x1A710] =	vst v13;
	v8 =	vmul.f32 v8, v11;
	v11 =	vld [tilespmem:s9+$0x1A790]  }
0x146: {  	s12 =	sshra.s32 s11, $0x2;
	[tilespmem:s9+$0x1A730] =	vst v7;
	v7 =	vmul.f32 v9, v12;
	v9 =	vperm.xlane v5, v2;
	v13 =	vld [tilespmem:s9+$0x1A7A0]  }
0x147: {  	v15 =	vld [tilespmem:s12+$0x1A600];
	[tilespmem:s9+$0x1A740] =	vst v8;
	v6 =	vmul.f32 v6, v12  }
0x148: {  	v8 =	vld [tilespmem:s12+$0x1A690];
	[tilespmem:s9+$0x1A750] =	vst v7;
	v7 =	vmul.f32 v10, v9;
	v10 =	vperm.xlane v5, v3  }
0x149: {  	v12 =	vld [tilespmem:s12+$0x1A720];
	[tilespmem:s9+$0x1A760] =	vst v6;
	v6 =	vmul.f32 v14, v9  }
0x14a: {  	v5 =	vld [tilespmem:s12+$0x1A7B0];
	[tilespmem:s9+$0x1A770] =	vst v7;
	v7 =	vmul.f32 v11, v10  }
0x14b: {  	v9 =	vld [tilespmem:s12+$0x1A580];
	[tilespmem:s9+$0x1A780] =	vst v6;
	v6 =	vmul.f32 v13, v10  }
0x14c: {  	v10 =	vld [tilespmem:s12+$0x1A590];
	[tilespmem:s9+$0x1A790] =	vst v7  }
0x14d: {  	v7 =	vld [tilespmem:s12+$0x1A5A0];
	[tilespmem:s9+$0x1A7A0] =	vst v6;
	s9 =	smov.u32 s12  }
0x14e: {  	v6 =	vperm.xlane v15, v0;
	v11 =	vld [tilespmem:s9+$0x1A5B0]  }
0x14f: {  	v13 =	vld [tilespmem:s9+$0x1A5C0]  }
0x150: {  	v14 =	vperm.xlane v15, v1;
	v9 =	vmul.f32 v9, v6;
	v16 =	vld [tilespmem:s9+$0x1A5D0]  }
0x151: {  	v6 =	vmul.f32 v10, v6;
	v10 =	vld [tilespmem:s9+$0x1A5E0]  }
0x152: {  	[tilespmem:s9+$0x1A580] =	vst v9;
	v7 =	vmul.f32 v7, v14;
	v9 =	vperm.xlane v15, v2;
	v17 =	vld [tilespmem:s9+$0x1A5F0]  }
0x153: {  	[tilespmem:s9+$0x1A590] =	vst v6;
	v6 =	vmul.f32 v11, v14;
	v11 =	vld [tilespmem:s9+$0x1A610]  }
0x154: {  	[tilespmem:s9+$0x1A5A0] =	vst v7;
	v7 =	vmul.f32 v13, v9;
	v13 =	vperm.xlane v15, v3;
	v14 =	vld [tilespmem:s9+$0x1A620]  }
0x155: {  	[tilespmem:s9+$0x1A5B0] =	vst v6;
	v6 =	vmul.f32 v16, v9;
	v9 =	vld [tilespmem:s9+$0x1A630]  }
0x156: {  	[tilespmem:s9+$0x1A5C0] =	vst v7;
	v7 =	vmul.f32 v10, v13;
	v10 =	vperm.xlane v8, v0;
	v15 =	vld [tilespmem:s9+$0x1A640]  }
0x157: {  	[tilespmem:s9+$0x1A5D0] =	vst v6;
	v6 =	vmul.f32 v17, v13;
	v13 =	vld [tilespmem:s9+$0x1A650]  }
0x158: {  	[tilespmem:s9+$0x1A5E0] =	vst v7;
	v7 =	vmul.f32 v11, v10;
	v11 =	vperm.xlane v8, v1;
	v16 =	vld [tilespmem:s9+$0x1A660]  }
0x159: {  	[tilespmem:s9+$0x1A5F0] =	vst v6;
	v6 =	vmul.f32 v14, v10;
	v10 =	vld [tilespmem:s9+$0x1A670]  }
0x15a: {  	[tilespmem:s9+$0x1A610] =	vst v7;
	v7 =	vmul.f32 v9, v11;
	v9 =	vperm.xlane v8, v2;
	v14 =	vld [tilespmem:s9+$0x1A680]  }
0x15b: {  	[tilespmem:s9+$0x1A620] =	vst v6;
	v6 =	vmul.f32 v15, v11;
	v11 =	vld [tilespmem:s9+$0x1A6A0]  }
0x15c: {  	v8 =	vperm.xlane v8, v3;
	[tilespmem:s9+$0x1A630] =	vst v7;
	v7 =	vmul.f32 v13, v9;
	v13 =	vld [tilespmem:s9+$0x1A6B0]  }
0x15d: {  	[tilespmem:s9+$0x1A640] =	vst v6;
	v6 =	vmul.f32 v16, v9;
	v9 =	vld [tilespmem:s9+$0x1A6C0]  }
0x15e: {  	[tilespmem:s9+$0x1A650] =	vst v7;
	v7 =	vmul.f32 v10, v8;
	v10 =	vperm.xlane v12, v0;
	v15 =	vld [tilespmem:s9+$0x1A6D0]  }
0x15f: {  	[tilespmem:s9+$0x1A660] =	vst v6;
	v6 =	vmul.f32 v14, v8;
	v8 =	vld [tilespmem:s9+$0x1A6E0]  }
0x160: {  	[tilespmem:s9+$0x1A670] =	vst v7;
	v7 =	vmul.f32 v11, v10;
	v11 =	vperm.xlane v12, v1;
	v14 =	vld [tilespmem:s9+$0x1A6F0]  }
0x161: {  	[tilespmem:s9+$0x1A680] =	vst v6;
	v6 =	vmul.f32 v13, v10;
	v10 =	vld [tilespmem:s9+$0x1A700]  }
0x162: {  	v13 =	vperm.xlane v12, v2;
	[tilespmem:s9+$0x1A6A0] =	vst v7;
	v9 =	vmul.f32 v9, v11;
	v16 =	vld [tilespmem:s9+$0x1A710]  }
.Ltmp3:
0x163: {  	[tilespmem:s9+$0x1A6B0] =	vst v6;
	v6 =	vmul.f32 v15, v11;
	v7 =	vld [tilespmem:s9+$0x1A730];
	(pc) =	sbr.rel @p0 .LBB2_9-.Ltmp3, $4  }
0x164: {  	v15 =	vperm.xlane v12, v3;
	[tilespmem:s9+$0x1A6C0] =	vst v9;
	v11 =	vmul.f32 v8, v13;
	v8 =	vld [tilespmem:s9+$0x1A740]  }
0x165: {  	[tilespmem:s9+$0x1A6D0] =	vst v6;
	v13 =	vmul.f32 v14, v13;
	v9 =	vld [tilespmem:s9+$0x1A750]  }
0x166: {  	[tilespmem:s9+$0x1A6E0] =	vst v11;
	v12 =	vmul.f32 v10, v15;
	v11 =	vperm.xlane v5, v0;
	v6 =	vld [tilespmem:s9+$0x1A760]  }
0x167: {  	s11 =	sadd.s32 $0x900, s11;
	[tilespmem:s9+$0x1A6F0] =	vst v13;
	v13 =	vmul.f32 v16, v15;
	v10 =	vld [tilespmem:s9+$0x1A770]  }
0x168: {  	[tilespmem:s9+$0x1A700] =	vst v12;
	v60 =	vld [tilespmem:s9+$0x1A780];
	v7 =	vmul.f32 v7, v11;
	v61 =	vperm.xlane v5, v1  }
0x169: {  	v14 =	vld [tilespmem:s9+$0x1A790];
	[tilespmem:s9+$0x1A710] =	vst v13;
	v8 =	vmul.f32 v8, v11  }
0x16a: {  	v62 =	vperm.xlane v5, v2;
	v63 =	vld [tilespmem:s9+$0x1A7A0];
	[tilespmem:s9+$0x1A730] =	vst v7;
	v7 =	vmul.f32 v9, v61  }
0x16b: {  	[tilespmem:s9+$0x1A740] =	vst v8;
	v6 =	vmul.f32 v6, v61  }
0x16c: {  	v5 =	vperm.xlane v5, v3;
	[tilespmem:s9+$0x1A750] =	vst v7;
	v7 =	vmul.f32 v10, v62  }
0x16d: {  	[tilespmem:s9+$0x1A760] =	vst v6;
	v6 =	vmul.f32 v60, v62  }
0x16e: {  	[tilespmem:s9+$0x1A770] =	vst v7;
	v7 =	vmul.f32 v14, v5  }
0x16f: {  	s11 =	sshll.u32 s17, $0x1;
	v5 =	vmul.f32 v63, v5;
	[tilespmem:s9+$0x1A780] =	vst v6  }
0x170: {  	s11 =	sadd.s32 s8, s11;
	[tilespmem:s9+$0x1A790] =	vst v7  }
0x171: {  	s12 =	smul.u32 $0xF0, s11;
	[tilespmem:s9+$0x1A7A0] =	vst v5  }
0x172: {  	[spmem:s4] =	stream.indirect.scatter.add.f32 [tilespmem:s24], [sflag:$0x6], $0x90, s25, s20, $0xb8;
	[tilespmem:$0x1F810] =	vst v63  }
0x173: {  	s9 =	sshrl.u32 s12, $0x3;
	_ =	swait.ge [sflag:s0], $0x4380  }
0x174: {  	s9 =	sadd.s32 s7, s9;
	[sflag:s0] =	ssyncset.done $0x0  }
0x175: {  	s13 =	sadd.s32 $0x3C, s9;
	[sflag:s0] =	ssyncadd.s32 $0xFFFFBC80  }
0x176: {  	[tilespmem:s18], [sflag:$0x7] =	stream.linear.gather [hbm4b:s13+s5], $0xF0, $0x38;
	[tilespmem:$0x1F810] =	vst v63  }
0x177: {  	_ =	swait.ge [sflag:s16], $0xF0  }
0x178: {  	[sflag:s16] =	ssyncset.done $0x0  }
0x179: {  	[sflag:s16] =	ssyncadd.s32 $0xFFFFFF10  }
0x17a: {  	[tilespmem:s21], [sflag:$0x1] =	stream.indirect.gather [hbm4b:s6+s20], $0x90, s18, s20, $0xb8;
	[tilespmem:$0x1F810] =	vst v63  }
0x17b: {  	_ = 	snop  }
0x17c: {  	[tilespmem:s23], [sflag:$0x3] =	stream.indirect.gather [hbm4b:s1+s20], $0x10, s22, s20, $0xb8;
	[tilespmem:$0x1F810] =	vst v63  }
0x17d: {  	_ =	swait.ge [sflag:s3], $0x4380  }
0x17e: {  	[sflag:s3] =	ssyncset.done $0x0  }
0x17f: {  	s17 =	sadd.s32 $0x1, s17;
	s9 =	sadd.s32 $0x5A, s9;
	[sflag:s3] =	ssyncadd.s32 $0xFFFFBC80  }
0x180: {  	[tilespmem:s19], [sflag:$0x7] =	stream.linear.gather [hbm4b:s9+s5], $0xF0, $0x38;
	[tilespmem:$0x1F810] =	vst v63  }
0x181: {  	p0 =	sne.s32 s17, $0x29;
	_ =	swait.ge [sflag:s16], $0xF0  }
.Ltmp4:
0x182: {  	[sflag:s16] =	ssyncset.done $0x0;
	(pc) =	sbr.rel @p0 .LBB2_2-.Ltmp4, $4  }
0x183: {  	[sflag:s16] =	ssyncadd.s32 $0xFFFFFF10  }
0x184: {  	[tilespmem:s24], [sflag:$0x2] =	stream.indirect.gather [hbm4b:s6+s20], $0x90, s19, s20, $0xb8;
	[tilespmem:$0x1F810] =	vst v63  }
0x185: {  	_ = 	snop  }
0x186: {  	[tilespmem:s26], [sflag:$0x4] =	stream.indirect.gather [hbm4b:s1+s20], $0x10, s25, s20, $0xb8;
	[tilespmem:$0x1F810] =	vst v63  }
0x187: {  	_ =	swait.ge [sflag:s28], $0x4380  }
0x188: {  	[sflag:s28] =	ssyncset.done $0x0  }
0x189: {  	[sflag:s28] =	ssyncadd.s32 $0xFFFFBC80  }
0x18a: {  	_ =	swait.ge [sflag:s29], $0x780  }
0x18b: {  	[sflag:s29] =	ssyncset.done $0x0  }
0x18c: {  	s11 =	simm.s32 $0x163A0;
	[sflag:s29] =	ssyncadd.s32 $0xFFFFF880  }
0x18d: {  	s13 =	simm.s32 $0x30;
	s12 =	simm.s32 $0x1C0;
	s9 =	simm.s32 $0x163A0;
	v5 =	vld [tilespmem:s11+$0xFFFFFEE0]  }
.LBB2_12:
0x18e: {  	p0 =	sne.s32 s12, $0x1DC0;
	v6 =	vld [tilespmem:s13+$0x1E8D0];
	_ =	sdelay $0x4  }
0x18f: {  	v5 =	vadd.f32 v6, v5;
	_ =	sdelay $0x1  }
0x190: {  	v6 =	vmul.f32 $2.000000030e-01, v5;
	_ =	sdelay $0x1  }
0x191: {  	v5 =	vmax.f32 v5, v6  }
0x192: {  	v5 =	vsub.f32 v5, v4;
	_ =	sdelay $0x1  }
0x193: {  	v5 =	vmul.f32 $1.442695020e+00, v5;
	_ =	sdelay $0x1  }
0x194: {  	(erf) = vpow2.f32 v5;
	_ =	sdelay $0x8  }
0x195: {  	v5 =	vpop (erf)  }
0x196: {  	[tilespmem:s11+$0xFFFFFEE0] =	vst v5;
	v5 =	vld [tilespmem:s11+$0xFFFFFF70]  }
0x197: {  	v6 =	vld [tilespmem:s13+$0x1E8E0];
	_ =	sdelay $0x4  }
0x198: {  	v5 =	vadd.f32 v6, v5;
	_ =	sdelay $0x1  }
0x199: {  	v6 =	vmul.f32 $2.000000030e-01, v5;
	_ =	sdelay $0x1  }
0x19a: {  	v5 =	vmax.f32 v5, v6  }
0x19b: {  	v5 =	vsub.f32 v5, v4;
	_ =	sdelay $0x1  }
0x19c: {  	v5 =	vmul.f32 $1.442695020e+00, v5;
	_ =	sdelay $0x1  }
0x19d: {  	(erf) = vpow2.f32 v5;
	_ =	sdelay $0x8  }
0x19e: {  	v5 =	vpop (erf)  }
0x19f: {  	[tilespmem:s11+$0xFFFFFF70] =	vst v5;
	v5 =	vld [tilespmem:s11+$0x0]  }
0x1a0: {  	v6 =	vld [tilespmem:s13+$0x1E8F0];
	_ =	sdelay $0x4  }
0x1a1: {  	v5 =	vadd.f32 v6, v5;
	_ =	sdelay $0x1  }
0x1a2: {  	v6 =	vmul.f32 $2.000000030e-01, v5;
	_ =	sdelay $0x1  }
0x1a3: {  	v5 =	vmax.f32 v5, v6  }
0x1a4: {  	v5 =	vsub.f32 v5, v4;
	_ =	sdelay $0x1  }
0x1a5: {  	v5 =	vmul.f32 $1.442695020e+00, v5;
	_ =	sdelay $0x1  }
0x1a6: {  	(erf) = vpow2.f32 v5;
	_ =	sdelay $0x8  }
0x1a7: {  	v5 =	vpop (erf)  }
0x1a8: {  	[tilespmem:s11+$0x0] =	vst v5;
	v5 =	vld [tilespmem:s11+$0x90]  }
0x1a9: {  	v6 =	vld [tilespmem:s13+$0x1E900];
	_ =	sdelay $0x4  }
0x1aa: {  	v5 =	vadd.f32 v6, v5;
	_ =	sdelay $0x1  }
0x1ab: {  	v6 =	vmul.f32 $2.000000030e-01, v5;
	_ =	sdelay $0x1  }
0x1ac: {  	v5 =	vmax.f32 v5, v6  }
0x1ad: {  	v5 =	vsub.f32 v5, v4;
	_ =	sdelay $0x1  }
0x1ae: {  	v5 =	vmul.f32 $1.442695020e+00, v5;
	_ =	sdelay $0x1  }
0x1af: {  	(erf) = vpow2.f32 v5;
	_ =	sdelay $0x5  }
.Ltmp5:
0x1b0: {  	(pc) =	sbr.rel @p0 .LBB2_12-.Ltmp5, $3  }
0x1b1: {  	_ =	sdelay $0x1  }
0x1b2: {  	s11 =	sadd.s32 $0x240, s11;
	v6 =	vpop (erf)  }
0x1b3: {  	s13 =	sshra.s32 s12, $0x2;
	s12 =	sadd.s32 $0x100, s12;
	v5 =	vld [tilespmem:s11+$0xFFFFFEE0];
	[tilespmem:s9+$0x90] =	vst v6;
	s9 =	smov.u32 s11  }
0x1b4: {  	v6 =	vld [tilespmem:s13+$0x1E8D0];
	_ =	sdelay $0x4  }
0x1b5: {  	v5 =	vadd.f32 v6, v5;
	_ =	sdelay $0x1  }
0x1b6: {  	v6 =	vmul.f32 $2.000000030e-01, v5;
	_ =	sdelay $0x1  }
0x1b7: {  	v5 =	vmax.f32 v5, v6  }
0x1b8: {  	v5 =	vsub.f32 v5, v4;
	_ =	sdelay $0x1  }
0x1b9: {  	v5 =	vmul.f32 $1.442695020e+00, v5;
	_ =	sdelay $0x1  }
0x1ba: {  	(erf) = vpow2.f32 v5;
	_ =	sdelay $0x8  }
0x1bb: {  	v5 =	vpop (erf)  }
0x1bc: {  	[tilespmem:s11+$0xFFFFFEE0] =	vst v5;
	v5 =	vld [tilespmem:s11+$0xFFFFFF70]  }
0x1bd: {  	v6 =	vld [tilespmem:s13+$0x1E8E0];
	_ =	sdelay $0x4  }
0x1be: {  	v5 =	vadd.f32 v6, v5;
	_ =	sdelay $0x1  }
0x1bf: {  	v6 =	vmul.f32 $2.000000030e-01, v5;
	_ =	sdelay $0x1  }
0x1c0: {  	v5 =	vmax.f32 v5, v6  }
0x1c1: {  	v5 =	vsub.f32 v5, v4;
	_ =	sdelay $0x1  }
0x1c2: {  	v5 =	vmul.f32 $1.442695020e+00, v5;
	_ =	sdelay $0x1  }
0x1c3: {  	(erf) = vpow2.f32 v5;
	_ =	sdelay $0x8  }
0x1c4: {  	v5 =	vpop (erf)  }
0x1c5: {  	[tilespmem:s11+$0xFFFFFF70] =	vst v5;
	v5 =	vld [tilespmem:s11+$0x0]  }
0x1c6: {  	v6 =	vld [tilespmem:s13+$0x1E8F0];
	_ =	sdelay $0x4  }
0x1c7: {  	v5 =	vadd.f32 v6, v5;
	_ =	sdelay $0x1  }
0x1c8: {  	v6 =	vmul.f32 $2.000000030e-01, v5;
	_ =	sdelay $0x1  }
0x1c9: {  	v5 =	vmax.f32 v5, v6  }
0x1ca: {  	v5 =	vsub.f32 v5, v4;
	_ =	sdelay $0x1  }
0x1cb: {  	v5 =	vmul.f32 $1.442695020e+00, v5;
	_ =	sdelay $0x1  }
0x1cc: {  	(erf) = vpow2.f32 v5;
	_ =	sdelay $0x8  }
0x1cd: {  	v5 =	vpop (erf)  }
0x1ce: {  	[tilespmem:s11+$0x0] =	vst v5;
	v5 =	vld [tilespmem:s11+$0x90]  }
0x1cf: {  	v6 =	vld [tilespmem:s13+$0x1E900];
	_ =	sdelay $0x4  }
0x1d0: {  	v5 =	vadd.f32 v6, v5;
	_ =	sdelay $0x1  }
0x1d1: {  	v6 =	vmul.f32 $2.000000030e-01, v5;
	_ =	sdelay $0x1  }
0x1d2: {  	v5 =	vmax.f32 v5, v6  }
0x1d3: {  	v5 =	vsub.f32 v5, v4;
	_ =	sdelay $0x1  }
0x1d4: {  	v5 =	vmul.f32 $1.442695020e+00, v5;
	_ =	sdelay $0x1  }
0x1d5: {  	(erf) = vpow2.f32 v5;
	_ =	sdelay $0x8  }
0x1d6: {  	v5 =	vpop (erf)  }
0x1d7: {  	[tilespmem:s9+$0x90] =	vst v5;
	s9 =	simm.s32 $0x0  }
0x1d8: {  	v6 =	vld [tilespmem:s9+$0x16280]  }
0x1d9: {  	v7 =	vld [tilespmem:s9+$0x16310]  }
0x1da: {  	v10 =	vld [tilespmem:s9+$0x163A0]  }
0x1db: {  	v8 =	vld [tilespmem:s9+$0x16200]  }
0x1dc: {  	v9 =	vld [tilespmem:s9+$0x16210]  }
0x1dd: {  	v11 =	vld [tilespmem:s9+$0x16220]  }
0x1de: {  	v13 =	vld [tilespmem:s9+$0x16230];
	v12 =	vperm.xlane v6, v0  }
0x1df: {  	v14 =	vld [tilespmem:s9+$0x16240]  }
0x1e0: {  	v15 =	vld [tilespmem:s9+$0x16250];
	v17 =	vperm.xlane v6, v1;
	v8 =	vmul.f32 v8, v12  }
0x1e1: {  	v16 =	vld [tilespmem:s9+$0x16260];
	v9 =	vmul.f32 v9, v12  }
0x1e2: {  	v11 =	vmul.f32 v11, v17;
	v12 =	vperm.xlane v6, v2;
	[tilespmem:s9+$0x16200] =	vst v8;
	v8 =	vld [tilespmem:s9+$0x16270]  }
0x1e3: {  	v13 =	vmul.f32 v13, v17;
	[tilespmem:s9+$0x16210] =	vst v9;
	v9 =	vld [tilespmem:s9+$0x16290]  }
0x1e4: {  	v6 =	vperm.xlane v6, v3;
	[tilespmem:s9+$0x16220] =	vst v11;
	v11 =	vld [tilespmem:s9+$0x162A0];
	v14 =	vmul.f32 v14, v12  }
0x1e5: {  	[tilespmem:s9+$0x16230] =	vst v13;
	v13 =	vld [tilespmem:s9+$0x162B0];
	v12 =	vmul.f32 v15, v12  }
0x1e6: {  	v61 =	vperm.xlane v7, v0;
	v15 =	vmul.f32 v16, v6;
	[tilespmem:s9+$0x16240] =	vst v14;
	v14 =	vld [tilespmem:s9+$0x162C0]  }
0x1e7: {  	[tilespmem:s9+$0x16250] =	vst v12;
	v12 =	vld [tilespmem:s9+$0x162D0];
	v6 =	vmul.f32 v8, v6  }
0x1e8: {  	[tilespmem:s9+$0x16260] =	vst v15;
	v15 =	vperm.xlane v7, v1;
	v8 =	vld [tilespmem:s9+$0x162E0];
	v9 =	vmul.f32 v9, v61  }
0x1e9: {  	v5 =	vld [tilespmem:s9+$0x16430];
	v11 =	vmul.f32 v11, v61;
	[tilespmem:s9+$0x16270] =	vst v6  }
0x1ea: {  	v62 =	vperm.xlane v7, v2;
	v13 =	vmul.f32 v13, v15;
	v6 =	vld [tilespmem:s9+$0x162F0];
	[tilespmem:s9+$0x16290] =	vst v9  }
0x1eb: {  	v9 =	vld [tilespmem:s9+$0x16300];
	[tilespmem:s9+$0x162A0] =	vst v11;
	v14 =	vmul.f32 v14, v15  }
0x1ec: {  	v11 =	vld [tilespmem:s9+$0x16320];
	[tilespmem:s9+$0x162B0] =	vst v13;
	v12 =	vmul.f32 v12, v62  }
0x1ed: {  	v7 =	vperm.xlane v7, v3;
	v13 =	vld [tilespmem:s9+$0x16330];
	[tilespmem:s9+$0x162C0] =	vst v14;
	v8 =	vmul.f32 v8, v62  }
0x1ee: {  	v14 =	vld [tilespmem:s9+$0x16340];
	[tilespmem:s9+$0x162D0] =	vst v12  }
0x1ef: {  	v12 =	vld [tilespmem:s9+$0x16350];
	v6 =	vmul.f32 v6, v7;
	[tilespmem:s9+$0x162E0] =	vst v8;
	v8 =	vperm.xlane v10, v0  }
0x1f0: {  	v15 =	vld [tilespmem:s9+$0x16360];
	v7 =	vmul.f32 v9, v7  }
0x1f1: {  	v63 =	vperm.xlane v10, v1;
	[tilespmem:s9+$0x162F0] =	vst v6;
	v6 =	vld [tilespmem:s9+$0x16370];
	v9 =	vmul.f32 v11, v8  }
0x1f2: {  	[tilespmem:s9+$0x16300] =	vst v7;
	v11 =	vld [tilespmem:s9+$0x16380];
	v7 =	vmul.f32 v13, v8  }
0x1f3: {  	v13 =	vld [tilespmem:s9+$0x16390];
	v8 =	vmul.f32 v14, v63;
	v14 =	vperm.xlane v10, v2;
	[tilespmem:s9+$0x16320] =	vst v9  }
0x1f4: {  	[tilespmem:s9+$0x16330] =	vst v7;
	v7 =	vld [tilespmem:s9+$0x163B0];
	v9 =	vmul.f32 v12, v63  }
0x1f5: {  	v10 =	vperm.xlane v10, v3;
	[tilespmem:s9+$0x16340] =	vst v8;
	v8 =	vld [tilespmem:s9+$0x163C0];
	v12 =	vmul.f32 v15, v14  }
0x1f6: {  	[tilespmem:s9+$0x16350] =	vst v9;
	v9 =	vld [tilespmem:s9+$0x163D0];
	v14 =	vmul.f32 v6, v14  }
0x1f7: {  	[tilespmem:s9+$0x16360] =	vst v12;
	v6 =	vld [tilespmem:s9+$0x163E0];
	v12 =	vmul.f32 v11, v10;
	v11 =	vperm.xlane v5, v0  }
0x1f8: {  	s11 =	simm.s32 $0x900;
	v13 =	vmul.f32 v13, v10;
	v10 =	vld [tilespmem:s9+$0x163F0];
	[tilespmem:s9+$0x16370] =	vst v14  }
.LBB2_14:
0x1f9: {  	p0 =	sne.s32 s11, $0x10500;
	[tilespmem:s9+$0x16380] =	vst v12;
	v7 =	vmul.f32 v7, v11;
	v12 =	vperm.xlane v5, v1;
	v14 =	vld [tilespmem:s9+$0x16400]  }
0x1fa: {  	[tilespmem:s9+$0x16390] =	vst v13;
	v8 =	vmul.f32 v8, v11;
	v11 =	vld [tilespmem:s9+$0x16410]  }
0x1fb: {  	s12 =	sshra.s32 s11, $0x2;
	[tilespmem:s9+$0x163B0] =	vst v7;
	v7 =	vmul.f32 v9, v12;
	v9 =	vperm.xlane v5, v2;
	v13 =	vld [tilespmem:s9+$0x16420]  }
0x1fc: {  	v15 =	vld [tilespmem:s12+$0x16280];
	[tilespmem:s9+$0x163C0] =	vst v8;
	v6 =	vmul.f32 v6, v12  }
0x1fd: {  	v8 =	vld [tilespmem:s12+$0x16310];
	[tilespmem:s9+$0x163D0] =	vst v7;
	v7 =	vmul.f32 v10, v9;
	v10 =	vperm.xlane v5, v3  }
0x1fe: {  	v12 =	vld [tilespmem:s12+$0x163A0];
	[tilespmem:s9+$0x163E0] =	vst v6;
	v6 =	vmul.f32 v14, v9  }
0x1ff: {  	v5 =	vld [tilespmem:s12+$0x16430];
	[tilespmem:s9+$0x163F0] =	vst v7;
	v7 =	vmul.f32 v11, v10  }
0x200: {  	v9 =	vld [tilespmem:s12+$0x16200];
	[tilespmem:s9+$0x16400] =	vst v6;
	v6 =	vmul.f32 v13, v10  }
0x201: {  	v10 =	vld [tilespmem:s12+$0x16210];
	[tilespmem:s9+$0x16410] =	vst v7  }
0x202: {  	v7 =	vld [tilespmem:s12+$0x16220];
	[tilespmem:s9+$0x16420] =	vst v6;
	s9 =	smov.u32 s12  }
0x203: {  	v6 =	vperm.xlane v15, v0;
	v11 =	vld [tilespmem:s9+$0x16230]  }
0x204: {  	v13 =	vld [tilespmem:s9+$0x16240]  }
0x205: {  	v14 =	vperm.xlane v15, v1;
	v9 =	vmul.f32 v9, v6;
	v16 =	vld [tilespmem:s9+$0x16250]  }
0x206: {  	v6 =	vmul.f32 v10, v6;
	v10 =	vld [tilespmem:s9+$0x16260]  }
0x207: {  	[tilespmem:s9+$0x16200] =	vst v9;
	v7 =	vmul.f32 v7, v14;
	v9 =	vperm.xlane v15, v2;
	v17 =	vld [tilespmem:s9+$0x16270]  }
0x208: {  	[tilespmem:s9+$0x16210] =	vst v6;
	v6 =	vmul.f32 v11, v14;
	v11 =	vld [tilespmem:s9+$0x16290]  }
0x209: {  	[tilespmem:s9+$0x16220] =	vst v7;
	v7 =	vmul.f32 v13, v9;
	v13 =	vperm.xlane v15, v3;
	v14 =	vld [tilespmem:s9+$0x162A0]  }
0x20a: {  	[tilespmem:s9+$0x16230] =	vst v6;
	v6 =	vmul.f32 v16, v9;
	v9 =	vld [tilespmem:s9+$0x162B0]  }
0x20b: {  	[tilespmem:s9+$0x16240] =	vst v7;
	v7 =	vmul.f32 v10, v13;
	v10 =	vperm.xlane v8, v0;
	v15 =	vld [tilespmem:s9+$0x162C0]  }
0x20c: {  	[tilespmem:s9+$0x16250] =	vst v6;
	v6 =	vmul.f32 v17, v13;
	v13 =	vld [tilespmem:s9+$0x162D0]  }
0x20d: {  	[tilespmem:s9+$0x16260] =	vst v7;
	v7 =	vmul.f32 v11, v10;
	v11 =	vperm.xlane v8, v1;
	v16 =	vld [tilespmem:s9+$0x162E0]  }
0x20e: {  	[tilespmem:s9+$0x16270] =	vst v6;
	v6 =	vmul.f32 v14, v10;
	v10 =	vld [tilespmem:s9+$0x162F0]  }
0x20f: {  	[tilespmem:s9+$0x16290] =	vst v7;
	v7 =	vmul.f32 v9, v11;
	v9 =	vperm.xlane v8, v2;
	v14 =	vld [tilespmem:s9+$0x16300]  }
0x210: {  	[tilespmem:s9+$0x162A0] =	vst v6;
	v6 =	vmul.f32 v15, v11;
	v11 =	vld [tilespmem:s9+$0x16320]  }
0x211: {  	v8 =	vperm.xlane v8, v3;
	[tilespmem:s9+$0x162B0] =	vst v7;
	v7 =	vmul.f32 v13, v9;
	v13 =	vld [tilespmem:s9+$0x16330]  }
0x212: {  	[tilespmem:s9+$0x162C0] =	vst v6;
	v6 =	vmul.f32 v16, v9;
	v9 =	vld [tilespmem:s9+$0x16340]  }
0x213: {  	[tilespmem:s9+$0x162D0] =	vst v7;
	v7 =	vmul.f32 v10, v8;
	v10 =	vperm.xlane v12, v0;
	v15 =	vld [tilespmem:s9+$0x16350]  }
0x214: {  	[tilespmem:s9+$0x162E0] =	vst v6;
	v6 =	vmul.f32 v14, v8;
	v8 =	vld [tilespmem:s9+$0x16360]  }
0x215: {  	[tilespmem:s9+$0x162F0] =	vst v7;
	v7 =	vmul.f32 v11, v10;
	v11 =	vperm.xlane v12, v1;
	v14 =	vld [tilespmem:s9+$0x16370]  }
0x216: {  	[tilespmem:s9+$0x16300] =	vst v6;
	v6 =	vmul.f32 v13, v10;
	v10 =	vld [tilespmem:s9+$0x16380]  }
0x217: {  	v13 =	vperm.xlane v12, v2;
	[tilespmem:s9+$0x16320] =	vst v7;
	v9 =	vmul.f32 v9, v11;
	v16 =	vld [tilespmem:s9+$0x16390]  }
.Ltmp6:
0x218: {  	[tilespmem:s9+$0x16330] =	vst v6;
	v6 =	vmul.f32 v15, v11;
	v7 =	vld [tilespmem:s9+$0x163B0];
	(pc) =	sbr.rel @p0 .LBB2_14-.Ltmp6, $4  }
0x219: {  	v15 =	vperm.xlane v12, v3;
	[tilespmem:s9+$0x16340] =	vst v9;
	v11 =	vmul.f32 v8, v13;
	v8 =	vld [tilespmem:s9+$0x163C0]  }
0x21a: {  	[tilespmem:s9+$0x16350] =	vst v6;
	v13 =	vmul.f32 v14, v13;
	v9 =	vld [tilespmem:s9+$0x163D0]  }
0x21b: {  	[tilespmem:s9+$0x16360] =	vst v11;
	v12 =	vmul.f32 v10, v15;
	v11 =	vperm.xlane v5, v0;
	v6 =	vld [tilespmem:s9+$0x163E0]  }
0x21c: {  	s11 =	sadd.s32 $0x900, s11;
	[tilespmem:s9+$0x16370] =	vst v13;
	v13 =	vmul.f32 v16, v15;
	v10 =	vld [tilespmem:s9+$0x163F0]  }
0x21d: {  	[tilespmem:s9+$0x16380] =	vst v12;
	v60 =	vld [tilespmem:s9+$0x16400];
	v7 =	vmul.f32 v7, v11;
	v61 =	vperm.xlane v5, v1  }
0x21e: {  	v14 =	vld [tilespmem:s9+$0x16410];
	[tilespmem:s9+$0x16390] =	vst v13;
	v8 =	vmul.f32 v8, v11  }
0x21f: {  	v62 =	vperm.xlane v5, v2;
	v63 =	vld [tilespmem:s9+$0x16420];
	[tilespmem:s9+$0x163B0] =	vst v7;
	v7 =	vmul.f32 v9, v61  }
0x220: {  	[tilespmem:s9+$0x163C0] =	vst v8;
	v6 =	vmul.f32 v6, v61  }
0x221: {  	v5 =	vperm.xlane v5, v3;
	[tilespmem:s9+$0x163D0] =	vst v7;
	v7 =	vmul.f32 v10, v62  }
0x222: {  	[tilespmem:s9+$0x163E0] =	vst v6;
	v6 =	vmul.f32 v60, v62  }
0x223: {  	[tilespmem:s9+$0x163F0] =	vst v7;
	v7 =	vmul.f32 v14, v5  }
0x224: {  	v5 =	vmul.f32 v63, v5;
	[tilespmem:s9+$0x16400] =	vst v6  }
0x225: {  	[tilespmem:s9+$0x16410] =	vst v7  }
0x226: {  	[tilespmem:s9+$0x16420] =	vst v5  }
0x227: {  	[spmem:s4] =	stream.indirect.scatter.add.f32 [tilespmem:s21], [sflag:$0x5], $0x90, s22, s20, $0xb8;
	[tilespmem:$0x1F810] =	vst v63  }
0x228: {  	_ =	swait.ge [sflag:s30], $0x4380  }
0x229: {  	[sflag:s30] =	ssyncset.done $0x0  }
0x22a: {  	[sflag:s30] =	ssyncadd.s32 $0xFFFFBC80  }
0x22b: {  	_ =	swait.ge [sflag:s31], $0x780  }
0x22c: {  	[sflag:s31] =	ssyncset.done $0x0  }
0x22d: {  	s11 =	simm.s32 $0x1A720;
	[sflag:s31] =	ssyncadd.s32 $0xFFFFF880  }
0x22e: {  	s13 =	simm.s32 $0x30;
	s12 =	simm.s32 $0x1C0;
	s9 =	simm.s32 $0x1A720;
	v5 =	vld [tilespmem:s11+$0xFFFFFEE0]  }
.LBB2_16:
0x22f: {  	p0 =	sne.s32 s12, $0x1DC0;
	v6 =	vld [tilespmem:s13+$0x1F050];
	_ =	sdelay $0x4  }
0x230: {  	v5 =	vadd.f32 v6, v5;
	_ =	sdelay $0x1  }
0x231: {  	v6 =	vmul.f32 $2.000000030e-01, v5;
	_ =	sdelay $0x1  }
0x232: {  	v5 =	vmax.f32 v5, v6  }
0x233: {  	v5 =	vsub.f32 v5, v4;
	_ =	sdelay $0x1  }
0x234: {  	v5 =	vmul.f32 $1.442695020e+00, v5;
	_ =	sdelay $0x1  }
0x235: {  	(erf) = vpow2.f32 v5;
	_ =	sdelay $0x8  }
0x236: {  	v5 =	vpop (erf)  }
0x237: {  	[tilespmem:s11+$0xFFFFFEE0] =	vst v5;
	v5 =	vld [tilespmem:s11+$0xFFFFFF70]  }
0x238: {  	v6 =	vld [tilespmem:s13+$0x1F060];
	_ =	sdelay $0x4  }
0x239: {  	v5 =	vadd.f32 v6, v5;
	_ =	sdelay $0x1  }
0x23a: {  	v6 =	vmul.f32 $2.000000030e-01, v5;
	_ =	sdelay $0x1  }
0x23b: {  	v5 =	vmax.f32 v5, v6  }
0x23c: {  	v5 =	vsub.f32 v5, v4;
	_ =	sdelay $0x1  }
0x23d: {  	v5 =	vmul.f32 $1.442695020e+00, v5;
	_ =	sdelay $0x1  }
0x23e: {  	(erf) = vpow2.f32 v5;
	_ =	sdelay $0x8  }
0x23f: {  	v5 =	vpop (erf)  }
0x240: {  	[tilespmem:s11+$0xFFFFFF70] =	vst v5;
	v5 =	vld [tilespmem:s11+$0x0]  }
0x241: {  	v6 =	vld [tilespmem:s13+$0x1F070];
	_ =	sdelay $0x4  }
0x242: {  	v5 =	vadd.f32 v6, v5;
	_ =	sdelay $0x1  }
0x243: {  	v6 =	vmul.f32 $2.000000030e-01, v5;
	_ =	sdelay $0x1  }
0x244: {  	v5 =	vmax.f32 v5, v6  }
0x245: {  	v5 =	vsub.f32 v5, v4;
	_ =	sdelay $0x1  }
0x246: {  	v5 =	vmul.f32 $1.442695020e+00, v5;
	_ =	sdelay $0x1  }
0x247: {  	(erf) = vpow2.f32 v5;
	_ =	sdelay $0x8  }
0x248: {  	v5 =	vpop (erf)  }
0x249: {  	[tilespmem:s11+$0x0] =	vst v5;
	v5 =	vld [tilespmem:s11+$0x90]  }
0x24a: {  	v6 =	vld [tilespmem:s13+$0x1F080];
	_ =	sdelay $0x4  }
0x24b: {  	v5 =	vadd.f32 v6, v5;
	_ =	sdelay $0x1  }
0x24c: {  	v6 =	vmul.f32 $2.000000030e-01, v5;
	_ =	sdelay $0x1  }
0x24d: {  	v5 =	vmax.f32 v5, v6  }
0x24e: {  	v5 =	vsub.f32 v5, v4;
	_ =	sdelay $0x1  }
0x24f: {  	v5 =	vmul.f32 $1.442695020e+00, v5;
	_ =	sdelay $0x1  }
0x250: {  	(erf) = vpow2.f32 v5;
	_ =	sdelay $0x5  }
.Ltmp7:
0x251: {  	(pc) =	sbr.rel @p0 .LBB2_16-.Ltmp7, $3  }
0x252: {  	_ =	sdelay $0x1  }
0x253: {  	s11 =	sadd.s32 $0x240, s11;
	v6 =	vpop (erf)  }
0x254: {  	s13 =	sshra.s32 s12, $0x2;
	s12 =	sadd.s32 $0x100, s12;
	v5 =	vld [tilespmem:s11+$0xFFFFFEE0];
	[tilespmem:s9+$0x90] =	vst v6;
	s9 =	smov.u32 s11  }
0x255: {  	v6 =	vld [tilespmem:s13+$0x1F050];
	_ =	sdelay $0x4  }
0x256: {  	v5 =	vadd.f32 v6, v5;
	_ =	sdelay $0x1  }
0x257: {  	v6 =	vmul.f32 $2.000000030e-01, v5;
	_ =	sdelay $0x1  }
0x258: {  	v5 =	vmax.f32 v5, v6  }
0x259: {  	v5 =	vsub.f32 v5, v4;
	_ =	sdelay $0x1  }
0x25a: {  	v5 =	vmul.f32 $1.442695020e+00, v5;
	_ =	sdelay $0x1  }
0x25b: {  	(erf) = vpow2.f32 v5;
	_ =	sdelay $0x8  }
0x25c: {  	v5 =	vpop (erf)  }
0x25d: {  	[tilespmem:s11+$0xFFFFFEE0] =	vst v5;
	v5 =	vld [tilespmem:s11+$0xFFFFFF70]  }
0x25e: {  	v6 =	vld [tilespmem:s13+$0x1F060];
	_ =	sdelay $0x4  }
0x25f: {  	v5 =	vadd.f32 v6, v5;
	_ =	sdelay $0x1  }
0x260: {  	v6 =	vmul.f32 $2.000000030e-01, v5;
	_ =	sdelay $0x1  }
0x261: {  	v5 =	vmax.f32 v5, v6  }
0x262: {  	v5 =	vsub.f32 v5, v4;
	_ =	sdelay $0x1  }
0x263: {  	v5 =	vmul.f32 $1.442695020e+00, v5;
	_ =	sdelay $0x1  }
0x264: {  	(erf) = vpow2.f32 v5;
	_ =	sdelay $0x8  }
0x265: {  	v5 =	vpop (erf)  }
0x266: {  	[tilespmem:s11+$0xFFFFFF70] =	vst v5;
	v5 =	vld [tilespmem:s11+$0x0]  }
0x267: {  	v6 =	vld [tilespmem:s13+$0x1F070];
	_ =	sdelay $0x4  }
0x268: {  	v5 =	vadd.f32 v6, v5;
	_ =	sdelay $0x1  }
0x269: {  	v6 =	vmul.f32 $2.000000030e-01, v5;
	_ =	sdelay $0x1  }
0x26a: {  	v5 =	vmax.f32 v5, v6  }
0x26b: {  	v5 =	vsub.f32 v5, v4;
	_ =	sdelay $0x1  }
0x26c: {  	v5 =	vmul.f32 $1.442695020e+00, v5;
	_ =	sdelay $0x1  }
0x26d: {  	(erf) = vpow2.f32 v5;
	_ =	sdelay $0x8  }
0x26e: {  	v5 =	vpop (erf)  }
0x26f: {  	[tilespmem:s11+$0x0] =	vst v5;
	v5 =	vld [tilespmem:s11+$0x90]  }
0x270: {  	v6 =	vld [tilespmem:s13+$0x1F080];
	_ =	sdelay $0x4  }
0x271: {  	v5 =	vadd.f32 v6, v5;
	_ =	sdelay $0x1  }
0x272: {  	v6 =	vmul.f32 $2.000000030e-01, v5;
	_ =	sdelay $0x1  }
0x273: {  	v5 =	vmax.f32 v5, v6  }
0x274: {  	v4 =	vsub.f32 v5, v4;
	_ =	sdelay $0x1  }
0x275: {  	v4 =	vmul.f32 $1.442695020e+00, v4;
	_ =	sdelay $0x1  }
0x276: {  	(erf) = vpow2.f32 v4;
	_ =	sdelay $0x8  }
0x277: {  	v4 =	vpop (erf)  }
0x278: {  	[tilespmem:s9+$0x90] =	vst v4;
	s9 =	simm.s32 $0x0  }
0x279: {  	v5 =	vld [tilespmem:s9+$0x1A600]  }
0x27a: {  	v6 =	vld [tilespmem:s9+$0x1A690]  }
0x27b: {  	v9 =	vld [tilespmem:s9+$0x1A720]  }
0x27c: {  	v7 =	vld [tilespmem:s9+$0x1A580]  }
0x27d: {  	v8 =	vld [tilespmem:s9+$0x1A590]  }
0x27e: {  	v10 =	vld [tilespmem:s9+$0x1A5A0]  }
0x27f: {  	v12 =	vld [tilespmem:s9+$0x1A5B0];
	v11 =	vperm.xlane v5, v0  }
0x280: {  	v13 =	vld [tilespmem:s9+$0x1A5C0]  }
0x281: {  	v14 =	vld [tilespmem:s9+$0x1A5D0];
	v16 =	vperm.xlane v5, v1;
	v7 =	vmul.f32 v7, v11  }
0x282: {  	v15 =	vld [tilespmem:s9+$0x1A5E0];
	v8 =	vmul.f32 v8, v11  }
0x283: {  	v10 =	vmul.f32 v10, v16;
	v11 =	vperm.xlane v5, v2;
	[tilespmem:s9+$0x1A580] =	vst v7;
	v7 =	vld [tilespmem:s9+$0x1A5F0]  }
0x284: {  	v12 =	vmul.f32 v12, v16;
	[tilespmem:s9+$0x1A590] =	vst v8;
	v8 =	vld [tilespmem:s9+$0x1A610]  }
0x285: {  	v5 =	vperm.xlane v5, v3;
	[tilespmem:s9+$0x1A5A0] =	vst v10;
	v10 =	vld [tilespmem:s9+$0x1A620];
	v13 =	vmul.f32 v13, v11  }
0x286: {  	[tilespmem:s9+$0x1A5B0] =	vst v12;
	v12 =	vld [tilespmem:s9+$0x1A630];
	v11 =	vmul.f32 v14, v11  }
0x287: {  	v14 =	vmul.f32 v15, v5;
	v15 =	vperm.xlane v6, v0;
	[tilespmem:s9+$0x1A5C0] =	vst v13;
	v13 =	vld [tilespmem:s9+$0x1A640]  }
0x288: {  	[tilespmem:s9+$0x1A5D0] =	vst v11;
	v11 =	vld [tilespmem:s9+$0x1A650];
	v5 =	vmul.f32 v7, v5  }
0x289: {  	[tilespmem:s9+$0x1A5E0] =	vst v14;
	v14 =	vperm.xlane v6, v1;
	v7 =	vld [tilespmem:s9+$0x1A660];
	v8 =	vmul.f32 v8, v15  }
0x28a: {  	v4 =	vld [tilespmem:s9+$0x1A7B0];
	v10 =	vmul.f32 v10, v15;
	[tilespmem:s9+$0x1A5F0] =	vst v5  }
0x28b: {  	v12 =	vmul.f32 v12, v14;
	v15 =	vperm.xlane v6, v2;
	v5 =	vld [tilespmem:s9+$0x1A670];
	[tilespmem:s9+$0x1A610] =	vst v8  }
0x28c: {  	v8 =	vld [tilespmem:s9+$0x1A680];
	[tilespmem:s9+$0x1A620] =	vst v10;
	v13 =	vmul.f32 v13, v14  }
0x28d: {  	v10 =	vld [tilespmem:s9+$0x1A6A0];
	[tilespmem:s9+$0x1A630] =	vst v12;
	v11 =	vmul.f32 v11, v15  }
0x28e: {  	v6 =	vperm.xlane v6, v3;
	v12 =	vld [tilespmem:s9+$0x1A6B0];
	[tilespmem:s9+$0x1A640] =	vst v13;
	v7 =	vmul.f32 v7, v15  }
0x28f: {  	v13 =	vld [tilespmem:s9+$0x1A6C0];
	[tilespmem:s9+$0x1A650] =	vst v11  }
0x290: {  	v11 =	vld [tilespmem:s9+$0x1A6D0];
	v5 =	vmul.f32 v5, v6;
	[tilespmem:s9+$0x1A660] =	vst v7;
	v7 =	vperm.xlane v9, v0  }
0x291: {  	v14 =	vld [tilespmem:s9+$0x1A6E0];
	v6 =	vmul.f32 v8, v6  }
0x292: {  	v15 =	vperm.xlane v9, v1;
	[tilespmem:s9+$0x1A670] =	vst v5;
	v5 =	vld [tilespmem:s9+$0x1A6F0];
	v8 =	vmul.f32 v10, v7  }
0x293: {  	[tilespmem:s9+$0x1A680] =	vst v6;
	v10 =	vld [tilespmem:s9+$0x1A700];
	v6 =	vmul.f32 v12, v7  }
0x294: {  	v12 =	vld [tilespmem:s9+$0x1A710];
	v7 =	vmul.f32 v13, v15;
	v13 =	vperm.xlane v9, v2;
	[tilespmem:s9+$0x1A6A0] =	vst v8  }
0x295: {  	[tilespmem:s9+$0x1A6B0] =	vst v6;
	v6 =	vld [tilespmem:s9+$0x1A730];
	v8 =	vmul.f32 v11, v15  }
0x296: {  	v9 =	vperm.xlane v9, v3;
	[tilespmem:s9+$0x1A6C0] =	vst v7;
	v7 =	vld [tilespmem:s9+$0x1A740];
	v11 =	vmul.f32 v14, v13  }
0x297: {  	[tilespmem:s9+$0x1A6D0] =	vst v8;
	v8 =	vld [tilespmem:s9+$0x1A750];
	v13 =	vmul.f32 v5, v13  }
0x298: {  	[tilespmem:s9+$0x1A6E0] =	vst v11;
	v5 =	vld [tilespmem:s9+$0x1A760];
	v11 =	vmul.f32 v10, v9;
	v10 =	vperm.xlane v4, v0  }
0x299: {  	s11 =	simm.s32 $0x900;
	v12 =	vmul.f32 v12, v9;
	v9 =	vld [tilespmem:s9+$0x1A770];
	[tilespmem:s9+$0x1A6F0] =	vst v13  }
.LBB2_18:
0x29a: {  	p0 =	sne.s32 s11, $0x10500;
	[tilespmem:s9+$0x1A700] =	vst v11;
	v6 =	vmul.f32 v6, v10;
	v11 =	vperm.xlane v4, v1;
	v13 =	vld [tilespmem:s9+$0x1A780]  }
0x29b: {  	[tilespmem:s9+$0x1A710] =	vst v12;
	v7 =	vmul.f32 v7, v10;
	v10 =	vld [tilespmem:s9+$0x1A790]  }
0x29c: {  	s12 =	sshra.s32 s11, $0x2;
	[tilespmem:s9+$0x1A730] =	vst v6;
	v6 =	vmul.f32 v8, v11;
	v8 =	vperm.xlane v4, v2;
	v12 =	vld [tilespmem:s9+$0x1A7A0]  }
0x29d: {  	v14 =	vld [tilespmem:s12+$0x1A600];
	[tilespmem:s9+$0x1A740] =	vst v7;
	v5 =	vmul.f32 v5, v11  }
0x29e: {  	v7 =	vld [tilespmem:s12+$0x1A690];
	[tilespmem:s9+$0x1A750] =	vst v6;
	v6 =	vmul.f32 v9, v8;
	v9 =	vperm.xlane v4, v3  }
0x29f: {  	v11 =	vld [tilespmem:s12+$0x1A720];
	[tilespmem:s9+$0x1A760] =	vst v5;
	v5 =	vmul.f32 v13, v8  }
0x2a0: {  	v4 =	vld [tilespmem:s12+$0x1A7B0];
	[tilespmem:s9+$0x1A770] =	vst v6;
	v6 =	vmul.f32 v10, v9  }
0x2a1: {  	v8 =	vld [tilespmem:s12+$0x1A580];
	[tilespmem:s9+$0x1A780] =	vst v5;
	v5 =	vmul.f32 v12, v9  }
0x2a2: {  	v9 =	vld [tilespmem:s12+$0x1A590];
	[tilespmem:s9+$0x1A790] =	vst v6  }
0x2a3: {  	v6 =	vld [tilespmem:s12+$0x1A5A0];
	[tilespmem:s9+$0x1A7A0] =	vst v5;
	s9 =	smov.u32 s12  }
0x2a4: {  	v5 =	vperm.xlane v14, v0;
	v10 =	vld [tilespmem:s9+$0x1A5B0]  }
0x2a5: {  	v12 =	vld [tilespmem:s9+$0x1A5C0]  }
0x2a6: {  	v13 =	vperm.xlane v14, v1;
	v8 =	vmul.f32 v8, v5;
	v15 =	vld [tilespmem:s9+$0x1A5D0]  }
0x2a7: {  	v5 =	vmul.f32 v9, v5;
	v9 =	vld [tilespmem:s9+$0x1A5E0]  }
0x2a8: {  	[tilespmem:s9+$0x1A580] =	vst v8;
	v6 =	vmul.f32 v6, v13;
	v8 =	vperm.xlane v14, v2;
	v16 =	vld [tilespmem:s9+$0x1A5F0]  }
0x2a9: {  	[tilespmem:s9+$0x1A590] =	vst v5;
	v5 =	vmul.f32 v10, v13;
	v10 =	vld [tilespmem:s9+$0x1A610]  }
0x2aa: {  	[tilespmem:s9+$0x1A5A0] =	vst v6;
	v6 =	vmul.f32 v12, v8;
	v12 =	vperm.xlane v14, v3;
	v13 =	vld [tilespmem:s9+$0x1A620]  }
0x2ab: {  	[tilespmem:s9+$0x1A5B0] =	vst v5;
	v5 =	vmul.f32 v15, v8;
	v8 =	vld [tilespmem:s9+$0x1A630]  }
0x2ac: {  	[tilespmem:s9+$0x1A5C0] =	vst v6;
	v6 =	vmul.f32 v9, v12;
	v9 =	vperm.xlane v7, v0;
	v14 =	vld [tilespmem:s9+$0x1A640]  }
0x2ad: {  	[tilespmem:s9+$0x1A5D0] =	vst v5;
	v5 =	vmul.f32 v16, v12;
	v12 =	vld [tilespmem:s9+$0x1A650]  }
0x2ae: {  	[tilespmem:s9+$0x1A5E0] =	vst v6;
	v6 =	vmul.f32 v10, v9;
	v10 =	vperm.xlane v7, v1;
	v15 =	vld [tilespmem:s9+$0x1A660]  }
0x2af: {  	[tilespmem:s9+$0x1A5F0] =	vst v5;
	v5 =	vmul.f32 v13, v9;
	v9 =	vld [tilespmem:s9+$0x1A670]  }
0x2b0: {  	[tilespmem:s9+$0x1A610] =	vst v6;
	v6 =	vmul.f32 v8, v10;
	v8 =	vperm.xlane v7, v2;
	v13 =	vld [tilespmem:s9+$0x1A680]  }
0x2b1: {  	[tilespmem:s9+$0x1A620] =	vst v5;
	v5 =	vmul.f32 v14, v10;
	v10 =	vld [tilespmem:s9+$0x1A6A0]  }
0x2b2: {  	v7 =	vperm.xlane v7, v3;
	[tilespmem:s9+$0x1A630] =	vst v6;
	v6 =	vmul.f32 v12, v8;
	v12 =	vld [tilespmem:s9+$0x1A6B0]  }
0x2b3: {  	[tilespmem:s9+$0x1A640] =	vst v5;
	v5 =	vmul.f32 v15, v8;
	v8 =	vld [tilespmem:s9+$0x1A6C0]  }
0x2b4: {  	[tilespmem:s9+$0x1A650] =	vst v6;
	v6 =	vmul.f32 v9, v7;
	v9 =	vperm.xlane v11, v0;
	v14 =	vld [tilespmem:s9+$0x1A6D0]  }
0x2b5: {  	[tilespmem:s9+$0x1A660] =	vst v5;
	v5 =	vmul.f32 v13, v7;
	v7 =	vld [tilespmem:s9+$0x1A6E0]  }
0x2b6: {  	[tilespmem:s9+$0x1A670] =	vst v6;
	v6 =	vmul.f32 v10, v9;
	v10 =	vperm.xlane v11, v1;
	v13 =	vld [tilespmem:s9+$0x1A6F0]  }
0x2b7: {  	[tilespmem:s9+$0x1A680] =	vst v5;
	v5 =	vmul.f32 v12, v9;
	v9 =	vld [tilespmem:s9+$0x1A700]  }
0x2b8: {  	v12 =	vperm.xlane v11, v2;
	[tilespmem:s9+$0x1A6A0] =	vst v6;
	v8 =	vmul.f32 v8, v10;
	v15 =	vld [tilespmem:s9+$0x1A710]  }
.Ltmp8:
0x2b9: {  	[tilespmem:s9+$0x1A6B0] =	vst v5;
	v5 =	vmul.f32 v14, v10;
	v6 =	vld [tilespmem:s9+$0x1A730];
	(pc) =	sbr.rel @p0 .LBB2_18-.Ltmp8, $4  }
0x2ba: {  	v14 =	vperm.xlane v11, v3;
	[tilespmem:s9+$0x1A6C0] =	vst v8;
	v10 =	vmul.f32 v7, v12;
	v7 =	vld [tilespmem:s9+$0x1A740]  }
0x2bb: {  	[tilespmem:s9+$0x1A6D0] =	vst v5;
	v12 =	vmul.f32 v13, v12;
	v8 =	vld [tilespmem:s9+$0x1A750]  }
0x2bc: {  	[tilespmem:s9+$0x1A6E0] =	vst v10;
	v11 =	vmul.f32 v9, v14;
	v10 =	vperm.xlane v4, v0;
	v5 =	vld [tilespmem:s9+$0x1A760]  }
0x2bd: {  	s11 =	sadd.s32 $0x900, s11;
	[tilespmem:s9+$0x1A6F0] =	vst v12;
	v12 =	vmul.f32 v15, v14;
	v9 =	vld [tilespmem:s9+$0x1A770]  }
0x2be: {  	[tilespmem:s9+$0x1A700] =	vst v11;
	v57 =	vld [tilespmem:s9+$0x1A780];
	v6 =	vmul.f32 v6, v10;
	v58 =	vperm.xlane v4, v1  }
0x2bf: {  	v13 =	vld [tilespmem:s9+$0x1A790];
	[tilespmem:s9+$0x1A710] =	vst v12;
	v7 =	vmul.f32 v7, v10  }
0x2c0: {  	v60 =	vperm.xlane v4, v2;
	v61 =	vld [tilespmem:s9+$0x1A7A0];
	[tilespmem:s9+$0x1A730] =	vst v6;
	v59 =	vmul.f32 v8, v58  }
0x2c1: {  	[tilespmem:s9+$0x1A740] =	vst v7;
	v5 =	vmul.f32 v5, v58  }
0x2c2: {  	v4 =	vperm.xlane v4, v3;
	[tilespmem:s9+$0x1A750] =	vst v59;
	v62 =	vmul.f32 v9, v60  }
0x2c3: {  	[tilespmem:s9+$0x1A760] =	vst v5;
	v5 =	vmul.f32 v57, v60  }
0x2c4: {  	v63 =	vmul.f32 v13, v4;
	[tilespmem:s9+$0x1A770] =	vst v62  }
0x2c5: {  	v4 =	vmul.f32 v61, v4;
	[tilespmem:s9+$0x1A780] =	vst v5  }
0x2c6: {  	[tilespmem:s9+$0x1A790] =	vst v63  }
0x2c7: {  	[tilespmem:s9+$0x1A7A0] =	vst v4  }
0x2c8: {  	[spmem:s4] =	stream.indirect.scatter.add.f32 [tilespmem:s24], [sflag:$0x6], $0x90, s25, s20, $0xb8;
	[tilespmem:$0x1F810] =	vst v63  }
0x2c9: {  	_ =	swait.ge [sflag:s0], $0x4380  }
0x2ca: {  	[sflag:s0] =	ssyncset.done $0x0  }
0x2cb: {  	[sflag:s0] =	ssyncadd.s32 $0xFFFFBC80  }
0x2cc: {  	_ =	swait.ge [sflag:s3], $0x4380  }
0x2cd: {  	[sflag:s3] =	ssyncset.done $0x0  }
0x2ce: {  	s2 =	sadd.s32 $0x1, s2;
	[sflag:s3] =	ssyncadd.s32 $0xFFFFBC80  }
0x2cf: {  	p0 =	sne.s32 s2, s14;
	[bflag:$0x0] =	sbarrier.arrive $0xFFFF  }
.Ltmp9:
0x2d0: {  	s17 =	rddreg [dreg:$0x8];
	(pc) =	sbr.rel @p0 .LBB2_1-.Ltmp9, $4  }
0x2d1: {  	[hbm:s17], [sflag:s10] =	dma.local [spmem:s15], $0x2C04  }
0x2d2: {  	_ =	swait.ge [sflag:s16], $0x2C04  }
0x2d3: {  	[sflag:s16] =	ssyncset.done $0x0  }
0x2d4: {  	[sflag:s16] =	ssyncadd.s32 $0xFFFFD3FC  }
0x2d5: {  	_ =	sfence.sel $0x180000  }
0x2d6: {  	[bflag:$0x0] =	sbarrier.arrive $0xFFFF  }
0x2d7: {  	_ =	strace $0x9000004D  }
0x2d8: {  	s0 =	stileid.u32;
	[bflag:$0x2] =	sbarrier.arrive $0xFFFF  }
0x2d9: {  	p0 =	sne.s32 s0, $0x0;
	s0 =	rddreg [dreg:$0x4]  }
0x2da: {  	s0 =	sadd.s32 @!p0 $0x100000, s0  }
0x2db: {  	[sflag:s0] =	ssyncadd.tile.s32 @!p0 $0x1;
	_ =	shalt  }
.Lfunc_end2:
_tile_overlayer_lowered:
.L_overlay_start_2:
0x2dc: {  	(tag) =	ssettag $0x2  }
0x2dd: {  	s0 =	rddreg [dreg:$0x0];
	s2 =	stileid.u32  }
0x2de: {  	s1 =	rddreg [dreg:$0x1];
	p0 =	sne.s32 s2, $0x0  }
0x2df: {  	s3 =	rddreg [dreg:$0x2];
	[bflag:$0x3] =	sbarrier.arrive $0xFFFF;
	s2 =	simm.s32 @!p0 $0x1C07  }
0x2e0: {  	[timem:s3], [sflag:s2] =	dma.local @!p0 [hbm:s0], s1  }
0x2e1: {  	s0 =	simm.s32 @!p0 $0x7  }
0x2e2: {  	_ =	swait.ge @!p0 [sflag:s0], s1  }
0x2e3: {  	s1 =	ssub.s32 @!p0 $0x0, s1;
	[sflag:s0] =	ssyncset.done @!p0 $0x0  }
0x2e4: {  	[sflag:s0] =	ssyncadd.s32 @!p0 s1  }
0x2e5: {  	[bflag:$0x3] =	sbarrier.arrive $0xFFFF  }
0x2e6: {  	_ =	shalt  }

</sc_bundles>
